<compile_context>
chip_gen: v7x
topology: tpu7x:2x2x1
jax: 0.10.2.dev20260603
libtpu: 0.0.44.dev20260713+nightly
codegen_flags: <defaults>
</compile_context>

<pallas_src>
import functools

import jax
import jax.numpy as jnp
from jax import lax
from jax.experimental import pallas as pl
from jax.experimental.pallas import tpu as pltpu
from jax.experimental.pallas import tpu_sc as plsc

N = 10000
D = 128
NREL = 16
G = 64
E2 = 160000
BLK = 128
NS = 16
EP = 163840
NBLK = EP // BLK
BPS = NBLK // NS
NPAD = 10112
RPS = NPAD // NS
PADIDX = 10008
HN = 5056
HNP = 5120
HPS = HNP // NS

_f32 = jnp.float32



def _sc_degree_body(src2l, ones_b, zeros128, deg_o, idx_v, ones_v, deg_sh):
    c = lax.axis_index("c")
    s = lax.axis_index("s")
    base = s * RPS
    chunks = [(k * BLK, min(BLK, RPS - k * BLK))
              for k in range((RPS + BLK - 1) // BLK)]
    pltpu.sync_copy(zeros128, ones_v)
    for off, n in chunks:
        pltpu.sync_copy(ones_v.at[pl.ds(0, n)],
                        deg_sh.at[pl.ds(base + off, n)])
    pltpu.sync_copy(ones_b, ones_v)
    pltpu.sync_copy(src2l.at[c, pl.ds(s * BPS, BPS)], idx_v)
    plsc.subcore_barrier()

    def step(j, carry):
        pltpu.sync_copy(ones_v, deg_sh.at[idx_v.at[j]], add=True)
        return carry

    lax.fori_loop(0, BPS, step, 0)
    plsc.subcore_barrier()
    for off, n in chunks:
        pltpu.sync_copy(deg_sh.at[pl.ds(base + off, n)],
                        ones_v.at[pl.ds(0, n)])
        pltpu.sync_copy(ones_v.at[pl.ds(0, n)],
                        deg_o.at[c, pl.ds(base + off, n)])


def _sc_agg_body(y2, sd2, agg_o, sd_v, rows_a, agg_sh):
    c = lax.axis_index("c")
    s = lax.axis_index("s")
    base = s * RPS
    chunks = [(k * BLK, min(BLK, RPS - k * BLK))
              for k in range((RPS + BLK - 1) // BLK)]
    pltpu.sync_copy(y2.at[pl.ds(N, BLK)], rows_a)
    for off, n in chunks:
        pltpu.sync_copy(rows_a.at[pl.ds(0, n)],
                        agg_sh.at[pl.ds(base + off, n)])
    pltpu.sync_copy(sd2.at[c, pl.ds(s * BPS, BPS)], sd_v.at[pl.ds(0, BPS)])
    pltpu.sync_copy(sd2.at[c, pl.ds(NBLK + s * BPS, BPS)],
                    sd_v.at[pl.ds(BPS, BPS)])
    plsc.subcore_barrier()

    def step(j, carry):
        pltpu.sync_copy(y2.at[sd_v.at[j]], rows_a)
        pltpu.sync_copy(rows_a, agg_sh.at[sd_v.at[BPS + j]], add=True)
        return carry

    lax.fori_loop(0, BPS, step, 0)
    plsc.subcore_barrier()
    for off, n in chunks:
        pltpu.sync_copy(agg_sh.at[pl.ds(base + off, n)],
                        rows_a.at[pl.ds(0, n)])
        pltpu.sync_copy(rows_a.at[pl.ds(0, n)],
                        agg_o.at[c, pl.ds(base + off, n)])


def _sc_relw_body(src2, dst2, et2, dinv2, zeros128, relw_o,
                  src_v, dst_v, et_v, dinv_v, stage_v, didx_v, relw_sh):
    c = lax.axis_index("c")
    s = lax.axis_index("s")
    base = s * HPS
    chunks = [(k * BLK, min(BLK, HPS - k * BLK))
              for k in range((HPS + BLK - 1) // BLK)]
    pltpu.sync_copy(src2.at[c, pl.ds(s * BPS, BPS)], src_v)
    pltpu.sync_copy(dst2.at[c, pl.ds(s * BPS, BPS)], dst_v)
    pltpu.sync_copy(et2.at[c, pl.ds(s * BPS, BPS)], et_v)
    pltpu.sync_copy(dinv2, dinv_v)
    pltpu.sync_copy(zeros128, stage_v)
    iota16 = lax.iota(jnp.int32, 16)
    zero16 = jnp.zeros((16,), _f32)

    for p in (0, 1):
        lo = p * HN
        for off, n in chunks:
            pltpu.sync_copy(stage_v.at[pl.ds(0, n)],
                            relw_sh.at[pl.ds(base + off, n)])
        plsc.subcore_barrier()

        def step(j, carry):
            for g in range(BLK // 16):
                sl = pl.ds(g * 16, 16)
                src16 = src_v[j, sl]
                et16 = et_v[j, sl]
                dst16 = dst_v[j, sl]
                dv16 = plsc.load_gather(dinv_v, [src16])
                plsc.store_scatter(stage_v, [g * 16 + iota16, et16], dv16)
                inr = (dst16 >= lo) & (dst16 < lo + HN)
                dloc = jnp.where(inr, dst16 - lo, HN)
                plsc.store_scatter(didx_v,
                                   [jnp.zeros((16,), jnp.int32),
                                    g * 16 + iota16], dloc)
            pltpu.sync_copy(stage_v, relw_sh.at[didx_v.at[0]], add=True)
            for g in range(BLK // 16):
                et16 = et_v[j, pl.ds(g * 16, 16)]
                plsc.store_scatter(stage_v, [g * 16 + iota16, et16], zero16)
            return carry

        lax.fori_loop(0, BPS, step, 0)
        plsc.subcore_barrier()
        for off, n in chunks:
            pltpu.sync_copy(relw_sh.at[pl.ds(base + off, n)],
                            stage_v.at[pl.ds(0, n)])
            pltpu.sync_copy(stage_v.at[pl.ds(0, n)],
                            relw_o.at[c, pl.ds(p * HNP + base + off, n)])
        pltpu.sync_copy(zeros128, stage_v)
        plsc.subcore_barrier()


@functools.lru_cache(maxsize=None)
def _sc_kernels():
    mesh = plsc.VectorSubcoreMesh(core_axis_name="c", subcore_axis_name="s",
                                  num_cores=2, num_subcores=NS)
    params = pltpu.CompilerParams(needs_layout_passes=False)
    sc_degree = pl.kernel(
        _sc_degree_body,
        out_type=jax.ShapeDtypeStruct((2, NPAD, D), _f32),
        mesh=mesh,
        scratch_types=[pltpu.VMEM((BPS, BLK), jnp.int32),
                       pltpu.VMEM((BLK, D), _f32),
                       pltpu.VMEM_SHARED((NPAD, D), _f32)],
        compiler_params=params)
    sc_relw = pl.kernel(
        _sc_relw_body,
        out_type=jax.ShapeDtypeStruct((2, 2 * HNP, D), _f32),
        mesh=mesh,
        scratch_types=[pltpu.VMEM((BPS, BLK), jnp.int32),
                       pltpu.VMEM((BPS, BLK), jnp.int32),
                       pltpu.VMEM((BPS, BLK), jnp.int32),
                       pltpu.VMEM((2 * NPAD,), _f32),
                       pltpu.VMEM((BLK, D), _f32),
                       pltpu.VMEM((1, BLK), jnp.int32),
                       pltpu.VMEM_SHARED((HNP, D), _f32)],
        compiler_params=params)
    sc_agg = pl.kernel(
        _sc_agg_body,
        out_type=jax.ShapeDtypeStruct((2, NPAD, D), _f32),
        mesh=mesh,
        scratch_types=[pltpu.VMEM((2 * BPS, BLK), jnp.int32),
                       pltpu.VMEM((BLK, D), _f32),
                       pltpu.VMEM_SHARED((NPAD, D), _f32)],
        compiler_params=params)
    return sc_degree, sc_relw, sc_agg



def _tc_prep_body(deg2_ref, x_ref, dinv2_ref, y2_ref):
    x = x_ref[...]
    zpad = jnp.zeros((NPAD - N, D), _f32)
    for half in (0, 1):
        b = half * NPAD
        deg = jnp.sum(deg2_ref[b:b + NPAD, :], axis=1, keepdims=True)
        dinv = jnp.where(deg > 0, lax.rsqrt(deg), 0.0)
        dinv2_ref[b:b + NPAD, :] = jnp.broadcast_to(dinv, (NPAD, 16))
        y2_ref[b:b + N, :] = dinv[0:N] * x
        y2_ref[b + N:b + NPAD, :] = zpad


_tc_prep = pl.pallas_call(
    _tc_prep_body,
    out_shape=(jax.ShapeDtypeStruct((2 * NPAD, 16), _f32),
               jax.ShapeDtypeStruct((2 * NPAD, D), _f32)),
)


def _tc_loop_body(h_ref, loop_rel_ref, w_loop_ref, loopn_ref):
    loopn_ref[...] = jnp.dot(h_ref[...] - loop_rel_ref[...], w_loop_ref[...],
                             preferred_element_type=_f32,
                             precision=lax.Precision.HIGHEST)


_tc_loop = pl.pallas_call(
    _tc_loop_body,
    out_shape=jax.ShapeDtypeStruct((N, D), _f32),
    compiler_params=pltpu.CompilerParams(vmem_limit_bytes=61440 * 1024),
)


def _make_half(hi):
    def body(agg2_ref, relw2_ref, dinv2_ref, rel_ref, w_ref, res_ref):
        b = hi * NPAD
        dinv = dinv2_ref[b:b + N, 0:1]
        t = agg2_ref[hi, 0:N, :] - jnp.dot(
            relw2_ref[hi, 0:N, :], rel_ref[...],
            preferred_element_type=_f32, precision=lax.Precision.HIGHEST)
        res_ref[...] = jnp.dot(dinv * t, w_ref[...],
                               preferred_element_type=_f32,
                               precision=lax.Precision.HIGHEST)

    return pl.pallas_call(
        body, out_shape=jax.ShapeDtypeStruct((N, D), _f32),
        compiler_params=pltpu.CompilerParams(vmem_limit_bytes=61440 * 1024))


_tc_half0 = _make_half(0)
_tc_half1 = _make_half(1)


def _bn_core(in_res, out_res, loop_res, bias, gamma, beta):
    out = (in_res + out_res + loop_res) / 3.0 + bias
    mu = jnp.mean(out, axis=0, keepdims=True)
    var = jnp.mean((out - mu) ** 2, axis=0, keepdims=True)
    return jnp.maximum((out - mu) * lax.rsqrt(var + 1e-5) * gamma + beta, 0.0)


def _tc_bn_body(in_ref, out_ref, loop_ref, bias_ref, gamma_ref, beta_ref,
                rel_ref, w_rel_ref, h_next_ref, rel_next_ref):
    h_next_ref[...] = _bn_core(in_ref[...], out_ref[...], loop_ref[...],
                               bias_ref[...], gamma_ref[...], beta_ref[...])
    rel_next_ref[...] = jnp.dot(rel_ref[...], w_rel_ref[...],
                                preferred_element_type=_f32,
                                precision=lax.Precision.HIGHEST)


_tc_bn = pl.pallas_call(
    _tc_bn_body,
    out_shape=(jax.ShapeDtypeStruct((N, D), _f32),
               jax.ShapeDtypeStruct((NREL, D), _f32)),
    compiler_params=pltpu.CompilerParams(vmem_limit_bytes=61440 * 1024),
)


def _tc_scale_body(dinv2_ref, h_ref, y2_ref):
    h = h_ref[...]
    zpad = jnp.zeros((NPAD - N, D), _f32)
    for half in (0, 1):
        b = half * NPAD
        y2_ref[b:b + N, :] = dinv2_ref[b:b + N, 0:1] * h
        y2_ref[b + N:b + NPAD, :] = zpad


_tc_scale = pl.pallas_call(
    _tc_scale_body,
    out_shape=jax.ShapeDtypeStruct((2 * NPAD, D), _f32),
    compiler_params=pltpu.CompilerParams(vmem_limit_bytes=61440 * 1024),
)


def _tc_bnfinal_body(in_ref, out_ref, loop_ref, bias_ref, gamma_ref,
                     beta_ref, batch_ref, rel_labels_ref, rel_table_ref,
                     lin_w_ref, lin_b_ref, logits_ref):
    hn = _bn_core(in_ref[...], out_ref[...], loop_ref[...],
                  bias_ref[...], gamma_ref[...], beta_ref[...])
    batch = batch_ref[...]
    giota = lax.broadcasted_iota(jnp.int32, (G, N), 0).astype(_f32)
    m = jnp.where(batch == giota, 1.0, 0.0)
    counts = jnp.sum(m, axis=1, keepdims=True)
    pooled = jnp.dot(m, hn, preferred_element_type=_f32,
                     precision=lax.Precision.HIGHEST)
    pooled = pooled / jnp.maximum(counts, 1.0)
    labels = jnp.reshape(rel_labels_ref[...], (G, 1))
    riota = lax.broadcasted_iota(jnp.int32, (G, NREL), 1).astype(_f32)
    rel_m = jnp.where(labels == riota, 1.0, 0.0)
    rel_embs = jnp.dot(rel_m, rel_table_ref[...], preferred_element_type=_f32,
                       precision=lax.Precision.HIGHEST)
    lin_w = lin_w_ref[...]
    logits_ref[...] = (jnp.dot(pooled, lin_w[0:D, :],
                               preferred_element_type=_f32,
                               precision=lax.Precision.HIGHEST)
                       + jnp.dot(rel_embs, lin_w[D:2 * D, :],
                                 preferred_element_type=_f32,
                                 precision=lax.Precision.HIGHEST)
                       + lin_b_ref[...])


_tc_bnfinal = pl.pallas_call(
    _tc_bnfinal_body,
    out_shape=jax.ShapeDtypeStruct((G, 2), _f32),
    compiler_params=pltpu.CompilerParams(vmem_limit_bytes=61440 * 1024),
)



def _pad_edges(a, fill):
    a = a.astype(jnp.int32)
    a = jnp.concatenate([a, jnp.full((EP - E2,), fill, jnp.int32)])
    return jnp.reshape(a, (NBLK, BLK))


def kernel(x, edge_index, edge_type, batch, rel_labels, drop_prob, params):
    del drop_prob
    src_i = _pad_edges(edge_index[0, :E2], PADIDX)
    dst_i = _pad_edges(edge_index[1, :E2], PADIDX)
    src_o = _pad_edges(edge_index[0, E2:], PADIDX)
    dst_o = _pad_edges(edge_index[1, E2:], PADIDX)
    et_i = _pad_edges(edge_type[:E2], 0)
    et_o = _pad_edges(edge_type[E2:], 0)
    src2 = jnp.stack([src_i, src_o + NPAD])
    dst2 = jnp.stack([dst_i, dst_o])
    et2 = jnp.stack([et_i, et_o])

    src2l = jnp.stack([src_i, src_o])
    ones_b = jnp.concatenate(
        [jnp.ones((BLK, 1), _f32), jnp.zeros((BLK, D - 1), _f32)], axis=1)
    zeros128 = jnp.zeros((BLK, D), _f32)

    sc_degree, sc_relw, sc_agg = _sc_kernels()
    cps = [params['conv%d' % i] for i in range(3)]
    rel = params['rel_graph_emb']

    deg2w = sc_degree(src2l, ones_b, zeros128)
    deg2 = jnp.reshape(deg2w[:, :, 0:16], (2 * NPAD, 16))
    dinv2, y2 = _tc_prep(deg2, x)
    loop_res = _tc_loop(x, cps[0]['loop_rel'], cps[0]['w_loop'])
    relw2w = sc_relw(src2, dst2, et2, dinv2[:, 0], zeros128)
    relw2 = jnp.concatenate([relw2w[:, 0:HN, 0:16],
                             relw2w[:, HNP:HNP + HN, 0:16]], axis=1)
    sd2 = jnp.concatenate([src2, dst2], axis=1)
    agg2 = sc_agg(y2, sd2)

    for li in (0, 1):
        cp = cps[li]
        in_res = _tc_half0(agg2, relw2, dinv2, rel, cp['w_in'])
        out_res = _tc_half1(agg2, relw2, dinv2, rel, cp['w_out'])
        h, rel = _tc_bn(in_res, out_res, loop_res,
                        cp['bias'].reshape(1, D),
                        cp['bn_gamma'].reshape(1, D),
                        cp['bn_beta'].reshape(1, D), rel, cp['w_rel'])
        nxt = cps[li + 1]
        y2 = _tc_scale(dinv2, h)
        loop_res = _tc_loop(h, nxt['loop_rel'], nxt['w_loop'])
        agg2 = sc_agg(y2, sd2)

    cp = cps[2]
    in_res = _tc_half0(agg2, relw2, dinv2, rel, cp['w_in'])
    out_res = _tc_half1(agg2, relw2, dinv2, rel, cp['w_out'])
    logits = _tc_bnfinal(
        in_res, out_res, loop_res,
        cp['bias'].reshape(1, D), cp['bn_gamma'].reshape(1, D),
        cp['bn_beta'].reshape(1, D),
        batch.astype(_f32).reshape(1, N),
        rel_labels.astype(_f32).reshape(1, G),
        params['rel_emb_table'], params['lin_W'],
        params['lin_b'].reshape(1, 2))
    return logits

# --- scband reference (transcript-rebuilt; emitter-appended) ---
"""Pipeline reference for scband-comp-gcn-12833362280831 (READ-ONLY COPY).

The authoritative reference and input builder live on the scoring server;
editing this copy changes nothing except your own understanding.
"""

import jax, jax.numpy as jnp
import numpy as np

N_NODES = 10000
N_EDGES = 320000
D_FEAT = 128
HIDDEN = 128
NUM_REL = 16
NUM_GRAPHS = 64
NUM_CLASSES = 2


def _init_params(key):
    def p(k, shape, scale):
        return jax.random.normal(k, shape, dtype=jnp.float32) * scale
    ks = jax.random.split(key, 8)
    params = {
        'rel_emb_table': p(ks[0], (NUM_REL, HIDDEN), 0.1),
        'rel_graph_emb': p(ks[1], (NUM_REL, D_FEAT), 0.1),
        'lin_W': p(ks[2], (2 * HIDDEN, NUM_CLASSES), 1.0 / np.sqrt(2 * HIDDEN)),
        'lin_b': jnp.zeros((NUM_CLASSES,), dtype=jnp.float32),
    }
    dims = [(D_FEAT, HIDDEN), (HIDDEN, HIDDEN), (HIDDEN, HIDDEN)]
    for i, (din, dout) in enumerate(dims):
        kk = jax.random.split(ks[3 + i], 5)
        params['conv%d' % i] = {
            'w_loop': p(kk[0], (din, dout), 1.0 / np.sqrt(din)),
            'w_in': p(kk[1], (din, dout), 1.0 / np.sqrt(din)),
            'w_out': p(kk[2], (din, dout), 1.0 / np.sqrt(din)),
            'w_rel': p(kk[3], (din, dout), 1.0 / np.sqrt(din)),
            'loop_rel': p(kk[4], (1, din), 0.1),
            'bias': jnp.zeros((dout,), dtype=jnp.float32),
            'bn_gamma': jnp.ones((dout,), dtype=jnp.float32),
            'bn_beta': jnp.zeros((dout,), dtype=jnp.float32),
        }
    return params


def setup_inputs(seed: int = 0):
    key = jax.random.key(seed)
    ks = jax.random.split(key, 8)
    x = jax.random.normal(ks[0], (N_NODES, D_FEAT), dtype=jnp.float32)
    edge_index = jax.random.randint(ks[1], (2, N_EDGES), 0, N_NODES)
    edge_type = jax.random.randint(ks[2], (N_EDGES,), 0, NUM_REL)
    batch = jnp.sort(jax.random.randint(ks[3], (N_NODES,), 0, NUM_GRAPHS))
    rel_labels = jax.random.randint(ks[4], (NUM_GRAPHS,), 0, NUM_REL)
    params = _init_params(ks[5])
    return {'x': x, 'edge_index': edge_index, 'edge_type': edge_type,
            'batch': batch, 'rel_labels': rel_labels, 'drop_prob': 0,
            'params': params}


def _compute_norm(index, num_nodes):
    row, col = index[0], index[1]
    deg = jnp.zeros((num_nodes,), dtype=jnp.float32).at[row].add(1.0)
    deg_inv = jnp.where(deg > 0, deg ** -0.5, 0.0)
    return deg_inv[row] * deg_inv[col]


def _propagate(x, index, etype, rel, W, norm):
    xj = x[index[0]]
    m = (xj - rel[etype]) @ W  # opn = 'sub' composition
    if norm is not None:
        m = m * norm[:, None]
    return jnp.zeros((x.shape[0], W.shape[1]), dtype=m.dtype).at[index[1]].add(m)


def _comp_gcn_conv(x, edge_index, edge_type, rel_embed, cp):
    num_ent = x.shape[0]
    rel = jnp.concatenate([rel_embed, cp['loop_rel']], axis=0)
    half = edge_index.shape[1] // 2
    in_index, out_index = edge_index[:, :half], edge_index[:, half:]
    in_type, out_type = edge_type[:half], edge_type[half:]
    in_norm = _compute_norm(in_index, num_ent)
    out_norm = _compute_norm(out_index, num_ent)
    in_res = _propagate(x, in_index, in_type, rel, cp['w_in'], in_norm)
    out_res = _propagate(x, out_index, out_type, rel, cp['w_out'], out_norm)
    loop_res = (x - rel[-1][None, :]) @ cp['w_loop']
    out = (in_res + out_res + loop_res) / 3.0 + cp['bias']
    # BatchNorm1d (training-mode batch statistics)
    mean = jnp.mean(out, axis=0)
    var = jnp.var(out, axis=0)
    out = (out - mean) / jnp.sqrt(var + 1e-5) * cp['bn_gamma'] + cp['bn_beta']
    out = jax.nn.relu(out)
    rel_out = (rel @ cp['w_rel'])[:-1]
    return out, rel_out


def _forward(x, params, edge_index, edge_type, batch, rel_labels):
    rel_embs = params['rel_emb_table'][rel_labels]
    r = params['rel_graph_emb']
    h = x
    for i in range(3):
        h, r = _comp_gcn_conv(h, edge_index, edge_type, r, params['conv%d' % i])
    # global_mean_pool
    sums = jnp.zeros((NUM_GRAPHS, h.shape[1]), dtype=h.dtype).at[batch].add(h)
    counts = jnp.zeros((NUM_GRAPHS,), dtype=h.dtype).at[batch].add(1.0)
    pooled = sums / jnp.maximum(counts, 1.0)[:, None]
    z = jnp.concatenate([pooled, rel_embs], axis=1)
    return z @ params['lin_W'] + params['lin_b']


def reference(x, edge_index, edge_type, batch, rel_labels, drop_prob, params):
    # drop_prob is unused in the original forward; dropout=0.0 (eval semantics)
    return _forward(x, params, edge_index, edge_type, batch, rel_labels)

if __name__ == "__main__":
    import jax
    _d = setup_inputs()
    print(jax.jit(kernel)(*tuple(_d.values())))

</pallas_src>

<mosaic_0001>
#map = affine_map<(d0, d1) -> (0, 0)>
#map1 = affine_map<(d0, d1) -> (0, 0, 0)>
module attributes {stable_mosaic.version = 14 : i64} {
  func.func @_sc_agg_body(%arg0: i32, %arg1: i32, %arg2: memref<20224x128xf32, #tpu.memory_space<hbm>>, %arg3: memref<2x2560x128xi32, #tpu.memory_space<hbm>>, %arg4: memref<2x10112x128xf32, #tpu.memory_space<hbm>>, %arg5: memref<160x128xi32, #tpu.memory_space<vmem>>, %arg6: memref<128x128xf32, #tpu.memory_space<vmem>>, %arg7: memref<10112x128xf32, #tpu.memory_space<vmem_shared>>) attributes {dimension_semantics = [#tpu.dimension_semantics<core_parallel>, #tpu.dimension_semantics<subcore_parallel>], iteration_bounds = array<i64: 2, 16>, scalar_prefetch = 0 : i64, scratch_operands = 3 : i64, tpu.core_type = #tpu.core_type<sc_vector_subcore>, window_params = [{transform_indices = #map}, {transform_indices = #map1}, {transform_indices = #map1}]} {
    %mul3A = arith.constant 632 : i32
    %mul3A_0 = arith.muli %arg1, %mul3A : i32
    "tpu.region"() ({
      %run_scoped3A = tpu.sem_alloc : memref<!tpu.dma_semaphore, #tpu.memory_space<semaphore_mem>>
      %dma_start3A = arith.constant 10000 : i32
      %dma_start3A_42 = arith.constant 0 : i32
      %dma_start3A_43 = tpu.memref_slice %arg2[%dma_start3A, %dma_start3A_42] : memref<20224x128xf32, #tpu.memory_space<hbm>> -> memref<128x128xf32, #tpu.memory_space<hbm>>
      %dma_start3A_44 = arith.constant 10000 : i32
      %dma_start3A_45 = arith.constant 0 : i32
      %dma_start3A_46 = tpu.memref_slice %arg2[%dma_start3A_44, %dma_start3A_45] : memref<20224x128xf32, #tpu.memory_space<hbm>> -> memref<128x128xf32, #tpu.memory_space<hbm>>
      tpu.enqueue_dma source(%dma_start3A_46 : memref<128x128xf32, #tpu.memory_space<hbm>>) target(%arg6 : memref<128x128xf32, #tpu.memory_space<vmem>>) target_semaphore(%run_scoped3A : memref<!tpu.dma_semaphore, #tpu.memory_space<semaphore_mem>>)
      %dma_wait3A = arith.constant 10000 : i32
      %dma_wait3A_47 = arith.constant 0 : i32
      %dma_wait3A_48 = tpu.memref_slice %arg2[%dma_wait3A, %dma_wait3A_47] : memref<20224x128xf32, #tpu.memory_space<hbm>> -> memref<128x128xf32, #tpu.memory_space<hbm>>
      %dma_wait3A_49 = arith.constant 10000 : i32
      %dma_wait3A_50 = arith.constant 0 : i32
      %dma_wait3A_51 = tpu.memref_slice %arg2[%dma_wait3A_49, %dma_wait3A_50] : memref<20224x128xf32, #tpu.memory_space<hbm>> -> memref<128x128xf32, #tpu.memory_space<hbm>>
      tpu.wait_dma2 semaphore(%run_scoped3A : memref<!tpu.dma_semaphore, #tpu.memory_space<semaphore_mem>>) src(%dma_wait3A_51 : memref<128x128xf32, #tpu.memory_space<hbm>>) dst(%arg6 : memref<128x128xf32, #tpu.memory_space<vmem>>)
      tpu.yield
    }) : () -> ()
    %add3A = arith.constant 0 : i32
    %add3A_1 = arith.addi %mul3A_0, %add3A : i32
    "tpu.region"() ({
      %run_scoped3A = tpu.sem_alloc : memref<!tpu.dma_semaphore, #tpu.memory_space<semaphore_mem>>
      %dma_start3A = arith.constant 0 : i32
      %dma_start3A_42 = arith.constant 0 : i32
      %dma_start3A_43 = tpu.memref_slice %arg6[%dma_start3A, %dma_start3A_42] : memref<128x128xf32, #tpu.memory_space<vmem>> -> memref<128x128xf32, #tpu.memory_space<vmem>>
      %dma_start3A_44 = arith.constant 0 : i32
      %dma_start3A_45 = tpu.memref_slice %arg7[%add3A_1, %dma_start3A_44] : memref<10112x128xf32, #tpu.memory_space<vmem_shared>> -> memref<128x128xf32, #tpu.memory_space<vmem_shared>>
      %dma_start3A_46 = arith.constant 0 : i32
      %dma_start3A_47 = tpu.memref_slice %arg7[%add3A_1, %dma_start3A_46] : memref<10112x128xf32, #tpu.memory_space<vmem_shared>> -> memref<128x128xf32, #tpu.memory_space<vmem_shared>>
      %dma_start3A_48 = arith.constant 0 : i32
      %dma_start3A_49 = arith.constant 0 : i32
      %dma_start3A_50 = tpu.memref_slice %arg6[%dma_start3A_48, %dma_start3A_49] : memref<128x128xf32, #tpu.memory_space<vmem>> -> memref<128x128xf32, #tpu.memory_space<vmem>>
      tpu.enqueue_dma source(%dma_start3A_50 : memref<128x128xf32, #tpu.memory_space<vmem>>) target(%dma_start3A_47 : memref<128x128xf32, #tpu.memory_space<vmem_shared>>) target_semaphore(%run_scoped3A : memref<!tpu.dma_semaphore, #tpu.memory_space<semaphore_mem>>)
      %dma_wait3A = arith.constant 0 : i32
      %dma_wait3A_51 = arith.constant 0 : i32
      %dma_wait3A_52 = tpu.memref_slice %arg6[%dma_wait3A, %dma_wait3A_51] : memref<128x128xf32, #tpu.memory_space<vmem>> -> memref<128x128xf32, #tpu.memory_space<vmem>>
      %dma_wait3A_53 = arith.constant 0 : i32
      %dma_wait3A_54 = tpu.memref_slice %arg7[%add3A_1, %dma_wait3A_53] : memref<10112x128xf32, #tpu.memory_space<vmem_shared>> -> memref<128x128xf32, #tpu.memory_space<vmem_shared>>
      %dma_wait3A_55 = arith.constant 0 : i32
      %dma_wait3A_56 = tpu.memref_slice %arg7[%add3A_1, %dma_wait3A_55] : memref<10112x128xf32, #tpu.memory_space<vmem_shared>> -> memref<128x128xf32, #tpu.memory_space<vmem_shared>>
      %dma_wait3A_57 = arith.constant 0 : i32
      %dma_wait3A_58 = arith.constant 0 : i32
      %dma_wait3A_59 = tpu.memref_slice %arg6[%dma_wait3A_57, %dma_wait3A_58] : memref<128x128xf32, #tpu.memory_space<vmem>> -> memref<128x128xf32, #tpu.memory_space<vmem>>
      tpu.wait_dma2 semaphore(%run_scoped3A : memref<!tpu.dma_semaphore, #tpu.memory_space<semaphore_mem>>) src(%dma_wait3A_59 : memref<128x128xf32, #tpu.memory_space<vmem>>) dst(%dma_wait3A_56 : memref<128x128xf32, #tpu.memory_space<vmem_shared>>)
      tpu.yield
    }) : () -> ()
    %add3A_2 = arith.constant 128 : i32
    %add3A_3 = arith.addi %mul3A_0, %add3A_2 : i32
    "tpu.region"() ({
      %run_scoped3A = tpu.sem_alloc : memref<!tpu.dma_semaphore, #tpu.memory_space<semaphore_mem>>
      %dma_start3A = arith.constant 0 : i32
      %dma_start3A_42 = arith.constant 0 : i32
      %dma_start3A_43 = tpu.memref_slice %arg6[%dma_start3A, %dma_start3A_42] : memref<128x128xf32, #tpu.memory_space<vmem>> -> memref<128x128xf32, #tpu.memory_space<vmem>>
      %dma_start3A_44 = arith.constant 0 : i32
      %dma_start3A_45 = tpu.memref_slice %arg7[%add3A_3, %dma_start3A_44] : memref<10112x128xf32, #tpu.memory_space<vmem_shared>> -> memref<128x128xf32, #tpu.memory_space<vmem_shared>>
      %dma_start3A_46 = arith.constant 0 : i32
      %dma_start3A_47 = tpu.memref_slice %arg7[%add3A_3, %dma_start3A_46] : memref<10112x128xf32, #tpu.memory_space<vmem_shared>> -> memref<128x128xf32, #tpu.memory_space<vmem_shared>>
      %dma_start3A_48 = arith.constant 0 : i32
      %dma_start3A_49 = arith.constant 0 : i32
      %dma_start3A_50 = tpu.memref_slice %arg6[%dma_start3A_48, %dma_start3A_49] : memref<128x128xf32, #tpu.memory_space<vmem>> -> memref<128x128xf32, #tpu.memory_space<vmem>>
      tpu.enqueue_dma source(%dma_start3A_50 : memref<128x128xf32, #tpu.memory_space<vmem>>) target(%dma_start3A_47 : memref<128x128xf32, #tpu.memory_space<vmem_shared>>) target_semaphore(%run_scoped3A : memref<!tpu.dma_semaphore, #tpu.memory_space<semaphore_mem>>)
      %dma_wait3A = arith.constant 0 : i32
      %dma_wait3A_51 = arith.constant 0 : i32
      %dma_wait3A_52 = tpu.memref_slice %arg6[%dma_wait3A, %dma_wait3A_51] : memref<128x128xf32, #tpu.memory_space<vmem>> -> memref<128x128xf32, #tpu.memory_space<vmem>>
      %dma_wait3A_53 = arith.constant 0 : i32
      %dma_wait3A_54 = tpu.memref_slice %arg7[%add3A_3, %dma_wait3A_53] : memref<10112x128xf32, #tpu.memory_space<vmem_shared>> -> memref<128x128xf32, #tpu.memory_space<vmem_shared>>
      %dma_wait3A_55 = arith.constant 0 : i32
      %dma_wait3A_56 = tpu.memref_slice %arg7[%add3A_3, %dma_wait3A_55] : memref<10112x128xf32, #tpu.memory_space<vmem_shared>> -> memref<128x128xf32, #tpu.memory_space<vmem_shared>>
      %dma_wait3A_57 = arith.constant 0 : i32
      %dma_wait3A_58 = arith.constant 0 : i32
      %dma_wait3A_59 = tpu.memref_slice %arg6[%dma_wait3A_57, %dma_wait3A_58] : memref<128x128xf32, #tpu.memory_space<vmem>> -> memref<128x128xf32, #tpu.memory_space<vmem>>
      tpu.wait_dma2 semaphore(%run_scoped3A : memref<!tpu.dma_semaphore, #tpu.memory_space<semaphore_mem>>) src(%dma_wait3A_59 : memref<128x128xf32, #tpu.memory_space<vmem>>) dst(%dma_wait3A_56 : memref<128x128xf32, #tpu.memory_space<vmem_shared>>)
      tpu.yield
    }) : () -> ()
    %add3A_4 = arith.constant 256 : i32
    %add3A_5 = arith.addi %mul3A_0, %add3A_4 : i32
    "tpu.region"() ({
      %run_scoped3A = tpu.sem_alloc : memref<!tpu.dma_semaphore, #tpu.memory_space<semaphore_mem>>
      %dma_start3A = arith.constant 0 : i32
      %dma_start3A_42 = arith.constant 0 : i32
      %dma_start3A_43 = tpu.memref_slice %arg6[%dma_start3A, %dma_start3A_42] : memref<128x128xf32, #tpu.memory_space<vmem>> -> memref<128x128xf32, #tpu.memory_space<vmem>>
      %dma_start3A_44 = arith.constant 0 : i32
      %dma_start3A_45 = tpu.memref_slice %arg7[%add3A_5, %dma_start3A_44] : memref<10112x128xf32, #tpu.memory_space<vmem_shared>> -> memref<128x128xf32, #tpu.memory_space<vmem_shared>>
      %dma_start3A_46 = arith.constant 0 : i32
      %dma_start3A_47 = tpu.memref_slice %arg7[%add3A_5, %dma_start3A_46] : memref<10112x128xf32, #tpu.memory_space<vmem_shared>> -> memref<128x128xf32, #tpu.memory_space<vmem_shared>>
      %dma_start3A_48 = arith.constant 0 : i32
      %dma_start3A_49 = arith.constant 0 : i32
      %dma_start3A_50 = tpu.memref_slice %arg6[%dma_start3A_48, %dma_start3A_49] : memref<128x128xf32, #tpu.memory_space<vmem>> -> memref<128x128xf32, #tpu.memory_space<vmem>>
      tpu.enqueue_dma source(%dma_start3A_50 : memref<128x128xf32, #tpu.memory_space<vmem>>) target(%dma_start3A_47 : memref<128x128xf32, #tpu.memory_space<vmem_shared>>) target_semaphore(%run_scoped3A : memref<!tpu.dma_semaphore, #tpu.memory_space<semaphore_mem>>)
      %dma_wait3A = arith.constant 0 : i32
      %dma_wait3A_51 = arith.constant 0 : i32
      %dma_wait3A_52 = tpu.memref_slice %arg6[%dma_wait3A, %dma_wait3A_51] : memref<128x128xf32, #tpu.memory_space<vmem>> -> memref<128x128xf32, #tpu.memory_space<vmem>>
      %dma_wait3A_53 = arith.constant 0 : i32
      %dma_wait3A_54 = tpu.memref_slice %arg7[%add3A_5, %dma_wait3A_53] : memref<10112x128xf32, #tpu.memory_space<vmem_shared>> -> memref<128x128xf32, #tpu.memory_space<vmem_shared>>
      %dma_wait3A_55 = arith.constant 0 : i32
      %dma_wait3A_56 = tpu.memref_slice %arg7[%add3A_5, %dma_wait3A_55] : memref<10112x128xf32, #tpu.memory_space<vmem_shared>> -> memref<128x128xf32, #tpu.memory_space<vmem_shared>>
      %dma_wait3A_57 = arith.constant 0 : i32
      %dma_wait3A_58 = arith.constant 0 : i32
      %dma_wait3A_59 = tpu.memref_slice %arg6[%dma_wait3A_57, %dma_wait3A_58] : memref<128x128xf32, #tpu.memory_space<vmem>> -> memref<128x128xf32, #tpu.memory_space<vmem>>
      tpu.wait_dma2 semaphore(%run_scoped3A : memref<!tpu.dma_semaphore, #tpu.memory_space<semaphore_mem>>) src(%dma_wait3A_59 : memref<128x128xf32, #tpu.memory_space<vmem>>) dst(%dma_wait3A_56 : memref<128x128xf32, #tpu.memory_space<vmem_shared>>)
      tpu.yield
    }) : () -> ()
    %add3A_6 = arith.constant 384 : i32
    %add3A_7 = arith.addi %mul3A_0, %add3A_6 : i32
    "tpu.region"() ({
      %run_scoped3A = tpu.sem_alloc : memref<!tpu.dma_semaphore, #tpu.memory_space<semaphore_mem>>
      %dma_start3A = arith.constant 0 : i32
      %dma_start3A_42 = arith.constant 0 : i32
      %dma_start3A_43 = tpu.memref_slice %arg6[%dma_start3A, %dma_start3A_42] : memref<128x128xf32, #tpu.memory_space<vmem>> -> memref<128x128xf32, #tpu.memory_space<vmem>>
      %dma_start3A_44 = arith.constant 0 : i32
      %dma_start3A_45 = tpu.memref_slice %arg7[%add3A_7, %dma_start3A_44] : memref<10112x128xf32, #tpu.memory_space<vmem_shared>> -> memref<128x128xf32, #tpu.memory_space<vmem_shared>>
      %dma_start3A_46 = arith.constant 0 : i32
      %dma_start3A_47 = tpu.memref_slice %arg7[%add3A_7, %dma_start3A_46] : memref<10112x128xf32, #tpu.memory_space<vmem_shared>> -> memref<128x128xf32, #tpu.memory_space<vmem_shared>>
      %dma_start3A_48 = arith.constant 0 : i32
      %dma_start3A_49 = arith.constant 0 : i32
      %dma_start3A_50 = tpu.memref_slice %arg6[%dma_start3A_48, %dma_start3A_49] : memref<128x128xf32, #tpu.memory_space<vmem>> -> memref<128x128xf32, #tpu.memory_space<vmem>>
      tpu.enqueue_dma source(%dma_start3A_50 : memref<128x128xf32, #tpu.memory_space<vmem>>) target(%dma_start3A_47 : memref<128x128xf32, #tpu.memory_space<vmem_shared>>) target_semaphore(%run_scoped3A : memref<!tpu.dma_semaphore, #tpu.memory_space<semaphore_mem>>)
      %dma_wait3A = arith.constant 0 : i32
      %dma_wait3A_51 = arith.constant 0 : i32
      %dma_wait3A_52 = tpu.memref_slice %arg6[%dma_wait3A, %dma_wait3A_51] : memref<128x128xf32, #tpu.memory_space<vmem>> -> memref<128x128xf32, #tpu.memory_space<vmem>>
      %dma_wait3A_53 = arith.constant 0 : i32
      %dma_wait3A_54 = tpu.memref_slice %arg7[%add3A_7, %dma_wait3A_53] : memref<10112x128xf32, #tpu.memory_space<vmem_shared>> -> memref<128x128xf32, #tpu.memory_space<vmem_shared>>
      %dma_wait3A_55 = arith.constant 0 : i32
      %dma_wait3A_56 = tpu.memref_slice %arg7[%add3A_7, %dma_wait3A_55] : memref<10112x128xf32, #tpu.memory_space<vmem_shared>> -> memref<128x128xf32, #tpu.memory_space<vmem_shared>>
      %dma_wait3A_57 = arith.constant 0 : i32
      %dma_wait3A_58 = arith.constant 0 : i32
      %dma_wait3A_59 = tpu.memref_slice %arg6[%dma_wait3A_57, %dma_wait3A_58] : memref<128x128xf32, #tpu.memory_space<vmem>> -> memref<128x128xf32, #tpu.memory_space<vmem>>
      tpu.wait_dma2 semaphore(%run_scoped3A : memref<!tpu.dma_semaphore, #tpu.memory_space<semaphore_mem>>) src(%dma_wait3A_59 : memref<128x128xf32, #tpu.memory_space<vmem>>) dst(%dma_wait3A_56 : memref<128x128xf32, #tpu.memory_space<vmem_shared>>)
      tpu.yield
    }) : () -> ()
    %add3A_8 = arith.constant 512 : i32
    %add3A_9 = arith.addi %mul3A_0, %add3A_8 : i32
    "tpu.region"() ({
      %run_scoped3A = tpu.sem_alloc : memref<!tpu.dma_semaphore, #tpu.memory_space<semaphore_mem>>
      %dma_start3A = arith.constant 0 : i32
      %dma_start3A_42 = arith.constant 0 : i32
      %dma_start3A_43 = tpu.memref_slice %arg6[%dma_start3A, %dma_start3A_42] : memref<128x128xf32, #tpu.memory_space<vmem>> -> memref<120x128xf32, #tpu.memory_space<vmem>>
      %dma_start3A_44 = arith.constant 0 : i32
      %dma_start3A_45 = tpu.memref_slice %arg7[%add3A_9, %dma_start3A_44] : memref<10112x128xf32, #tpu.memory_space<vmem_shared>> -> memref<120x128xf32, #tpu.memory_space<vmem_shared>>
      %dma_start3A_46 = arith.constant 0 : i32
      %dma_start3A_47 = tpu.memref_slice %arg7[%add3A_9, %dma_start3A_46] : memref<10112x128xf32, #tpu.memory_space<vmem_shared>> -> memref<120x128xf32, #tpu.memory_space<vmem_shared>>
      %dma_start3A_48 = arith.constant 0 : i32
      %dma_start3A_49 = arith.constant 0 : i32
      %dma_start3A_50 = tpu.memref_slice %arg6[%dma_start3A_48, %dma_start3A_49] : memref<128x128xf32, #tpu.memory_space<vmem>> -> memref<120x128xf32, #tpu.memory_space<vmem>>
      tpu.enqueue_dma source(%dma_start3A_50 : memref<120x128xf32, #tpu.memory_space<vmem>>) target(%dma_start3A_47 : memref<120x128xf32, #tpu.memory_space<vmem_shared>>) target_semaphore(%run_scoped3A : memref<!tpu.dma_semaphore, #tpu.memory_space<semaphore_mem>>)
      %dma_wait3A = arith.constant 0 : i32
      %dma_wait3A_51 = arith.constant 0 : i32
      %dma_wait3A_52 = tpu.memref_slice %arg6[%dma_wait3A, %dma_wait3A_51] : memref<128x128xf32, #tpu.memory_space<vmem>> -> memref<120x128xf32, #tpu.memory_space<vmem>>
      %dma_wait3A_53 = arith.constant 0 : i32
      %dma_wait3A_54 = tpu.memref_slice %arg7[%add3A_9, %dma_wait3A_53] : memref<10112x128xf32, #tpu.memory_space<vmem_shared>> -> memref<120x128xf32, #tpu.memory_space<vmem_shared>>
      %dma_wait3A_55 = arith.constant 0 : i32
      %dma_wait3A_56 = tpu.memref_slice %arg7[%add3A_9, %dma_wait3A_55] : memref<10112x128xf32, #tpu.memory_space<vmem_shared>> -> memref<120x128xf32, #tpu.memory_space<vmem_shared>>
      %dma_wait3A_57 = arith.constant 0 : i32
      %dma_wait3A_58 = arith.constant 0 : i32
      %dma_wait3A_59 = tpu.memref_slice %arg6[%dma_wait3A_57, %dma_wait3A_58] : memref<128x128xf32, #tpu.memory_space<vmem>> -> memref<120x128xf32, #tpu.memory_space<vmem>>
      tpu.wait_dma2 semaphore(%run_scoped3A : memref<!tpu.dma_semaphore, #tpu.memory_space<semaphore_mem>>) src(%dma_wait3A_59 : memref<120x128xf32, #tpu.memory_space<vmem>>) dst(%dma_wait3A_56 : memref<120x128xf32, #tpu.memory_space<vmem_shared>>)
      tpu.yield
    }) : () -> ()
    %mul3A_10 = arith.constant 80 : i32
    %mul3A_11 = arith.muli %arg1, %mul3A_10 : i32
    "tpu.region"() ({
      %run_scoped3A = tpu.sem_alloc : memref<!tpu.dma_semaphore, #tpu.memory_space<semaphore_mem>>
      %dma_start3A = arith.constant 0 : i32
      %dma_start3A_42 = arith.constant 0 : i32
      %dma_start3A_43 = tpu.memref_slice %arg5[%dma_start3A, %dma_start3A_42] : memref<160x128xi32, #tpu.memory_space<vmem>> -> memref<80x128xi32, #tpu.memory_space<vmem>>
      %dma_start3A_44 = arith.constant 0 : i32
      %dma_start3A_45 = tpu.memref_slice %arg3[%arg0, %mul3A_11, %dma_start3A_44] : memref<2x2560x128xi32, #tpu.memory_space<hbm>> -> memref<1x80x128xi32, #tpu.memory_space<hbm>>
      %dma_start3A_46 = tpu.memref_squeeze %dma_start3A_45 : memref<1x80x128xi32, #tpu.memory_space<hbm>> -> memref<80x128xi32, #tpu.memory_space<hbm>>
      %dma_start3A_47 = arith.constant 0 : i32
      %dma_start3A_48 = arith.constant 0 : i32
      %dma_start3A_49 = tpu.memref_slice %arg5[%dma_start3A_47, %dma_start3A_48] : memref<160x128xi32, #tpu.memory_space<vmem>> -> memref<80x128xi32, #tpu.memory_space<vmem>>
      %dma_start3A_50 = arith.constant 0 : i32
      %dma_start3A_51 = tpu.memref_slice %arg3[%arg0, %mul3A_11, %dma_start3A_50] : memref<2x2560x128xi32, #tpu.memory_space<hbm>> -> memref<1x80x128xi32, #tpu.memory_space<hbm>>
      %dma_start3A_52 = tpu.memref_squeeze %dma_start3A_51 : memref<1x80x128xi32, #tpu.memory_space<hbm>> -> memref<80x128xi32, #tpu.memory_space<hbm>>
      tpu.enqueue_dma source(%dma_start3A_52 : memref<80x128xi32, #tpu.memory_space<hbm>>) target(%dma_start3A_49 : memref<80x128xi32, #tpu.memory_space<vmem>>) target_semaphore(%run_scoped3A : memref<!tpu.dma_semaphore, #tpu.memory_space<semaphore_mem>>)
      %dma_wait3A = arith.constant 0 : i32
      %dma_wait3A_53 = arith.constant 0 : i32
      %dma_wait3A_54 = tpu.memref_slice %arg5[%dma_wait3A, %dma_wait3A_53] : memref<160x128xi32, #tpu.memory_space<vmem>> -> memref<80x128xi32, #tpu.memory_space<vmem>>
      %dma_wait3A_55 = arith.constant 0 : i32
      %dma_wait3A_56 = tpu.memref_slice %arg3[%arg0, %mul3A_11, %dma_wait3A_55] : memref<2x2560x128xi32, #tpu.memory_space<hbm>> -> memref<1x80x128xi32, #tpu.memory_space<hbm>>
      %dma_wait3A_57 = tpu.memref_squeeze %dma_wait3A_56 : memref<1x80x128xi32, #tpu.memory_space<hbm>> -> memref<80x128xi32, #tpu.memory_space<hbm>>
      %dma_wait3A_58 = arith.constant 0 : i32
      %dma_wait3A_59 = arith.constant 0 : i32
      %dma_wait3A_60 = tpu.memref_slice %arg5[%dma_wait3A_58, %dma_wait3A_59] : memref<160x128xi32, #tpu.memory_space<vmem>> -> memref<80x128xi32, #tpu.memory_space<vmem>>
      %dma_wait3A_61 = arith.constant 0 : i32
      %dma_wait3A_62 = tpu.memref_slice %arg3[%arg0, %mul3A_11, %dma_wait3A_61] : memref<2x2560x128xi32, #tpu.memory_space<hbm>> -> memref<1x80x128xi32, #tpu.memory_space<hbm>>
      %dma_wait3A_63 = tpu.memref_squeeze %dma_wait3A_62 : memref<1x80x128xi32, #tpu.memory_space<hbm>> -> memref<80x128xi32, #tpu.memory_space<hbm>>
      tpu.wait_dma2 semaphore(%run_scoped3A : memref<!tpu.dma_semaphore, #tpu.memory_space<semaphore_mem>>) src(%dma_wait3A_63 : memref<80x128xi32, #tpu.memory_space<hbm>>) dst(%dma_wait3A_60 : memref<80x128xi32, #tpu.memory_space<vmem>>)
      tpu.yield
    }) : () -> ()
    %mul3A_12 = arith.constant 80 : i32
    %mul3A_13 = arith.muli %arg1, %mul3A_12 : i32
    %add3A_14 = arith.constant 1280 : i32
    %add3A_15 = arith.addi %add3A_14, %mul3A_13 : i32
    "tpu.region"() ({
      %run_scoped3A = tpu.sem_alloc : memref<!tpu.dma_semaphore, #tpu.memory_space<semaphore_mem>>
      %dma_start3A = arith.constant 80 : i32
      %dma_start3A_42 = arith.constant 0 : i32
      %dma_start3A_43 = tpu.memref_slice %arg5[%dma_start3A, %dma_start3A_42] : memref<160x128xi32, #tpu.memory_space<vmem>> -> memref<80x128xi32, #tpu.memory_space<vmem>>
      %dma_start3A_44 = arith.constant 0 : i32
      %dma_start3A_45 = tpu.memref_slice %arg3[%arg0, %add3A_15, %dma_start3A_44] : memref<2x2560x128xi32, #tpu.memory_space<hbm>> -> memref<1x80x128xi32, #tpu.memory_space<hbm>>
      %dma_start3A_46 = tpu.memref_squeeze %dma_start3A_45 : memref<1x80x128xi32, #tpu.memory_space<hbm>> -> memref<80x128xi32, #tpu.memory_space<hbm>>
      %dma_start3A_47 = arith.constant 80 : i32
      %dma_start3A_48 = arith.constant 0 : i32
      %dma_start3A_49 = tpu.memref_slice %arg5[%dma_start3A_47, %dma_start3A_48] : memref<160x128xi32, #tpu.memory_space<vmem>> -> memref<80x128xi32, #tpu.memory_space<vmem>>
      %dma_start3A_50 = arith.constant 0 : i32
      %dma_start3A_51 = tpu.memref_slice %arg3[%arg0, %add3A_15, %dma_start3A_50] : memref<2x2560x128xi32, #tpu.memory_space<hbm>> -> memref<1x80x128xi32, #tpu.memory_space<hbm>>
      %dma_start3A_52 = tpu.memref_squeeze %dma_start3A_51 : memref<1x80x128xi32, #tpu.memory_space<hbm>> -> memref<80x128xi32, #tpu.memory_space<hbm>>
      tpu.enqueue_dma source(%dma_start3A_52 : memref<80x128xi32, #tpu.memory_space<hbm>>) target(%dma_start3A_49 : memref<80x128xi32, #tpu.memory_space<vmem>>) target_semaphore(%run_scoped3A : memref<!tpu.dma_semaphore, #tpu.memory_space<semaphore_mem>>)
      %dma_wait3A = arith.constant 80 : i32
      %dma_wait3A_53 = arith.constant 0 : i32
      %dma_wait3A_54 = tpu.memref_slice %arg5[%dma_wait3A, %dma_wait3A_53] : memref<160x128xi32, #tpu.memory_space<vmem>> -> memref<80x128xi32, #tpu.memory_space<vmem>>
      %dma_wait3A_55 = arith.constant 0 : i32
      %dma_wait3A_56 = tpu.memref_slice %arg3[%arg0, %add3A_15, %dma_wait3A_55] : memref<2x2560x128xi32, #tpu.memory_space<hbm>> -> memref<1x80x128xi32, #tpu.memory_space<hbm>>
      %dma_wait3A_57 = tpu.memref_squeeze %dma_wait3A_56 : memref<1x80x128xi32, #tpu.memory_space<hbm>> -> memref<80x128xi32, #tpu.memory_space<hbm>>
      %dma_wait3A_58 = arith.constant 80 : i32
      %dma_wait3A_59 = arith.constant 0 : i32
      %dma_wait3A_60 = tpu.memref_slice %arg5[%dma_wait3A_58, %dma_wait3A_59] : memref<160x128xi32, #tpu.memory_space<vmem>> -> memref<80x128xi32, #tpu.memory_space<vmem>>
      %dma_wait3A_61 = arith.constant 0 : i32
      %dma_wait3A_62 = tpu.memref_slice %arg3[%arg0, %add3A_15, %dma_wait3A_61] : memref<2x2560x128xi32, #tpu.memory_space<hbm>> -> memref<1x80x128xi32, #tpu.memory_space<hbm>>
      %dma_wait3A_63 = tpu.memref_squeeze %dma_wait3A_62 : memref<1x80x128xi32, #tpu.memory_space<hbm>> -> memref<80x128xi32, #tpu.memory_space<hbm>>
      tpu.wait_dma2 semaphore(%run_scoped3A : memref<!tpu.dma_semaphore, #tpu.memory_space<semaphore_mem>>) src(%dma_wait3A_63 : memref<80x128xi32, #tpu.memory_space<hbm>>) dst(%dma_wait3A_60 : memref<80x128xi32, #tpu.memory_space<vmem>>)
      tpu.yield
    }) : () -> ()
    %barrier3A = arith.constant 0 : index
    tpu.barrier barrier_id(%barrier3A)
    %scan3A = arith.constant 0 : i32
    %scan3A_16 = arith.constant 0 : i32
    %scan3A_17 = arith.constant 80 : i32
    %scan3A_18 = arith.addi %scan3A_16, %scan3A_17 : i32
    %scan3A_19 = arith.constant 1 : i32
    scf.for %scan3A_42 = %scan3A_16 to %scan3A_18 step %scan3A_19  : i32 {
      "tpu.region"() ({
        %run_scoped3A = tpu.sem_alloc : memref<!tpu.dma_semaphore, #tpu.memory_space<semaphore_mem>>
        %dma_start3A = arith.constant 0 : i32
        %dma_start3A_45 = tpu.memref_slice %arg5[%scan3A_42, %dma_start3A] : memref<160x128xi32, #tpu.memory_space<vmem>> -> memref<1x128xi32, #tpu.memory_space<vmem>>
        %dma_start3A_46 = tpu.memref_squeeze %dma_start3A_45 : memref<1x128xi32, #tpu.memory_space<vmem>> -> memref<128xi32, #tpu.memory_space<vmem>>
        %dma_start3A_47 = arith.constant 0 : i32
        %dma_start3A_48 = arith.constant 0 : i32
        %dma_start3A_49 = tpu.memref_slice %arg2[%dma_start3A_47, %dma_start3A_48] : memref<20224x128xf32, #tpu.memory_space<hbm>> -> memref<20224x128xf32, #tpu.memory_space<hbm>>
        tpu.enqueue_indirect_dma source(%dma_start3A_49 : memref<20224x128xf32, #tpu.memory_space<hbm>>) target(%arg6 : memref<128x128xf32, #tpu.memory_space<vmem>>) offsets(%dma_start3A_46 : memref<128xi32, #tpu.memory_space<vmem>>) semaphore(%run_scoped3A : memref<!tpu.dma_semaphore, #tpu.memory_space<semaphore_mem>>)
        %dma_wait3A = arith.constant 0 : i32
        %dma_wait3A_50 = tpu.memref_slice %arg5[%scan3A_42, %dma_wait3A] : memref<160x128xi32, #tpu.memory_space<vmem>> -> memref<1x128xi32, #tpu.memory_space<vmem>>
        %dma_wait3A_51 = tpu.memref_squeeze %dma_wait3A_50 : memref<1x128xi32, #tpu.memory_space<vmem>> -> memref<128xi32, #tpu.memory_space<vmem>>
        %dma_wait3A_52 = arith.constant 0 : i32
        %dma_wait3A_53 = arith.constant 0 : i32
        %dma_wait3A_54 = tpu.memref_slice %arg2[%dma_wait3A_52, %dma_wait3A_53] : memref<20224x128xf32, #tpu.memory_space<hbm>> -> memref<20224x128xf32, #tpu.memory_space<hbm>>
        tpu.wait_indirect_dma semaphore(%run_scoped3A : memref<!tpu.dma_semaphore, #tpu.memory_space<semaphore_mem>>) src(%dma_wait3A_54 : memref<20224x128xf32, #tpu.memory_space<hbm>>) dst(%arg6 : memref<128x128xf32, #tpu.memory_space<vmem>>)
        tpu.yield
      }) : () -> ()
      %add3A_43 = arith.constant 80 : i32
      %add3A_44 = arith.addi %add3A_43, %scan3A_42 : i32
      "tpu.region"() ({
        %run_scoped3A = tpu.sem_alloc : memref<!tpu.dma_semaphore, #tpu.memory_space<semaphore_mem>>
        %dma_start3A = arith.constant 0 : i32
        %dma_start3A_45 = tpu.memref_slice %arg5[%add3A_44, %dma_start3A] : memref<160x128xi32, #tpu.memory_space<vmem>> -> memref<1x128xi32, #tpu.memory_space<vmem>>
        %dma_start3A_46 = tpu.memref_squeeze %dma_start3A_45 : memref<1x128xi32, #tpu.memory_space<vmem>> -> memref<128xi32, #tpu.memory_space<vmem>>
        %dma_start3A_47 = arith.constant 0 : i32
        %dma_start3A_48 = arith.constant 0 : i32
        %dma_start3A_49 = tpu.memref_slice %arg7[%dma_start3A_47, %dma_start3A_48] : memref<10112x128xf32, #tpu.memory_space<vmem_shared>> -> memref<10112x128xf32, #tpu.memory_space<vmem_shared>>
        tpu.enqueue_indirect_dma source(%arg6 : memref<128x128xf32, #tpu.memory_space<vmem>>) target(%dma_start3A_49 : memref<10112x128xf32, #tpu.memory_space<vmem_shared>>) offsets(%dma_start3A_46 : memref<128xi32, #tpu.memory_space<vmem>>) semaphore(%run_scoped3A : memref<!tpu.dma_semaphore, #tpu.memory_space<semaphore_mem>>) {add = true}
        %dma_wait3A = arith.constant 0 : i32
        %dma_wait3A_50 = tpu.memref_slice %arg5[%add3A_44, %dma_wait3A] : memref<160x128xi32, #tpu.memory_space<vmem>> -> memref<1x128xi32, #tpu.memory_space<vmem>>
        %dma_wait3A_51 = tpu.memref_squeeze %dma_wait3A_50 : memref<1x128xi32, #tpu.memory_space<vmem>> -> memref<128xi32, #tpu.memory_space<vmem>>
        %dma_wait3A_52 = arith.constant 0 : i32
        %dma_wait3A_53 = arith.constant 0 : i32
        %dma_wait3A_54 = tpu.memref_slice %arg7[%dma_wait3A_52, %dma_wait3A_53] : memref<10112x128xf32, #tpu.memory_space<vmem_shared>> -> memref<10112x128xf32, #tpu.memory_space<vmem_shared>>
        tpu.wait_indirect_dma semaphore(%run_scoped3A : memref<!tpu.dma_semaphore, #tpu.memory_space<semaphore_mem>>) src(%arg6 : memref<128x128xf32, #tpu.memory_space<vmem>>) dst(%dma_wait3A_54 : memref<10112x128xf32, #tpu.memory_space<vmem_shared>>)
        tpu.yield
      }) : () -> ()
    }
    %scan3A_20 = arith.constant 80 : i32
    %barrier3A_21 = arith.constant 0 : index
    tpu.barrier barrier_id(%barrier3A_21)
    %add3A_22 = arith.constant 0 : i32
    %add3A_23 = arith.addi %mul3A_0, %add3A_22 : i32
    "tpu.region"() ({
      %run_scoped3A = tpu.sem_alloc : memref<!tpu.dma_semaphore, #tpu.memory_space<semaphore_mem>>
      %dma_start3A = arith.constant 0 : i32
      %dma_start3A_42 = arith.constant 0 : i32
      %dma_start3A_43 = tpu.memref_slice %arg6[%dma_start3A, %dma_start3A_42] : memref<128x128xf32, #tpu.memory_space<vmem>> -> memref<128x128xf32, #tpu.memory_space<vmem>>
      %dma_start3A_44 = arith.constant 0 : i32
      %dma_start3A_45 = tpu.memref_slice %arg7[%add3A_23, %dma_start3A_44] : memref<10112x128xf32, #tpu.memory_space<vmem_shared>> -> memref<128x128xf32, #tpu.memory_space<vmem_shared>>
      %dma_start3A_46 = arith.constant 0 : i32
      %dma_start3A_47 = arith.constant 0 : i32
      %dma_start3A_48 = tpu.memref_slice %arg6[%dma_start3A_46, %dma_start3A_47] : memref<128x128xf32, #tpu.memory_space<vmem>> -> memref<128x128xf32, #tpu.memory_space<vmem>>
      %dma_start3A_49 = arith.constant 0 : i32
      %dma_start3A_50 = tpu.memref_slice %arg7[%add3A_23, %dma_start3A_49] : memref<10112x128xf32, #tpu.memory_space<vmem_shared>> -> memref<128x128xf32, #tpu.memory_space<vmem_shared>>
      tpu.enqueue_dma source(%dma_start3A_50 : memref<128x128xf32, #tpu.memory_space<vmem_shared>>) target(%dma_start3A_48 : memref<128x128xf32, #tpu.memory_space<vmem>>) target_semaphore(%run_scoped3A : memref<!tpu.dma_semaphore, #tpu.memory_space<semaphore_mem>>)
      %dma_wait3A = arith.constant 0 : i32
      %dma_wait3A_51 = arith.constant 0 : i32
      %dma_wait3A_52 = tpu.memref_slice %arg6[%dma_wait3A, %dma_wait3A_51] : memref<128x128xf32, #tpu.memory_space<vmem>> -> memref<128x128xf32, #tpu.memory_space<vmem>>
      %dma_wait3A_53 = arith.constant 0 : i32
      %dma_wait3A_54 = tpu.memref_slice %arg7[%add3A_23, %dma_wait3A_53] : memref<10112x128xf32, #tpu.memory_space<vmem_shared>> -> memref<128x128xf32, #tpu.memory_space<vmem_shared>>
      %dma_wait3A_55 = arith.constant 0 : i32
      %dma_wait3A_56 = arith.constant 0 : i32
      %dma_wait3A_57 = tpu.memref_slice %arg6[%dma_wait3A_55, %dma_wait3A_56] : memref<128x128xf32, #tpu.memory_space<vmem>> -> memref<128x128xf32, #tpu.memory_space<vmem>>
      %dma_wait3A_58 = arith.constant 0 : i32
      %dma_wait3A_59 = tpu.memref_slice %arg7[%add3A_23, %dma_wait3A_58] : memref<10112x128xf32, #tpu.memory_space<vmem_shared>> -> memref<128x128xf32, #tpu.memory_space<vmem_shared>>
      tpu.wait_dma2 semaphore(%run_scoped3A : memref<!tpu.dma_semaphore, #tpu.memory_space<semaphore_mem>>) src(%dma_wait3A_59 : memref<128x128xf32, #tpu.memory_space<vmem_shared>>) dst(%dma_wait3A_57 : memref<128x128xf32, #tpu.memory_space<vmem>>)
      tpu.yield
    }) : () -> ()
    %add3A_24 = arith.constant 0 : i32
    %add3A_25 = arith.addi %mul3A_0, %add3A_24 : i32
    "tpu.region"() ({
      %run_scoped3A = tpu.sem_alloc : memref<!tpu.dma_semaphore, #tpu.memory_space<semaphore_mem>>
      %dma_start3A = arith.constant 0 : i32
      %dma_start3A_42 = arith.constant 0 : i32
      %dma_start3A_43 = tpu.memref_slice %arg6[%dma_start3A, %dma_start3A_42] : memref<128x128xf32, #tpu.memory_space<vmem>> -> memref<128x128xf32, #tpu.memory_space<vmem>>
      %dma_start3A_44 = arith.constant 0 : i32
      %dma_start3A_45 = tpu.memref_slice %arg4[%arg0, %add3A_25, %dma_start3A_44] : memref<2x10112x128xf32, #tpu.memory_space<hbm>> -> memref<1x128x128xf32, #tpu.memory_space<hbm>>
      %dma_start3A_46 = tpu.memref_squeeze %dma_start3A_45 : memref<1x128x128xf32, #tpu.memory_space<hbm>> -> memref<128x128xf32, #tpu.memory_space<hbm>>
      %dma_start3A_47 = arith.constant 0 : i32
      %dma_start3A_48 = tpu.memref_slice %arg4[%arg0, %add3A_25, %dma_start3A_47] : memref<2x10112x128xf32, #tpu.memory_space<hbm>> -> memref<1x128x128xf32, #tpu.memory_space<hbm>>
      %dma_start3A_49 = tpu.memref_squeeze %dma_start3A_48 : memref<1x128x128xf32, #tpu.memory_space<hbm>> -> memref<128x128xf32, #tpu.memory_space<hbm>>
      %dma_start3A_50 = arith.constant 0 : i32
      %dma_start3A_51 = arith.constant 0 : i32
      %dma_start3A_52 = tpu.memref_slice %arg6[%dma_start3A_50, %dma_start3A_51] : memref<128x128xf32, #tpu.memory_space<vmem>> -> memref<128x128xf32, #tpu.memory_space<vmem>>
      tpu.enqueue_dma source(%dma_start3A_52 : memref<128x128xf32, #tpu.memory_space<vmem>>) target(%dma_start3A_49 : memref<128x128xf32, #tpu.memory_space<hbm>>) target_semaphore(%run_scoped3A : memref<!tpu.dma_semaphore, #tpu.memory_space<semaphore_mem>>)
      %dma_wait3A = arith.constant 0 : i32
      %dma_wait3A_53 = arith.constant 0 : i32
      %dma_wait3A_54 = tpu.memref_slice %arg6[%dma_wait3A, %dma_wait3A_53] : memref<128x128xf32, #tpu.memory_space<vmem>> -> memref<128x128xf32, #tpu.memory_space<vmem>>
      %dma_wait3A_55 = arith.constant 0 : i32
      %dma_wait3A_56 = tpu.memref_slice %arg4[%arg0, %add3A_25, %dma_wait3A_55] : memref<2x10112x128xf32, #tpu.memory_space<hbm>> -> memref<1x128x128xf32, #tpu.memory_space<hbm>>
      %dma_wait3A_57 = tpu.memref_squeeze %dma_wait3A_56 : memref<1x128x128xf32, #tpu.memory_space<hbm>> -> memref<128x128xf32, #tpu.memory_space<hbm>>
      %dma_wait3A_58 = arith.constant 0 : i32
      %dma_wait3A_59 = tpu.memref_slice %arg4[%arg0, %add3A_25, %dma_wait3A_58] : memref<2x10112x128xf32, #tpu.memory_space<hbm>> -> memref<1x128x128xf32, #tpu.memory_space<hbm>>
      %dma_wait3A_60 = tpu.memref_squeeze %dma_wait3A_59 : memref<1x128x128xf32, #tpu.memory_space<hbm>> -> memref<128x128xf32, #tpu.memory_space<hbm>>
      %dma_wait3A_61 = arith.constant 0 : i32
      %dma_wait3A_62 = arith.constant 0 : i32
      %dma_wait3A_63 = tpu.memref_slice %arg6[%dma_wait3A_61, %dma_wait3A_62] : memref<128x128xf32, #tpu.memory_space<vmem>> -> memref<128x128xf32, #tpu.memory_space<vmem>>
      tpu.wait_dma2 semaphore(%run_scoped3A : memref<!tpu.dma_semaphore, #tpu.memory_space<semaphore_mem>>) src(%dma_wait3A_63 : memref<128x128xf32, #tpu.memory_space<vmem>>) dst(%dma_wait3A_60 : memref<128x128xf32, #tpu.memory_space<hbm>>)
      tpu.yield
    }) : () -> ()
    %add3A_26 = arith.constant 128 : i32
    %add3A_27 = arith.addi %mul3A_0, %add3A_26 : i32
    "tpu.region"() ({
      %run_scoped3A = tpu.sem_alloc : memref<!tpu.dma_semaphore, #tpu.memory_space<semaphore_mem>>
      %dma_start3A = arith.constant 0 : i32
      %dma_start3A_42 = arith.constant 0 : i32
      %dma_start3A_43 = tpu.memref_slice %arg6[%dma_start3A, %dma_start3A_42] : memref<128x128xf32, #tpu.memory_space<vmem>> -> memref<128x128xf32, #tpu.memory_space<vmem>>
      %dma_start3A_44 = arith.constant 0 : i32
      %dma_start3A_45 = tpu.memref_slice %arg7[%add3A_27, %dma_start3A_44] : memref<10112x128xf32, #tpu.memory_space<vmem_shared>> -> memref<128x128xf32, #tpu.memory_space<vmem_shared>>
      %dma_start3A_46 = arith.constant 0 : i32
      %dma_start3A_47 = arith.constant 0 : i32
      %dma_start3A_48 = tpu.memref_slice %arg6[%dma_start3A_46, %dma_start3A_47] : memref<128x128xf32, #tpu.memory_space<vmem>> -> memref<128x128xf32, #tpu.memory_space<vmem>>
      %dma_start3A_49 = arith.constant 0 : i32
      %dma_start3A_50 = tpu.memref_slice %arg7[%add3A_27, %dma_start3A_49] : memref<10112x128xf32, #tpu.memory_space<vmem_shared>> -> memref<128x128xf32, #tpu.memory_space<vmem_shared>>
      tpu.enqueue_dma source(%dma_start3A_50 : memref<128x128xf32, #tpu.memory_space<vmem_shared>>) target(%dma_start3A_48 : memref<128x128xf32, #tpu.memory_space<vmem>>) target_semaphore(%run_scoped3A : memref<!tpu.dma_semaphore, #tpu.memory_space<semaphore_mem>>)
      %dma_wait3A = arith.constant 0 : i32
      %dma_wait3A_51 = arith.constant 0 : i32
      %dma_wait3A_52 = tpu.memref_slice %arg6[%dma_wait3A, %dma_wait3A_51] : memref<128x128xf32, #tpu.memory_space<vmem>> -> memref<128x128xf32, #tpu.memory_space<vmem>>
      %dma_wait3A_53 = arith.constant 0 : i32
      %dma_wait3A_54 = tpu.memref_slice %arg7[%add3A_27, %dma_wait3A_53] : memref<10112x128xf32, #tpu.memory_space<vmem_shared>> -> memref<128x128xf32, #tpu.memory_space<vmem_shared>>
      %dma_wait3A_55 = arith.constant 0 : i32
      %dma_wait3A_56 = arith.constant 0 : i32
      %dma_wait3A_57 = tpu.memref_slice %arg6[%dma_wait3A_55, %dma_wait3A_56] : memref<128x128xf32, #tpu.memory_space<vmem>> -> memref<128x128xf32, #tpu.memory_space<vmem>>
      %dma_wait3A_58 = arith.constant 0 : i32
      %dma_wait3A_59 = tpu.memref_slice %arg7[%add3A_27, %dma_wait3A_58] : memref<10112x128xf32, #tpu.memory_space<vmem_shared>> -> memref<128x128xf32, #tpu.memory_space<vmem_shared>>
      tpu.wait_dma2 semaphore(%run_scoped3A : memref<!tpu.dma_semaphore, #tpu.memory_space<semaphore_mem>>) src(%dma_wait3A_59 : memref<128x128xf32, #tpu.memory_space<vmem_shared>>) dst(%dma_wait3A_57 : memref<128x128xf32, #tpu.memory_space<vmem>>)
      tpu.yield
    }) : () -> ()
    %add3A_28 = arith.constant 128 : i32
    %add3A_29 = arith.addi %mul3A_0, %add3A_28 : i32
    "tpu.region"() ({
      %run_scoped3A = tpu.sem_alloc : memref<!tpu.dma_semaphore, #tpu.memory_space<semaphore_mem>>
      %dma_start3A = arith.constant 0 : i32
      %dma_start3A_42 = arith.constant 0 : i32
      %dma_start3A_43 = tpu.memref_slice %arg6[%dma_start3A, %dma_start3A_42] : memref<128x128xf32, #tpu.memory_space<vmem>> -> memref<128x128xf32, #tpu.memory_space<vmem>>
      %dma_start3A_44 = arith.constant 0 : i32
      %dma_start3A_45 = tpu.memref_slice %arg4[%arg0, %add3A_29, %dma_start3A_44] : memref<2x10112x128xf32, #tpu.memory_space<hbm>> -> memref<1x128x128xf32, #tpu.memory_space<hbm>>
      %dma_start3A_46 = tpu.memref_squeeze %dma_start3A_45 : memref<1x128x128xf32, #tpu.memory_space<hbm>> -> memref<128x128xf32, #tpu.memory_space<hbm>>
      %dma_start3A_47 = arith.constant 0 : i32
      %dma_start3A_48 = tpu.memref_slice %arg4[%arg0, %add3A_29, %dma_start3A_47] : memref<2x10112x128xf32, #tpu.memory_space<hbm>> -> memref<1x128x128xf32, #tpu.memory_space<hbm>>
      %dma_start3A_49 = tpu.memref_squeeze %dma_start3A_48 : memref<1x128x128xf32, #tpu.memory_space<hbm>> -> memref<128x128xf32, #tpu.memory_space<hbm>>
      %dma_start3A_50 = arith.constant 0 : i32
      %dma_start3A_51 = arith.constant 0 : i32
      %dma_start3A_52 = tpu.memref_slice %arg6[%dma_start3A_50, %dma_start3A_51] : memref<128x128xf32, #tpu.memory_space<vmem>> -> memref<128x128xf32, #tpu.memory_space<vmem>>
      tpu.enqueue_dma source(%dma_start3A_52 : memref<128x128xf32, #tpu.memory_space<vmem>>) target(%dma_start3A_49 : memref<128x128xf32, #tpu.memory_space<hbm>>) target_semaphore(%run_scoped3A : memref<!tpu.dma_semaphore, #tpu.memory_space<semaphore_mem>>)
      %dma_wait3A = arith.constant 0 : i32
      %dma_wait3A_53 = arith.constant 0 : i32
      %dma_wait3A_54 = tpu.memref_slice %arg6[%dma_wait3A, %dma_wait3A_53] : memref<128x128xf32, #tpu.memory_space<vmem>> -> memref<128x128xf32, #tpu.memory_space<vmem>>
      %dma_wait3A_55 = arith.constant 0 : i32
      %dma_wait3A_56 = tpu.memref_slice %arg4[%arg0, %add3A_29, %dma_wait3A_55] : memref<2x10112x128xf32, #tpu.memory_space<hbm>> -> memref<1x128x128xf32, #tpu.memory_space<hbm>>
      %dma_wait3A_57 = tpu.memref_squeeze %dma_wait3A_56 : memref<1x128x128xf32, #tpu.memory_space<hbm>> -> memref<128x128xf32, #tpu.memory_space<hbm>>
      %dma_wait3A_58 = arith.constant 0 : i32
      %dma_wait3A_59 = tpu.memref_slice %arg4[%arg0, %add3A_29, %dma_wait3A_58] : memref<2x10112x128xf32, #tpu.memory_space<hbm>> -> memref<1x128x128xf32, #tpu.memory_space<hbm>>
      %dma_wait3A_60 = tpu.memref_squeeze %dma_wait3A_59 : memref<1x128x128xf32, #tpu.memory_space<hbm>> -> memref<128x128xf32, #tpu.memory_space<hbm>>
      %dma_wait3A_61 = arith.constant 0 : i32
      %dma_wait3A_62 = arith.constant 0 : i32
      %dma_wait3A_63 = tpu.memref_slice %arg6[%dma_wait3A_61, %dma_wait3A_62] : memref<128x128xf32, #tpu.memory_space<vmem>> -> memref<128x128xf32, #tpu.memory_space<vmem>>
      tpu.wait_dma2 semaphore(%run_scoped3A : memref<!tpu.dma_semaphore, #tpu.memory_space<semaphore_mem>>) src(%dma_wait3A_63 : memref<128x128xf32, #tpu.memory_space<vmem>>) dst(%dma_wait3A_60 : memref<128x128xf32, #tpu.memory_space<hbm>>)
      tpu.yield
    }) : () -> ()
    %add3A_30 = arith.constant 256 : i32
    %add3A_31 = arith.addi %mul3A_0, %add3A_30 : i32
    "tpu.region"() ({
      %run_scoped3A = tpu.sem_alloc : memref<!tpu.dma_semaphore, #tpu.memory_space<semaphore_mem>>
      %dma_start3A = arith.constant 0 : i32
      %dma_start3A_42 = arith.constant 0 : i32
      %dma_start3A_43 = tpu.memref_slice %arg6[%dma_start3A, %dma_start3A_42] : memref<128x128xf32, #tpu.memory_space<vmem>> -> memref<128x128xf32, #tpu.memory_space<vmem>>
      %dma_start3A_44 = arith.constant 0 : i32
      %dma_start3A_45 = tpu.memref_slice %arg7[%add3A_31, %dma_start3A_44] : memref<10112x128xf32, #tpu.memory_space<vmem_shared>> -> memref<128x128xf32, #tpu.memory_space<vmem_shared>>
      %dma_start3A_46 = arith.constant 0 : i32
      %dma_start3A_47 = arith.constant 0 : i32
      %dma_start3A_48 = tpu.memref_slice %arg6[%dma_start3A_46, %dma_start3A_47] : memref<128x128xf32, #tpu.memory_space<vmem>> -> memref<128x128xf32, #tpu.memory_space<vmem>>
      %dma_start3A_49 = arith.constant 0 : i32
      %dma_start3A_50 = tpu.memref_slice %arg7[%add3A_31, %dma_start3A_49] : memref<10112x128xf32, #tpu.memory_space<vmem_shared>> -> memref<128x128xf32, #tpu.memory_space<vmem_shared>>
      tpu.enqueue_dma source(%dma_start3A_50 : memref<128x128xf32, #tpu.memory_space<vmem_shared>>) target(%dma_start3A_48 : memref<128x128xf32, #tpu.memory_space<vmem>>) target_semaphore(%run_scoped3A : memref<!tpu.dma_semaphore, #tpu.memory_space<semaphore_mem>>)
      %dma_wait3A = arith.constant 0 : i32
      %dma_wait3A_51 = arith.constant 0 : i32
      %dma_wait3A_52 = tpu.memref_slice %arg6[%dma_wait3A, %dma_wait3A_51] : memref<128x128xf32, #tpu.memory_space<vmem>> -> memref<128x128xf32, #tpu.memory_space<vmem>>
      %dma_wait3A_53 = arith.constant 0 : i32
      %dma_wait3A_54 = tpu.memref_slice %arg7[%add3A_31, %dma_wait3A_53] : memref<10112x128xf32, #tpu.memory_space<vmem_shared>> -> memref<128x128xf32, #tpu.memory_space<vmem_shared>>
      %dma_wait3A_55 = arith.constant 0 : i32
      %dma_wait3A_56 = arith.constant 0 : i32
      %dma_wait3A_57 = tpu.memref_slice %arg6[%dma_wait3A_55, %dma_wait3A_56] : memref<128x128xf32, #tpu.memory_space<vmem>> -> memref<128x128xf32, #tpu.memory_space<vmem>>
      %dma_wait3A_58 = arith.constant 0 : i32
      %dma_wait3A_59 = tpu.memref_slice %arg7[%add3A_31, %dma_wait3A_58] : memref<10112x128xf32, #tpu.memory_space<vmem_shared>> -> memref<128x128xf32, #tpu.memory_space<vmem_shared>>
      tpu.wait_dma2 semaphore(%run_scoped3A : memref<!tpu.dma_semaphore, #tpu.memory_space<semaphore_mem>>) src(%dma_wait3A_59 : memref<128x128xf32, #tpu.memory_space<vmem_shared>>) dst(%dma_wait3A_57 : memref<128x128xf32, #tpu.memory_space<vmem>>)
      tpu.yield
    }) : () -> ()
    %add3A_32 = arith.constant 256 : i32
    %add3A_33 = arith.addi %mul3A_0, %add3A_32 : i32
    "tpu.region"() ({
      %run_scoped3A = tpu.sem_alloc : memref<!tpu.dma_semaphore, #tpu.memory_space<semaphore_mem>>
      %dma_start3A = arith.constant 0 : i32
      %dma_start3A_42 = arith.constant 0 : i32
      %dma_start3A_43 = tpu.memref_slice %arg6[%dma_start3A, %dma_start3A_42] : memref<128x128xf32, #tpu.memory_space<vmem>> -> memref<128x128xf32, #tpu.memory_space<vmem>>
      %dma_start3A_44 = arith.constant 0 : i32
      %dma_start3A_45 = tpu.memref_slice %arg4[%arg0, %add3A_33, %dma_start3A_44] : memref<2x10112x128xf32, #tpu.memory_space<hbm>> -> memref<1x128x128xf32, #tpu.memory_space<hbm>>
      %dma_start3A_46 = tpu.memref_squeeze %dma_start3A_45 : memref<1x128x128xf32, #tpu.memory_space<hbm>> -> memref<128x128xf32, #tpu.memory_space<hbm>>
      %dma_start3A_47 = arith.constant 0 : i32
      %dma_start3A_48 = tpu.memref_slice %arg4[%arg0, %add3A_33, %dma_start3A_47] : memref<2x10112x128xf32, #tpu.memory_space<hbm>> -> memref<1x128x128xf32, #tpu.memory_space<hbm>>
      %dma_start3A_49 = tpu.memref_squeeze %dma_start3A_48 : memref<1x128x128xf32, #tpu.memory_space<hbm>> -> memref<128x128xf32, #tpu.memory_space<hbm>>
      %dma_start3A_50 = arith.constant 0 : i32
      %dma_start3A_51 = arith.constant 0 : i32
      %dma_start3A_52 = tpu.memref_slice %arg6[%dma_start3A_50, %dma_start3A_51] : memref<128x128xf32, #tpu.memory_space<vmem>> -> memref<128x128xf32, #tpu.memory_space<vmem>>
      tpu.enqueue_dma source(%dma_start3A_52 : memref<128x128xf32, #tpu.memory_space<vmem>>) target(%dma_start3A_49 : memref<128x128xf32, #tpu.memory_space<hbm>>) target_semaphore(%run_scoped3A : memref<!tpu.dma_semaphore, #tpu.memory_space<semaphore_mem>>)
      %dma_wait3A = arith.constant 0 : i32
      %dma_wait3A_53 = arith.constant 0 : i32
      %dma_wait3A_54 = tpu.memref_slice %arg6[%dma_wait3A, %dma_wait3A_53] : memref<128x128xf32, #tpu.memory_space<vmem>> -> memref<128x128xf32, #tpu.memory_space<vmem>>
      %dma_wait3A_55 = arith.constant 0 : i32
      %dma_wait3A_56 = tpu.memref_slice %arg4[%arg0, %add3A_33, %dma_wait3A_55] : memref<2x10112x128xf32, #tpu.memory_space<hbm>> -> memref<1x128x128xf32, #tpu.memory_space<hbm>>
      %dma_wait3A_57 = tpu.memref_squeeze %dma_wait3A_56 : memref<1x128x128xf32, #tpu.memory_space<hbm>> -> memref<128x128xf32, #tpu.memory_space<hbm>>
      %dma_wait3A_58 = arith.constant 0 : i32
      %dma_wait3A_59 = tpu.memref_slice %arg4[%arg0, %add3A_33, %dma_wait3A_58] : memref<2x10112x128xf32, #tpu.memory_space<hbm>> -> memref<1x128x128xf32, #tpu.memory_space<hbm>>
      %dma_wait3A_60 = tpu.memref_squeeze %dma_wait3A_59 : memref<1x128x128xf32, #tpu.memory_space<hbm>> -> memref<128x128xf32, #tpu.memory_space<hbm>>
      %dma_wait3A_61 = arith.constant 0 : i32
      %dma_wait3A_62 = arith.constant 0 : i32
      %dma_wait3A_63 = tpu.memref_slice %arg6[%dma_wait3A_61, %dma_wait3A_62] : memref<128x128xf32, #tpu.memory_space<vmem>> -> memref<128x128xf32, #tpu.memory_space<vmem>>
      tpu.wait_dma2 semaphore(%run_scoped3A : memref<!tpu.dma_semaphore, #tpu.memory_space<semaphore_mem>>) src(%dma_wait3A_63 : memref<128x128xf32, #tpu.memory_space<vmem>>) dst(%dma_wait3A_60 : memref<128x128xf32, #tpu.memory_space<hbm>>)
      tpu.yield
    }) : () -> ()
    %add3A_34 = arith.constant 384 : i32
    %add3A_35 = arith.addi %mul3A_0, %add3A_34 : i32
    "tpu.region"() ({
      %run_scoped3A = tpu.sem_alloc : memref<!tpu.dma_semaphore, #tpu.memory_space<semaphore_mem>>
      %dma_start3A = arith.constant 0 : i32
      %dma_start3A_42 = arith.constant 0 : i32
      %dma_start3A_43 = tpu.memref_slice %arg6[%dma_start3A, %dma_start3A_42] : memref<128x128xf32, #tpu.memory_space<vmem>> -> memref<128x128xf32, #tpu.memory_space<vmem>>
      %dma_start3A_44 = arith.constant 0 : i32
      %dma_start3A_45 = tpu.memref_slice %arg7[%add3A_35, %dma_start3A_44] : memref<10112x128xf32, #tpu.memory_space<vmem_shared>> -> memref<128x128xf32, #tpu.memory_space<vmem_shared>>
      %dma_start3A_46 = arith.constant 0 : i32
      %dma_start3A_47 = arith.constant 0 : i32
      %dma_start3A_48 = tpu.memref_slice %arg6[%dma_start3A_46, %dma_start3A_47] : memref<128x128xf32, #tpu.memory_space<vmem>> -> memref<128x128xf32, #tpu.memory_space<vmem>>
      %dma_start3A_49 = arith.constant 0 : i32
      %dma_start3A_50 = tpu.memref_slice %arg7[%add3A_35, %dma_start3A_49] : memref<10112x128xf32, #tpu.memory_space<vmem_shared>> -> memref<128x128xf32, #tpu.memory_space<vmem_shared>>
      tpu.enqueue_dma source(%dma_start3A_50 : memref<128x128xf32, #tpu.memory_space<vmem_shared>>) target(%dma_start3A_48 : memref<128x128xf32, #tpu.memory_space<vmem>>) target_semaphore(%run_scoped3A : memref<!tpu.dma_semaphore, #tpu.memory_space<semaphore_mem>>)
      %dma_wait3A = arith.constant 0 : i32
      %dma_wait3A_51 = arith.constant 0 : i32
      %dma_wait3A_52 = tpu.memref_slice %arg6[%dma_wait3A, %dma_wait3A_51] : memref<128x128xf32, #tpu.memory_space<vmem>> -> memref<128x128xf32, #tpu.memory_space<vmem>>
      %dma_wait3A_53 = arith.constant 0 : i32
      %dma_wait3A_54 = tpu.memref_slice %arg7[%add3A_35, %dma_wait3A_53] : memref<10112x128xf32, #tpu.memory_space<vmem_shared>> -> memref<128x128xf32, #tpu.memory_space<vmem_shared>>
      %dma_wait3A_55 = arith.constant 0 : i32
      %dma_wait3A_56 = arith.constant 0 : i32
      %dma_wait3A_57 = tpu.memref_slice %arg6[%dma_wait3A_55, %dma_wait3A_56] : memref<128x128xf32, #tpu.memory_space<vmem>> -> memref<128x128xf32, #tpu.memory_space<vmem>>
      %dma_wait3A_58 = arith.constant 0 : i32
      %dma_wait3A_59 = tpu.memref_slice %arg7[%add3A_35, %dma_wait3A_58] : memref<10112x128xf32, #tpu.memory_space<vmem_shared>> -> memref<128x128xf32, #tpu.memory_space<vmem_shared>>
      tpu.wait_dma2 semaphore(%run_scoped3A : memref<!tpu.dma_semaphore, #tpu.memory_space<semaphore_mem>>) src(%dma_wait3A_59 : memref<128x128xf32, #tpu.memory_space<vmem_shared>>) dst(%dma_wait3A_57 : memref<128x128xf32, #tpu.memory_space<vmem>>)
      tpu.yield
    }) : () -> ()
    %add3A_36 = arith.constant 384 : i32
    %add3A_37 = arith.addi %mul3A_0, %add3A_36 : i32
    "tpu.region"() ({
      %run_scoped3A = tpu.sem_alloc : memref<!tpu.dma_semaphore, #tpu.memory_space<semaphore_mem>>
      %dma_start3A = arith.constant 0 : i32
      %dma_start3A_42 = arith.constant 0 : i32
      %dma_start3A_43 = tpu.memref_slice %arg6[%dma_start3A, %dma_start3A_42] : memref<128x128xf32, #tpu.memory_space<vmem>> -> memref<128x128xf32, #tpu.memory_space<vmem>>
      %dma_start3A_44 = arith.constant 0 : i32
      %dma_start3A_45 = tpu.memref_slice %arg4[%arg0, %add3A_37, %dma_start3A_44] : memref<2x10112x128xf32, #tpu.memory_space<hbm>> -> memref<1x128x128xf32, #tpu.memory_space<hbm>>
      %dma_start3A_46 = tpu.memref_squeeze %dma_start3A_45 : memref<1x128x128xf32, #tpu.memory_space<hbm>> -> memref<128x128xf32, #tpu.memory_space<hbm>>
      %dma_start3A_47 = arith.constant 0 : i32
      %dma_start3A_48 = tpu.memref_slice %arg4[%arg0, %add3A_37, %dma_start3A_47] : memref<2x10112x128xf32, #tpu.memory_space<hbm>> -> memref<1x128x128xf32, #tpu.memory_space<hbm>>
      %dma_start3A_49 = tpu.memref_squeeze %dma_start3A_48 : memref<1x128x128xf32, #tpu.memory_space<hbm>> -> memref<128x128xf32, #tpu.memory_space<hbm>>
      %dma_start3A_50 = arith.constant 0 : i32
      %dma_start3A_51 = arith.constant 0 : i32
      %dma_start3A_52 = tpu.memref_slice %arg6[%dma_start3A_50, %dma_start3A_51] : memref<128x128xf32, #tpu.memory_space<vmem>> -> memref<128x128xf32, #tpu.memory_space<vmem>>
      tpu.enqueue_dma source(%dma_start3A_52 : memref<128x128xf32, #tpu.memory_space<vmem>>) target(%dma_start3A_49 : memref<128x128xf32, #tpu.memory_space<hbm>>) target_semaphore(%run_scoped3A : memref<!tpu.dma_semaphore, #tpu.memory_space<semaphore_mem>>)
      %dma_wait3A = arith.constant 0 : i32
      %dma_wait3A_53 = arith.constant 0 : i32
      %dma_wait3A_54 = tpu.memref_slice %arg6[%dma_wait3A, %dma_wait3A_53] : memref<128x128xf32, #tpu.memory_space<vmem>> -> memref<128x128xf32, #tpu.memory_space<vmem>>
      %dma_wait3A_55 = arith.constant 0 : i32
      %dma_wait3A_56 = tpu.memref_slice %arg4[%arg0, %add3A_37, %dma_wait3A_55] : memref<2x10112x128xf32, #tpu.memory_space<hbm>> -> memref<1x128x128xf32, #tpu.memory_space<hbm>>
      %dma_wait3A_57 = tpu.memref_squeeze %dma_wait3A_56 : memref<1x128x128xf32, #tpu.memory_space<hbm>> -> memref<128x128xf32, #tpu.memory_space<hbm>>
      %dma_wait3A_58 = arith.constant 0 : i32
      %dma_wait3A_59 = tpu.memref_slice %arg4[%arg0, %add3A_37, %dma_wait3A_58] : memref<2x10112x128xf32, #tpu.memory_space<hbm>> -> memref<1x128x128xf32, #tpu.memory_space<hbm>>
      %dma_wait3A_60 = tpu.memref_squeeze %dma_wait3A_59 : memref<1x128x128xf32, #tpu.memory_space<hbm>> -> memref<128x128xf32, #tpu.memory_space<hbm>>
      %dma_wait3A_61 = arith.constant 0 : i32
      %dma_wait3A_62 = arith.constant 0 : i32
      %dma_wait3A_63 = tpu.memref_slice %arg6[%dma_wait3A_61, %dma_wait3A_62] : memref<128x128xf32, #tpu.memory_space<vmem>> -> memref<128x128xf32, #tpu.memory_space<vmem>>
      tpu.wait_dma2 semaphore(%run_scoped3A : memref<!tpu.dma_semaphore, #tpu.memory_space<semaphore_mem>>) src(%dma_wait3A_63 : memref<128x128xf32, #tpu.memory_space<vmem>>) dst(%dma_wait3A_60 : memref<128x128xf32, #tpu.memory_space<hbm>>)
      tpu.yield
    }) : () -> ()
    %add3A_38 = arith.constant 512 : i32
    %add3A_39 = arith.addi %mul3A_0, %add3A_38 : i32
    "tpu.region"() ({
      %run_scoped3A = tpu.sem_alloc : memref<!tpu.dma_semaphore, #tpu.memory_space<semaphore_mem>>
      %dma_start3A = arith.constant 0 : i32
      %dma_start3A_42 = arith.constant 0 : i32
      %dma_start3A_43 = tpu.memref_slice %arg6[%dma_start3A, %dma_start3A_42] : memref<128x128xf32, #tpu.memory_space<vmem>> -> memref<120x128xf32, #tpu.memory_space<vmem>>
      %dma_start3A_44 = arith.constant 0 : i32
      %dma_start3A_45 = tpu.memref_slice %arg7[%add3A_39, %dma_start3A_44] : memref<10112x128xf32, #tpu.memory_space<vmem_shared>> -> memref<120x128xf32, #tpu.memory_space<vmem_shared>>
      %dma_start3A_46 = arith.constant 0 : i32
      %dma_start3A_47 = arith.constant 0 : i32
      %dma_start3A_48 = tpu.memref_slice %arg6[%dma_start3A_46, %dma_start3A_47] : memref<128x128xf32, #tpu.memory_space<vmem>> -> memref<120x128xf32, #tpu.memory_space<vmem>>
      %dma_start3A_49 = arith.constant 0 : i32
      %dma_start3A_50 = tpu.memref_slice %arg7[%add3A_39, %dma_start3A_49] : memref<10112x128xf32, #tpu.memory_space<vmem_shared>> -> memref<120x128xf32, #tpu.memory_space<vmem_shared>>
      tpu.enqueue_dma source(%dma_start3A_50 : memref<120x128xf32, #tpu.memory_space<vmem_shared>>) target(%dma_start3A_48 : memref<120x128xf32, #tpu.memory_space<vmem>>) target_semaphore(%run_scoped3A : memref<!tpu.dma_semaphore, #tpu.memory_space<semaphore_mem>>)
      %dma_wait3A = arith.constant 0 : i32
      %dma_wait3A_51 = arith.constant 0 : i32
      %dma_wait3A_52 = tpu.memref_slice %arg6[%dma_wait3A, %dma_wait3A_51] : memref<128x128xf32, #tpu.memory_space<vmem>> -> memref<120x128xf32, #tpu.memory_space<vmem>>
      %dma_wait3A_53 = arith.constant 0 : i32
      %dma_wait3A_54 = tpu.memref_slice %arg7[%add3A_39, %dma_wait3A_53] : memref<10112x128xf32, #tpu.memory_space<vmem_shared>> -> memref<120x128xf32, #tpu.memory_space<vmem_shared>>
      %dma_wait3A_55 = arith.constant 0 : i32
      %dma_wait3A_56 = arith.constant 0 : i32
      %dma_wait3A_57 = tpu.memref_slice %arg6[%dma_wait3A_55, %dma_wait3A_56] : memref<128x128xf32, #tpu.memory_space<vmem>> -> memref<120x128xf32, #tpu.memory_space<vmem>>
      %dma_wait3A_58 = arith.constant 0 : i32
      %dma_wait3A_59 = tpu.memref_slice %arg7[%add3A_39, %dma_wait3A_58] : memref<10112x128xf32, #tpu.memory_space<vmem_shared>> -> memref<120x128xf32, #tpu.memory_space<vmem_shared>>
      tpu.wait_dma2 semaphore(%run_scoped3A : memref<!tpu.dma_semaphore, #tpu.memory_space<semaphore_mem>>) src(%dma_wait3A_59 : memref<120x128xf32, #tpu.memory_space<vmem_shared>>) dst(%dma_wait3A_57 : memref<120x128xf32, #tpu.memory_space<vmem>>)
      tpu.yield
    }) : () -> ()
    %add3A_40 = arith.constant 512 : i32
    %add3A_41 = arith.addi %mul3A_0, %add3A_40 : i32
    "tpu.region"() ({
      %run_scoped3A = tpu.sem_alloc : memref<!tpu.dma_semaphore, #tpu.memory_space<semaphore_mem>>
      %dma_start3A = arith.constant 0 : i32
      %dma_start3A_42 = arith.constant 0 : i32
      %dma_start3A_43 = tpu.memref_slice %arg6[%dma_start3A, %dma_start3A_42] : memref<128x128xf32, #tpu.memory_space<vmem>> -> memref<120x128xf32, #tpu.memory_space<vmem>>
      %dma_start3A_44 = arith.constant 0 : i32
      %dma_start3A_45 = tpu.memref_slice %arg4[%arg0, %add3A_41, %dma_start3A_44] : memref<2x10112x128xf32, #tpu.memory_space<hbm>> -> memref<1x120x128xf32, #tpu.memory_space<hbm>>
      %dma_start3A_46 = tpu.memref_squeeze %dma_start3A_45 : memref<1x120x128xf32, #tpu.memory_space<hbm>> -> memref<120x128xf32, #tpu.memory_space<hbm>>
      %dma_start3A_47 = arith.constant 0 : i32
      %dma_start3A_48 = tpu.memref_slice %arg4[%arg0, %add3A_41, %dma_start3A_47] : memref<2x10112x128xf32, #tpu.memory_space<hbm>> -> memref<1x120x128xf32, #tpu.memory_space<hbm>>
      %dma_start3A_49 = tpu.memref_squeeze %dma_start3A_48 : memref<1x120x128xf32, #tpu.memory_space<hbm>> -> memref<120x128xf32, #tpu.memory_space<hbm>>
      %dma_start3A_50 = arith.constant 0 : i32
      %dma_start3A_51 = arith.constant 0 : i32
      %dma_start3A_52 = tpu.memref_slice %arg6[%dma_start3A_50, %dma_start3A_51] : memref<128x128xf32, #tpu.memory_space<vmem>> -> memref<120x128xf32, #tpu.memory_space<vmem>>
      tpu.enqueue_dma source(%dma_start3A_52 : memref<120x128xf32, #tpu.memory_space<vmem>>) target(%dma_start3A_49 : memref<120x128xf32, #tpu.memory_space<hbm>>) target_semaphore(%run_scoped3A : memref<!tpu.dma_semaphore, #tpu.memory_space<semaphore_mem>>)
      %dma_wait3A = arith.constant 0 : i32
      %dma_wait3A_53 = arith.constant 0 : i32
      %dma_wait3A_54 = tpu.memref_slice %arg6[%dma_wait3A, %dma_wait3A_53] : memref<128x128xf32, #tpu.memory_space<vmem>> -> memref<120x128xf32, #tpu.memory_space<vmem>>
      %dma_wait3A_55 = arith.constant 0 : i32
      %dma_wait3A_56 = tpu.memref_slice %arg4[%arg0, %add3A_41, %dma_wait3A_55] : memref<2x10112x128xf32, #tpu.memory_space<hbm>> -> memref<1x120x128xf32, #tpu.memory_space<hbm>>
      %dma_wait3A_57 = tpu.memref_squeeze %dma_wait3A_56 : memref<1x120x128xf32, #tpu.memory_space<hbm>> -> memref<120x128xf32, #tpu.memory_space<hbm>>
      %dma_wait3A_58 = arith.constant 0 : i32
      %dma_wait3A_59 = tpu.memref_slice %arg4[%arg0, %add3A_41, %dma_wait3A_58] : memref<2x10112x128xf32, #tpu.memory_space<hbm>> -> memref<1x120x128xf32, #tpu.memory_space<hbm>>
      %dma_wait3A_60 = tpu.memref_squeeze %dma_wait3A_59 : memref<1x120x128xf32, #tpu.memory_space<hbm>> -> memref<120x128xf32, #tpu.memory_space<hbm>>
      %dma_wait3A_61 = arith.constant 0 : i32
      %dma_wait3A_62 = arith.constant 0 : i32
      %dma_wait3A_63 = tpu.memref_slice %arg6[%dma_wait3A_61, %dma_wait3A_62] : memref<128x128xf32, #tpu.memory_space<vmem>> -> memref<120x128xf32, #tpu.memory_space<vmem>>
      tpu.wait_dma2 semaphore(%run_scoped3A : memref<!tpu.dma_semaphore, #tpu.memory_space<semaphore_mem>>) src(%dma_wait3A_63 : memref<120x128xf32, #tpu.memory_space<vmem>>) dst(%dma_wait3A_60 : memref<120x128xf32, #tpu.memory_space<hbm>>)
      tpu.yield
    }) : () -> ()
    return
  }
}

#map = affine_map<(d0, d1) -> (0, 0)>
#map1 = affine_map<(d0, d1) -> (0, 0, 0)>
module attributes {stable_mosaic.version = 14 : i64} {
  func.func @_sc_agg_body(%arg0: i32, %arg1: i32, %arg2: memref<20224x128xf32, #tpu.memory_space<hbm>>, %arg3: memref<2x2560x128xi32, #tpu.memory_space<hbm>>, %arg4: memref<2x10112x128xf32, #tpu.memory_space<hbm>>, %arg5: memref<160x128xi32, #tpu.memory_space<vmem>>, %arg6: memref<128x128xf32, #tpu.memory_space<vmem>>, %arg7: memref<10112x128xf32, #tpu.memory_space<vmem_shared>>) attributes {dimension_semantics = [#tpu.dimension_semantics<core_parallel>, #tpu.dimension_semantics<subcore_parallel>], iteration_bounds = array<i64: 2, 16>, scalar_prefetch = 0 : i64, scratch_operands = 3 : i64, tpu.core_type = #tpu.core_type<sc_vector_subcore>, window_params = [{transform_indices = #map}, {transform_indices = #map1}, {transform_indices = #map1}]} {
    %mul3A = arith.constant 632 : i32
    %mul3A_0 = arith.muli %arg1, %mul3A : i32
    "tpu.region"() ({
      %run_scoped3A = tpu.sem_alloc : memref<!tpu.dma_semaphore, #tpu.memory_space<semaphore_mem>>
      %dma_start3A = arith.constant 10000 : i32
      %dma_start3A_42 = arith.constant 0 : i32
      %dma_start3A_43 = tpu.memref_slice %arg2[%dma_start3A, %dma_start3A_42] : memref<20224x128xf32, #tpu.memory_space<hbm>> -> memref<128x128xf32, #tpu.memory_space<hbm>>
      %dma_start3A_44 = arith.constant 10000 : i32
      %dma_start3A_45 = arith.constant 0 : i32
      %dma_start3A_46 = tpu.memref_slice %arg2[%dma_start3A_44, %dma_start3A_45] : memref<20224x128xf32, #tpu.memory_space<hbm>> -> memref<128x128xf32, #tpu.memory_space<hbm>>
      tpu.enqueue_dma source(%dma_start3A_46 : memref<128x128xf32, #tpu.memory_space<hbm>>) target(%arg6 : memref<128x128xf32, #tpu.memory_space<vmem>>) target_semaphore(%run_scoped3A : memref<!tpu.dma_semaphore, #tpu.memory_space<semaphore_mem>>)
      %dma_wait3A = arith.constant 10000 : i32
      %dma_wait3A_47 = arith.constant 0 : i32
      %dma_wait3A_48 = tpu.memref_slice %arg2[%dma_wait3A, %dma_wait3A_47] : memref<20224x128xf32, #tpu.memory_space<hbm>> -> memref<128x128xf32, #tpu.memory_space<hbm>>
      %dma_wait3A_49 = arith.constant 10000 : i32
      %dma_wait3A_50 = arith.constant 0 : i32
      %dma_wait3A_51 = tpu.memref_slice %arg2[%dma_wait3A_49, %dma_wait3A_50] : memref<20224x128xf32, #tpu.memory_space<hbm>> -> memref<128x128xf32, #tpu.memory_space<hbm>>
      tpu.wait_dma2 semaphore(%run_scoped3A : memref<!tpu.dma_semaphore, #tpu.memory_space<semaphore_mem>>) src(%dma_wait3A_51 : memref<128x128xf32, #tpu.memory_space<hbm>>) dst(%arg6 : memref<128x128xf32, #tpu.memory_space<vmem>>)
      tpu.yield
    }) : () -> ()
    %add3A = arith.constant 0 : i32
    %add3A_1 = arith.addi %mul3A_0, %add3A : i32
    "tpu.region"() ({
      %run_scoped3A = tpu.sem_alloc : memref<!tpu.dma_semaphore, #tpu.memory_space<semaphore_mem>>
      %dma_start3A = arith.constant 0 : i32
      %dma_start3A_42 = arith.constant 0 : i32
      %dma_start3A_43 = tpu.memref_slice %arg6[%dma_start3A, %dma_start3A_42] : memref<128x128xf32, #tpu.memory_space<vmem>> -> memref<128x128xf32, #tpu.memory_space<vmem>>
      %dma_start3A_44 = arith.constant 0 : i32
      %dma_start3A_45 = tpu.memref_slice %arg7[%add3A_1, %dma_start3A_44] : memref<10112x128xf32, #tpu.memory_space<vmem_shared>> -> memref<128x128xf32, #tpu.memory_space<vmem_shared>>
      %dma_start3A_46 = arith.constant 0 : i32
      %dma_start3A_47 = tpu.memref_slice %arg7[%add3A_1, %dma_start3A_46] : memref<10112x128xf32, #tpu.memory_space<vmem_shared>> -> memref<128x128xf32, #tpu.memory_space<vmem_shared>>
      %dma_start3A_48 = arith.constant 0 : i32
      %dma_start3A_49 = arith.constant 0 : i32
      %dma_start3A_50 = tpu.memref_slice %arg6[%dma_start3A_48, %dma_start3A_49] : memref<128x128xf32, #tpu.memory_space<vmem>> -> memref<128x128xf32, #tpu.memory_space<vmem>>
      tpu.enqueue_dma source(%dma_start3A_50 : memref<128x128xf32, #tpu.memory_space<vmem>>) target(%dma_start3A_47 : memref<128x128xf32, #tpu.memory_space<vmem_shared>>) target_semaphore(%run_scoped3A : memref<!tpu.dma_semaphore, #tpu.memory_space<semaphore_mem>>)
      %dma_wait3A = arith.constant 0 : i32
      %dma_wait3A_51 = arith.constant 0 : i32
      %dma_wait3A_52 = tpu.memref_slice %arg6[%dma_wait3A, %dma_wait3A_51] : memref<128x128xf32, #tpu.memory_space<vmem>> -> memref<128x128xf32, #tpu.memory_space<vmem>>
      %dma_wait3A_53 = arith.constant 0 : i32
      %dma_wait3A_54 = tpu.memref_slice %arg7[%add3A_1, %dma_wait3A_53] : memref<10112x128xf32, #tpu.memory_space<vmem_shared>> -> memref<128x128xf32, #tpu.memory_space<vmem_shared>>
      %dma_wait3A_55 = arith.constant 0 : i32
      %dma_wait3A_56 = tpu.memref_slice %arg7[%add3A_1, %dma_wait3A_55] : memref<10112x128xf32, #tpu.memory_space<vmem_shared>> -> memref<128x128xf32, #tpu.memory_space<vmem_shared>>
      %dma_wait3A_57 = arith.constant 0 : i32
      %dma_wait3A_58 = arith.constant 0 : i32
      %dma_wait3A_59 = tpu.memref_slice %arg6[%dma_wait3A_57, %dma_wait3A_58] : memref<128x128xf32, #tpu.memory_space<vmem>> -> memref<128x128xf32, #tpu.memory_space<vmem>>
      tpu.wait_dma2 semaphore(%run_scoped3A : memref<!tpu.dma_semaphore, #tpu.memory_space<semaphore_mem>>) src(%dma_wait3A_59 : memref<128x128xf32, #tpu.memory_space<vmem>>) dst(%dma_wait3A_56 : memref<128x128xf32, #tpu.memory_space<vmem_shared>>)
      tpu.yield
    }) : () -> ()
    %add3A_2 = arith.constant 128 : i32
    %add3A_3 = arith.addi %mul3A_0, %add3A_2 : i32
    "tpu.region"() ({
      %run_scoped3A = tpu.sem_alloc : memref<!tpu.dma_semaphore, #tpu.memory_space<semaphore_mem>>
      %dma_start3A = arith.constant 0 : i32
      %dma_start3A_42 = arith.constant 0 : i32
      %dma_start3A_43 = tpu.memref_slice %arg6[%dma_start3A, %dma_start3A_42] : memref<128x128xf32, #tpu.memory_space<vmem>> -> memref<128x128xf32, #tpu.memory_space<vmem>>
      %dma_start3A_44 = arith.constant 0 : i32
      %dma_start3A_45 = tpu.memref_slice %arg7[%add3A_3, %dma_start3A_44] : memref<10112x128xf32, #tpu.memory_space<vmem_shared>> -> memref<128x128xf32, #tpu.memory_space<vmem_shared>>
      %dma_start3A_46 = arith.constant 0 : i32
      %dma_start3A_47 = tpu.memref_slice %arg7[%add3A_3, %dma_start3A_46] : memref<10112x128xf32, #tpu.memory_space<vmem_shared>> -> memref<128x128xf32, #tpu.memory_space<vmem_shared>>
      %dma_start3A_48 = arith.constant 0 : i32
      %dma_start3A_49 = arith.constant 0 : i32
      %dma_start3A_50 = tpu.memref_slice %arg6[%dma_start3A_48, %dma_start3A_49] : memref<128x128xf32, #tpu.memory_space<vmem>> -> memref<128x128xf32, #tpu.memory_space<vmem>>
      tpu.enqueue_dma source(%dma_start3A_50 : memref<128x128xf32, #tpu.memory_space<vmem>>) target(%dma_start3A_47 : memref<128x128xf32, #tpu.memory_space<vmem_shared>>) target_semaphore(%run_scoped3A : memref<!tpu.dma_semaphore, #tpu.memory_space<semaphore_mem>>)
      %dma_wait3A = arith.constant 0 : i32
      %dma_wait3A_51 = arith.constant 0 : i32
      %dma_wait3A_52 = tpu.memref_slice %arg6[%dma_wait3A, %dma_wait3A_51] : memref<128x128xf32, #tpu.memory_space<vmem>> -> memref<128x128xf32, #tpu.memory_space<vmem>>
      %dma_wait3A_53 = arith.constant 0 : i32
      %dma_wait3A_54 = tpu.memref_slice %arg7[%add3A_3, %dma_wait3A_53] : memref<10112x128xf32, #tpu.memory_space<vmem_shared>> -> memref<128x128xf32, #tpu.memory_space<vmem_shared>>
      %dma_wait3A_55 = arith.constant 0 : i32
      %dma_wait3A_56 = tpu.memref_slice %arg7[%add3A_3, %dma_wait3A_55] : memref<10112x128xf32, #tpu.memory_space<vmem_shared>> -> memref<128x128xf32, #tpu.memory_space<vmem_shared>>
      %dma_wait3A_57 = arith.constant 0 : i32
      %dma_wait3A_58 = arith.constant 0 : i32
      %dma_wait3A_59 = tpu.memref_slice %arg6[%dma_wait3A_57, %dma_wait3A_58] : memref<128x128xf32, #tpu.memory_space<vmem>> -> memref<128x128xf32, #tpu.memory_space<vmem>>
      tpu.wait_dma2 semaphore(%run_scoped3A : memref<!tpu.dma_semaphore, #tpu.memory_space<semaphore_mem>>) src(%dma_wait3A_59 : memref<128x128xf32, #tpu.memory_space<vmem>>) dst(%dma_wait3A_56 : memref<128x128xf32, #tpu.memory_space<vmem_shared>>)
      tpu.yield
    }) : () -> ()
    %add3A_4 = arith.constant 256 : i32
    %add3A_5 = arith.addi %mul3A_0, %add3A_4 : i32
    "tpu.region"() ({
      %run_scoped3A = tpu.sem_alloc : memref<!tpu.dma_semaphore, #tpu.memory_space<semaphore_mem>>
      %dma_start3A = arith.constant 0 : i32
      %dma_start3A_42 = arith.constant 0 : i32
      %dma_start3A_43 = tpu.memref_slice %arg6[%dma_start3A, %dma_start3A_42] : memref<128x128xf32, #tpu.memory_space<vmem>> -> memref<128x128xf32, #tpu.memory_space<vmem>>
      %dma_start3A_44 = arith.constant 0 : i32
      %dma_start3A_45 = tpu.memref_slice %arg7[%add3A_5, %dma_start3A_44] : memref<10112x128xf32, #tpu.memory_space<vmem_shared>> -> memref<128x128xf32, #tpu.memory_space<vmem_shared>>
      %dma_start3A_46 = arith.constant 0 : i32
      %dma_start3A_47 = tpu.memref_slice %arg7[%add3A_5, %dma_start3A_46] : memref<10112x128xf32, #tpu.memory_space<vmem_shared>> -> memref<128x128xf32, #tpu.memory_space<vmem_shared>>
      %dma_start3A_48 = arith.constant 0 : i32
      %dma_start3A_49 = arith.constant 0 : i32
      %dma_start3A_50 = tpu.memref_slice %arg6[%dma_start3A_48, %dma_start3A_49] : memref<128x128xf32, #tpu.memory_space<vmem>> -> memref<128x128xf32, #tpu.memory_space<vmem>>
      tpu.enqueue_dma source(%dma_start3A_50 : memref<128x128xf32, #tpu.memory_space<vmem>>) target(%dma_start3A_47 : memref<128x128xf32, #tpu.memory_space<vmem_shared>>) target_semaphore(%run_scoped3A : memref<!tpu.dma_semaphore, #tpu.memory_space<semaphore_mem>>)
      %dma_wait3A = arith.constant 0 : i32
      %dma_wait3A_51 = arith.constant 0 : i32
      %dma_wait3A_52 = tpu.memref_slice %arg6[%dma_wait3A, %dma_wait3A_51] : memref<128x128xf32, #tpu.memory_space<vmem>> -> memref<128x128xf32, #tpu.memory_space<vmem>>
      %dma_wait3A_53 = arith.constant 0 : i32
      %dma_wait3A_54 = tpu.memref_slice %arg7[%add3A_5, %dma_wait3A_53] : memref<10112x128xf32, #tpu.memory_space<vmem_shared>> -> memref<128x128xf32, #tpu.memory_space<vmem_shared>>
      %dma_wait3A_55 = arith.constant 0 : i32
      %dma_wait3A_56 = tpu.memref_slice %arg7[%add3A_5, %dma_wait3A_55] : memref<10112x128xf32, #tpu.memory_space<vmem_shared>> -> memref<128x128xf32, #tpu.memory_space<vmem_shared>>
      %dma_wait3A_57 = arith.constant 0 : i32
      %dma_wait3A_58 = arith.constant 0 : i32
      %dma_wait3A_59 = tpu.memref_slice %arg6[%dma_wait3A_57, %dma_wait3A_58] : memref<128x128xf32, #tpu.memory_space<vmem>> -> memref<128x128xf32, #tpu.memory_space<vmem>>
      tpu.wait_dma2 semaphore(%run_scoped3A : memref<!tpu.dma_semaphore, #tpu.memory_space<semaphore_mem>>) src(%dma_wait3A_59 : memref<128x128xf32, #tpu.memory_space<vmem>>) dst(%dma_wait3A_56 : memref<128x128xf32, #tpu.memory_space<vmem_shared>>)
      tpu.yield
    }) : () -> ()
    %add3A_6 = arith.constant 384 : i32
    %add3A_7 = arith.addi %mul3A_0, %add3A_6 : i32
    "tpu.region"() ({
      %run_scoped3A = tpu.sem_alloc : memref<!tpu.dma_semaphore, #tpu.memory_space<semaphore_mem>>
      %dma_start3A = arith.constant 0 : i32
      %dma_start3A_42 = arith.constant 0 : i32
      %dma_start3A_43 = tpu.memref_slice %arg6[%dma_start3A, %dma_start3A_42] : memref<128x128xf32, #tpu.memory_space<vmem>> -> memref<128x128xf32, #tpu.memory_space<vmem>>
      %dma_start3A_44 = arith.constant 0 : i32
      %dma_start3A_45 = tpu.memref_slice %arg7[%add3A_7, %dma_start3A_44] : memref<10112x128xf32, #tpu.memory_space<vmem_shared>> -> memref<128x128xf32, #tpu.memory_space<vmem_shared>>
      %dma_start3A_46 = arith.constant 0 : i32
      %dma_start3A_47 = tpu.memref_slice %arg7[%add3A_7, %dma_start3A_46] : memref<10112x128xf32, #tpu.memory_space<vmem_shared>> -> memref<128x128xf32, #tpu.memory_space<vmem_shared>>
      %dma_start3A_48 = arith.constant 0 : i32
      %dma_start3A_49 = arith.constant 0 : i32
      %dma_start3A_50 = tpu.memref_slice %arg6[%dma_start3A_48, %dma_start3A_49] : memref<128x128xf32, #tpu.memory_space<vmem>> -> memref<128x128xf32, #tpu.memory_space<vmem>>
      tpu.enqueue_dma source(%dma_start3A_50 : memref<128x128xf32, #tpu.memory_space<vmem>>) target(%dma_start3A_47 : memref<128x128xf32, #tpu.memory_space<vmem_shared>>) target_semaphore(%run_scoped3A : memref<!tpu.dma_semaphore, #tpu.memory_space<semaphore_mem>>)
      %dma_wait3A = arith.constant 0 : i32
      %dma_wait3A_51 = arith.constant 0 : i32
      %dma_wait3A_52 = tpu.memref_slice %arg6[%dma_wait3A, %dma_wait3A_51] : memref<128x128xf32, #tpu.memory_space<vmem>> -> memref<128x128xf32, #tpu.memory_space<vmem>>
      %dma_wait3A_53 = arith.constant 0 : i32
      %dma_wait3A_54 = tpu.memref_slice %arg7[%add3A_7, %dma_wait3A_53] : memref<10112x128xf32, #tpu.memory_space<vmem_shared>> -> memref<128x128xf32, #tpu.memory_space<vmem_shared>>
      %dma_wait3A_55 = arith.constant 0 : i32
      %dma_wait3A_56 = tpu.memref_slice %arg7[%add3A_7, %dma_wait3A_55] : memref<10112x128xf32, #tpu.memory_space<vmem_shared>> -> memref<128x128xf32, #tpu.memory_space<vmem_shared>>
      %dma_wait3A_57 = arith.constant 0 : i32
      %dma_wait3A_58 = arith.constant 0 : i32
      %dma_wait3A_59 = tpu.memref_slice %arg6[%dma_wait3A_57, %dma_wait3A_58] : memref<128x128xf32, #tpu.memory_space<vmem>> -> memref<128x128xf32, #tpu.memory_space<vmem>>
      tpu.wait_dma2 semaphore(%run_scoped3A : memref<!tpu.dma_semaphore, #tpu.memory_space<semaphore_mem>>) src(%dma_wait3A_59 : memref<128x128xf32, #tpu.memory_space<vmem>>) dst(%dma_wait3A_56 : memref<128x128xf32, #tpu.memory_space<vmem_shared>>)
      tpu.yield
    }) : () -> ()
    %add3A_8 = arith.constant 512 : i32
    %add3A_9 = arith.addi %mul3A_0, %add3A_8 : i32
    "tpu.region"() ({
      %run_scoped3A = tpu.sem_alloc : memref<!tpu.dma_semaphore, #tpu.memory_space<semaphore_mem>>
      %dma_start3A = arith.constant 0 : i32
      %dma_start3A_42 = arith.constant 0 : i32
      %dma_start3A_43 = tpu.memref_slice %arg6[%dma_start3A, %dma_start3A_42] : memref<128x128xf32, #tpu.memory_space<vmem>> -> memref<120x128xf32, #tpu.memory_space<vmem>>
      %dma_start3A_44 = arith.constant 0 : i32
      %dma_start3A_45 = tpu.memref_slice %arg7[%add3A_9, %dma_start3A_44] : memref<10112x128xf32, #tpu.memory_space<vmem_shared>> -> memref<120x128xf32, #tpu.memory_space<vmem_shared>>
      %dma_start3A_46 = arith.constant 0 : i32
      %dma_start3A_47 = tpu.memref_slice %arg7[%add3A_9, %dma_start3A_46] : memref<10112x128xf32, #tpu.memory_space<vmem_shared>> -> memref<120x128xf32, #tpu.memory_space<vmem_shared>>
      %dma_start3A_48 = arith.constant 0 : i32
      %dma_start3A_49 = arith.constant 0 : i32
      %dma_start3A_50 = tpu.memref_slice %arg6[%dma_start3A_48, %dma_start3A_49] : memref<128x128xf32, #tpu.memory_space<vmem>> -> memref<120x128xf32, #tpu.memory_space<vmem>>
      tpu.enqueue_dma source(%dma_start3A_50 : memref<120x128xf32, #tpu.memory_space<vmem>>) target(%dma_start3A_47 : memref<120x128xf32, #tpu.memory_space<vmem_shared>>) target_semaphore(%run_scoped3A : memref<!tpu.dma_semaphore, #tpu.memory_space<semaphore_mem>>)
      %dma_wait3A = arith.constant 0 : i32
      %dma_wait3A_51 = arith.constant 0 : i32
      %dma_wait3A_52 = tpu.memref_slice %arg6[%dma_wait3A, %dma_wait3A_51] : memref<128x128xf32, #tpu.memory_space<vmem>> -> memref<120x128xf32, #tpu.memory_space<vmem>>
      %dma_wait3A_53 = arith.constant 0 : i32
      %dma_wait3A_54 = tpu.memref_slice %arg7[%add3A_9, %dma_wait3A_53] : memref<10112x128xf32, #tpu.memory_space<vmem_shared>> -> memref<120x128xf32, #tpu.memory_space<vmem_shared>>
      %dma_wait3A_55 = arith.constant 0 : i32
      %dma_wait3A_56 = tpu.memref_slice %arg7[%add3A_9, %dma_wait3A_55] : memref<10112x128xf32, #tpu.memory_space<vmem_shared>> -> memref<120x128xf32, #tpu.memory_space<vmem_shared>>
      %dma_wait3A_57 = arith.constant 0 : i32
      %dma_wait3A_58 = arith.constant 0 : i32
      %dma_wait3A_59 = tpu.memref_slice %arg6[%dma_wait3A_57, %dma_wait3A_58] : memref<128x128xf32, #tpu.memory_space<vmem>> -> memref<120x128xf32, #tpu.memory_space<vmem>>
      tpu.wait_dma2 semaphore(%run_scoped3A : memref<!tpu.dma_semaphore, #tpu.memory_space<semaphore_mem>>) src(%dma_wait3A_59 : memref<120x128xf32, #tpu.memory_space<vmem>>) dst(%dma_wait3A_56 : memref<120x128xf32, #tpu.memory_space<vmem_shared>>)
      tpu.yield
    }) : () -> ()
    %mul3A_10 = arith.constant 80 : i32
    %mul3A_11 = arith.muli %arg1, %mul3A_10 : i32
    "tpu.region"() ({
      %run_scoped3A = tpu.sem_alloc : memref<!tpu.dma_semaphore, #tpu.memory_space<semaphore_mem>>
      %dma_start3A = arith.constant 0 : i32
      %dma_start3A_42 = arith.constant 0 : i32
      %dma_start3A_43 = tpu.memref_slice %arg5[%dma_start3A, %dma_start3A_42] : memref<160x128xi32, #tpu.memory_space<vmem>> -> memref<80x128xi32, #tpu.memory_space<vmem>>
      %dma_start3A_44 = arith.constant 0 : i32
      %dma_start3A_45 = tpu.memref_slice %arg3[%arg0, %mul3A_11, %dma_start3A_44] : memref<2x2560x128xi32, #tpu.memory_space<hbm>> -> memref<1x80x128xi32, #tpu.memory_space<hbm>>
      %dma_start3A_46 = tpu.memref_squeeze %dma_start3A_45 : memref<1x80x128xi32, #tpu.memory_space<hbm>> -> memref<80x128xi32, #tpu.memory_space<hbm>>
      %dma_start3A_47 = arith.constant 0 : i32
      %dma_start3A_48 = arith.constant 0 : i32
      %dma_start3A_49 = tpu.memref_slice %arg5[%dma_start3A_47, %dma_start3A_48] : memref<160x128xi32, #tpu.memory_space<vmem>> -> memref<80x128xi32, #tpu.memory_space<vmem>>
      %dma_start3A_50 = arith.constant 0 : i32
      %dma_start3A_51 = tpu.memref_slice %arg3[%arg0, %mul3A_11, %dma_start3A_50] : memref<2x2560x128xi32, #tpu.memory_space<hbm>> -> memref<1x80x128xi32, #tpu.memory_space<hbm>>
      %dma_start3A_52 = tpu.memref_squeeze %dma_start3A_51 : memref<1x80x128xi32, #tpu.memory_space<hbm>> -> memref<80x128xi32, #tpu.memory_space<hbm>>
      tpu.enqueue_dma source(%dma_start3A_52 : memref<80x128xi32, #tpu.memory_space<hbm>>) target(%dma_start3A_49 : memref<80x128xi32, #tpu.memory_space<vmem>>) target_semaphore(%run_scoped3A : memref<!tpu.dma_semaphore, #tpu.memory_space<semaphore_mem>>)
      %dma_wait3A = arith.constant 0 : i32
      %dma_wait3A_53 = arith.constant 0 : i32
      %dma_wait3A_54 = tpu.memref_slice %arg5[%dma_wait3A, %dma_wait3A_53] : memref<160x128xi32, #tpu.memory_space<vmem>> -> memref<80x128xi32, #tpu.memory_space<vmem>>
      %dma_wait3A_55 = arith.constant 0 : i32
      %dma_wait3A_56 = tpu.memref_slice %arg3[%arg0, %mul3A_11, %dma_wait3A_55] : memref<2x2560x128xi32, #tpu.memory_space<hbm>> -> memref<1x80x128xi32, #tpu.memory_space<hbm>>
      %dma_wait3A_57 = tpu.memref_squeeze %dma_wait3A_56 : memref<1x80x128xi32, #tpu.memory_space<hbm>> -> memref<80x128xi32, #tpu.memory_space<hbm>>
      %dma_wait3A_58 = arith.constant 0 : i32
      %dma_wait3A_59 = arith.constant 0 : i32
      %dma_wait3A_60 = tpu.memref_slice %arg5[%dma_wait3A_58, %dma_wait3A_59] : memref<160x128xi32, #tpu.memory_space<vmem>> -> memref<80x128xi32, #tpu.memory_space<vmem>>
      %dma_wait3A_61 = arith.constant 0 : i32
      %dma_wait3A_62 = tpu.memref_slice %arg3[%arg0, %mul3A_11, %dma_wait3A_61] : memref<2x2560x128xi32, #tpu.memory_space<hbm>> -> memref<1x80x128xi32, #tpu.memory_space<hbm>>
      %dma_wait3A_63 = tpu.memref_squeeze %dma_wait3A_62 : memref<1x80x128xi32, #tpu.memory_space<hbm>> -> memref<80x128xi32, #tpu.memory_space<hbm>>
      tpu.wait_dma2 semaphore(%run_scoped3A : memref<!tpu.dma_semaphore, #tpu.memory_space<semaphore_mem>>) src(%dma_wait3A_63 : memref<80x128xi32, #tpu.memory_space<hbm>>) dst(%dma_wait3A_60 : memref<80x128xi32, #tpu.memory_space<vmem>>)
      tpu.yield
    }) : () -> ()
    %mul3A_12 = arith.constant 80 : i32
    %mul3A_13 = arith.muli %arg1, %mul3A_12 : i32
    %add3A_14 = arith.constant 1280 : i32
    %add3A_15 = arith.addi %add3A_14, %mul3A_13 : i32
    "tpu.region"() ({
      %run_scoped3A = tpu.sem_alloc : memref<!tpu.dma_semaphore, #tpu.memory_space<semaphore_mem>>
      %dma_start3A = arith.constant 80 : i32
      %dma_start3A_42 = arith.constant 0 : i32
      %dma_start3A_43 = tpu.memref_slice %arg5[%dma_start3A, %dma_start3A_42] : memref<160x128xi32, #tpu.memory_space<vmem>> -> memref<80x128xi32, #tpu.memory_space<vmem>>
      %dma_start3A_44 = arith.constant 0 : i32
      %dma_start3A_45 = tpu.memref_slice %arg3[%arg0, %add3A_15, %dma_start3A_44] : memref<2x2560x128xi32, #tpu.memory_space<hbm>> -> memref<1x80x128xi32, #tpu.memory_space<hbm>>
      %dma_start3A_46 = tpu.memref_squeeze %dma_start3A_45 : memref<1x80x128xi32, #tpu.memory_space<hbm>> -> memref<80x128xi32, #tpu.memory_space<hbm>>
      %dma_start3A_47 = arith.constant 80 : i32
      %dma_start3A_48 = arith.constant 0 : i32
      %dma_start3A_49 = tpu.memref_slice %arg5[%dma_start3A_47, %dma_start3A_48] : memref<160x128xi32, #tpu.memory_space<vmem>> -> memref<80x128xi32, #tpu.memory_space<vmem>>
      %dma_start3A_50 = arith.constant 0 : i32
      %dma_start3A_51 = tpu.memref_slice %arg3[%arg0, %add3A_15, %dma_start3A_50] : memref<2x2560x128xi32, #tpu.memory_space<hbm>> -> memref<1x80x128xi32, #tpu.memory_space<hbm>>
      %dma_start3A_52 = tpu.memref_squeeze %dma_start3A_51 : memref<1x80x128xi32, #tpu.memory_space<hbm>> -> memref<80x128xi32, #tpu.memory_space<hbm>>
      tpu.enqueue_dma source(%dma_start3A_52 : memref<80x128xi32, #tpu.memory_space<hbm>>) target(%dma_start3A_49 : memref<80x128xi32, #tpu.memory_space<vmem>>) target_semaphore(%run_scoped3A : memref<!tpu.dma_semaphore, #tpu.memory_space<semaphore_mem>>)
      %dma_wait3A = arith.constant 80 : i32
      %dma_wait3A_53 = arith.constant 0 : i32
      %dma_wait3A_54 = tpu.memref_slice %arg5[%dma_wait3A, %dma_wait3A_53] : memref<160x128xi32, #tpu.memory_space<vmem>> -> memref<80x128xi32, #tpu.memory_space<vmem>>
      %dma_wait3A_55 = arith.constant 0 : i32
      %dma_wait3A_56 = tpu.memref_slice %arg3[%arg0, %add3A_15, %dma_wait3A_55] : memref<2x2560x128xi32, #tpu.memory_space<hbm>> -> memref<1x80x128xi32, #tpu.memory_space<hbm>>
      %dma_wait3A_57 = tpu.memref_squeeze %dma_wait3A_56 : memref<1x80x128xi32, #tpu.memory_space<hbm>> -> memref<80x128xi32, #tpu.memory_space<hbm>>
      %dma_wait3A_58 = arith.constant 80 : i32
      %dma_wait3A_59 = arith.constant 0 : i32
      %dma_wait3A_60 = tpu.memref_slice %arg5[%dma_wait3A_58, %dma_wait3A_59] : memref<160x128xi32, #tpu.memory_space<vmem>> -> memref<80x128xi32, #tpu.memory_space<vmem>>
      %dma_wait3A_61 = arith.constant 0 : i32
      %dma_wait3A_62 = tpu.memref_slice %arg3[%arg0, %add3A_15, %dma_wait3A_61] : memref<2x2560x128xi32, #tpu.memory_space<hbm>> -> memref<1x80x128xi32, #tpu.memory_space<hbm>>
      %dma_wait3A_63 = tpu.memref_squeeze %dma_wait3A_62 : memref<1x80x128xi32, #tpu.memory_space<hbm>> -> memref<80x128xi32, #tpu.memory_space<hbm>>
      tpu.wait_dma2 semaphore(%run_scoped3A : memref<!tpu.dma_semaphore, #tpu.memory_space<semaphore_mem>>) src(%dma_wait3A_63 : memref<80x128xi32, #tpu.memory_space<hbm>>) dst(%dma_wait3A_60 : memref<80x128xi32, #tpu.memory_space<vmem>>)
      tpu.yield
    }) : () -> ()
    %barrier3A = arith.constant 0 : index
    tpu.barrier barrier_id(%barrier3A)
    %scan3A = arith.constant 0 : i32
    %scan3A_16 = arith.constant 0 : i32
    %scan3A_17 = arith.constant 80 : i32
    %scan3A_18 = arith.addi %scan3A_16, %scan3A_17 : i32
    %scan3A_19 = arith.constant 1 : i32
    scf.for %scan3A_42 = %scan3A_16 to %scan3A_18 step %scan3A_19  : i32 {
      "tpu.region"() ({
        %run_scoped3A = tpu.sem_alloc : memref<!tpu.dma_semaphore, #tpu.memory_space<semaphore_mem>>
        %dma_start3A = arith.constant 0 : i32
        %dma_start3A_45 = tpu.memref_slice %arg5[%scan3A_42, %dma_start3A] : memref<160x128xi32, #tpu.memory_space<vmem>> -> memref<1x128xi32, #tpu.memory_space<vmem>>
        %dma_start3A_46 = tpu.memref_squeeze %dma_start3A_45 : memref<1x128xi32, #tpu.memory_space<vmem>> -> memref<128xi32, #tpu.memory_space<vmem>>
        %dma_start3A_47 = arith.constant 0 : i32
        %dma_start3A_48 = arith.constant 0 : i32
        %dma_start3A_49 = tpu.memref_slice %arg2[%dma_start3A_47, %dma_start3A_48] : memref<20224x128xf32, #tpu.memory_space<hbm>> -> memref<20224x128xf32, #tpu.memory_space<hbm>>
        tpu.enqueue_indirect_dma source(%dma_start3A_49 : memref<20224x128xf32, #tpu.memory_space<hbm>>) target(%arg6 : memref<128x128xf32, #tpu.memory_space<vmem>>) offsets(%dma_start3A_46 : memref<128xi32, #tpu.memory_space<vmem>>) semaphore(%run_scoped3A : memref<!tpu.dma_semaphore, #tpu.memory_space<semaphore_mem>>)
        %dma_wait3A = arith.constant 0 : i32
        %dma_wait3A_50 = tpu.memref_slice %arg5[%scan3A_42, %dma_wait3A] : memref<160x128xi32, #tpu.memory_space<vmem>> -> memref<1x128xi32, #tpu.memory_space<vmem>>
        %dma_wait3A_51 = tpu.memref_squeeze %dma_wait3A_50 : memref<1x128xi32, #tpu.memory_space<vmem>> -> memref<128xi32, #tpu.memory_space<vmem>>
        %dma_wait3A_52 = arith.constant 0 : i32
        %dma_wait3A_53 = arith.constant 0 : i32
        %dma_wait3A_54 = tpu.memref_slice %arg2[%dma_wait3A_52, %dma_wait3A_53] : memref<20224x128xf32, #tpu.memory_space<hbm>> -> memref<20224x128xf32, #tpu.memory_space<hbm>>
        tpu.wait_indirect_dma semaphore(%run_scoped3A : memref<!tpu.dma_semaphore, #tpu.memory_space<semaphore_mem>>) src(%dma_wait3A_54 : memref<20224x128xf32, #tpu.memory_space<hbm>>) dst(%arg6 : memref<128x128xf32, #tpu.memory_space<vmem>>)
        tpu.yield
      }) : () -> ()
      %add3A_43 = arith.constant 80 : i32
      %add3A_44 = arith.addi %add3A_43, %scan3A_42 : i32
      "tpu.region"() ({
        %run_scoped3A = tpu.sem_alloc : memref<!tpu.dma_semaphore, #tpu.memory_space<semaphore_mem>>
        %dma_start3A = arith.constant 0 : i32
        %dma_start3A_45 = tpu.memref_slice %arg5[%add3A_44, %dma_start3A] : memref<160x128xi32, #tpu.memory_space<vmem>> -> memref<1x128xi32, #tpu.memory_space<vmem>>
        %dma_start3A_46 = tpu.memref_squeeze %dma_start3A_45 : memref<1x128xi32, #tpu.memory_space<vmem>> -> memref<128xi32, #tpu.memory_space<vmem>>
        %dma_start3A_47 = arith.constant 0 : i32
        %dma_start3A_48 = arith.constant 0 : i32
        %dma_start3A_49 = tpu.memref_slice %arg7[%dma_start3A_47, %dma_start3A_48] : memref<10112x128xf32, #tpu.memory_space<vmem_shared>> -> memref<10112x128xf32, #tpu.memory_space<vmem_shared>>
        tpu.enqueue_indirect_dma source(%arg6 : memref<128x128xf32, #tpu.memory_space<vmem>>) target(%dma_start3A_49 : memref<10112x128xf32, #tpu.memory_space<vmem_shared>>) offsets(%dma_start3A_46 : memref<128xi32, #tpu.memory_space<vmem>>) semaphore(%run_scoped3A : memref<!tpu.dma_semaphore, #tpu.memory_space<semaphore_mem>>) {add = true}
        %dma_wait3A = arith.constant 0 : i32
        %dma_wait3A_50 = tpu.memref_slice %arg5[%add3A_44, %dma_wait3A] : memref<160x128xi32, #tpu.memory_space<vmem>> -> memref<1x128xi32, #tpu.memory_space<vmem>>
        %dma_wait3A_51 = tpu.memref_squeeze %dma_wait3A_50 : memref<1x128xi32, #tpu.memory_space<vmem>> -> memref<128xi32, #tpu.memory_space<vmem>>
        %dma_wait3A_52 = arith.constant 0 : i32
        %dma_wait3A_53 = arith.constant 0 : i32
        %dma_wait3A_54 = tpu.memref_slice %arg7[%dma_wait3A_52, %dma_wait3A_53] : memref<10112x128xf32, #tpu.memory_space<vmem_shared>> -> memref<10112x128xf32, #tpu.memory_space<vmem_shared>>
        tpu.wait_indirect_dma semaphore(%run_scoped3A : memref<!tpu.dma_semaphore, #tpu.memory_space<semaphore_mem>>) src(%arg6 : memref<128x128xf32, #tpu.memory_space<vmem>>) dst(%dma_wait3A_54 : memref<10112x128xf32, #tpu.memory_space<vmem_shared>>)
        tpu.yield
      }) : () -> ()
    }
    %scan3A_20 = arith.constant 80 : i32
    %barrier3A_21 = arith.constant 0 : index
    tpu.barrier barrier_id(%barrier3A_21)
    %add3A_22 = arith.constant 0 : i32
    %add3A_23 = arith.addi %mul3A_0, %add3A_22 : i32
    "tpu.region"() ({
      %run_scoped3A = tpu.sem_alloc : memref<!tpu.dma_semaphore, #tpu.memory_space<semaphore_mem>>
      %dma_start3A = arith.constant 0 : i32
      %dma_start3A_42 = arith.constant 0 : i32
      %dma_start3A_43 = tpu.memref_slice %arg6[%dma_start3A, %dma_start3A_42] : memref<128x128xf32, #tpu.memory_space<vmem>> -> memref<128x128xf32, #tpu.memory_space<vmem>>
      %dma_start3A_44 = arith.constant 0 : i32
      %dma_start3A_45 = tpu.memref_slice %arg7[%add3A_23, %dma_start3A_44] : memref<10112x128xf32, #tpu.memory_space<vmem_shared>> -> memref<128x128xf32, #tpu.memory_space<vmem_shared>>
      %dma_start3A_46 = arith.constant 0 : i32
      %dma_start3A_47 = arith.constant 0 : i32
      %dma_start3A_48 = tpu.memref_slice %arg6[%dma_start3A_46, %dma_start3A_47] : memref<128x128xf32, #tpu.memory_space<vmem>> -> memref<128x128xf32, #tpu.memory_space<vmem>>
      %dma_start3A_49 = arith.constant 0 : i32
      %dma_start3A_50 = tpu.memref_slice %arg7[%add3A_23, %dma_start3A_49] : memref<10112x128xf32, #tpu.memory_space<vmem_shared>> -> memref<128x128xf32, #tpu.memory_space<vmem_shared>>
      tpu.enqueue_dma source(%dma_start3A_50 : memref<128x128xf32, #tpu.memory_space<vmem_shared>>) target(%dma_start3A_48 : memref<128x128xf32, #tpu.memory_space<vmem>>) target_semaphore(%run_scoped3A : memref<!tpu.dma_semaphore, #tpu.memory_space<semaphore_mem>>)
      %dma_wait3A = arith.constant 0 : i32
      %dma_wait3A_51 = arith.constant 0 : i32
      %dma_wait3A_52 = tpu.memref_slice %arg6[%dma_wait3A, %dma_wait3A_51] : memref<128x128xf32, #tpu.memory_space<vmem>> -> memref<128x128xf32, #tpu.memory_space<vmem>>
      %dma_wait3A_53 = arith.constant 0 : i32
      %dma_wait3A_54 = tpu.memref_slice %arg7[%add3A_23, %dma_wait3A_53] : memref<10112x128xf32, #tpu.memory_space<vmem_shared>> -> memref<128x128xf32, #tpu.memory_space<vmem_shared>>
      %dma_wait3A_55 = arith.constant 0 : i32
      %dma_wait3A_56 = arith.constant 0 : i32
      %dma_wait3A_57 = tpu.memref_slice %arg6[%dma_wait3A_55, %dma_wait3A_56] : memref<128x128xf32, #tpu.memory_space<vmem>> -> memref<128x128xf32, #tpu.memory_space<vmem>>
      %dma_wait3A_58 = arith.constant 0 : i32
      %dma_wait3A_59 = tpu.memref_slice %arg7[%add3A_23, %dma_wait3A_58] : memref<10112x128xf32, #tpu.memory_space<vmem_shared>> -> memref<128x128xf32, #tpu.memory_space<vmem_shared>>
      tpu.wait_dma2 semaphore(%run_scoped3A : memref<!tpu.dma_semaphore, #tpu.memory_space<semaphore_mem>>) src(%dma_wait3A_59 : memref<128x128xf32, #tpu.memory_space<vmem_shared>>) dst(%dma_wait3A_57 : memref<128x128xf32, #tpu.memory_space<vmem>>)
      tpu.yield
    }) : () -> ()
    %add3A_24 = arith.constant 0 : i32
    %add3A_25 = arith.addi %mul3A_0, %add3A_24 : i32
    "tpu.region"() ({
      %run_scoped3A = tpu.sem_alloc : memref<!tpu.dma_semaphore, #tpu.memory_space<semaphore_mem>>
      %dma_start3A = arith.constant 0 : i32
      %dma_start3A_42 = arith.constant 0 : i32
      %dma_start3A_43 = tpu.memref_slice %arg6[%dma_start3A, %dma_start3A_42] : memref<128x128xf32, #tpu.memory_space<vmem>> -> memref<128x128xf32, #tpu.memory_space<vmem>>
      %dma_start3A_44 = arith.constant 0 : i32
      %dma_start3A_45 = tpu.memref_slice %arg4[%arg0, %add3A_25, %dma_start3A_44] : memref<2x10112x128xf32, #tpu.memory_space<hbm>> -> memref<1x128x128xf32, #tpu.memory_space<hbm>>
      %dma_start3A_46 = tpu.memref_squeeze %dma_start3A_45 : memref<1x128x128xf32, #tpu.memory_space<hbm>> -> memref<128x128xf32, #tpu.memory_space<hbm>>
      %dma_start3A_47 = arith.constant 0 : i32
      %dma_start3A_48 = tpu.memref_slice %arg4[%arg0, %add3A_25, %dma_start3A_47] : memref<2x10112x128xf32, #tpu.memory_space<hbm>> -> memref<1x128x128xf32, #tpu.memory_space<hbm>>
      %dma_start3A_49 = tpu.memref_squeeze %dma_start3A_48 : memref<1x128x128xf32, #tpu.memory_space<hbm>> -> memref<128x128xf32, #tpu.memory_space<hbm>>
      %dma_start3A_50 = arith.constant 0 : i32
      %dma_start3A_51 = arith.constant 0 : i32
      %dma_start3A_52 = tpu.memref_slice %arg6[%dma_start3A_50, %dma_start3A_51] : memref<128x128xf32, #tpu.memory_space<vmem>> -> memref<128x128xf32, #tpu.memory_space<vmem>>
      tpu.enqueue_dma source(%dma_start3A_52 : memref<128x128xf32, #tpu.memory_space<vmem>>) target(%dma_start3A_49 : memref<128x128xf32, #tpu.memory_space<hbm>>) target_semaphore(%run_scoped3A : memref<!tpu.dma_semaphore, #tpu.memory_space<semaphore_mem>>)
      %dma_wait3A = arith.constant 0 : i32
      %dma_wait3A_53 = arith.constant 0 : i32
      %dma_wait3A_54 = tpu.memref_slice %arg6[%dma_wait3A, %dma_wait3A_53] : memref<128x128xf32, #tpu.memory_space<vmem>> -> memref<128x128xf32, #tpu.memory_space<vmem>>
      %dma_wait3A_55 = arith.constant 0 : i32
      %dma_wait3A_56 = tpu.memref_slice %arg4[%arg0, %add3A_25, %dma_wait3A_55] : memref<2x10112x128xf32, #tpu.memory_space<hbm>> -> memref<1x128x128xf32, #tpu.memory_space<hbm>>
      %dma_wait3A_57 = tpu.memref_squeeze %dma_wait3A_56 : memref<1x128x128xf32, #tpu.memory_space<hbm>> -> memref<128x128xf32, #tpu.memory_space<hbm>>
      %dma_wait3A_58 = arith.constant 0 : i32
      %dma_wait3A_59 = tpu.memref_slice %arg4[%arg0, %add3A_25, %dma_wait3A_58] : memref<2x10112x128xf32, #tpu.memory_space<hbm>> -> memref<1x128x128xf32, #tpu.memory_space<hbm>>
      %dma_wait3A_60 = tpu.memref_squeeze %dma_wait3A_59 : memref<1x128x128xf32, #tpu.memory_space<hbm>> -> memref<128x128xf32, #tpu.memory_space<hbm>>
      %dma_wait3A_61 = arith.constant 0 : i32
      %dma_wait3A_62 = arith.constant 0 : i32
      %dma_wait3A_63 = tpu.memref_slice %arg6[%dma_wait3A_61, %dma_wait3A_62] : memref<128x128xf32, #tpu.memory_space<vmem>> -> memref<128x128xf32, #tpu.memory_space<vmem>>
      tpu.wait_dma2 semaphore(%run_scoped3A : memref<!tpu.dma_semaphore, #tpu.memory_space<semaphore_mem>>) src(%dma_wait3A_63 : memref<128x128xf32, #tpu.memory_space<vmem>>) dst(%dma_wait3A_60 : memref<128x128xf32, #tpu.memory_space<hbm>>)
      tpu.yield
    }) : () -> ()
    %add3A_26 = arith.constant 128 : i32
    %add3A_27 = arith.addi %mul3A_0, %add3A_26 : i32
    "tpu.region"() ({
      %run_scoped3A = tpu.sem_alloc : memref<!tpu.dma_semaphore, #tpu.memory_space<semaphore_mem>>
      %dma_start3A = arith.constant 0 : i32
      %dma_start3A_42 = arith.constant 0 : i32
      %dma_start3A_43 = tpu.memref_slice %arg6[%dma_start3A, %dma_start3A_42] : memref<128x128xf32, #tpu.memory_space<vmem>> -> memref<128x128xf32, #tpu.memory_space<vmem>>
      %dma_start3A_44 = arith.constant 0 : i32
      %dma_start3A_45 = tpu.memref_slice %arg7[%add3A_27, %dma_start3A_44] : memref<10112x128xf32, #tpu.memory_space<vmem_shared>> -> memref<128x128xf32, #tpu.memory_space<vmem_shared>>
      %dma_start3A_46 = arith.constant 0 : i32
      %dma_start3A_47 = arith.constant 0 : i32
      %dma_start3A_48 = tpu.memref_slice %arg6[%dma_start3A_46, %dma_start3A_47] : memref<128x128xf32, #tpu.memory_space<vmem>> -> memref<128x128xf32, #tpu.memory_space<vmem>>
      %dma_start3A_49 = arith.constant 0 : i32
      %dma_start3A_50 = tpu.memref_slice %arg7[%add3A_27, %dma_start3A_49] : memref<10112x128xf32, #tpu.memory_space<vmem_shared>> -> memref<128x128xf32, #tpu.memory_space<vmem_shared>>
      tpu.enqueue_dma source(%dma_start3A_50 : memref<128x128xf32, #tpu.memory_space<vmem_shared>>) target(%dma_start3A_48 : memref<128x128xf32, #tpu.memory_space<vmem>>) target_semaphore(%run_scoped3A : memref<!tpu.dma_semaphore, #tpu.memory_space<semaphore_mem>>)
      %dma_wait3A = arith.constant 0 : i32
      %dma_wait3A_51 = arith.constant 0 : i32
      %dma_wait3A_52 = tpu.memref_slice %arg6[%dma_wait3A, %dma_wait3A_51] : memref<128x128xf32, #tpu.memory_space<vmem>> -> memref<128x128xf32, #tpu.memory_space<vmem>>
      %dma_wait3A_53 = arith.constant 0 : i32
      %dma_wait3A_54 = tpu.memref_slice %arg7[%add3A_27, %dma_wait3A_53] : memref<10112x128xf32, #tpu.memory_space<vmem_shared>> -> memref<128x128xf32, #tpu.memory_space<vmem_shared>>
      %dma_wait3A_55 = arith.constant 0 : i32
      %dma_wait3A_56 = arith.constant 0 : i32
      %dma_wait3A_57 = tpu.memref_slice %arg6[%dma_wait3A_55, %dma_wait3A_56] : memref<128x128xf32, #tpu.memory_space<vmem>> -> memref<128x128xf32, #tpu.memory_space<vmem>>
      %dma_wait3A_58 = arith.constant 0 : i32
      %dma_wait3A_59 = tpu.memref_slice %arg7[%add3A_27, %dma_wait3A_58] : memref<10112x128xf32, #tpu.memory_space<vmem_shared>> -> memref<128x128xf32, #tpu.memory_space<vmem_shared>>
      tpu.wait_dma2 semaphore(%run_scoped3A : memref<!tpu.dma_semaphore, #tpu.memory_space<semaphore_mem>>) src(%dma_wait3A_59 : memref<128x128xf32, #tpu.memory_space<vmem_shared>>) dst(%dma_wait3A_57 : memref<128x128xf32, #tpu.memory_space<vmem>>)
      tpu.yield
    }) : () -> ()
    %add3A_28 = arith.constant 128 : i32
    %add3A_29 = arith.addi %mul3A_0, %add3A_28 : i32
    "tpu.region"() ({
      %run_scoped3A = tpu.sem_alloc : memref<!tpu.dma_semaphore, #tpu.memory_space<semaphore_mem>>
      %dma_start3A = arith.constant 0 : i32
      %dma_start3A_42 = arith.constant 0 : i32
      %dma_start3A_43 = tpu.memref_slice %arg6[%dma_start3A, %dma_start3A_42] : memref<128x128xf32, #tpu.memory_space<vmem>> -> memref<128x128xf32, #tpu.memory_space<vmem>>
      %dma_start3A_44 = arith.constant 0 : i32
      %dma_start3A_45 = tpu.memref_slice %arg4[%arg0, %add3A_29, %dma_start3A_44] : memref<2x10112x128xf32, #tpu.memory_space<hbm>> -> memref<1x128x128xf32, #tpu.memory_space<hbm>>
      %dma_start3A_46 = tpu.memref_squeeze %dma_start3A_45 : memref<1x128x128xf32, #tpu.memory_space<hbm>> -> memref<128x128xf32, #tpu.memory_space<hbm>>
      %dma_start3A_47 = arith.constant 0 : i32
      %dma_start3A_48 = tpu.memref_slice %arg4[%arg0, %add3A_29, %dma_start3A_47] : memref<2x10112x128xf32, #tpu.memory_space<hbm>> -> memref<1x128x128xf32, #tpu.memory_space<hbm>>
      %dma_start3A_49 = tpu.memref_squeeze %dma_start3A_48 : memref<1x128x128xf32, #tpu.memory_space<hbm>> -> memref<128x128xf32, #tpu.memory_space<hbm>>
      %dma_start3A_50 = arith.constant 0 : i32
      %dma_start3A_51 = arith.constant 0 : i32
      %dma_start3A_52 = tpu.memref_slice %arg6[%dma_start3A_50, %dma_start3A_51] : memref<128x128xf32, #tpu.memory_space<vmem>> -> memref<128x128xf32, #tpu.memory_space<vmem>>
      tpu.enqueue_dma source(%dma_start3A_52 : memref<128x128xf32, #tpu.memory_space<vmem>>) target(%dma_start3A_49 : memref<128x128xf32, #tpu.memory_space<hbm>>) target_semaphore(%run_scoped3A : memref<!tpu.dma_semaphore, #tpu.memory_space<semaphore_mem>>)
      %dma_wait3A = arith.constant 0 : i32
      %dma_wait3A_53 = arith.constant 0 : i32
      %dma_wait3A_54 = tpu.memref_slice %arg6[%dma_wait3A, %dma_wait3A_53] : memref<128x128xf32, #tpu.memory_space<vmem>> -> memref<128x128xf32, #tpu.memory_space<vmem>>
      %dma_wait3A_55 = arith.constant 0 : i32
      %dma_wait3A_56 = tpu.memref_slice %arg4[%arg0, %add3A_29, %dma_wait3A_55] : memref<2x10112x128xf32, #tpu.memory_space<hbm>> -> memref<1x128x128xf32, #tpu.memory_space<hbm>>
      %dma_wait3A_57 = tpu.memref_squeeze %dma_wait3A_56 : memref<1x128x128xf32, #tpu.memory_space<hbm>> -> memref<128x128xf32, #tpu.memory_space<hbm>>
      %dma_wait3A_58 = arith.constant 0 : i32
      %dma_wait3A_59 = tpu.memref_slice %arg4[%arg0, %add3A_29, %dma_wait3A_58] : memref<2x10112x128xf32, #tpu.memory_space<hbm>> -> memref<1x128x128xf32, #tpu.memory_space<hbm>>
      %dma_wait3A_60 = tpu.memref_squeeze %dma_wait3A_59 : memref<1x128x128xf32, #tpu.memory_space<hbm>> -> memref<128x128xf32, #tpu.memory_space<hbm>>
      %dma_wait3A_61 = arith.constant 0 : i32
      %dma_wait3A_62 = arith.constant 0 : i32
      %dma_wait3A_63 = tpu.memref_slice %arg6[%dma_wait3A_61, %dma_wait3A_62] : memref<128x128xf32, #tpu.memory_space<vmem>> -> memref<128x128xf32, #tpu.memory_space<vmem>>
      tpu.wait_dma2 semaphore(%run_scoped3A : memref<!tpu.dma_semaphore, #tpu.memory_space<semaphore_mem>>) src(%dma_wait3A_63 : memref<128x128xf32, #tpu.memory_space<vmem>>) dst(%dma_wait3A_60 : memref<128x128xf32, #tpu.memory_space<hbm>>)
      tpu.yield
    }) : () -> ()
    %add3A_30 = arith.constant 256 : i32
    %add3A_31 = arith.addi %mul3A_0, %add3A_30 : i32
    "tpu.region"() ({
      %run_scoped3A = tpu.sem_alloc : memref<!tpu.dma_semaphore, #tpu.memory_space<semaphore_mem>>
      %dma_start3A = arith.constant 0 : i32
      %dma_start3A_42 = arith.constant 0 : i32
      %dma_start3A_43 = tpu.memref_slice %arg6[%dma_start3A, %dma_start3A_42] : memref<128x128xf32, #tpu.memory_space<vmem>> -> memref<128x128xf32, #tpu.memory_space<vmem>>
      %dma_start3A_44 = arith.constant 0 : i32
      %dma_start3A_45 = tpu.memref_slice %arg7[%add3A_31, %dma_start3A_44] : memref<10112x128xf32, #tpu.memory_space<vmem_shared>> -> memref<128x128xf32, #tpu.memory_space<vmem_shared>>
      %dma_start3A_46 = arith.constant 0 : i32
      %dma_start3A_47 = arith.constant 0 : i32
      %dma_start3A_48 = tpu.memref_slice %arg6[%dma_start3A_46, %dma_start3A_47] : memref<128x128xf32, #tpu.memory_space<vmem>> -> memref<128x128xf32, #tpu.memory_space<vmem>>
      %dma_start3A_49 = arith.constant 0 : i32
      %dma_start3A_50 = tpu.memref_slice %arg7[%add3A_31, %dma_start3A_49] : memref<10112x128xf32, #tpu.memory_space<vmem_shared>> -> memref<128x128xf32, #tpu.memory_space<vmem_shared>>
      tpu.enqueue_dma source(%dma_start3A_50 : memref<128x128xf32, #tpu.memory_space<vmem_shared>>) target(%dma_start3A_48 : memref<128x128xf32, #tpu.memory_space<vmem>>) target_semaphore(%run_scoped3A : memref<!tpu.dma_semaphore, #tpu.memory_space<semaphore_mem>>)
      %dma_wait3A = arith.constant 0 : i32
      %dma_wait3A_51 = arith.constant 0 : i32
      %dma_wait3A_52 = tpu.memref_slice %arg6[%dma_wait3A, %dma_wait3A_51] : memref<128x128xf32, #tpu.memory_space<vmem>> -> memref<128x128xf32, #tpu.memory_space<vmem>>
      %dma_wait3A_53 = arith.constant 0 : i32
      %dma_wait3A_54 = tpu.memref_slice %arg7[%add3A_31, %dma_wait3A_53] : memref<10112x128xf32, #tpu.memory_space<vmem_shared>> -> memref<128x128xf32, #tpu.memory_space<vmem_shared>>
      %dma_wait3A_55 = arith.constant 0 : i32
      %dma_wait3A_56 = arith.constant 0 : i32
      %dma_wait3A_57 = tpu.memref_slice %arg6[%dma_wait3A_55, %dma_wait3A_56] : memref<128x128xf32, #tpu.memory_space<vmem>> -> memref<128x128xf32, #tpu.memory_space<vmem>>
      %dma_wait3A_58 = arith.constant 0 : i32
      %dma_wait3A_59 = tpu.memref_slice %arg7[%add3A_31, %dma_wait3A_58] : memref<10112x128xf32, #tpu.memory_space<vmem_shared>> -> memref<128x128xf32, #tpu.memory_space<vmem_shared>>
      tpu.wait_dma2 semaphore(%run_scoped3A : memref<!tpu.dma_semaphore, #tpu.memory_space<semaphore_mem>>) src(%dma_wait3A_59 : memref<128x128xf32, #tpu.memory_space<vmem_shared>>) dst(%dma_wait3A_57 : memref<128x128xf32, #tpu.memory_space<vmem>>)
      tpu.yield
    }) : () -> ()
    %add3A_32 = arith.constant 256 : i32
    %add3A_33 = arith.addi %mul3A_0, %add3A_32 : i32
    "tpu.region"() ({
      %run_scoped3A = tpu.sem_alloc : memref<!tpu.dma_semaphore, #tpu.memory_space<semaphore_mem>>
      %dma_start3A = arith.constant 0 : i32
      %dma_start3A_42 = arith.constant 0 : i32
      %dma_start3A_43 = tpu.memref_slice %arg6[%dma_start3A, %dma_start3A_42] : memref<128x128xf32, #tpu.memory_space<vmem>> -> memref<128x128xf32, #tpu.memory_space<vmem>>
      %dma_start3A_44 = arith.constant 0 : i32
      %dma_start3A_45 = tpu.memref_slice %arg4[%arg0, %add3A_33, %dma_start3A_44] : memref<2x10112x128xf32, #tpu.memory_space<hbm>> -> memref<1x128x128xf32, #tpu.memory_space<hbm>>
      %dma_start3A_46 = tpu.memref_squeeze %dma_start3A_45 : memref<1x128x128xf32, #tpu.memory_space<hbm>> -> memref<128x128xf32, #tpu.memory_space<hbm>>
      %dma_start3A_47 = arith.constant 0 : i32
      %dma_start3A_48 = tpu.memref_slice %arg4[%arg0, %add3A_33, %dma_start3A_47] : memref<2x10112x128xf32, #tpu.memory_space<hbm>> -> memref<1x128x128xf32, #tpu.memory_space<hbm>>
      %dma_start3A_49 = tpu.memref_squeeze %dma_start3A_48 : memref<1x128x128xf32, #tpu.memory_space<hbm>> -> memref<128x128xf32, #tpu.memory_space<hbm>>
      %dma_start3A_50 = arith.constant 0 : i32
      %dma_start3A_51 = arith.constant 0 : i32
      %dma_start3A_52 = tpu.memref_slice %arg6[%dma_start3A_50, %dma_start3A_51] : memref<128x128xf32, #tpu.memory_space<vmem>> -> memref<128x128xf32, #tpu.memory_space<vmem>>
      tpu.enqueue_dma source(%dma_start3A_52 : memref<128x128xf32, #tpu.memory_space<vmem>>) target(%dma_start3A_49 : memref<128x128xf32, #tpu.memory_space<hbm>>) target_semaphore(%run_scoped3A : memref<!tpu.dma_semaphore, #tpu.memory_space<semaphore_mem>>)
      %dma_wait3A = arith.constant 0 : i32
      %dma_wait3A_53 = arith.constant 0 : i32
      %dma_wait3A_54 = tpu.memref_slice %arg6[%dma_wait3A, %dma_wait3A_53] : memref<128x128xf32, #tpu.memory_space<vmem>> -> memref<128x128xf32, #tpu.memory_space<vmem>>
      %dma_wait3A_55 = arith.constant 0 : i32
      %dma_wait3A_56 = tpu.memref_slice %arg4[%arg0, %add3A_33, %dma_wait3A_55] : memref<2x10112x128xf32, #tpu.memory_space<hbm>> -> memref<1x128x128xf32, #tpu.memory_space<hbm>>
      %dma_wait3A_57 = tpu.memref_squeeze %dma_wait3A_56 : memref<1x128x128xf32, #tpu.memory_space<hbm>> -> memref<128x128xf32, #tpu.memory_space<hbm>>
      %dma_wait3A_58 = arith.constant 0 : i32
      %dma_wait3A_59 = tpu.memref_slice %arg4[%arg0, %add3A_33, %dma_wait3A_58] : memref<2x10112x128xf32, #tpu.memory_space<hbm>> -> memref<1x128x128xf32, #tpu.memory_space<hbm>>
      %dma_wait3A_60 = tpu.memref_squeeze %dma_wait3A_59 : memref<1x128x128xf32, #tpu.memory_space<hbm>> -> memref<128x128xf32, #tpu.memory_space<hbm>>
      %dma_wait3A_61 = arith.constant 0 : i32
      %dma_wait3A_62 = arith.constant 0 : i32
      %dma_wait3A_63 = tpu.memref_slice %arg6[%dma_wait3A_61, %dma_wait3A_62] : memref<128x128xf32, #tpu.memory_space<vmem>> -> memref<128x128xf32, #tpu.memory_space<vmem>>
      tpu.wait_dma2 semaphore(%run_scoped3A : memref<!tpu.dma_semaphore, #tpu.memory_space<semaphore_mem>>) src(%dma_wait3A_63 : memref<128x128xf32, #tpu.memory_space<vmem>>) dst(%dma_wait3A_60 : memref<128x128xf32, #tpu.memory_space<hbm>>)
      tpu.yield
    }) : () -> ()
    %add3A_34 = arith.constant 384 : i32
    %add3A_35 = arith.addi %mul3A_0, %add3A_34 : i32
    "tpu.region"() ({
      %run_scoped3A = tpu.sem_alloc : memref<!tpu.dma_semaphore, #tpu.memory_space<semaphore_mem>>
      %dma_start3A = arith.constant 0 : i32
      %dma_start3A_42 = arith.constant 0 : i32
      %dma_start3A_43 = tpu.memref_slice %arg6[%dma_start3A, %dma_start3A_42] : memref<128x128xf32, #tpu.memory_space<vmem>> -> memref<128x128xf32, #tpu.memory_space<vmem>>
      %dma_start3A_44 = arith.constant 0 : i32
      %dma_start3A_45 = tpu.memref_slice %arg7[%add3A_35, %dma_start3A_44] : memref<10112x128xf32, #tpu.memory_space<vmem_shared>> -> memref<128x128xf32, #tpu.memory_space<vmem_shared>>
      %dma_start3A_46 = arith.constant 0 : i32
      %dma_start3A_47 = arith.constant 0 : i32
      %dma_start3A_48 = tpu.memref_slice %arg6[%dma_start3A_46, %dma_start3A_47] : memref<128x128xf32, #tpu.memory_space<vmem>> -> memref<128x128xf32, #tpu.memory_space<vmem>>
      %dma_start3A_49 = arith.constant 0 : i32
      %dma_start3A_50 = tpu.memref_slice %arg7[%add3A_35, %dma_start3A_49] : memref<10112x128xf32, #tpu.memory_space<vmem_shared>> -> memref<128x128xf32, #tpu.memory_space<vmem_shared>>
      tpu.enqueue_dma source(%dma_start3A_50 : memref<128x128xf32, #tpu.memory_space<vmem_shared>>) target(%dma_start3A_48 : memref<128x128xf32, #tpu.memory_space<vmem>>) target_semaphore(%run_scoped3A : memref<!tpu.dma_semaphore, #tpu.memory_space<semaphore_mem>>)
      %dma_wait3A = arith.constant 0 : i32
      %dma_wait3A_51 = arith.constant 0 : i32
      %dma_wait3A_52 = tpu.memref_slice %arg6[%dma_wait3A, %dma_wait3A_51] : memref<128x128xf32, #tpu.memory_space<vmem>> -> memref<128x128xf32, #tpu.memory_space<vmem>>
      %dma_wait3A_53 = arith.constant 0 : i32
      %dma_wait3A_54 = tpu.memref_slice %arg7[%add3A_35, %dma_wait3A_53] : memref<10112x128xf32, #tpu.memory_space<vmem_shared>> -> memref<128x128xf32, #tpu.memory_space<vmem_shared>>
      %dma_wait3A_55 = arith.constant 0 : i32
      %dma_wait3A_56 = arith.constant 0 : i32
      %dma_wait3A_57 = tpu.memref_slice %arg6[%dma_wait3A_55, %dma_wait3A_56] : memref<128x128xf32, #tpu.memory_space<vmem>> -> memref<128x128xf32, #tpu.memory_space<vmem>>
      %dma_wait3A_58 = arith.constant 0 : i32
      %dma_wait3A_59 = tpu.memref_slice %arg7[%add3A_35, %dma_wait3A_58] : memref<10112x128xf32, #tpu.memory_space<vmem_shared>> -> memref<128x128xf32, #tpu.memory_space<vmem_shared>>
      tpu.wait_dma2 semaphore(%run_scoped3A : memref<!tpu.dma_semaphore, #tpu.memory_space<semaphore_mem>>) src(%dma_wait3A_59 : memref<128x128xf32, #tpu.memory_space<vmem_shared>>) dst(%dma_wait3A_57 : memref<128x128xf32, #tpu.memory_space<vmem>>)
      tpu.yield
    }) : () -> ()
    %add3A_36 = arith.constant 384 : i32
    %add3A_37 = arith.addi %mul3A_0, %add3A_36 : i32
    "tpu.region"() ({
      %run_scoped3A = tpu.sem_alloc : memref<!tpu.dma_semaphore, #tpu.memory_space<semaphore_mem>>
      %dma_start3A = arith.constant 0 : i32
      %dma_start3A_42 = arith.constant 0 : i32
      %dma_start3A_43 = tpu.memref_slice %arg6[%dma_start3A, %dma_start3A_42] : memref<128x128xf32, #tpu.memory_space<vmem>> -> memref<128x128xf32, #tpu.memory_space<vmem>>
      %dma_start3A_44 = arith.constant 0 : i32
      %dma_start3A_45 = tpu.memref_slice %arg4[%arg0, %add3A_37, %dma_start3A_44] : memref<2x10112x128xf32, #tpu.memory_space<hbm>> -> memref<1x128x128xf32, #tpu.memory_space<hbm>>
      %dma_start3A_46 = tpu.memref_squeeze %dma_start3A_45 : memref<1x128x128xf32, #tpu.memory_space<hbm>> -> memref<128x128xf32, #tpu.memory_space<hbm>>
      %dma_start3A_47 = arith.constant 0 : i32
      %dma_start3A_48 = tpu.memref_slice %arg4[%arg0, %add3A_37, %dma_start3A_47] : memref<2x10112x128xf32, #tpu.memory_space<hbm>> -> memref<1x128x128xf32, #tpu.memory_space<hbm>>
      %dma_start3A_49 = tpu.memref_squeeze %dma_start3A_48 : memref<1x128x128xf32, #tpu.memory_space<hbm>> -> memref<128x128xf32, #tpu.memory_space<hbm>>
      %dma_start3A_50 = arith.constant 0 : i32
      %dma_start3A_51 = arith.constant 0 : i32
      %dma_start3A_52 = tpu.memref_slice %arg6[%dma_start3A_50, %dma_start3A_51] : memref<128x128xf32, #tpu.memory_space<vmem>> -> memref<128x128xf32, #tpu.memory_space<vmem>>
      tpu.enqueue_dma source(%dma_start3A_52 : memref<128x128xf32, #tpu.memory_space<vmem>>) target(%dma_start3A_49 : memref<128x128xf32, #tpu.memory_space<hbm>>) target_semaphore(%run_scoped3A : memref<!tpu.dma_semaphore, #tpu.memory_space<semaphore_mem>>)
      %dma_wait3A = arith.constant 0 : i32
      %dma_wait3A_53 = arith.constant 0 : i32
      %dma_wait3A_54 = tpu.memref_slice %arg6[%dma_wait3A, %dma_wait3A_53] : memref<128x128xf32, #tpu.memory_space<vmem>> -> memref<128x128xf32, #tpu.memory_space<vmem>>
      %dma_wait3A_55 = arith.constant 0 : i32
      %dma_wait3A_56 = tpu.memref_slice %arg4[%arg0, %add3A_37, %dma_wait3A_55] : memref<2x10112x128xf32, #tpu.memory_space<hbm>> -> memref<1x128x128xf32, #tpu.memory_space<hbm>>
      %dma_wait3A_57 = tpu.memref_squeeze %dma_wait3A_56 : memref<1x128x128xf32, #tpu.memory_space<hbm>> -> memref<128x128xf32, #tpu.memory_space<hbm>>
      %dma_wait3A_58 = arith.constant 0 : i32
      %dma_wait3A_59 = tpu.memref_slice %arg4[%arg0, %add3A_37, %dma_wait3A_58] : memref<2x10112x128xf32, #tpu.memory_space<hbm>> -> memref<1x128x128xf32, #tpu.memory_space<hbm>>
      %dma_wait3A_60 = tpu.memref_squeeze %dma_wait3A_59 : memref<1x128x128xf32, #tpu.memory_space<hbm>> -> memref<128x128xf32, #tpu.memory_space<hbm>>
      %dma_wait3A_61 = arith.constant 0 : i32
      %dma_wait3A_62 = arith.constant 0 : i32
      %dma_wait3A_63 = tpu.memref_slice %arg6[%dma_wait3A_61, %dma_wait3A_62] : memref<128x128xf32, #tpu.memory_space<vmem>> -> memref<128x128xf32, #tpu.memory_space<vmem>>
      tpu.wait_dma2 semaphore(%run_scoped3A : memref<!tpu.dma_semaphore, #tpu.memory_space<semaphore_mem>>) src(%dma_wait3A_63 : memref<128x128xf32, #tpu.memory_space<vmem>>) dst(%dma_wait3A_60 : memref<128x128xf32, #tpu.memory_space<hbm>>)
      tpu.yield
    }) : () -> ()
    %add3A_38 = arith.constant 512 : i32
    %add3A_39 = arith.addi %mul3A_0, %add3A_38 : i32
    "tpu.region"() ({
      %run_scoped3A = tpu.sem_alloc : memref<!tpu.dma_semaphore, #tpu.memory_space<semaphore_mem>>
      %dma_start3A = arith.constant 0 : i32
      %dma_start3A_42 = arith.constant 0 : i32
      %dma_start3A_43 = tpu.memref_slice %arg6[%dma_start3A, %dma_start3A_42] : memref<128x128xf32, #tpu.memory_space<vmem>> -> memref<120x128xf32, #tpu.memory_space<vmem>>
      %dma_start3A_44 = arith.constant 0 : i32
      %dma_start3A_45 = tpu.memref_slice %arg7[%add3A_39, %dma_start3A_44] : memref<10112x128xf32, #tpu.memory_space<vmem_shared>> -> memref<120x128xf32, #tpu.memory_space<vmem_shared>>
      %dma_start3A_46 = arith.constant 0 : i32
      %dma_start3A_47 = arith.constant 0 : i32
      %dma_start3A_48 = tpu.memref_slice %arg6[%dma_start3A_46, %dma_start3A_47] : memref<128x128xf32, #tpu.memory_space<vmem>> -> memref<120x128xf32, #tpu.memory_space<vmem>>
      %dma_start3A_49 = arith.constant 0 : i32
      %dma_start3A_50 = tpu.memref_slice %arg7[%add3A_39, %dma_start3A_49] : memref<10112x128xf32, #tpu.memory_space<vmem_shared>> -> memref<120x128xf32, #tpu.memory_space<vmem_shared>>
      tpu.enqueue_dma source(%dma_start3A_50 : memref<120x128xf32, #tpu.memory_space<vmem_shared>>) target(%dma_start3A_48 : memref<120x128xf32, #tpu.memory_space<vmem>>) target_semaphore(%run_scoped3A : memref<!tpu.dma_semaphore, #tpu.memory_space<semaphore_mem>>)
      %dma_wait3A = arith.constant 0 : i32
      %dma_wait3A_51 = arith.constant 0 : i32
      %dma_wait3A_52 = tpu.memref_slice %arg6[%dma_wait3A, %dma_wait3A_51] : memref<128x128xf32, #tpu.memory_space<vmem>> -> memref<120x128xf32, #tpu.memory_space<vmem>>
      %dma_wait3A_53 = arith.constant 0 : i32
      %dma_wait3A_54 = tpu.memref_slice %arg7[%add3A_39, %dma_wait3A_53] : memref<10112x128xf32, #tpu.memory_space<vmem_shared>> -> memref<120x128xf32, #tpu.memory_space<vmem_shared>>
      %dma_wait3A_55 = arith.constant 0 : i32
      %dma_wait3A_56 = arith.constant 0 : i32
      %dma_wait3A_57 = tpu.memref_slice %arg6[%dma_wait3A_55, %dma_wait3A_56] : memref<128x128xf32, #tpu.memory_space<vmem>> -> memref<120x128xf32, #tpu.memory_space<vmem>>
      %dma_wait3A_58 = arith.constant 0 : i32
      %dma_wait3A_59 = tpu.memref_slice %arg7[%add3A_39, %dma_wait3A_58] : memref<10112x128xf32, #tpu.memory_space<vmem_shared>> -> memref<120x128xf32, #tpu.memory_space<vmem_shared>>
      tpu.wait_dma2 semaphore(%run_scoped3A : memref<!tpu.dma_semaphore, #tpu.memory_space<semaphore_mem>>) src(%dma_wait3A_59 : memref<120x128xf32, #tpu.memory_space<vmem_shared>>) dst(%dma_wait3A_57 : memref<120x128xf32, #tpu.memory_space<vmem>>)
      tpu.yield
    }) : () -> ()
    %add3A_40 = arith.constant 512 : i32
    %add3A_41 = arith.addi %mul3A_0, %add3A_40 : i32
    "tpu.region"() ({
      %run_scoped3A = tpu.sem_alloc : memref<!tpu.dma_semaphore, #tpu.memory_space<semaphore_mem>>
      %dma_start3A = arith.constant 0 : i32
      %dma_start3A_42 = arith.constant 0 : i32
      %dma_start3A_43 = tpu.memref_slice %arg6[%dma_start3A, %dma_start3A_42] : memref<128x128xf32, #tpu.memory_space<vmem>> -> memref<120x128xf32, #tpu.memory_space<vmem>>
      %dma_start3A_44 = arith.constant 0 : i32
      %dma_start3A_45 = tpu.memref_slice %arg4[%arg0, %add3A_41, %dma_start3A_44] : memref<2x10112x128xf32, #tpu.memory_space<hbm>> -> memref<1x120x128xf32, #tpu.memory_space<hbm>>
      %dma_start3A_46 = tpu.memref_squeeze %dma_start3A_45 : memref<1x120x128xf32, #tpu.memory_space<hbm>> -> memref<120x128xf32, #tpu.memory_space<hbm>>
      %dma_start3A_47 = arith.constant 0 : i32
      %dma_start3A_48 = tpu.memref_slice %arg4[%arg0, %add3A_41, %dma_start3A_47] : memref<2x10112x128xf32, #tpu.memory_space<hbm>> -> memref<1x120x128xf32, #tpu.memory_space<hbm>>
      %dma_start3A_49 = tpu.memref_squeeze %dma_start3A_48 : memref<1x120x128xf32, #tpu.memory_space<hbm>> -> memref<120x128xf32, #tpu.memory_space<hbm>>
      %dma_start3A_50 = arith.constant 0 : i32
      %dma_start3A_51 = arith.constant 0 : i32
      %dma_start3A_52 = tpu.memref_slice %arg6[%dma_start3A_50, %dma_start3A_51] : memref<128x128xf32, #tpu.memory_space<vmem>> -> memref<120x128xf32, #tpu.memory_space<vmem>>
      tpu.enqueue_dma source(%dma_start3A_52 : memref<120x128xf32, #tpu.memory_space<vmem>>) target(%dma_start3A_49 : memref<120x128xf32, #tpu.memory_space<hbm>>) target_semaphore(%run_scoped3A : memref<!tpu.dma_semaphore, #tpu.memory_space<semaphore_mem>>)
      %dma_wait3A = arith.constant 0 : i32
      %dma_wait3A_53 = arith.constant 0 : i32
      %dma_wait3A_54 = tpu.memref_slice %arg6[%dma_wait3A, %dma_wait3A_53] : memref<128x128xf32, #tpu.memory_space<vmem>> -> memref<120x128xf32, #tpu.memory_space<vmem>>
      %dma_wait3A_55 = arith.constant 0 : i32
      %dma_wait3A_56 = tpu.memref_slice %arg4[%arg0, %add3A_41, %dma_wait3A_55] : memref<2x10112x128xf32, #tpu.memory_space<hbm>> -> memref<1x120x128xf32, #tpu.memory_space<hbm>>
      %dma_wait3A_57 = tpu.memref_squeeze %dma_wait3A_56 : memref<1x120x128xf32, #tpu.memory_space<hbm>> -> memref<120x128xf32, #tpu.memory_space<hbm>>
      %dma_wait3A_58 = arith.constant 0 : i32
      %dma_wait3A_59 = tpu.memref_slice %arg4[%arg0, %add3A_41, %dma_wait3A_58] : memref<2x10112x128xf32, #tpu.memory_space<hbm>> -> memref<1x120x128xf32, #tpu.memory_space<hbm>>
      %dma_wait3A_60 = tpu.memref_squeeze %dma_wait3A_59 : memref<1x120x128xf32, #tpu.memory_space<hbm>> -> memref<120x128xf32, #tpu.memory_space<hbm>>
      %dma_wait3A_61 = arith.constant 0 : i32
      %dma_wait3A_62 = arith.constant 0 : i32
      %dma_wait3A_63 = tpu.memref_slice %arg6[%dma_wait3A_61, %dma_wait3A_62] : memref<128x128xf32, #tpu.memory_space<vmem>> -> memref<120x128xf32, #tpu.memory_space<vmem>>
      tpu.wait_dma2 semaphore(%run_scoped3A : memref<!tpu.dma_semaphore, #tpu.memory_space<semaphore_mem>>) src(%dma_wait3A_63 : memref<120x128xf32, #tpu.memory_space<vmem>>) dst(%dma_wait3A_60 : memref<120x128xf32, #tpu.memory_space<hbm>>)
      tpu.yield
    }) : () -> ()
    return
  }
}

#map = affine_map<(d0, d1) -> (0, 0, 0)>
#map1 = affine_map<(d0, d1) -> (0, 0)>
module attributes {stable_mosaic.version = 14 : i64} {
  func.func @_sc_degree_body(%arg0: i32, %arg1: i32, %arg2: memref<2x1280x128xi32, #tpu.memory_space<hbm>>, %arg3: memref<128x128xf32, #tpu.memory_space<hbm>>, %arg4: memref<128x128xf32, #tpu.memory_space<hbm>>, %arg5: memref<2x10112x128xf32, #tpu.memory_space<hbm>>, %arg6: memref<80x128xi32, #tpu.memory_space<vmem>>, %arg7: memref<128x128xf32, #tpu.memory_space<vmem>>, %arg8: memref<10112x128xf32, #tpu.memory_space<vmem_shared>>) attributes {dimension_semantics = [#tpu.dimension_semantics<core_parallel>, #tpu.dimension_semantics<subcore_parallel>], iteration_bounds = array<i64: 2, 16>, scalar_prefetch = 0 : i64, scratch_operands = 3 : i64, tpu.core_type = #tpu.core_type<sc_vector_subcore>, window_params = [{transform_indices = #map}, {transform_indices = #map1}, {transform_indices = #map1}, {transform_indices = #map}]} {
    %mul3A = arith.constant 632 : i32
    %mul3A_0 = arith.muli %arg1, %mul3A : i32
    "tpu.region"() ({
      %run_scoped3A = tpu.sem_alloc : memref<!tpu.dma_semaphore, #tpu.memory_space<semaphore_mem>>
      tpu.enqueue_dma source(%arg4 : memref<128x128xf32, #tpu.memory_space<hbm>>) target(%arg7 : memref<128x128xf32, #tpu.memory_space<vmem>>) target_semaphore(%run_scoped3A : memref<!tpu.dma_semaphore, #tpu.memory_space<semaphore_mem>>)
      tpu.wait_dma2 semaphore(%run_scoped3A : memref<!tpu.dma_semaphore, #tpu.memory_space<semaphore_mem>>) src(%arg4 : memref<128x128xf32, #tpu.memory_space<hbm>>) dst(%arg7 : memref<128x128xf32, #tpu.memory_space<vmem>>)
      tpu.yield
    }) : () -> ()
    %add3A = arith.constant 0 : i32
    %add3A_1 = arith.addi %mul3A_0, %add3A : i32
    "tpu.region"() ({
      %run_scoped3A = tpu.sem_alloc : memref<!tpu.dma_semaphore, #tpu.memory_space<semaphore_mem>>
      %dma_start3A = arith.constant 0 : i32
      %dma_start3A_38 = arith.constant 0 : i32
      %dma_start3A_39 = tpu.memref_slice %arg7[%dma_start3A, %dma_start3A_38] : memref<128x128xf32, #tpu.memory_space<vmem>> -> memref<128x128xf32, #tpu.memory_space<vmem>>
      %dma_start3A_40 = arith.constant 0 : i32
      %dma_start3A_41 = tpu.memref_slice %arg8[%add3A_1, %dma_start3A_40] : memref<10112x128xf32, #tpu.memory_space<vmem_shared>> -> memref<128x128xf32, #tpu.memory_space<vmem_shared>>
      %dma_start3A_42 = arith.constant 0 : i32
      %dma_start3A_43 = tpu.memref_slice %arg8[%add3A_1, %dma_start3A_42] : memref<10112x128xf32, #tpu.memory_space<vmem_shared>> -> memref<128x128xf32, #tpu.memory_space<vmem_shared>>
      %dma_start3A_44 = arith.constant 0 : i32
      %dma_start3A_45 = arith.constant 0 : i32
      %dma_start3A_46 = tpu.memref_slice %arg7[%dma_start3A_44, %dma_start3A_45] : memref<128x128xf32, #tpu.memory_space<vmem>> -> memref<128x128xf32, #tpu.memory_space<vmem>>
      tpu.enqueue_dma source(%dma_start3A_46 : memref<128x128xf32, #tpu.memory_space<vmem>>) target(%dma_start3A_43 : memref<128x128xf32, #tpu.memory_space<vmem_shared>>) target_semaphore(%run_scoped3A : memref<!tpu.dma_semaphore, #tpu.memory_space<semaphore_mem>>)
      %dma_wait3A = arith.constant 0 : i32
      %dma_wait3A_47 = arith.constant 0 : i32
      %dma_wait3A_48 = tpu.memref_slice %arg7[%dma_wait3A, %dma_wait3A_47] : memref<128x128xf32, #tpu.memory_space<vmem>> -> memref<128x128xf32, #tpu.memory_space<vmem>>
      %dma_wait3A_49 = arith.constant 0 : i32
      %dma_wait3A_50 = tpu.memref_slice %arg8[%add3A_1, %dma_wait3A_49] : memref<10112x128xf32, #tpu.memory_space<vmem_shared>> -> memref<128x128xf32, #tpu.memory_space<vmem_shared>>
      %dma_wait3A_51 = arith.constant 0 : i32
      %dma_wait3A_52 = tpu.memref_slice %arg8[%add3A_1, %dma_wait3A_51] : memref<10112x128xf32, #tpu.memory_space<vmem_shared>> -> memref<128x128xf32, #tpu.memory_space<vmem_shared>>
      %dma_wait3A_53 = arith.constant 0 : i32
      %dma_wait3A_54 = arith.constant 0 : i32
      %dma_wait3A_55 = tpu.memref_slice %arg7[%dma_wait3A_53, %dma_wait3A_54] : memref<128x128xf32, #tpu.memory_space<vmem>> -> memref<128x128xf32, #tpu.memory_space<vmem>>
      tpu.wait_dma2 semaphore(%run_scoped3A : memref<!tpu.dma_semaphore, #tpu.memory_space<semaphore_mem>>) src(%dma_wait3A_55 : memref<128x128xf32, #tpu.memory_space<vmem>>) dst(%dma_wait3A_52 : memref<128x128xf32, #tpu.memory_space<vmem_shared>>)
      tpu.yield
    }) : () -> ()
    %add3A_2 = arith.constant 128 : i32
    %add3A_3 = arith.addi %mul3A_0, %add3A_2 : i32
    "tpu.region"() ({
      %run_scoped3A = tpu.sem_alloc : memref<!tpu.dma_semaphore, #tpu.memory_space<semaphore_mem>>
      %dma_start3A = arith.constant 0 : i32
      %dma_start3A_38 = arith.constant 0 : i32
      %dma_start3A_39 = tpu.memref_slice %arg7[%dma_start3A, %dma_start3A_38] : memref<128x128xf32, #tpu.memory_space<vmem>> -> memref<128x128xf32, #tpu.memory_space<vmem>>
      %dma_start3A_40 = arith.constant 0 : i32
      %dma_start3A_41 = tpu.memref_slice %arg8[%add3A_3, %dma_start3A_40] : memref<10112x128xf32, #tpu.memory_space<vmem_shared>> -> memref<128x128xf32, #tpu.memory_space<vmem_shared>>
      %dma_start3A_42 = arith.constant 0 : i32
      %dma_start3A_43 = tpu.memref_slice %arg8[%add3A_3, %dma_start3A_42] : memref<10112x128xf32, #tpu.memory_space<vmem_shared>> -> memref<128x128xf32, #tpu.memory_space<vmem_shared>>
      %dma_start3A_44 = arith.constant 0 : i32
      %dma_start3A_45 = arith.constant 0 : i32
      %dma_start3A_46 = tpu.memref_slice %arg7[%dma_start3A_44, %dma_start3A_45] : memref<128x128xf32, #tpu.memory_space<vmem>> -> memref<128x128xf32, #tpu.memory_space<vmem>>
      tpu.enqueue_dma source(%dma_start3A_46 : memref<128x128xf32, #tpu.memory_space<vmem>>) target(%dma_start3A_43 : memref<128x128xf32, #tpu.memory_space<vmem_shared>>) target_semaphore(%run_scoped3A : memref<!tpu.dma_semaphore, #tpu.memory_space<semaphore_mem>>)
      %dma_wait3A = arith.constant 0 : i32
      %dma_wait3A_47 = arith.constant 0 : i32
      %dma_wait3A_48 = tpu.memref_slice %arg7[%dma_wait3A, %dma_wait3A_47] : memref<128x128xf32, #tpu.memory_space<vmem>> -> memref<128x128xf32, #tpu.memory_space<vmem>>
      %dma_wait3A_49 = arith.constant 0 : i32
      %dma_wait3A_50 = tpu.memref_slice %arg8[%add3A_3, %dma_wait3A_49] : memref<10112x128xf32, #tpu.memory_space<vmem_shared>> -> memref<128x128xf32, #tpu.memory_space<vmem_shared>>
      %dma_wait3A_51 = arith.constant 0 : i32
      %dma_wait3A_52 = tpu.memref_slice %arg8[%add3A_3, %dma_wait3A_51] : memref<10112x128xf32, #tpu.memory_space<vmem_shared>> -> memref<128x128xf32, #tpu.memory_space<vmem_shared>>
      %dma_wait3A_53 = arith.constant 0 : i32
      %dma_wait3A_54 = arith.constant 0 : i32
      %dma_wait3A_55 = tpu.memref_slice %arg7[%dma_wait3A_53, %dma_wait3A_54] : memref<128x128xf32, #tpu.memory_space<vmem>> -> memref<128x128xf32, #tpu.memory_space<vmem>>
      tpu.wait_dma2 semaphore(%run_scoped3A : memref<!tpu.dma_semaphore, #tpu.memory_space<semaphore_mem>>) src(%dma_wait3A_55 : memref<128x128xf32, #tpu.memory_space<vmem>>) dst(%dma_wait3A_52 : memref<128x128xf32, #tpu.memory_space<vmem_shared>>)
      tpu.yield
    }) : () -> ()
    %add3A_4 = arith.constant 256 : i32
    %add3A_5 = arith.addi %mul3A_0, %add3A_4 : i32
    "tpu.region"() ({
      %run_scoped3A = tpu.sem_alloc : memref<!tpu.dma_semaphore, #tpu.memory_space<semaphore_mem>>
      %dma_start3A = arith.constant 0 : i32
      %dma_start3A_38 = arith.constant 0 : i32
      %dma_start3A_39 = tpu.memref_slice %arg7[%dma_start3A, %dma_start3A_38] : memref<128x128xf32, #tpu.memory_space<vmem>> -> memref<128x128xf32, #tpu.memory_space<vmem>>
      %dma_start3A_40 = arith.constant 0 : i32
      %dma_start3A_41 = tpu.memref_slice %arg8[%add3A_5, %dma_start3A_40] : memref<10112x128xf32, #tpu.memory_space<vmem_shared>> -> memref<128x128xf32, #tpu.memory_space<vmem_shared>>
      %dma_start3A_42 = arith.constant 0 : i32
      %dma_start3A_43 = tpu.memref_slice %arg8[%add3A_5, %dma_start3A_42] : memref<10112x128xf32, #tpu.memory_space<vmem_shared>> -> memref<128x128xf32, #tpu.memory_space<vmem_shared>>
      %dma_start3A_44 = arith.constant 0 : i32
      %dma_start3A_45 = arith.constant 0 : i32
      %dma_start3A_46 = tpu.memref_slice %arg7[%dma_start3A_44, %dma_start3A_45] : memref<128x128xf32, #tpu.memory_space<vmem>> -> memref<128x128xf32, #tpu.memory_space<vmem>>
      tpu.enqueue_dma source(%dma_start3A_46 : memref<128x128xf32, #tpu.memory_space<vmem>>) target(%dma_start3A_43 : memref<128x128xf32, #tpu.memory_space<vmem_shared>>) target_semaphore(%run_scoped3A : memref<!tpu.dma_semaphore, #tpu.memory_space<semaphore_mem>>)
      %dma_wait3A = arith.constant 0 : i32
      %dma_wait3A_47 = arith.constant 0 : i32
      %dma_wait3A_48 = tpu.memref_slice %arg7[%dma_wait3A, %dma_wait3A_47] : memref<128x128xf32, #tpu.memory_space<vmem>> -> memref<128x128xf32, #tpu.memory_space<vmem>>
      %dma_wait3A_49 = arith.constant 0 : i32
      %dma_wait3A_50 = tpu.memref_slice %arg8[%add3A_5, %dma_wait3A_49] : memref<10112x128xf32, #tpu.memory_space<vmem_shared>> -> memref<128x128xf32, #tpu.memory_space<vmem_shared>>
      %dma_wait3A_51 = arith.constant 0 : i32
      %dma_wait3A_52 = tpu.memref_slice %arg8[%add3A_5, %dma_wait3A_51] : memref<10112x128xf32, #tpu.memory_space<vmem_shared>> -> memref<128x128xf32, #tpu.memory_space<vmem_shared>>
      %dma_wait3A_53 = arith.constant 0 : i32
      %dma_wait3A_54 = arith.constant 0 : i32
      %dma_wait3A_55 = tpu.memref_slice %arg7[%dma_wait3A_53, %dma_wait3A_54] : memref<128x128xf32, #tpu.memory_space<vmem>> -> memref<128x128xf32, #tpu.memory_space<vmem>>
      tpu.wait_dma2 semaphore(%run_scoped3A : memref<!tpu.dma_semaphore, #tpu.memory_space<semaphore_mem>>) src(%dma_wait3A_55 : memref<128x128xf32, #tpu.memory_space<vmem>>) dst(%dma_wait3A_52 : memref<128x128xf32, #tpu.memory_space<vmem_shared>>)
      tpu.yield
    }) : () -> ()
    %add3A_6 = arith.constant 384 : i32
    %add3A_7 = arith.addi %mul3A_0, %add3A_6 : i32
    "tpu.region"() ({
      %run_scoped3A = tpu.sem_alloc : memref<!tpu.dma_semaphore, #tpu.memory_space<semaphore_mem>>
      %dma_start3A = arith.constant 0 : i32
      %dma_start3A_38 = arith.constant 0 : i32
      %dma_start3A_39 = tpu.memref_slice %arg7[%dma_start3A, %dma_start3A_38] : memref<128x128xf32, #tpu.memory_space<vmem>> -> memref<128x128xf32, #tpu.memory_space<vmem>>
      %dma_start3A_40 = arith.constant 0 : i32
      %dma_start3A_41 = tpu.memref_slice %arg8[%add3A_7, %dma_start3A_40] : memref<10112x128xf32, #tpu.memory_space<vmem_shared>> -> memref<128x128xf32, #tpu.memory_space<vmem_shared>>
      %dma_start3A_42 = arith.constant 0 : i32
      %dma_start3A_43 = tpu.memref_slice %arg8[%add3A_7, %dma_start3A_42] : memref<10112x128xf32, #tpu.memory_space<vmem_shared>> -> memref<128x128xf32, #tpu.memory_space<vmem_shared>>
      %dma_start3A_44 = arith.constant 0 : i32
      %dma_start3A_45 = arith.constant 0 : i32
      %dma_start3A_46 = tpu.memref_slice %arg7[%dma_start3A_44, %dma_start3A_45] : memref<128x128xf32, #tpu.memory_space<vmem>> -> memref<128x128xf32, #tpu.memory_space<vmem>>
      tpu.enqueue_dma source(%dma_start3A_46 : memref<128x128xf32, #tpu.memory_space<vmem>>) target(%dma_start3A_43 : memref<128x128xf32, #tpu.memory_space<vmem_shared>>) target_semaphore(%run_scoped3A : memref<!tpu.dma_semaphore, #tpu.memory_space<semaphore_mem>>)
      %dma_wait3A = arith.constant 0 : i32
      %dma_wait3A_47 = arith.constant 0 : i32
      %dma_wait3A_48 = tpu.memref_slice %arg7[%dma_wait3A, %dma_wait3A_47] : memref<128x128xf32, #tpu.memory_space<vmem>> -> memref<128x128xf32, #tpu.memory_space<vmem>>
      %dma_wait3A_49 = arith.constant 0 : i32
      %dma_wait3A_50 = tpu.memref_slice %arg8[%add3A_7, %dma_wait3A_49] : memref<10112x128xf32, #tpu.memory_space<vmem_shared>> -> memref<128x128xf32, #tpu.memory_space<vmem_shared>>
      %dma_wait3A_51 = arith.constant 0 : i32
      %dma_wait3A_52 = tpu.memref_slice %arg8[%add3A_7, %dma_wait3A_51] : memref<10112x128xf32, #tpu.memory_space<vmem_shared>> -> memref<128x128xf32, #tpu.memory_space<vmem_shared>>
      %dma_wait3A_53 = arith.constant 0 : i32
      %dma_wait3A_54 = arith.constant 0 : i32
      %dma_wait3A_55 = tpu.memref_slice %arg7[%dma_wait3A_53, %dma_wait3A_54] : memref<128x128xf32, #tpu.memory_space<vmem>> -> memref<128x128xf32, #tpu.memory_space<vmem>>
      tpu.wait_dma2 semaphore(%run_scoped3A : memref<!tpu.dma_semaphore, #tpu.memory_space<semaphore_mem>>) src(%dma_wait3A_55 : memref<128x128xf32, #tpu.memory_space<vmem>>) dst(%dma_wait3A_52 : memref<128x128xf32, #tpu.memory_space<vmem_shared>>)
      tpu.yield
    }) : () -> ()
    %add3A_8 = arith.constant 512 : i32
    %add3A_9 = arith.addi %mul3A_0, %add3A_8 : i32
    "tpu.region"() ({
      %run_scoped3A = tpu.sem_alloc : memref<!tpu.dma_semaphore, #tpu.memory_space<semaphore_mem>>
      %dma_start3A = arith.constant 0 : i32
      %dma_start3A_38 = arith.constant 0 : i32
      %dma_start3A_39 = tpu.memref_slice %arg7[%dma_start3A, %dma_start3A_38] : memref<128x128xf32, #tpu.memory_space<vmem>> -> memref<120x128xf32, #tpu.memory_space<vmem>>
      %dma_start3A_40 = arith.constant 0 : i32
      %dma_start3A_41 = tpu.memref_slice %arg8[%add3A_9, %dma_start3A_40] : memref<10112x128xf32, #tpu.memory_space<vmem_shared>> -> memref<120x128xf32, #tpu.memory_space<vmem_shared>>
      %dma_start3A_42 = arith.constant 0 : i32
      %dma_start3A_43 = tpu.memref_slice %arg8[%add3A_9, %dma_start3A_42] : memref<10112x128xf32, #tpu.memory_space<vmem_shared>> -> memref<120x128xf32, #tpu.memory_space<vmem_shared>>
      %dma_start3A_44 = arith.constant 0 : i32
      %dma_start3A_45 = arith.constant 0 : i32
      %dma_start3A_46 = tpu.memref_slice %arg7[%dma_start3A_44, %dma_start3A_45] : memref<128x128xf32, #tpu.memory_space<vmem>> -> memref<120x128xf32, #tpu.memory_space<vmem>>
      tpu.enqueue_dma source(%dma_start3A_46 : memref<120x128xf32, #tpu.memory_space<vmem>>) target(%dma_start3A_43 : memref<120x128xf32, #tpu.memory_space<vmem_shared>>) target_semaphore(%run_scoped3A : memref<!tpu.dma_semaphore, #tpu.memory_space<semaphore_mem>>)
      %dma_wait3A = arith.constant 0 : i32
      %dma_wait3A_47 = arith.constant 0 : i32
      %dma_wait3A_48 = tpu.memref_slice %arg7[%dma_wait3A, %dma_wait3A_47] : memref<128x128xf32, #tpu.memory_space<vmem>> -> memref<120x128xf32, #tpu.memory_space<vmem>>
      %dma_wait3A_49 = arith.constant 0 : i32
      %dma_wait3A_50 = tpu.memref_slice %arg8[%add3A_9, %dma_wait3A_49] : memref<10112x128xf32, #tpu.memory_space<vmem_shared>> -> memref<120x128xf32, #tpu.memory_space<vmem_shared>>
      %dma_wait3A_51 = arith.constant 0 : i32
      %dma_wait3A_52 = tpu.memref_slice %arg8[%add3A_9, %dma_wait3A_51] : memref<10112x128xf32, #tpu.memory_space<vmem_shared>> -> memref<120x128xf32, #tpu.memory_space<vmem_shared>>
      %dma_wait3A_53 = arith.constant 0 : i32
      %dma_wait3A_54 = arith.constant 0 : i32
      %dma_wait3A_55 = tpu.memref_slice %arg7[%dma_wait3A_53, %dma_wait3A_54] : memref<128x128xf32, #tpu.memory_space<vmem>> -> memref<120x128xf32, #tpu.memory_space<vmem>>
      tpu.wait_dma2 semaphore(%run_scoped3A : memref<!tpu.dma_semaphore, #tpu.memory_space<semaphore_mem>>) src(%dma_wait3A_55 : memref<120x128xf32, #tpu.memory_space<vmem>>) dst(%dma_wait3A_52 : memref<120x128xf32, #tpu.memory_space<vmem_shared>>)
      tpu.yield
    }) : () -> ()
    "tpu.region"() ({
      %run_scoped3A = tpu.sem_alloc : memref<!tpu.dma_semaphore, #tpu.memory_space<semaphore_mem>>
      tpu.enqueue_dma source(%arg3 : memref<128x128xf32, #tpu.memory_space<hbm>>) target(%arg7 : memref<128x128xf32, #tpu.memory_space<vmem>>) target_semaphore(%run_scoped3A : memref<!tpu.dma_semaphore, #tpu.memory_space<semaphore_mem>>)
      tpu.wait_dma2 semaphore(%run_scoped3A : memref<!tpu.dma_semaphore, #tpu.memory_space<semaphore_mem>>) src(%arg3 : memref<128x128xf32, #tpu.memory_space<hbm>>) dst(%arg7 : memref<128x128xf32, #tpu.memory_space<vmem>>)
      tpu.yield
    }) : () -> ()
    %mul3A_10 = arith.constant 80 : i32
    %mul3A_11 = arith.muli %arg1, %mul3A_10 : i32
    "tpu.region"() ({
      %run_scoped3A = tpu.sem_alloc : memref<!tpu.dma_semaphore, #tpu.memory_space<semaphore_mem>>
      %dma_start3A = arith.constant 0 : i32
      %dma_start3A_38 = tpu.memref_slice %arg2[%arg0, %mul3A_11, %dma_start3A] : memref<2x1280x128xi32, #tpu.memory_space<hbm>> -> memref<1x80x128xi32, #tpu.memory_space<hbm>>
      %dma_start3A_39 = tpu.memref_squeeze %dma_start3A_38 : memref<1x80x128xi32, #tpu.memory_space<hbm>> -> memref<80x128xi32, #tpu.memory_space<hbm>>
      %dma_start3A_40 = arith.constant 0 : i32
      %dma_start3A_41 = tpu.memref_slice %arg2[%arg0, %mul3A_11, %dma_start3A_40] : memref<2x1280x128xi32, #tpu.memory_space<hbm>> -> memref<1x80x128xi32, #tpu.memory_space<hbm>>
      %dma_start3A_42 = tpu.memref_squeeze %dma_start3A_41 : memref<1x80x128xi32, #tpu.memory_space<hbm>> -> memref<80x128xi32, #tpu.memory_space<hbm>>
      tpu.enqueue_dma source(%dma_start3A_42 : memref<80x128xi32, #tpu.memory_space<hbm>>) target(%arg6 : memref<80x128xi32, #tpu.memory_space<vmem>>) target_semaphore(%run_scoped3A : memref<!tpu.dma_semaphore, #tpu.memory_space<semaphore_mem>>)
      %dma_wait3A = arith.constant 0 : i32
      %dma_wait3A_43 = tpu.memref_slice %arg2[%arg0, %mul3A_11, %dma_wait3A] : memref<2x1280x128xi32, #tpu.memory_space<hbm>> -> memref<1x80x128xi32, #tpu.memory_space<hbm>>
      %dma_wait3A_44 = tpu.memref_squeeze %dma_wait3A_43 : memref<1x80x128xi32, #tpu.memory_space<hbm>> -> memref<80x128xi32, #tpu.memory_space<hbm>>
      %dma_wait3A_45 = arith.constant 0 : i32
      %dma_wait3A_46 = tpu.memref_slice %arg2[%arg0, %mul3A_11, %dma_wait3A_45] : memref<2x1280x128xi32, #tpu.memory_space<hbm>> -> memref<1x80x128xi32, #tpu.memory_space<hbm>>
      %dma_wait3A_47 = tpu.memref_squeeze %dma_wait3A_46 : memref<1x80x128xi32, #tpu.memory_space<hbm>> -> memref<80x128xi32, #tpu.memory_space<hbm>>
      tpu.wait_dma2 semaphore(%run_scoped3A : memref<!tpu.dma_semaphore, #tpu.memory_space<semaphore_mem>>) src(%dma_wait3A_47 : memref<80x128xi32, #tpu.memory_space<hbm>>) dst(%arg6 : memref<80x128xi32, #tpu.memory_space<vmem>>)
      tpu.yield
    }) : () -> ()
    %barrier3A = arith.constant 0 : index
    tpu.barrier barrier_id(%barrier3A)
    %scan3A = arith.constant 0 : i32
    %scan3A_12 = arith.constant 0 : i32
    %scan3A_13 = arith.constant 80 : i32
    %scan3A_14 = arith.addi %scan3A_12, %scan3A_13 : i32
    %scan3A_15 = arith.constant 1 : i32
    scf.for %scan3A_38 = %scan3A_12 to %scan3A_14 step %scan3A_15  : i32 {
      "tpu.region"() ({
        %run_scoped3A = tpu.sem_alloc : memref<!tpu.dma_semaphore, #tpu.memory_space<semaphore_mem>>
        %dma_start3A = arith.constant 0 : i32
        %dma_start3A_39 = tpu.memref_slice %arg6[%scan3A_38, %dma_start3A] : memref<80x128xi32, #tpu.memory_space<vmem>> -> memref<1x128xi32, #tpu.memory_space<vmem>>
        %dma_start3A_40 = tpu.memref_squeeze %dma_start3A_39 : memref<1x128xi32, #tpu.memory_space<vmem>> -> memref<128xi32, #tpu.memory_space<vmem>>
        %dma_start3A_41 = arith.constant 0 : i32
        %dma_start3A_42 = arith.constant 0 : i32
        %dma_start3A_43 = tpu.memref_slice %arg8[%dma_start3A_41, %dma_start3A_42] : memref<10112x128xf32, #tpu.memory_space<vmem_shared>> -> memref<10112x128xf32, #tpu.memory_space<vmem_shared>>
        tpu.enqueue_indirect_dma source(%arg7 : memref<128x128xf32, #tpu.memory_space<vmem>>) target(%dma_start3A_43 : memref<10112x128xf32, #tpu.memory_space<vmem_shared>>) offsets(%dma_start3A_40 : memref<128xi32, #tpu.memory_space<vmem>>) semaphore(%run_scoped3A : memref<!tpu.dma_semaphore, #tpu.memory_space<semaphore_mem>>) {add = true}
        %dma_wait3A = arith.constant 0 : i32
        %dma_wait3A_44 = tpu.memref_slice %arg6[%scan3A_38, %dma_wait3A] : memref<80x128xi32, #tpu.memory_space<vmem>> -> memref<1x128xi32, #tpu.memory_space<vmem>>
        %dma_wait3A_45 = tpu.memref_squeeze %dma_wait3A_44 : memref<1x128xi32, #tpu.memory_space<vmem>> -> memref<128xi32, #tpu.memory_space<vmem>>
        %dma_wait3A_46 = arith.constant 0 : i32
        %dma_wait3A_47 = arith.constant 0 : i32
        %dma_wait3A_48 = tpu.memref_slice %arg8[%dma_wait3A_46, %dma_wait3A_47] : memref<10112x128xf32, #tpu.memory_space<vmem_shared>> -> memref<10112x128xf32, #tpu.memory_space<vmem_shared>>
        tpu.wait_indirect_dma semaphore(%run_scoped3A : memref<!tpu.dma_semaphore, #tpu.memory_space<semaphore_mem>>) src(%arg7 : memref<128x128xf32, #tpu.memory_space<vmem>>) dst(%dma_wait3A_48 : memref<10112x128xf32, #tpu.memory_space<vmem_shared>>)
        tpu.yield
      }) : () -> ()
    }
    %scan3A_16 = arith.constant 80 : i32
    %barrier3A_17 = arith.constant 0 : index
    tpu.barrier barrier_id(%barrier3A_17)
    %add3A_18 = arith.constant 0 : i32
    %add3A_19 = arith.addi %mul3A_0, %add3A_18 : i32
    "tpu.region"() ({
      %run_scoped3A = tpu.sem_alloc : memref<!tpu.dma_semaphore, #tpu.memory_space<semaphore_mem>>
      %dma_start3A = arith.constant 0 : i32
      %dma_start3A_38 = arith.constant 0 : i32
      %dma_start3A_39 = tpu.memref_slice %arg7[%dma_start3A, %dma_start3A_38] : memref<128x128xf32, #tpu.memory_space<vmem>> -> memref<128x128xf32, #tpu.memory_space<vmem>>
      %dma_start3A_40 = arith.constant 0 : i32
      %dma_start3A_41 = tpu.memref_slice %arg8[%add3A_19, %dma_start3A_40] : memref<10112x128xf32, #tpu.memory_space<vmem_shared>> -> memref<128x128xf32, #tpu.memory_space<vmem_shared>>
      %dma_start3A_42 = arith.constant 0 : i32
      %dma_start3A_43 = arith.constant 0 : i32
      %dma_start3A_44 = tpu.memref_slice %arg7[%dma_start3A_42, %dma_start3A_43] : memref<128x128xf32, #tpu.memory_space<vmem>> -> memref<128x128xf32, #tpu.memory_space<vmem>>
      %dma_start3A_45 = arith.constant 0 : i32
      %dma_start3A_46 = tpu.memref_slice %arg8[%add3A_19, %dma_start3A_45] : memref<10112x128xf32, #tpu.memory_space<vmem_shared>> -> memref<128x128xf32, #tpu.memory_space<vmem_shared>>
      tpu.enqueue_dma source(%dma_start3A_46 : memref<128x128xf32, #tpu.memory_space<vmem_shared>>) target(%dma_start3A_44 : memref<128x128xf32, #tpu.memory_space<vmem>>) target_semaphore(%run_scoped3A : memref<!tpu.dma_semaphore, #tpu.memory_space<semaphore_mem>>)
      %dma_wait3A = arith.constant 0 : i32
      %dma_wait3A_47 = arith.constant 0 : i32
      %dma_wait3A_48 = tpu.memref_slice %arg7[%dma_wait3A, %dma_wait3A_47] : memref<128x128xf32, #tpu.memory_space<vmem>> -> memref<128x128xf32, #tpu.memory_space<vmem>>
      %dma_wait3A_49 = arith.constant 0 : i32
      %dma_wait3A_50 = tpu.memref_slice %arg8[%add3A_19, %dma_wait3A_49] : memref<10112x128xf32, #tpu.memory_space<vmem_shared>> -> memref<128x128xf32, #tpu.memory_space<vmem_shared>>
      %dma_wait3A_51 = arith.constant 0 : i32
      %dma_wait3A_52 = arith.constant 0 : i32
      %dma_wait3A_53 = tpu.memref_slice %arg7[%dma_wait3A_51, %dma_wait3A_52] : memref<128x128xf32, #tpu.memory_space<vmem>> -> memref<128x128xf32, #tpu.memory_space<vmem>>
      %dma_wait3A_54 = arith.constant 0 : i32
      %dma_wait3A_55 = tpu.memref_slice %arg8[%add3A_19, %dma_wait3A_54] : memref<10112x128xf32, #tpu.memory_space<vmem_shared>> -> memref<128x128xf32, #tpu.memory_space<vmem_shared>>
      tpu.wait_dma2 semaphore(%run_scoped3A : memref<!tpu.dma_semaphore, #tpu.memory_space<semaphore_mem>>) src(%dma_wait3A_55 : memref<128x128xf32, #tpu.memory_space<vmem_shared>>) dst(%dma_wait3A_53 : memref<128x128xf32, #tpu.memory_space<vmem>>)
      tpu.yield
    }) : () -> ()
    %add3A_20 = arith.constant 0 : i32
    %add3A_21 = arith.addi %mul3A_0, %add3A_20 : i32
    "tpu.region"() ({
      %run_scoped3A = tpu.sem_alloc : memref<!tpu.dma_semaphore, #tpu.memory_space<semaphore_mem>>
      %dma_start3A = arith.constant 0 : i32
      %dma_start3A_38 = arith.constant 0 : i32
      %dma_start3A_39 = tpu.memref_slice %arg7[%dma_start3A, %dma_start3A_38] : memref<128x128xf32, #tpu.memory_space<vmem>> -> memref<128x128xf32, #tpu.memory_space<vmem>>
      %dma_start3A_40 = arith.constant 0 : i32
      %dma_start3A_41 = tpu.memref_slice %arg5[%arg0, %add3A_21, %dma_start3A_40] : memref<2x10112x128xf32, #tpu.memory_space<hbm>> -> memref<1x128x128xf32, #tpu.memory_space<hbm>>
      %dma_start3A_42 = tpu.memref_squeeze %dma_start3A_41 : memref<1x128x128xf32, #tpu.memory_space<hbm>> -> memref<128x128xf32, #tpu.memory_space<hbm>>
      %dma_start3A_43 = arith.constant 0 : i32
      %dma_start3A_44 = tpu.memref_slice %arg5[%arg0, %add3A_21, %dma_start3A_43] : memref<2x10112x128xf32, #tpu.memory_space<hbm>> -> memref<1x128x128xf32, #tpu.memory_space<hbm>>
      %dma_start3A_45 = tpu.memref_squeeze %dma_start3A_44 : memref<1x128x128xf32, #tpu.memory_space<hbm>> -> memref<128x128xf32, #tpu.memory_space<hbm>>
      %dma_start3A_46 = arith.constant 0 : i32
      %dma_start3A_47 = arith.constant 0 : i32
      %dma_start3A_48 = tpu.memref_slice %arg7[%dma_start3A_46, %dma_start3A_47] : memref<128x128xf32, #tpu.memory_space<vmem>> -> memref<128x128xf32, #tpu.memory_space<vmem>>
      tpu.enqueue_dma source(%dma_start3A_48 : memref<128x128xf32, #tpu.memory_space<vmem>>) target(%dma_start3A_45 : memref<128x128xf32, #tpu.memory_space<hbm>>) target_semaphore(%run_scoped3A : memref<!tpu.dma_semaphore, #tpu.memory_space<semaphore_mem>>)
      %dma_wait3A = arith.constant 0 : i32
      %dma_wait3A_49 = arith.constant 0 : i32
      %dma_wait3A_50 = tpu.memref_slice %arg7[%dma_wait3A, %dma_wait3A_49] : memref<128x128xf32, #tpu.memory_space<vmem>> -> memref<128x128xf32, #tpu.memory_space<vmem>>
      %dma_wait3A_51 = arith.constant 0 : i32
      %dma_wait3A_52 = tpu.memref_slice %arg5[%arg0, %add3A_21, %dma_wait3A_51] : memref<2x10112x128xf32, #tpu.memory_space<hbm>> -> memref<1x128x128xf32, #tpu.memory_space<hbm>>
      %dma_wait3A_53 = tpu.memref_squeeze %dma_wait3A_52 : memref<1x128x128xf32, #tpu.memory_space<hbm>> -> memref<128x128xf32, #tpu.memory_space<hbm>>
      %dma_wait3A_54 = arith.constant 0 : i32
      %dma_wait3A_55 = tpu.memref_slice %arg5[%arg0, %add3A_21, %dma_wait3A_54] : memref<2x10112x128xf32, #tpu.memory_space<hbm>> -> memref<1x128x128xf32, #tpu.memory_space<hbm>>
      %dma_wait3A_56 = tpu.memref_squeeze %dma_wait3A_55 : memref<1x128x128xf32, #tpu.memory_space<hbm>> -> memref<128x128xf32, #tpu.memory_space<hbm>>
      %dma_wait3A_57 = arith.constant 0 : i32
      %dma_wait3A_58 = arith.constant 0 : i32
      %dma_wait3A_59 = tpu.memref_slice %arg7[%dma_wait3A_57, %dma_wait3A_58] : memref<128x128xf32, #tpu.memory_space<vmem>> -> memref<128x128xf32, #tpu.memory_space<vmem>>
      tpu.wait_dma2 semaphore(%run_scoped3A : memref<!tpu.dma_semaphore, #tpu.memory_space<semaphore_mem>>) src(%dma_wait3A_59 : memref<128x128xf32, #tpu.memory_space<vmem>>) dst(%dma_wait3A_56 : memref<128x128xf32, #tpu.memory_space<hbm>>)
      tpu.yield
    }) : () -> ()
    %add3A_22 = arith.constant 128 : i32
    %add3A_23 = arith.addi %mul3A_0, %add3A_22 : i32
    "tpu.region"() ({
      %run_scoped3A = tpu.sem_alloc : memref<!tpu.dma_semaphore, #tpu.memory_space<semaphore_mem>>
      %dma_start3A = arith.constant 0 : i32
      %dma_start3A_38 = arith.constant 0 : i32
      %dma_start3A_39 = tpu.memref_slice %arg7[%dma_start3A, %dma_start3A_38] : memref<128x128xf32, #tpu.memory_space<vmem>> -> memref<128x128xf32, #tpu.memory_space<vmem>>
      %dma_start3A_40 = arith.constant 0 : i32
      %dma_start3A_41 = tpu.memref_slice %arg8[%add3A_23, %dma_start3A_40] : memref<10112x128xf32, #tpu.memory_space<vmem_shared>> -> memref<128x128xf32, #tpu.memory_space<vmem_shared>>
      %dma_start3A_42 = arith.constant 0 : i32
      %dma_start3A_43 = arith.constant 0 : i32
      %dma_start3A_44 = tpu.memref_slice %arg7[%dma_start3A_42, %dma_start3A_43] : memref<128x128xf32, #tpu.memory_space<vmem>> -> memref<128x128xf32, #tpu.memory_space<vmem>>
      %dma_start3A_45 = arith.constant 0 : i32
      %dma_start3A_46 = tpu.memref_slice %arg8[%add3A_23, %dma_start3A_45] : memref<10112x128xf32, #tpu.memory_space<vmem_shared>> -> memref<128x128xf32, #tpu.memory_space<vmem_shared>>
      tpu.enqueue_dma source(%dma_start3A_46 : memref<128x128xf32, #tpu.memory_space<vmem_shared>>) target(%dma_start3A_44 : memref<128x128xf32, #tpu.memory_space<vmem>>) target_semaphore(%run_scoped3A : memref<!tpu.dma_semaphore, #tpu.memory_space<semaphore_mem>>)
      %dma_wait3A = arith.constant 0 : i32
      %dma_wait3A_47 = arith.constant 0 : i32
      %dma_wait3A_48 = tpu.memref_slice %arg7[%dma_wait3A, %dma_wait3A_47] : memref<128x128xf32, #tpu.memory_space<vmem>> -> memref<128x128xf32, #tpu.memory_space<vmem>>
      %dma_wait3A_49 = arith.constant 0 : i32
      %dma_wait3A_50 = tpu.memref_slice %arg8[%add3A_23, %dma_wait3A_49] : memref<10112x128xf32, #tpu.memory_space<vmem_shared>> -> memref<128x128xf32, #tpu.memory_space<vmem_shared>>
      %dma_wait3A_51 = arith.constant 0 : i32
      %dma_wait3A_52 = arith.constant 0 : i32
      %dma_wait3A_53 = tpu.memref_slice %arg7[%dma_wait3A_51, %dma_wait3A_52] : memref<128x128xf32, #tpu.memory_space<vmem>> -> memref<128x128xf32, #tpu.memory_space<vmem>>
      %dma_wait3A_54 = arith.constant 0 : i32
      %dma_wait3A_55 = tpu.memref_slice %arg8[%add3A_23, %dma_wait3A_54] : memref<10112x128xf32, #tpu.memory_space<vmem_shared>> -> memref<128x128xf32, #tpu.memory_space<vmem_shared>>
      tpu.wait_dma2 semaphore(%run_scoped3A : memref<!tpu.dma_semaphore, #tpu.memory_space<semaphore_mem>>) src(%dma_wait3A_55 : memref<128x128xf32, #tpu.memory_space<vmem_shared>>) dst(%dma_wait3A_53 : memref<128x128xf32, #tpu.memory_space<vmem>>)
      tpu.yield
    }) : () -> ()
    %add3A_24 = arith.constant 128 : i32
    %add3A_25 = arith.addi %mul3A_0, %add3A_24 : i32
    "tpu.region"() ({
      %run_scoped3A = tpu.sem_alloc : memref<!tpu.dma_semaphore, #tpu.memory_space<semaphore_mem>>
      %dma_start3A = arith.constant 0 : i32
      %dma_start3A_38 = arith.constant 0 : i32
      %dma_start3A_39 = tpu.memref_slice %arg7[%dma_start3A, %dma_start3A_38] : memref<128x128xf32, #tpu.memory_space<vmem>> -> memref<128x128xf32, #tpu.memory_space<vmem>>
      %dma_start3A_40 = arith.constant 0 : i32
      %dma_start3A_41 = tpu.memref_slice %arg5[%arg0, %add3A_25, %dma_start3A_40] : memref<2x10112x128xf32, #tpu.memory_space<hbm>> -> memref<1x128x128xf32, #tpu.memory_space<hbm>>
      %dma_start3A_42 = tpu.memref_squeeze %dma_start3A_41 : memref<1x128x128xf32, #tpu.memory_space<hbm>> -> memref<128x128xf32, #tpu.memory_space<hbm>>
      %dma_start3A_43 = arith.constant 0 : i32
      %dma_start3A_44 = tpu.memref_slice %arg5[%arg0, %add3A_25, %dma_start3A_43] : memref<2x10112x128xf32, #tpu.memory_space<hbm>> -> memref<1x128x128xf32, #tpu.memory_space<hbm>>
      %dma_start3A_45 = tpu.memref_squeeze %dma_start3A_44 : memref<1x128x128xf32, #tpu.memory_space<hbm>> -> memref<128x128xf32, #tpu.memory_space<hbm>>
      %dma_start3A_46 = arith.constant 0 : i32
      %dma_start3A_47 = arith.constant 0 : i32
      %dma_start3A_48 = tpu.memref_slice %arg7[%dma_start3A_46, %dma_start3A_47] : memref<128x128xf32, #tpu.memory_space<vmem>> -> memref<128x128xf32, #tpu.memory_space<vmem>>
      tpu.enqueue_dma source(%dma_start3A_48 : memref<128x128xf32, #tpu.memory_space<vmem>>) target(%dma_start3A_45 : memref<128x128xf32, #tpu.memory_space<hbm>>) target_semaphore(%run_scoped3A : memref<!tpu.dma_semaphore, #tpu.memory_space<semaphore_mem>>)
      %dma_wait3A = arith.constant 0 : i32
      %dma_wait3A_49 = arith.constant 0 : i32
      %dma_wait3A_50 = tpu.memref_slice %arg7[%dma_wait3A, %dma_wait3A_49] : memref<128x128xf32, #tpu.memory_space<vmem>> -> memref<128x128xf32, #tpu.memory_space<vmem>>
      %dma_wait3A_51 = arith.constant 0 : i32
      %dma_wait3A_52 = tpu.memref_slice %arg5[%arg0, %add3A_25, %dma_wait3A_51] : memref<2x10112x128xf32, #tpu.memory_space<hbm>> -> memref<1x128x128xf32, #tpu.memory_space<hbm>>
      %dma_wait3A_53 = tpu.memref_squeeze %dma_wait3A_52 : memref<1x128x128xf32, #tpu.memory_space<hbm>> -> memref<128x128xf32, #tpu.memory_space<hbm>>
      %dma_wait3A_54 = arith.constant 0 : i32
      %dma_wait3A_55 = tpu.memref_slice %arg5[%arg0, %add3A_25, %dma_wait3A_54] : memref<2x10112x128xf32, #tpu.memory_space<hbm>> -> memref<1x128x128xf32, #tpu.memory_space<hbm>>
      %dma_wait3A_56 = tpu.memref_squeeze %dma_wait3A_55 : memref<1x128x128xf32, #tpu.memory_space<hbm>> -> memref<128x128xf32, #tpu.memory_space<hbm>>
      %dma_wait3A_57 = arith.constant 0 : i32
      %dma_wait3A_58 = arith.constant 0 : i32
      %dma_wait3A_59 = tpu.memref_slice %arg7[%dma_wait3A_57, %dma_wait3A_58] : memref<128x128xf32, #tpu.memory_space<vmem>> -> memref<128x128xf32, #tpu.memory_space<vmem>>
      tpu.wait_dma2 semaphore(%run_scoped3A : memref<!tpu.dma_semaphore, #tpu.memory_space<semaphore_mem>>) src(%dma_wait3A_59 : memref<128x128xf32, #tpu.memory_space<vmem>>) dst(%dma_wait3A_56 : memref<128x128xf32, #tpu.memory_space<hbm>>)
      tpu.yield
    }) : () -> ()
    %add3A_26 = arith.constant 256 : i32
    %add3A_27 = arith.addi %mul3A_0, %add3A_26 : i32
    "tpu.region"() ({
      %run_scoped3A = tpu.sem_alloc : memref<!tpu.dma_semaphore, #tpu.memory_space<semaphore_mem>>
      %dma_start3A = arith.constant 0 : i32
      %dma_start3A_38 = arith.constant 0 : i32
      %dma_start3A_39 = tpu.memref_slice %arg7[%dma_start3A, %dma_start3A_38] : memref<128x128xf32, #tpu.memory_space<vmem>> -> memref<128x128xf32, #tpu.memory_space<vmem>>
      %dma_start3A_40 = arith.constant 0 : i32
      %dma_start3A_41 = tpu.memref_slice %arg8[%add3A_27, %dma_start3A_40] : memref<10112x128xf32, #tpu.memory_space<vmem_shared>> -> memref<128x128xf32, #tpu.memory_space<vmem_shared>>
      %dma_start3A_42 = arith.constant 0 : i32
      %dma_start3A_43 = arith.constant 0 : i32
      %dma_start3A_44 = tpu.memref_slice %arg7[%dma_start3A_42, %dma_start3A_43] : memref<128x128xf32, #tpu.memory_space<vmem>> -> memref<128x128xf32, #tpu.memory_space<vmem>>
      %dma_start3A_45 = arith.constant 0 : i32
      %dma_start3A_46 = tpu.memref_slice %arg8[%add3A_27, %dma_start3A_45] : memref<10112x128xf32, #tpu.memory_space<vmem_shared>> -> memref<128x128xf32, #tpu.memory_space<vmem_shared>>
      tpu.enqueue_dma source(%dma_start3A_46 : memref<128x128xf32, #tpu.memory_space<vmem_shared>>) target(%dma_start3A_44 : memref<128x128xf32, #tpu.memory_space<vmem>>) target_semaphore(%run_scoped3A : memref<!tpu.dma_semaphore, #tpu.memory_space<semaphore_mem>>)
      %dma_wait3A = arith.constant 0 : i32
      %dma_wait3A_47 = arith.constant 0 : i32
      %dma_wait3A_48 = tpu.memref_slice %arg7[%dma_wait3A, %dma_wait3A_47] : memref<128x128xf32, #tpu.memory_space<vmem>> -> memref<128x128xf32, #tpu.memory_space<vmem>>
      %dma_wait3A_49 = arith.constant 0 : i32
      %dma_wait3A_50 = tpu.memref_slice %arg8[%add3A_27, %dma_wait3A_49] : memref<10112x128xf32, #tpu.memory_space<vmem_shared>> -> memref<128x128xf32, #tpu.memory_space<vmem_shared>>
      %dma_wait3A_51 = arith.constant 0 : i32
      %dma_wait3A_52 = arith.constant 0 : i32
      %dma_wait3A_53 = tpu.memref_slice %arg7[%dma_wait3A_51, %dma_wait3A_52] : memref<128x128xf32, #tpu.memory_space<vmem>> -> memref<128x128xf32, #tpu.memory_space<vmem>>
      %dma_wait3A_54 = arith.constant 0 : i32
      %dma_wait3A_55 = tpu.memref_slice %arg8[%add3A_27, %dma_wait3A_54] : memref<10112x128xf32, #tpu.memory_space<vmem_shared>> -> memref<128x128xf32, #tpu.memory_space<vmem_shared>>
      tpu.wait_dma2 semaphore(%run_scoped3A : memref<!tpu.dma_semaphore, #tpu.memory_space<semaphore_mem>>) src(%dma_wait3A_55 : memref<128x128xf32, #tpu.memory_space<vmem_shared>>) dst(%dma_wait3A_53 : memref<128x128xf32, #tpu.memory_space<vmem>>)
      tpu.yield
    }) : () -> ()
    %add3A_28 = arith.constant 256 : i32
    %add3A_29 = arith.addi %mul3A_0, %add3A_28 : i32
    "tpu.region"() ({
      %run_scoped3A = tpu.sem_alloc : memref<!tpu.dma_semaphore, #tpu.memory_space<semaphore_mem>>
      %dma_start3A = arith.constant 0 : i32
      %dma_start3A_38 = arith.constant 0 : i32
      %dma_start3A_39 = tpu.memref_slice %arg7[%dma_start3A, %dma_start3A_38] : memref<128x128xf32, #tpu.memory_space<vmem>> -> memref<128x128xf32, #tpu.memory_space<vmem>>
      %dma_start3A_40 = arith.constant 0 : i32
      %dma_start3A_41 = tpu.memref_slice %arg5[%arg0, %add3A_29, %dma_start3A_40] : memref<2x10112x128xf32, #tpu.memory_space<hbm>> -> memref<1x128x128xf32, #tpu.memory_space<hbm>>
      %dma_start3A_42 = tpu.memref_squeeze %dma_start3A_41 : memref<1x128x128xf32, #tpu.memory_space<hbm>> -> memref<128x128xf32, #tpu.memory_space<hbm>>
      %dma_start3A_43 = arith.constant 0 : i32
      %dma_start3A_44 = tpu.memref_slice %arg5[%arg0, %add3A_29, %dma_start3A_43] : memref<2x10112x128xf32, #tpu.memory_space<hbm>> -> memref<1x128x128xf32, #tpu.memory_space<hbm>>
      %dma_start3A_45 = tpu.memref_squeeze %dma_start3A_44 : memref<1x128x128xf32, #tpu.memory_space<hbm>> -> memref<128x128xf32, #tpu.memory_space<hbm>>
      %dma_start3A_46 = arith.constant 0 : i32
      %dma_start3A_47 = arith.constant 0 : i32
      %dma_start3A_48 = tpu.memref_slice %arg7[%dma_start3A_46, %dma_start3A_47] : memref<128x128xf32, #tpu.memory_space<vmem>> -> memref<128x128xf32, #tpu.memory_space<vmem>>
      tpu.enqueue_dma source(%dma_start3A_48 : memref<128x128xf32, #tpu.memory_space<vmem>>) target(%dma_start3A_45 : memref<128x128xf32, #tpu.memory_space<hbm>>) target_semaphore(%run_scoped3A : memref<!tpu.dma_semaphore, #tpu.memory_space<semaphore_mem>>)
      %dma_wait3A = arith.constant 0 : i32
      %dma_wait3A_49 = arith.constant 0 : i32
      %dma_wait3A_50 = tpu.memref_slice %arg7[%dma_wait3A, %dma_wait3A_49] : memref<128x128xf32, #tpu.memory_space<vmem>> -> memref<128x128xf32, #tpu.memory_space<vmem>>
      %dma_wait3A_51 = arith.constant 0 : i32
      %dma_wait3A_52 = tpu.memref_slice %arg5[%arg0, %add3A_29, %dma_wait3A_51] : memref<2x10112x128xf32, #tpu.memory_space<hbm>> -> memref<1x128x128xf32, #tpu.memory_space<hbm>>
      %dma_wait3A_53 = tpu.memref_squeeze %dma_wait3A_52 : memref<1x128x128xf32, #tpu.memory_space<hbm>> -> memref<128x128xf32, #tpu.memory_space<hbm>>
      %dma_wait3A_54 = arith.constant 0 : i32
      %dma_wait3A_55 = tpu.memref_slice %arg5[%arg0, %add3A_29, %dma_wait3A_54] : memref<2x10112x128xf32, #tpu.memory_space<hbm>> -> memref<1x128x128xf32, #tpu.memory_space<hbm>>
      %dma_wait3A_56 = tpu.memref_squeeze %dma_wait3A_55 : memref<1x128x128xf32, #tpu.memory_space<hbm>> -> memref<128x128xf32, #tpu.memory_space<hbm>>
      %dma_wait3A_57 = arith.constant 0 : i32
      %dma_wait3A_58 = arith.constant 0 : i32
      %dma_wait3A_59 = tpu.memref_slice %arg7[%dma_wait3A_57, %dma_wait3A_58] : memref<128x128xf32, #tpu.memory_space<vmem>> -> memref<128x128xf32, #tpu.memory_space<vmem>>
      tpu.wait_dma2 semaphore(%run_scoped3A : memref<!tpu.dma_semaphore, #tpu.memory_space<semaphore_mem>>) src(%dma_wait3A_59 : memref<128x128xf32, #tpu.memory_space<vmem>>) dst(%dma_wait3A_56 : memref<128x128xf32, #tpu.memory_space<hbm>>)
      tpu.yield
    }) : () -> ()
    %add3A_30 = arith.constant 384 : i32
    %add3A_31 = arith.addi %mul3A_0, %add3A_30 : i32
    "tpu.region"() ({
      %run_scoped3A = tpu.sem_alloc : memref<!tpu.dma_semaphore, #tpu.memory_space<semaphore_mem>>
      %dma_start3A = arith.constant 0 : i32
      %dma_start3A_38 = arith.constant 0 : i32
      %dma_start3A_39 = tpu.memref_slice %arg7[%dma_start3A, %dma_start3A_38] : memref<128x128xf32, #tpu.memory_space<vmem>> -> memref<128x128xf32, #tpu.memory_space<vmem>>
      %dma_start3A_40 = arith.constant 0 : i32
      %dma_start3A_41 = tpu.memref_slice %arg8[%add3A_31, %dma_start3A_40] : memref<10112x128xf32, #tpu.memory_space<vmem_shared>> -> memref<128x128xf32, #tpu.memory_space<vmem_shared>>
      %dma_start3A_42 = arith.constant 0 : i32
      %dma_start3A_43 = arith.constant 0 : i32
      %dma_start3A_44 = tpu.memref_slice %arg7[%dma_start3A_42, %dma_start3A_43] : memref<128x128xf32, #tpu.memory_space<vmem>> -> memref<128x128xf32, #tpu.memory_space<vmem>>
      %dma_start3A_45 = arith.constant 0 : i32
      %dma_start3A_46 = tpu.memref_slice %arg8[%add3A_31, %dma_start3A_45] : memref<10112x128xf32, #tpu.memory_space<vmem_shared>> -> memref<128x128xf32, #tpu.memory_space<vmem_shared>>
      tpu.enqueue_dma source(%dma_start3A_46 : memref<128x128xf32, #tpu.memory_space<vmem_shared>>) target(%dma_start3A_44 : memref<128x128xf32, #tpu.memory_space<vmem>>) target_semaphore(%run_scoped3A : memref<!tpu.dma_semaphore, #tpu.memory_space<semaphore_mem>>)
      %dma_wait3A = arith.constant 0 : i32
      %dma_wait3A_47 = arith.constant 0 : i32
      %dma_wait3A_48 = tpu.memref_slice %arg7[%dma_wait3A, %dma_wait3A_47] : memref<128x128xf32, #tpu.memory_space<vmem>> -> memref<128x128xf32, #tpu.memory_space<vmem>>
      %dma_wait3A_49 = arith.constant 0 : i32
      %dma_wait3A_50 = tpu.memref_slice %arg8[%add3A_31, %dma_wait3A_49] : memref<10112x128xf32, #tpu.memory_space<vmem_shared>> -> memref<128x128xf32, #tpu.memory_space<vmem_shared>>
      %dma_wait3A_51 = arith.constant 0 : i32
      %dma_wait3A_52 = arith.constant 0 : i32
      %dma_wait3A_53 = tpu.memref_slice %arg7[%dma_wait3A_51, %dma_wait3A_52] : memref<128x128xf32, #tpu.memory_space<vmem>> -> memref<128x128xf32, #tpu.memory_space<vmem>>
      %dma_wait3A_54 = arith.constant 0 : i32
      %dma_wait3A_55 = tpu.memref_slice %arg8[%add3A_31, %dma_wait3A_54] : memref<10112x128xf32, #tpu.memory_space<vmem_shared>> -> memref<128x128xf32, #tpu.memory_space<vmem_shared>>
      tpu.wait_dma2 semaphore(%run_scoped3A : memref<!tpu.dma_semaphore, #tpu.memory_space<semaphore_mem>>) src(%dma_wait3A_55 : memref<128x128xf32, #tpu.memory_space<vmem_shared>>) dst(%dma_wait3A_53 : memref<128x128xf32, #tpu.memory_space<vmem>>)
      tpu.yield
    }) : () -> ()
    %add3A_32 = arith.constant 384 : i32
    %add3A_33 = arith.addi %mul3A_0, %add3A_32 : i32
    "tpu.region"() ({
      %run_scoped3A = tpu.sem_alloc : memref<!tpu.dma_semaphore, #tpu.memory_space<semaphore_mem>>
      %dma_start3A = arith.constant 0 : i32
      %dma_start3A_38 = arith.constant 0 : i32
      %dma_start3A_39 = tpu.memref_slice %arg7[%dma_start3A, %dma_start3A_38] : memref<128x128xf32, #tpu.memory_space<vmem>> -> memref<128x128xf32, #tpu.memory_space<vmem>>
      %dma_start3A_40 = arith.constant 0 : i32
      %dma_start3A_41 = tpu.memref_slice %arg5[%arg0, %add3A_33, %dma_start3A_40] : memref<2x10112x128xf32, #tpu.memory_space<hbm>> -> memref<1x128x128xf32, #tpu.memory_space<hbm>>
      %dma_start3A_42 = tpu.memref_squeeze %dma_start3A_41 : memref<1x128x128xf32, #tpu.memory_space<hbm>> -> memref<128x128xf32, #tpu.memory_space<hbm>>
      %dma_start3A_43 = arith.constant 0 : i32
      %dma_start3A_44 = tpu.memref_slice %arg5[%arg0, %add3A_33, %dma_start3A_43] : memref<2x10112x128xf32, #tpu.memory_space<hbm>> -> memref<1x128x128xf32, #tpu.memory_space<hbm>>
      %dma_start3A_45 = tpu.memref_squeeze %dma_start3A_44 : memref<1x128x128xf32, #tpu.memory_space<hbm>> -> memref<128x128xf32, #tpu.memory_space<hbm>>
      %dma_start3A_46 = arith.constant 0 : i32
      %dma_start3A_47 = arith.constant 0 : i32
      %dma_start3A_48 = tpu.memref_slice %arg7[%dma_start3A_46, %dma_start3A_47] : memref<128x128xf32, #tpu.memory_space<vmem>> -> memref<128x128xf32, #tpu.memory_space<vmem>>
      tpu.enqueue_dma source(%dma_start3A_48 : memref<128x128xf32, #tpu.memory_space<vmem>>) target(%dma_start3A_45 : memref<128x128xf32, #tpu.memory_space<hbm>>) target_semaphore(%run_scoped3A : memref<!tpu.dma_semaphore, #tpu.memory_space<semaphore_mem>>)
      %dma_wait3A = arith.constant 0 : i32
      %dma_wait3A_49 = arith.constant 0 : i32
      %dma_wait3A_50 = tpu.memref_slice %arg7[%dma_wait3A, %dma_wait3A_49] : memref<128x128xf32, #tpu.memory_space<vmem>> -> memref<128x128xf32, #tpu.memory_space<vmem>>
      %dma_wait3A_51 = arith.constant 0 : i32
      %dma_wait3A_52 = tpu.memref_slice %arg5[%arg0, %add3A_33, %dma_wait3A_51] : memref<2x10112x128xf32, #tpu.memory_space<hbm>> -> memref<1x128x128xf32, #tpu.memory_space<hbm>>
      %dma_wait3A_53 = tpu.memref_squeeze %dma_wait3A_52 : memref<1x128x128xf32, #tpu.memory_space<hbm>> -> memref<128x128xf32, #tpu.memory_space<hbm>>
      %dma_wait3A_54 = arith.constant 0 : i32
      %dma_wait3A_55 = tpu.memref_slice %arg5[%arg0, %add3A_33, %dma_wait3A_54] : memref<2x10112x128xf32, #tpu.memory_space<hbm>> -> memref<1x128x128xf32, #tpu.memory_space<hbm>>
      %dma_wait3A_56 = tpu.memref_squeeze %dma_wait3A_55 : memref<1x128x128xf32, #tpu.memory_space<hbm>> -> memref<128x128xf32, #tpu.memory_space<hbm>>
      %dma_wait3A_57 = arith.constant 0 : i32
      %dma_wait3A_58 = arith.constant 0 : i32
      %dma_wait3A_59 = tpu.memref_slice %arg7[%dma_wait3A_57, %dma_wait3A_58] : memref<128x128xf32, #tpu.memory_space<vmem>> -> memref<128x128xf32, #tpu.memory_space<vmem>>
      tpu.wait_dma2 semaphore(%run_scoped3A : memref<!tpu.dma_semaphore, #tpu.memory_space<semaphore_mem>>) src(%dma_wait3A_59 : memref<128x128xf32, #tpu.memory_space<vmem>>) dst(%dma_wait3A_56 : memref<128x128xf32, #tpu.memory_space<hbm>>)
      tpu.yield
    }) : () -> ()
    %add3A_34 = arith.constant 512 : i32
    %add3A_35 = arith.addi %mul3A_0, %add3A_34 : i32
    "tpu.region"() ({
      %run_scoped3A = tpu.sem_alloc : memref<!tpu.dma_semaphore, #tpu.memory_space<semaphore_mem>>
      %dma_start3A = arith.constant 0 : i32
      %dma_start3A_38 = arith.constant 0 : i32
      %dma_start3A_39 = tpu.memref_slice %arg7[%dma_start3A, %dma_start3A_38] : memref<128x128xf32, #tpu.memory_space<vmem>> -> memref<120x128xf32, #tpu.memory_space<vmem>>
      %dma_start3A_40 = arith.constant 0 : i32
      %dma_start3A_41 = tpu.memref_slice %arg8[%add3A_35, %dma_start3A_40] : memref<10112x128xf32, #tpu.memory_space<vmem_shared>> -> memref<120x128xf32, #tpu.memory_space<vmem_shared>>
      %dma_start3A_42 = arith.constant 0 : i32
      %dma_start3A_43 = arith.constant 0 : i32
      %dma_start3A_44 = tpu.memref_slice %arg7[%dma_start3A_42, %dma_start3A_43] : memref<128x128xf32, #tpu.memory_space<vmem>> -> memref<120x128xf32, #tpu.memory_space<vmem>>
      %dma_start3A_45 = arith.constant 0 : i32
      %dma_start3A_46 = tpu.memref_slice %arg8[%add3A_35, %dma_start3A_45] : memref<10112x128xf32, #tpu.memory_space<vmem_shared>> -> memref<120x128xf32, #tpu.memory_space<vmem_shared>>
      tpu.enqueue_dma source(%dma_start3A_46 : memref<120x128xf32, #tpu.memory_space<vmem_shared>>) target(%dma_start3A_44 : memref<120x128xf32, #tpu.memory_space<vmem>>) target_semaphore(%run_scoped3A : memref<!tpu.dma_semaphore, #tpu.memory_space<semaphore_mem>>)
      %dma_wait3A = arith.constant 0 : i32
      %dma_wait3A_47 = arith.constant 0 : i32
      %dma_wait3A_48 = tpu.memref_slice %arg7[%dma_wait3A, %dma_wait3A_47] : memref<128x128xf32, #tpu.memory_space<vmem>> -> memref<120x128xf32, #tpu.memory_space<vmem>>
      %dma_wait3A_49 = arith.constant 0 : i32
      %dma_wait3A_50 = tpu.memref_slice %arg8[%add3A_35, %dma_wait3A_49] : memref<10112x128xf32, #tpu.memory_space<vmem_shared>> -> memref<120x128xf32, #tpu.memory_space<vmem_shared>>
      %dma_wait3A_51 = arith.constant 0 : i32
      %dma_wait3A_52 = arith.constant 0 : i32
      %dma_wait3A_53 = tpu.memref_slice %arg7[%dma_wait3A_51, %dma_wait3A_52] : memref<128x128xf32, #tpu.memory_space<vmem>> -> memref<120x128xf32, #tpu.memory_space<vmem>>
      %dma_wait3A_54 = arith.constant 0 : i32
      %dma_wait3A_55 = tpu.memref_slice %arg8[%add3A_35, %dma_wait3A_54] : memref<10112x128xf32, #tpu.memory_space<vmem_shared>> -> memref<120x128xf32, #tpu.memory_space<vmem_shared>>
      tpu.wait_dma2 semaphore(%run_scoped3A : memref<!tpu.dma_semaphore, #tpu.memory_space<semaphore_mem>>) src(%dma_wait3A_55 : memref<120x128xf32, #tpu.memory_space<vmem_shared>>) dst(%dma_wait3A_53 : memref<120x128xf32, #tpu.memory_space<vmem>>)
      tpu.yield
    }) : () -> ()
    %add3A_36 = arith.constant 512 : i32
    %add3A_37 = arith.addi %mul3A_0, %add3A_36 : i32
    "tpu.region"() ({
      %run_scoped3A = tpu.sem_alloc : memref<!tpu.dma_semaphore, #tpu.memory_space<semaphore_mem>>
      %dma_start3A = arith.constant 0 : i32
      %dma_start3A_38 = arith.constant 0 : i32
      %dma_start3A_39 = tpu.memref_slice %arg7[%dma_start3A, %dma_start3A_38] : memref<128x128xf32, #tpu.memory_space<vmem>> -> memref<120x128xf32, #tpu.memory_space<vmem>>
      %dma_start3A_40 = arith.constant 0 : i32
      %dma_start3A_41 = tpu.memref_slice %arg5[%arg0, %add3A_37, %dma_start3A_40] : memref<2x10112x128xf32, #tpu.memory_space<hbm>> -> memref<1x120x128xf32, #tpu.memory_space<hbm>>
      %dma_start3A_42 = tpu.memref_squeeze %dma_start3A_41 : memref<1x120x128xf32, #tpu.memory_space<hbm>> -> memref<120x128xf32, #tpu.memory_space<hbm>>
      %dma_start3A_43 = arith.constant 0 : i32
      %dma_start3A_44 = tpu.memref_slice %arg5[%arg0, %add3A_37, %dma_start3A_43] : memref<2x10112x128xf32, #tpu.memory_space<hbm>> -> memref<1x120x128xf32, #tpu.memory_space<hbm>>
      %dma_start3A_45 = tpu.memref_squeeze %dma_start3A_44 : memref<1x120x128xf32, #tpu.memory_space<hbm>> -> memref<120x128xf32, #tpu.memory_space<hbm>>
      %dma_start3A_46 = arith.constant 0 : i32
      %dma_start3A_47 = arith.constant 0 : i32
      %dma_start3A_48 = tpu.memref_slice %arg7[%dma_start3A_46, %dma_start3A_47] : memref<128x128xf32, #tpu.memory_space<vmem>> -> memref<120x128xf32, #tpu.memory_space<vmem>>
      tpu.enqueue_dma source(%dma_start3A_48 : memref<120x128xf32, #tpu.memory_space<vmem>>) target(%dma_start3A_45 : memref<120x128xf32, #tpu.memory_space<hbm>>) target_semaphore(%run_scoped3A : memref<!tpu.dma_semaphore, #tpu.memory_space<semaphore_mem>>)
      %dma_wait3A = arith.constant 0 : i32
      %dma_wait3A_49 = arith.constant 0 : i32
      %dma_wait3A_50 = tpu.memref_slice %arg7[%dma_wait3A, %dma_wait3A_49] : memref<128x128xf32, #tpu.memory_space<vmem>> -> memref<120x128xf32, #tpu.memory_space<vmem>>
      %dma_wait3A_51 = arith.constant 0 : i32
      %dma_wait3A_52 = tpu.memref_slice %arg5[%arg0, %add3A_37, %dma_wait3A_51] : memref<2x10112x128xf32, #tpu.memory_space<hbm>> -> memref<1x120x128xf32, #tpu.memory_space<hbm>>
      %dma_wait3A_53 = tpu.memref_squeeze %dma_wait3A_52 : memref<1x120x128xf32, #tpu.memory_space<hbm>> -> memref<120x128xf32, #tpu.memory_space<hbm>>
      %dma_wait3A_54 = arith.constant 0 : i32
      %dma_wait3A_55 = tpu.memref_slice %arg5[%arg0, %add3A_37, %dma_wait3A_54] : memref<2x10112x128xf32, #tpu.memory_space<hbm>> -> memref<1x120x128xf32, #tpu.memory_space<hbm>>
      %dma_wait3A_56 = tpu.memref_squeeze %dma_wait3A_55 : memref<1x120x128xf32, #tpu.memory_space<hbm>> -> memref<120x128xf32, #tpu.memory_space<hbm>>
      %dma_wait3A_57 = arith.constant 0 : i32
      %dma_wait3A_58 = arith.constant 0 : i32
      %dma_wait3A_59 = tpu.memref_slice %arg7[%dma_wait3A_57, %dma_wait3A_58] : memref<128x128xf32, #tpu.memory_space<vmem>> -> memref<120x128xf32, #tpu.memory_space<vmem>>
      tpu.wait_dma2 semaphore(%run_scoped3A : memref<!tpu.dma_semaphore, #tpu.memory_space<semaphore_mem>>) src(%dma_wait3A_59 : memref<120x128xf32, #tpu.memory_space<vmem>>) dst(%dma_wait3A_56 : memref<120x128xf32, #tpu.memory_space<hbm>>)
      tpu.yield
    }) : () -> ()
    return
  }
}

#map = affine_map<(d0, d1) -> (0, 0, 0)>
#map1 = affine_map<(d0, d1) -> (0)>
#map2 = affine_map<(d0, d1) -> (0, 0)>
module attributes {stable_mosaic.version = 14 : i64} {
  func.func @_sc_relw_body(%arg0: i32, %arg1: i32, %arg2: memref<2x1280x128xi32, #tpu.memory_space<hbm>>, %arg3: memref<2x1280x128xi32, #tpu.memory_space<hbm>>, %arg4: memref<2x1280x128xi32, #tpu.memory_space<hbm>>, %arg5: memref<20224xf32, #tpu.memory_space<hbm>>, %arg6: memref<128x128xf32, #tpu.memory_space<hbm>>, %arg7: memref<2x10240x128xf32, #tpu.memory_space<hbm>>, %arg8: memref<80x128xi32, #tpu.memory_space<vmem>>, %arg9: memref<80x128xi32, #tpu.memory_space<vmem>>, %arg10: memref<80x128xi32, #tpu.memory_space<vmem>>, %arg11: memref<20224xf32, #tpu.memory_space<vmem>>, %arg12: memref<128x128xf32, #tpu.memory_space<vmem>>, %arg13: memref<1x128xi32, #tpu.memory_space<vmem>>, %arg14: memref<5120x128xf32, #tpu.memory_space<vmem_shared>>) attributes {dimension_semantics = [#tpu.dimension_semantics<core_parallel>, #tpu.dimension_semantics<subcore_parallel>], iteration_bounds = array<i64: 2, 16>, scalar_prefetch = 0 : i64, scratch_operands = 7 : i64, tpu.core_type = #tpu.core_type<sc_vector_subcore>, window_params = [{transform_indices = #map}, {transform_indices = #map}, {transform_indices = #map}, {transform_indices = #map1}, {transform_indices = #map2}, {transform_indices = #map}]} {
    %mul3A = arith.constant 320 : i32
    %mul3A_0 = arith.muli %arg1, %mul3A : i32
    %mul3A_1 = arith.constant 80 : i32
    %mul3A_2 = arith.muli %arg1, %mul3A_1 : i32
    "tpu.region"() ({
      %run_scoped3A = tpu.sem_alloc : memref<!tpu.dma_semaphore, #tpu.memory_space<semaphore_mem>>
      %dma_start3A = arith.constant 0 : i32
      %dma_start3A_71 = tpu.memref_slice %arg2[%arg0, %mul3A_2, %dma_start3A] : memref<2x1280x128xi32, #tpu.memory_space<hbm>> -> memref<1x80x128xi32, #tpu.memory_space<hbm>>
      %dma_start3A_72 = tpu.memref_squeeze %dma_start3A_71 : memref<1x80x128xi32, #tpu.memory_space<hbm>> -> memref<80x128xi32, #tpu.memory_space<hbm>>
      %dma_start3A_73 = arith.constant 0 : i32
      %dma_start3A_74 = tpu.memref_slice %arg2[%arg0, %mul3A_2, %dma_start3A_73] : memref<2x1280x128xi32, #tpu.memory_space<hbm>> -> memref<1x80x128xi32, #tpu.memory_space<hbm>>
      %dma_start3A_75 = tpu.memref_squeeze %dma_start3A_74 : memref<1x80x128xi32, #tpu.memory_space<hbm>> -> memref<80x128xi32, #tpu.memory_space<hbm>>
      tpu.enqueue_dma source(%dma_start3A_75 : memref<80x128xi32, #tpu.memory_space<hbm>>) target(%arg8 : memref<80x128xi32, #tpu.memory_space<vmem>>) target_semaphore(%run_scoped3A : memref<!tpu.dma_semaphore, #tpu.memory_space<semaphore_mem>>)
      %dma_wait3A = arith.constant 0 : i32
      %dma_wait3A_76 = tpu.memref_slice %arg2[%arg0, %mul3A_2, %dma_wait3A] : memref<2x1280x128xi32, #tpu.memory_space<hbm>> -> memref<1x80x128xi32, #tpu.memory_space<hbm>>
      %dma_wait3A_77 = tpu.memref_squeeze %dma_wait3A_76 : memref<1x80x128xi32, #tpu.memory_space<hbm>> -> memref<80x128xi32, #tpu.memory_space<hbm>>
      %dma_wait3A_78 = arith.constant 0 : i32
      %dma_wait3A_79 = tpu.memref_slice %arg2[%arg0, %mul3A_2, %dma_wait3A_78] : memref<2x1280x128xi32, #tpu.memory_space<hbm>> -> memref<1x80x128xi32, #tpu.memory_space<hbm>>
      %dma_wait3A_80 = tpu.memref_squeeze %dma_wait3A_79 : memref<1x80x128xi32, #tpu.memory_space<hbm>> -> memref<80x128xi32, #tpu.memory_space<hbm>>
      tpu.wait_dma2 semaphore(%run_scoped3A : memref<!tpu.dma_semaphore, #tpu.memory_space<semaphore_mem>>) src(%dma_wait3A_80 : memref<80x128xi32, #tpu.memory_space<hbm>>) dst(%arg8 : memref<80x128xi32, #tpu.memory_space<vmem>>)
      tpu.yield
    }) : () -> ()
    %mul3A_3 = arith.constant 80 : i32
    %mul3A_4 = arith.muli %arg1, %mul3A_3 : i32
    "tpu.region"() ({
      %run_scoped3A = tpu.sem_alloc : memref<!tpu.dma_semaphore, #tpu.memory_space<semaphore_mem>>
      %dma_start3A = arith.constant 0 : i32
      %dma_start3A_71 = tpu.memref_slice %arg3[%arg0, %mul3A_4, %dma_start3A] : memref<2x1280x128xi32, #tpu.memory_space<hbm>> -> memref<1x80x128xi32, #tpu.memory_space<hbm>>
      %dma_start3A_72 = tpu.memref_squeeze %dma_start3A_71 : memref<1x80x128xi32, #tpu.memory_space<hbm>> -> memref<80x128xi32, #tpu.memory_space<hbm>>
      %dma_start3A_73 = arith.constant 0 : i32
      %dma_start3A_74 = tpu.memref_slice %arg3[%arg0, %mul3A_4, %dma_start3A_73] : memref<2x1280x128xi32, #tpu.memory_space<hbm>> -> memref<1x80x128xi32, #tpu.memory_space<hbm>>
      %dma_start3A_75 = tpu.memref_squeeze %dma_start3A_74 : memref<1x80x128xi32, #tpu.memory_space<hbm>> -> memref<80x128xi32, #tpu.memory_space<hbm>>
      tpu.enqueue_dma source(%dma_start3A_75 : memref<80x128xi32, #tpu.memory_space<hbm>>) target(%arg9 : memref<80x128xi32, #tpu.memory_space<vmem>>) target_semaphore(%run_scoped3A : memref<!tpu.dma_semaphore, #tpu.memory_space<semaphore_mem>>)
      %dma_wait3A = arith.constant 0 : i32
      %dma_wait3A_76 = tpu.memref_slice %arg3[%arg0, %mul3A_4, %dma_wait3A] : memref<2x1280x128xi32, #tpu.memory_space<hbm>> -> memref<1x80x128xi32, #tpu.memory_space<hbm>>
      %dma_wait3A_77 = tpu.memref_squeeze %dma_wait3A_76 : memref<1x80x128xi32, #tpu.memory_space<hbm>> -> memref<80x128xi32, #tpu.memory_space<hbm>>
      %dma_wait3A_78 = arith.constant 0 : i32
      %dma_wait3A_79 = tpu.memref_slice %arg3[%arg0, %mul3A_4, %dma_wait3A_78] : memref<2x1280x128xi32, #tpu.memory_space<hbm>> -> memref<1x80x128xi32, #tpu.memory_space<hbm>>
      %dma_wait3A_80 = tpu.memref_squeeze %dma_wait3A_79 : memref<1x80x128xi32, #tpu.memory_space<hbm>> -> memref<80x128xi32, #tpu.memory_space<hbm>>
      tpu.wait_dma2 semaphore(%run_scoped3A : memref<!tpu.dma_semaphore, #tpu.memory_space<semaphore_mem>>) src(%dma_wait3A_80 : memref<80x128xi32, #tpu.memory_space<hbm>>) dst(%arg9 : memref<80x128xi32, #tpu.memory_space<vmem>>)
      tpu.yield
    }) : () -> ()
    %mul3A_5 = arith.constant 80 : i32
    %mul3A_6 = arith.muli %arg1, %mul3A_5 : i32
    "tpu.region"() ({
      %run_scoped3A = tpu.sem_alloc : memref<!tpu.dma_semaphore, #tpu.memory_space<semaphore_mem>>
      %dma_start3A = arith.constant 0 : i32
      %dma_start3A_71 = tpu.memref_slice %arg4[%arg0, %mul3A_6, %dma_start3A] : memref<2x1280x128xi32, #tpu.memory_space<hbm>> -> memref<1x80x128xi32, #tpu.memory_space<hbm>>
      %dma_start3A_72 = tpu.memref_squeeze %dma_start3A_71 : memref<1x80x128xi32, #tpu.memory_space<hbm>> -> memref<80x128xi32, #tpu.memory_space<hbm>>
      %dma_start3A_73 = arith.constant 0 : i32
      %dma_start3A_74 = tpu.memref_slice %arg4[%arg0, %mul3A_6, %dma_start3A_73] : memref<2x1280x128xi32, #tpu.memory_space<hbm>> -> memref<1x80x128xi32, #tpu.memory_space<hbm>>
      %dma_start3A_75 = tpu.memref_squeeze %dma_start3A_74 : memref<1x80x128xi32, #tpu.memory_space<hbm>> -> memref<80x128xi32, #tpu.memory_space<hbm>>
      tpu.enqueue_dma source(%dma_start3A_75 : memref<80x128xi32, #tpu.memory_space<hbm>>) target(%arg10 : memref<80x128xi32, #tpu.memory_space<vmem>>) target_semaphore(%run_scoped3A : memref<!tpu.dma_semaphore, #tpu.memory_space<semaphore_mem>>)
      %dma_wait3A = arith.constant 0 : i32
      %dma_wait3A_76 = tpu.memref_slice %arg4[%arg0, %mul3A_6, %dma_wait3A] : memref<2x1280x128xi32, #tpu.memory_space<hbm>> -> memref<1x80x128xi32, #tpu.memory_space<hbm>>
      %dma_wait3A_77 = tpu.memref_squeeze %dma_wait3A_76 : memref<1x80x128xi32, #tpu.memory_space<hbm>> -> memref<80x128xi32, #tpu.memory_space<hbm>>
      %dma_wait3A_78 = arith.constant 0 : i32
      %dma_wait3A_79 = tpu.memref_slice %arg4[%arg0, %mul3A_6, %dma_wait3A_78] : memref<2x1280x128xi32, #tpu.memory_space<hbm>> -> memref<1x80x128xi32, #tpu.memory_space<hbm>>
      %dma_wait3A_80 = tpu.memref_squeeze %dma_wait3A_79 : memref<1x80x128xi32, #tpu.memory_space<hbm>> -> memref<80x128xi32, #tpu.memory_space<hbm>>
      tpu.wait_dma2 semaphore(%run_scoped3A : memref<!tpu.dma_semaphore, #tpu.memory_space<semaphore_mem>>) src(%dma_wait3A_80 : memref<80x128xi32, #tpu.memory_space<hbm>>) dst(%arg10 : memref<80x128xi32, #tpu.memory_space<vmem>>)
      tpu.yield
    }) : () -> ()
    "tpu.region"() ({
      %run_scoped3A = tpu.sem_alloc : memref<!tpu.dma_semaphore, #tpu.memory_space<semaphore_mem>>
      tpu.enqueue_dma source(%arg5 : memref<20224xf32, #tpu.memory_space<hbm>>) target(%arg11 : memref<20224xf32, #tpu.memory_space<vmem>>) target_semaphore(%run_scoped3A : memref<!tpu.dma_semaphore, #tpu.memory_space<semaphore_mem>>)
      tpu.wait_dma2 semaphore(%run_scoped3A : memref<!tpu.dma_semaphore, #tpu.memory_space<semaphore_mem>>) src(%arg5 : memref<20224xf32, #tpu.memory_space<hbm>>) dst(%arg11 : memref<20224xf32, #tpu.memory_space<vmem>>)
      tpu.yield
    }) : () -> ()
    "tpu.region"() ({
      %run_scoped3A = tpu.sem_alloc : memref<!tpu.dma_semaphore, #tpu.memory_space<semaphore_mem>>
      tpu.enqueue_dma source(%arg6 : memref<128x128xf32, #tpu.memory_space<hbm>>) target(%arg12 : memref<128x128xf32, #tpu.memory_space<vmem>>) target_semaphore(%run_scoped3A : memref<!tpu.dma_semaphore, #tpu.memory_space<semaphore_mem>>)
      tpu.wait_dma2 semaphore(%run_scoped3A : memref<!tpu.dma_semaphore, #tpu.memory_space<semaphore_mem>>) src(%arg6 : memref<128x128xf32, #tpu.memory_space<hbm>>) dst(%arg12 : memref<128x128xf32, #tpu.memory_space<vmem>>)
      tpu.yield
    }) : () -> ()
    %iota3A = tpu.iota {dimensions = array<i32: 0>} : vector<16xi32>
    %broadcast_in_dim3A = arith.constant 0.000000e+00 : f32
    %broadcast_in_dim3A_7 = vector.broadcast %broadcast_in_dim3A : f32 to vector<16xf32>
    %add3A = arith.constant 0 : i32
    %add3A_8 = arith.addi %mul3A_0, %add3A : i32
    "tpu.region"() ({
      %run_scoped3A = tpu.sem_alloc : memref<!tpu.dma_semaphore, #tpu.memory_space<semaphore_mem>>
      %dma_start3A = arith.constant 0 : i32
      %dma_start3A_71 = arith.constant 0 : i32
      %dma_start3A_72 = tpu.memref_slice %arg12[%dma_start3A, %dma_start3A_71] : memref<128x128xf32, #tpu.memory_space<vmem>> -> memref<128x128xf32, #tpu.memory_space<vmem>>
      %dma_start3A_73 = arith.constant 0 : i32
      %dma_start3A_74 = tpu.memref_slice %arg14[%add3A_8, %dma_start3A_73] : memref<5120x128xf32, #tpu.memory_space<vmem_shared>> -> memref<128x128xf32, #tpu.memory_space<vmem_shared>>
      %dma_start3A_75 = arith.constant 0 : i32
      %dma_start3A_76 = tpu.memref_slice %arg14[%add3A_8, %dma_start3A_75] : memref<5120x128xf32, #tpu.memory_space<vmem_shared>> -> memref<128x128xf32, #tpu.memory_space<vmem_shared>>
      %dma_start3A_77 = arith.constant 0 : i32
      %dma_start3A_78 = arith.constant 0 : i32
      %dma_start3A_79 = tpu.memref_slice %arg12[%dma_start3A_77, %dma_start3A_78] : memref<128x128xf32, #tpu.memory_space<vmem>> -> memref<128x128xf32, #tpu.memory_space<vmem>>
      tpu.enqueue_dma source(%dma_start3A_79 : memref<128x128xf32, #tpu.memory_space<vmem>>) target(%dma_start3A_76 : memref<128x128xf32, #tpu.memory_space<vmem_shared>>) target_semaphore(%run_scoped3A : memref<!tpu.dma_semaphore, #tpu.memory_space<semaphore_mem>>)
      %dma_wait3A = arith.constant 0 : i32
      %dma_wait3A_80 = arith.constant 0 : i32
      %dma_wait3A_81 = tpu.memref_slice %arg12[%dma_wait3A, %dma_wait3A_80] : memref<128x128xf32, #tpu.memory_space<vmem>> -> memref<128x128xf32, #tpu.memory_space<vmem>>
      %dma_wait3A_82 = arith.constant 0 : i32
      %dma_wait3A_83 = tpu.memref_slice %arg14[%add3A_8, %dma_wait3A_82] : memref<5120x128xf32, #tpu.memory_space<vmem_shared>> -> memref<128x128xf32, #tpu.memory_space<vmem_shared>>
      %dma_wait3A_84 = arith.constant 0 : i32
      %dma_wait3A_85 = tpu.memref_slice %arg14[%add3A_8, %dma_wait3A_84] : memref<5120x128xf32, #tpu.memory_space<vmem_shared>> -> memref<128x128xf32, #tpu.memory_space<vmem_shared>>
      %dma_wait3A_86 = arith.constant 0 : i32
      %dma_wait3A_87 = arith.constant 0 : i32
      %dma_wait3A_88 = tpu.memref_slice %arg12[%dma_wait3A_86, %dma_wait3A_87] : memref<128x128xf32, #tpu.memory_space<vmem>> -> memref<128x128xf32, #tpu.memory_space<vmem>>
      tpu.wait_dma2 semaphore(%run_scoped3A : memref<!tpu.dma_semaphore, #tpu.memory_space<semaphore_mem>>) src(%dma_wait3A_88 : memref<128x128xf32, #tpu.memory_space<vmem>>) dst(%dma_wait3A_85 : memref<128x128xf32, #tpu.memory_space<vmem_shared>>)
      tpu.yield
    }) : () -> ()
    %add3A_9 = arith.constant 128 : i32
    %add3A_10 = arith.addi %mul3A_0, %add3A_9 : i32
    "tpu.region"() ({
      %run_scoped3A = tpu.sem_alloc : memref<!tpu.dma_semaphore, #tpu.memory_space<semaphore_mem>>
      %dma_start3A = arith.constant 0 : i32
      %dma_start3A_71 = arith.constant 0 : i32
      %dma_start3A_72 = tpu.memref_slice %arg12[%dma_start3A, %dma_start3A_71] : memref<128x128xf32, #tpu.memory_space<vmem>> -> memref<128x128xf32, #tpu.memory_space<vmem>>
      %dma_start3A_73 = arith.constant 0 : i32
      %dma_start3A_74 = tpu.memref_slice %arg14[%add3A_10, %dma_start3A_73] : memref<5120x128xf32, #tpu.memory_space<vmem_shared>> -> memref<128x128xf32, #tpu.memory_space<vmem_shared>>
      %dma_start3A_75 = arith.constant 0 : i32
      %dma_start3A_76 = tpu.memref_slice %arg14[%add3A_10, %dma_start3A_75] : memref<5120x128xf32, #tpu.memory_space<vmem_shared>> -> memref<128x128xf32, #tpu.memory_space<vmem_shared>>
      %dma_start3A_77 = arith.constant 0 : i32
      %dma_start3A_78 = arith.constant 0 : i32
      %dma_start3A_79 = tpu.memref_slice %arg12[%dma_start3A_77, %dma_start3A_78] : memref<128x128xf32, #tpu.memory_space<vmem>> -> memref<128x128xf32, #tpu.memory_space<vmem>>
      tpu.enqueue_dma source(%dma_start3A_79 : memref<128x128xf32, #tpu.memory_space<vmem>>) target(%dma_start3A_76 : memref<128x128xf32, #tpu.memory_space<vmem_shared>>) target_semaphore(%run_scoped3A : memref<!tpu.dma_semaphore, #tpu.memory_space<semaphore_mem>>)
      %dma_wait3A = arith.constant 0 : i32
      %dma_wait3A_80 = arith.constant 0 : i32
      %dma_wait3A_81 = tpu.memref_slice %arg12[%dma_wait3A, %dma_wait3A_80] : memref<128x128xf32, #tpu.memory_space<vmem>> -> memref<128x128xf32, #tpu.memory_space<vmem>>
      %dma_wait3A_82 = arith.constant 0 : i32
      %dma_wait3A_83 = tpu.memref_slice %arg14[%add3A_10, %dma_wait3A_82] : memref<5120x128xf32, #tpu.memory_space<vmem_shared>> -> memref<128x128xf32, #tpu.memory_space<vmem_shared>>
      %dma_wait3A_84 = arith.constant 0 : i32
      %dma_wait3A_85 = tpu.memref_slice %arg14[%add3A_10, %dma_wait3A_84] : memref<5120x128xf32, #tpu.memory_space<vmem_shared>> -> memref<128x128xf32, #tpu.memory_space<vmem_shared>>
      %dma_wait3A_86 = arith.constant 0 : i32
      %dma_wait3A_87 = arith.constant 0 : i32
      %dma_wait3A_88 = tpu.memref_slice %arg12[%dma_wait3A_86, %dma_wait3A_87] : memref<128x128xf32, #tpu.memory_space<vmem>> -> memref<128x128xf32, #tpu.memory_space<vmem>>
      tpu.wait_dma2 semaphore(%run_scoped3A : memref<!tpu.dma_semaphore, #tpu.memory_space<semaphore_mem>>) src(%dma_wait3A_88 : memref<128x128xf32, #tpu.memory_space<vmem>>) dst(%dma_wait3A_85 : memref<128x128xf32, #tpu.memory_space<vmem_shared>>)
      tpu.yield
    }) : () -> ()
    %add3A_11 = arith.constant 256 : i32
    %add3A_12 = arith.addi %mul3A_0, %add3A_11 : i32
    "tpu.region"() ({
      %run_scoped3A = tpu.sem_alloc : memref<!tpu.dma_semaphore, #tpu.memory_space<semaphore_mem>>
      %dma_start3A = arith.constant 0 : i32
      %dma_start3A_71 = arith.constant 0 : i32
      %dma_start3A_72 = tpu.memref_slice %arg12[%dma_start3A, %dma_start3A_71] : memref<128x128xf32, #tpu.memory_space<vmem>> -> memref<64x128xf32, #tpu.memory_space<vmem>>
      %dma_start3A_73 = arith.constant 0 : i32
      %dma_start3A_74 = tpu.memref_slice %arg14[%add3A_12, %dma_start3A_73] : memref<5120x128xf32, #tpu.memory_space<vmem_shared>> -> memref<64x128xf32, #tpu.memory_space<vmem_shared>>
      %dma_start3A_75 = arith.constant 0 : i32
      %dma_start3A_76 = tpu.memref_slice %arg14[%add3A_12, %dma_start3A_75] : memref<5120x128xf32, #tpu.memory_space<vmem_shared>> -> memref<64x128xf32, #tpu.memory_space<vmem_shared>>
      %dma_start3A_77 = arith.constant 0 : i32
      %dma_start3A_78 = arith.constant 0 : i32
      %dma_start3A_79 = tpu.memref_slice %arg12[%dma_start3A_77, %dma_start3A_78] : memref<128x128xf32, #tpu.memory_space<vmem>> -> memref<64x128xf32, #tpu.memory_space<vmem>>
      tpu.enqueue_dma source(%dma_start3A_79 : memref<64x128xf32, #tpu.memory_space<vmem>>) target(%dma_start3A_76 : memref<64x128xf32, #tpu.memory_space<vmem_shared>>) target_semaphore(%run_scoped3A : memref<!tpu.dma_semaphore, #tpu.memory_space<semaphore_mem>>)
      %dma_wait3A = arith.constant 0 : i32
      %dma_wait3A_80 = arith.constant 0 : i32
      %dma_wait3A_81 = tpu.memref_slice %arg12[%dma_wait3A, %dma_wait3A_80] : memref<128x128xf32, #tpu.memory_space<vmem>> -> memref<64x128xf32, #tpu.memory_space<vmem>>
      %dma_wait3A_82 = arith.constant 0 : i32
      %dma_wait3A_83 = tpu.memref_slice %arg14[%add3A_12, %dma_wait3A_82] : memref<5120x128xf32, #tpu.memory_space<vmem_shared>> -> memref<64x128xf32, #tpu.memory_space<vmem_shared>>
      %dma_wait3A_84 = arith.constant 0 : i32
      %dma_wait3A_85 = tpu.memref_slice %arg14[%add3A_12, %dma_wait3A_84] : memref<5120x128xf32, #tpu.memory_space<vmem_shared>> -> memref<64x128xf32, #tpu.memory_space<vmem_shared>>
      %dma_wait3A_86 = arith.constant 0 : i32
      %dma_wait3A_87 = arith.constant 0 : i32
      %dma_wait3A_88 = tpu.memref_slice %arg12[%dma_wait3A_86, %dma_wait3A_87] : memref<128x128xf32, #tpu.memory_space<vmem>> -> memref<64x128xf32, #tpu.memory_space<vmem>>
      tpu.wait_dma2 semaphore(%run_scoped3A : memref<!tpu.dma_semaphore, #tpu.memory_space<semaphore_mem>>) src(%dma_wait3A_88 : memref<64x128xf32, #tpu.memory_space<vmem>>) dst(%dma_wait3A_85 : memref<64x128xf32, #tpu.memory_space<vmem_shared>>)
      tpu.yield
    }) : () -> ()
    %barrier3A = arith.constant 0 : index
    tpu.barrier barrier_id(%barrier3A)
    %scan3A = arith.constant 0 : i32
    %scan3A_13 = arith.constant 0 : i32
    %scan3A_14 = arith.constant 80 : i32
    %scan3A_15 = arith.addi %scan3A_13, %scan3A_14 : i32
    %scan3A_16 = arith.constant 1 : i32
    scf.for %scan3A_71 = %scan3A_13 to %scan3A_15 step %scan3A_16  : i32 {
      %get3A = arith.index_cast %scan3A_71 : i32 to index
      %get3A_72 = arith.constant 0 : index
      %get3A_73 = tpu.vector_load %arg8[%get3A, %get3A_72] {strides = array<i32>} : memref<80x128xi32, #tpu.memory_space<vmem>>, vector<16xi32>,
      %get3A_74 = arith.index_cast %scan3A_71 : i32 to index
      %get3A_75 = arith.constant 0 : index
      %get3A_76 = tpu.vector_load %arg10[%get3A_74, %get3A_75] {strides = array<i32>} : memref<80x128xi32, #tpu.memory_space<vmem>>, vector<16xi32>,
      %get3A_77 = arith.index_cast %scan3A_71 : i32 to index
      %get3A_78 = arith.constant 0 : index
      %get3A_79 = tpu.vector_load %arg9[%get3A_77, %get3A_78] {strides = array<i32>} : memref<80x128xi32, #tpu.memory_space<vmem>>, vector<16xi32>,
      %gather3A = tpu.vector_load_idx %arg11[%get3A_73] : memref<20224xf32, #tpu.memory_space<vmem>>[vector<16xi32>], vector<16xf32>,
      %add3A_80 = arith.constant 0 : i32
      %add3A_81 = vector.broadcast %add3A_80 : i32 to vector<16xi32>
      %add3A_82 = arith.addi %add3A_81, %iota3A : vector<16xi32>
      tpu.vector_store_idx %arg12[%add3A_82, %get3A_76], %gather3A : memref<128x128xf32, #tpu.memory_space<vmem>>[vector<16xi32>, vector<16xi32>], vector<16xf32>,
      %ge3A = arith.constant 0 : i32
      %ge3A_83 = vector.broadcast %ge3A : i32 to vector<16xi32>
      %ge3A_84 = arith.cmpi sge, %get3A_79, %ge3A_83 : vector<16xi32>
      %lt3A = arith.constant 5056 : i32
      %lt3A_85 = vector.broadcast %lt3A : i32 to vector<16xi32>
      %lt3A_86 = arith.cmpi slt, %get3A_79, %lt3A_85 : vector<16xi32>
      %and3A = arith.andi %ge3A_84, %lt3A_86 : vector<16xi1>
      %sub3A = arith.constant 0 : i32
      %sub3A_87 = vector.broadcast %sub3A : i32 to vector<16xi32>
      %sub3A_88 = arith.subi %get3A_79, %sub3A_87 : vector<16xi32>
      %jit3A = arith.constant 5056 : i32
      %broadcast_in_dim3A_89 = vector.broadcast %jit3A : i32 to vector<16xi32>
      %select_n3A = arith.select %and3A, %sub3A_88, %broadcast_in_dim3A_89 : vector<16xi1>, vector<16xi32>
      %broadcast_in_dim3A_90 = arith.constant 0 : i32
      %broadcast_in_dim3A_91 = vector.broadcast %broadcast_in_dim3A_90 : i32 to vector<16xi32>
      %add3A_92 = arith.constant 0 : i32
      %add3A_93 = vector.broadcast %add3A_92 : i32 to vector<16xi32>
      %add3A_94 = arith.addi %add3A_93, %iota3A : vector<16xi32>
      tpu.vector_store_idx %arg13[%broadcast_in_dim3A_91, %add3A_94], %select_n3A : memref<1x128xi32, #tpu.memory_space<vmem>>[vector<16xi32>, vector<16xi32>], vector<16xi32>,
      %get3A_95 = arith.index_cast %scan3A_71 : i32 to index
      %get3A_96 = arith.constant 16 : index
      %get3A_97 = tpu.vector_load %arg8[%get3A_95, %get3A_96] {strides = array<i32>} : memref<80x128xi32, #tpu.memory_space<vmem>>, vector<16xi32>,
      %get3A_98 = arith.index_cast %scan3A_71 : i32 to index
      %get3A_99 = arith.constant 16 : index
      %get3A_100 = tpu.vector_load %arg10[%get3A_98, %get3A_99] {strides = array<i32>} : memref<80x128xi32, #tpu.memory_space<vmem>>, vector<16xi32>,
      %get3A_101 = arith.index_cast %scan3A_71 : i32 to index
      %get3A_102 = arith.constant 16 : index
      %get3A_103 = tpu.vector_load %arg9[%get3A_101, %get3A_102] {strides = array<i32>} : memref<80x128xi32, #tpu.memory_space<vmem>>, vector<16xi32>,
      %gather3A_104 = tpu.vector_load_idx %arg11[%get3A_97] : memref<20224xf32, #tpu.memory_space<vmem>>[vector<16xi32>], vector<16xf32>,
      %add3A_105 = arith.constant 16 : i32
      %add3A_106 = vector.broadcast %add3A_105 : i32 to vector<16xi32>
      %add3A_107 = arith.addi %add3A_106, %iota3A : vector<16xi32>
      tpu.vector_store_idx %arg12[%add3A_107, %get3A_100], %gather3A_104 : memref<128x128xf32, #tpu.memory_space<vmem>>[vector<16xi32>, vector<16xi32>], vector<16xf32>,
      %ge3A_108 = arith.constant 0 : i32
      %ge3A_109 = vector.broadcast %ge3A_108 : i32 to vector<16xi32>
      %ge3A_110 = arith.cmpi sge, %get3A_103, %ge3A_109 : vector<16xi32>
      %lt3A_111 = arith.constant 5056 : i32
      %lt3A_112 = vector.broadcast %lt3A_111 : i32 to vector<16xi32>
      %lt3A_113 = arith.cmpi slt, %get3A_103, %lt3A_112 : vector<16xi32>
      %and3A_114 = arith.andi %ge3A_110, %lt3A_113 : vector<16xi1>
      %sub3A_115 = arith.constant 0 : i32
      %sub3A_116 = vector.broadcast %sub3A_115 : i32 to vector<16xi32>
      %sub3A_117 = arith.subi %get3A_103, %sub3A_116 : vector<16xi32>
      %jit3A_118 = arith.constant 5056 : i32
      %broadcast_in_dim3A_119 = vector.broadcast %jit3A_118 : i32 to vector<16xi32>
      %select_n3A_120 = arith.select %and3A_114, %sub3A_117, %broadcast_in_dim3A_119 : vector<16xi1>, vector<16xi32>
      %broadcast_in_dim3A_121 = arith.constant 0 : i32
      %broadcast_in_dim3A_122 = vector.broadcast %broadcast_in_dim3A_121 : i32 to vector<16xi32>
      %add3A_123 = arith.constant 16 : i32
      %add3A_124 = vector.broadcast %add3A_123 : i32 to vector<16xi32>
      %add3A_125 = arith.addi %add3A_124, %iota3A : vector<16xi32>
      tpu.vector_store_idx %arg13[%broadcast_in_dim3A_122, %add3A_125], %select_n3A_120 : memref<1x128xi32, #tpu.memory_space<vmem>>[vector<16xi32>, vector<16xi32>], vector<16xi32>,
      %get3A_126 = arith.index_cast %scan3A_71 : i32 to index
      %get3A_127 = arith.constant 32 : index
      %get3A_128 = tpu.vector_load %arg8[%get3A_126, %get3A_127] {strides = array<i32>} : memref<80x128xi32, #tpu.memory_space<vmem>>, vector<16xi32>,
      %get3A_129 = arith.index_cast %scan3A_71 : i32 to index
      %get3A_130 = arith.constant 32 : index
      %get3A_131 = tpu.vector_load %arg10[%get3A_129, %get3A_130] {strides = array<i32>} : memref<80x128xi32, #tpu.memory_space<vmem>>, vector<16xi32>,
      %get3A_132 = arith.index_cast %scan3A_71 : i32 to index
      %get3A_133 = arith.constant 32 : index
      %get3A_134 = tpu.vector_load %arg9[%get3A_132, %get3A_133] {strides = array<i32>} : memref<80x128xi32, #tpu.memory_space<vmem>>, vector<16xi32>,
      %gather3A_135 = tpu.vector_load_idx %arg11[%get3A_128] : memref<20224xf32, #tpu.memory_space<vmem>>[vector<16xi32>], vector<16xf32>,
      %add3A_136 = arith.constant 32 : i32
      %add3A_137 = vector.broadcast %add3A_136 : i32 to vector<16xi32>
      %add3A_138 = arith.addi %add3A_137, %iota3A : vector<16xi32>
      tpu.vector_store_idx %arg12[%add3A_138, %get3A_131], %gather3A_135 : memref<128x128xf32, #tpu.memory_space<vmem>>[vector<16xi32>, vector<16xi32>], vector<16xf32>,
      %ge3A_139 = arith.constant 0 : i32
      %ge3A_140 = vector.broadcast %ge3A_139 : i32 to vector<16xi32>
      %ge3A_141 = arith.cmpi sge, %get3A_134, %ge3A_140 : vector<16xi32>
      %lt3A_142 = arith.constant 5056 : i32
      %lt3A_143 = vector.broadcast %lt3A_142 : i32 to vector<16xi32>
      %lt3A_144 = arith.cmpi slt, %get3A_134, %lt3A_143 : vector<16xi32>
      %and3A_145 = arith.andi %ge3A_141, %lt3A_144 : vector<16xi1>
      %sub3A_146 = arith.constant 0 : i32
      %sub3A_147 = vector.broadcast %sub3A_146 : i32 to vector<16xi32>
      %sub3A_148 = arith.subi %get3A_134, %sub3A_147 : vector<16xi32>
      %jit3A_149 = arith.constant 5056 : i32
      %broadcast_in_dim3A_150 = vector.broadcast %jit3A_149 : i32 to vector<16xi32>
      %select_n3A_151 = arith.select %and3A_145, %sub3A_148, %broadcast_in_dim3A_150 : vector<16xi1>, vector<16xi32>
      %broadcast_in_dim3A_152 = arith.constant 0 : i32
      %broadcast_in_dim3A_153 = vector.broadcast %broadcast_in_dim3A_152 : i32 to vector<16xi32>
      %add3A_154 = arith.constant 32 : i32
      %add3A_155 = vector.broadcast %add3A_154 : i32 to vector<16xi32>
      %add3A_156 = arith.addi %add3A_155, %iota3A : vector<16xi32>
      tpu.vector_store_idx %arg13[%broadcast_in_dim3A_153, %add3A_156], %select_n3A_151 : memref<1x128xi32, #tpu.memory_space<vmem>>[vector<16xi32>, vector<16xi32>], vector<16xi32>,
      %get3A_157 = arith.index_cast %scan3A_71 : i32 to index
      %get3A_158 = arith.constant 48 : index
      %get3A_159 = tpu.vector_load %arg8[%get3A_157, %get3A_158] {strides = array<i32>} : memref<80x128xi32, #tpu.memory_space<vmem>>, vector<16xi32>,
      %get3A_160 = arith.index_cast %scan3A_71 : i32 to index
      %get3A_161 = arith.constant 48 : index
      %get3A_162 = tpu.vector_load %arg10[%get3A_160, %get3A_161] {strides = array<i32>} : memref<80x128xi32, #tpu.memory_space<vmem>>, vector<16xi32>,
      %get3A_163 = arith.index_cast %scan3A_71 : i32 to index
      %get3A_164 = arith.constant 48 : index
      %get3A_165 = tpu.vector_load %arg9[%get3A_163, %get3A_164] {strides = array<i32>} : memref<80x128xi32, #tpu.memory_space<vmem>>, vector<16xi32>,
      %gather3A_166 = tpu.vector_load_idx %arg11[%get3A_159] : memref<20224xf32, #tpu.memory_space<vmem>>[vector<16xi32>], vector<16xf32>,
      %add3A_167 = arith.constant 48 : i32
      %add3A_168 = vector.broadcast %add3A_167 : i32 to vector<16xi32>
      %add3A_169 = arith.addi %add3A_168, %iota3A : vector<16xi32>
      tpu.vector_store_idx %arg12[%add3A_169, %get3A_162], %gather3A_166 : memref<128x128xf32, #tpu.memory_space<vmem>>[vector<16xi32>, vector<16xi32>], vector<16xf32>,
      %ge3A_170 = arith.constant 0 : i32
      %ge3A_171 = vector.broadcast %ge3A_170 : i32 to vector<16xi32>
      %ge3A_172 = arith.cmpi sge, %get3A_165, %ge3A_171 : vector<16xi32>
      %lt3A_173 = arith.constant 5056 : i32
      %lt3A_174 = vector.broadcast %lt3A_173 : i32 to vector<16xi32>
      %lt3A_175 = arith.cmpi slt, %get3A_165, %lt3A_174 : vector<16xi32>
      %and3A_176 = arith.andi %ge3A_172, %lt3A_175 : vector<16xi1>
      %sub3A_177 = arith.constant 0 : i32
      %sub3A_178 = vector.broadcast %sub3A_177 : i32 to vector<16xi32>
      %sub3A_179 = arith.subi %get3A_165, %sub3A_178 : vector<16xi32>
      %jit3A_180 = arith.constant 5056 : i32
      %broadcast_in_dim3A_181 = vector.broadcast %jit3A_180 : i32 to vector<16xi32>
      %select_n3A_182 = arith.select %and3A_176, %sub3A_179, %broadcast_in_dim3A_181 : vector<16xi1>, vector<16xi32>
      %broadcast_in_dim3A_183 = arith.constant 0 : i32
      %broadcast_in_dim3A_184 = vector.broadcast %broadcast_in_dim3A_183 : i32 to vector<16xi32>
      %add3A_185 = arith.constant 48 : i32
      %add3A_186 = vector.broadcast %add3A_185 : i32 to vector<16xi32>
      %add3A_187 = arith.addi %add3A_186, %iota3A : vector<16xi32>
      tpu.vector_store_idx %arg13[%broadcast_in_dim3A_184, %add3A_187], %select_n3A_182 : memref<1x128xi32, #tpu.memory_space<vmem>>[vector<16xi32>, vector<16xi32>], vector<16xi32>,
      %get3A_188 = arith.index_cast %scan3A_71 : i32 to index
      %get3A_189 = arith.constant 64 : index
      %get3A_190 = tpu.vector_load %arg8[%get3A_188, %get3A_189] {strides = array<i32>} : memref<80x128xi32, #tpu.memory_space<vmem>>, vector<16xi32>,
      %get3A_191 = arith.index_cast %scan3A_71 : i32 to index
      %get3A_192 = arith.constant 64 : index
      %get3A_193 = tpu.vector_load %arg10[%get3A_191, %get3A_192] {strides = array<i32>} : memref<80x128xi32, #tpu.memory_space<vmem>>, vector<16xi32>,
      %get3A_194 = arith.index_cast %scan3A_71 : i32 to index
      %get3A_195 = arith.constant 64 : index
      %get3A_196 = tpu.vector_load %arg9[%get3A_194, %get3A_195] {strides = array<i32>} : memref<80x128xi32, #tpu.memory_space<vmem>>, vector<16xi32>,
      %gather3A_197 = tpu.vector_load_idx %arg11[%get3A_190] : memref<20224xf32, #tpu.memory_space<vmem>>[vector<16xi32>], vector<16xf32>,
      %add3A_198 = arith.constant 64 : i32
      %add3A_199 = vector.broadcast %add3A_198 : i32 to vector<16xi32>
      %add3A_200 = arith.addi %add3A_199, %iota3A : vector<16xi32>
      tpu.vector_store_idx %arg12[%add3A_200, %get3A_193], %gather3A_197 : memref<128x128xf32, #tpu.memory_space<vmem>>[vector<16xi32>, vector<16xi32>], vector<16xf32>,
      %ge3A_201 = arith.constant 0 : i32
      %ge3A_202 = vector.broadcast %ge3A_201 : i32 to vector<16xi32>
      %ge3A_203 = arith.cmpi sge, %get3A_196, %ge3A_202 : vector<16xi32>
      %lt3A_204 = arith.constant 5056 : i32
      %lt3A_205 = vector.broadcast %lt3A_204 : i32 to vector<16xi32>
      %lt3A_206 = arith.cmpi slt, %get3A_196, %lt3A_205 : vector<16xi32>
      %and3A_207 = arith.andi %ge3A_203, %lt3A_206 : vector<16xi1>
      %sub3A_208 = arith.constant 0 : i32
      %sub3A_209 = vector.broadcast %sub3A_208 : i32 to vector<16xi32>
      %sub3A_210 = arith.subi %get3A_196, %sub3A_209 : vector<16xi32>
      %jit3A_211 = arith.constant 5056 : i32
      %broadcast_in_dim3A_212 = vector.broadcast %jit3A_211 : i32 to vector<16xi32>
      %select_n3A_213 = arith.select %and3A_207, %sub3A_210, %broadcast_in_dim3A_212 : vector<16xi1>, vector<16xi32>
      %broadcast_in_dim3A_214 = arith.constant 0 : i32
      %broadcast_in_dim3A_215 = vector.broadcast %broadcast_in_dim3A_214 : i32 to vector<16xi32>
      %add3A_216 = arith.constant 64 : i32
      %add3A_217 = vector.broadcast %add3A_216 : i32 to vector<16xi32>
      %add3A_218 = arith.addi %add3A_217, %iota3A : vector<16xi32>
      tpu.vector_store_idx %arg13[%broadcast_in_dim3A_215, %add3A_218], %select_n3A_213 : memref<1x128xi32, #tpu.memory_space<vmem>>[vector<16xi32>, vector<16xi32>], vector<16xi32>,
      %get3A_219 = arith.index_cast %scan3A_71 : i32 to index
      %get3A_220 = arith.constant 80 : index
      %get3A_221 = tpu.vector_load %arg8[%get3A_219, %get3A_220] {strides = array<i32>} : memref<80x128xi32, #tpu.memory_space<vmem>>, vector<16xi32>,
      %get3A_222 = arith.index_cast %scan3A_71 : i32 to index
      %get3A_223 = arith.constant 80 : index
      %get3A_224 = tpu.vector_load %arg10[%get3A_222, %get3A_223] {strides = array<i32>} : memref<80x128xi32, #tpu.memory_space<vmem>>, vector<16xi32>,
      %get3A_225 = arith.index_cast %scan3A_71 : i32 to index
      %get3A_226 = arith.constant 80 : index
      %get3A_227 = tpu.vector_load %arg9[%get3A_225, %get3A_226] {strides = array<i32>} : memref<80x128xi32, #tpu.memory_space<vmem>>, vector<16xi32>,
      %gather3A_228 = tpu.vector_load_idx %arg11[%get3A_221] : memref<20224xf32, #tpu.memory_space<vmem>>[vector<16xi32>], vector<16xf32>,
      %add3A_229 = arith.constant 80 : i32
      %add3A_230 = vector.broadcast %add3A_229 : i32 to vector<16xi32>
      %add3A_231 = arith.addi %add3A_230, %iota3A : vector<16xi32>
      tpu.vector_store_idx %arg12[%add3A_231, %get3A_224], %gather3A_228 : memref<128x128xf32, #tpu.memory_space<vmem>>[vector<16xi32>, vector<16xi32>], vector<16xf32>,
      %ge3A_232 = arith.constant 0 : i32
      %ge3A_233 = vector.broadcast %ge3A_232 : i32 to vector<16xi32>
      %ge3A_234 = arith.cmpi sge, %get3A_227, %ge3A_233 : vector<16xi32>
      %lt3A_235 = arith.constant 5056 : i32
      %lt3A_236 = vector.broadcast %lt3A_235 : i32 to vector<16xi32>
      %lt3A_237 = arith.cmpi slt, %get3A_227, %lt3A_236 : vector<16xi32>
      %and3A_238 = arith.andi %ge3A_234, %lt3A_237 : vector<16xi1>
      %sub3A_239 = arith.constant 0 : i32
      %sub3A_240 = vector.broadcast %sub3A_239 : i32 to vector<16xi32>
      %sub3A_241 = arith.subi %get3A_227, %sub3A_240 : vector<16xi32>
      %jit3A_242 = arith.constant 5056 : i32
      %broadcast_in_dim3A_243 = vector.broadcast %jit3A_242 : i32 to vector<16xi32>
      %select_n3A_244 = arith.select %and3A_238, %sub3A_241, %broadcast_in_dim3A_243 : vector<16xi1>, vector<16xi32>
      %broadcast_in_dim3A_245 = arith.constant 0 : i32
      %broadcast_in_dim3A_246 = vector.broadcast %broadcast_in_dim3A_245 : i32 to vector<16xi32>
      %add3A_247 = arith.constant 80 : i32
      %add3A_248 = vector.broadcast %add3A_247 : i32 to vector<16xi32>
      %add3A_249 = arith.addi %add3A_248, %iota3A : vector<16xi32>
      tpu.vector_store_idx %arg13[%broadcast_in_dim3A_246, %add3A_249], %select_n3A_244 : memref<1x128xi32, #tpu.memory_space<vmem>>[vector<16xi32>, vector<16xi32>], vector<16xi32>,
      %get3A_250 = arith.index_cast %scan3A_71 : i32 to index
      %get3A_251 = arith.constant 96 : index
      %get3A_252 = tpu.vector_load %arg8[%get3A_250, %get3A_251] {strides = array<i32>} : memref<80x128xi32, #tpu.memory_space<vmem>>, vector<16xi32>,
      %get3A_253 = arith.index_cast %scan3A_71 : i32 to index
      %get3A_254 = arith.constant 96 : index
      %get3A_255 = tpu.vector_load %arg10[%get3A_253, %get3A_254] {strides = array<i32>} : memref<80x128xi32, #tpu.memory_space<vmem>>, vector<16xi32>,
      %get3A_256 = arith.index_cast %scan3A_71 : i32 to index
      %get3A_257 = arith.constant 96 : index
      %get3A_258 = tpu.vector_load %arg9[%get3A_256, %get3A_257] {strides = array<i32>} : memref<80x128xi32, #tpu.memory_space<vmem>>, vector<16xi32>,
      %gather3A_259 = tpu.vector_load_idx %arg11[%get3A_252] : memref<20224xf32, #tpu.memory_space<vmem>>[vector<16xi32>], vector<16xf32>,
      %add3A_260 = arith.constant 96 : i32
      %add3A_261 = vector.broadcast %add3A_260 : i32 to vector<16xi32>
      %add3A_262 = arith.addi %add3A_261, %iota3A : vector<16xi32>
      tpu.vector_store_idx %arg12[%add3A_262, %get3A_255], %gather3A_259 : memref<128x128xf32, #tpu.memory_space<vmem>>[vector<16xi32>, vector<16xi32>], vector<16xf32>,
      %ge3A_263 = arith.constant 0 : i32
      %ge3A_264 = vector.broadcast %ge3A_263 : i32 to vector<16xi32>
      %ge3A_265 = arith.cmpi sge, %get3A_258, %ge3A_264 : vector<16xi32>
      %lt3A_266 = arith.constant 5056 : i32
      %lt3A_267 = vector.broadcast %lt3A_266 : i32 to vector<16xi32>
      %lt3A_268 = arith.cmpi slt, %get3A_258, %lt3A_267 : vector<16xi32>
      %and3A_269 = arith.andi %ge3A_265, %lt3A_268 : vector<16xi1>
      %sub3A_270 = arith.constant 0 : i32
      %sub3A_271 = vector.broadcast %sub3A_270 : i32 to vector<16xi32>
      %sub3A_272 = arith.subi %get3A_258, %sub3A_271 : vector<16xi32>
      %jit3A_273 = arith.constant 5056 : i32
      %broadcast_in_dim3A_274 = vector.broadcast %jit3A_273 : i32 to vector<16xi32>
      %select_n3A_275 = arith.select %and3A_269, %sub3A_272, %broadcast_in_dim3A_274 : vector<16xi1>, vector<16xi32>
      %broadcast_in_dim3A_276 = arith.constant 0 : i32
      %broadcast_in_dim3A_277 = vector.broadcast %broadcast_in_dim3A_276 : i32 to vector<16xi32>
      %add3A_278 = arith.constant 96 : i32
      %add3A_279 = vector.broadcast %add3A_278 : i32 to vector<16xi32>
      %add3A_280 = arith.addi %add3A_279, %iota3A : vector<16xi32>
      tpu.vector_store_idx %arg13[%broadcast_in_dim3A_277, %add3A_280], %select_n3A_275 : memref<1x128xi32, #tpu.memory_space<vmem>>[vector<16xi32>, vector<16xi32>], vector<16xi32>,
      %get3A_281 = arith.index_cast %scan3A_71 : i32 to index
      %get3A_282 = arith.constant 112 : index
      %get3A_283 = tpu.vector_load %arg8[%get3A_281, %get3A_282] {strides = array<i32>} : memref<80x128xi32, #tpu.memory_space<vmem>>, vector<16xi32>,
      %get3A_284 = arith.index_cast %scan3A_71 : i32 to index
      %get3A_285 = arith.constant 112 : index
      %get3A_286 = tpu.vector_load %arg10[%get3A_284, %get3A_285] {strides = array<i32>} : memref<80x128xi32, #tpu.memory_space<vmem>>, vector<16xi32>,
      %get3A_287 = arith.index_cast %scan3A_71 : i32 to index
      %get3A_288 = arith.constant 112 : index
      %get3A_289 = tpu.vector_load %arg9[%get3A_287, %get3A_288] {strides = array<i32>} : memref<80x128xi32, #tpu.memory_space<vmem>>, vector<16xi32>,
      %gather3A_290 = tpu.vector_load_idx %arg11[%get3A_283] : memref<20224xf32, #tpu.memory_space<vmem>>[vector<16xi32>], vector<16xf32>,
      %add3A_291 = arith.constant 112 : i32
      %add3A_292 = vector.broadcast %add3A_291 : i32 to vector<16xi32>
      %add3A_293 = arith.addi %add3A_292, %iota3A : vector<16xi32>
      tpu.vector_store_idx %arg12[%add3A_293, %get3A_286], %gather3A_290 : memref<128x128xf32, #tpu.memory_space<vmem>>[vector<16xi32>, vector<16xi32>], vector<16xf32>,
      %ge3A_294 = arith.constant 0 : i32
      %ge3A_295 = vector.broadcast %ge3A_294 : i32 to vector<16xi32>
      %ge3A_296 = arith.cmpi sge, %get3A_289, %ge3A_295 : vector<16xi32>
      %lt3A_297 = arith.constant 5056 : i32
      %lt3A_298 = vector.broadcast %lt3A_297 : i32 to vector<16xi32>
      %lt3A_299 = arith.cmpi slt, %get3A_289, %lt3A_298 : vector<16xi32>
      %and3A_300 = arith.andi %ge3A_296, %lt3A_299 : vector<16xi1>
      %sub3A_301 = arith.constant 0 : i32
      %sub3A_302 = vector.broadcast %sub3A_301 : i32 to vector<16xi32>
      %sub3A_303 = arith.subi %get3A_289, %sub3A_302 : vector<16xi32>
      %jit3A_304 = arith.constant 5056 : i32
      %broadcast_in_dim3A_305 = vector.broadcast %jit3A_304 : i32 to vector<16xi32>
      %select_n3A_306 = arith.select %and3A_300, %sub3A_303, %broadcast_in_dim3A_305 : vector<16xi1>, vector<16xi32>
      %broadcast_in_dim3A_307 = arith.constant 0 : i32
      %broadcast_in_dim3A_308 = vector.broadcast %broadcast_in_dim3A_307 : i32 to vector<16xi32>
      %add3A_309 = arith.constant 112 : i32
      %add3A_310 = vector.broadcast %add3A_309 : i32 to vector<16xi32>
      %add3A_311 = arith.addi %add3A_310, %iota3A : vector<16xi32>
      tpu.vector_store_idx %arg13[%broadcast_in_dim3A_308, %add3A_311], %select_n3A_306 : memref<1x128xi32, #tpu.memory_space<vmem>>[vector<16xi32>, vector<16xi32>], vector<16xi32>,
      %run_scoped3A = arith.constant 0 : i32
      "tpu.region"() ({
        %run_scoped3A_360 = tpu.sem_alloc : memref<!tpu.dma_semaphore, #tpu.memory_space<semaphore_mem>>
        %dma_start3A = arith.constant 0 : i32
        %dma_start3A_361 = tpu.memref_slice %arg13[%run_scoped3A, %dma_start3A] : memref<1x128xi32, #tpu.memory_space<vmem>> -> memref<1x128xi32, #tpu.memory_space<vmem>>
        %dma_start3A_362 = tpu.memref_squeeze %dma_start3A_361 : memref<1x128xi32, #tpu.memory_space<vmem>> -> memref<128xi32, #tpu.memory_space<vmem>>
        %dma_start3A_363 = arith.constant 0 : i32
        %dma_start3A_364 = arith.constant 0 : i32
        %dma_start3A_365 = tpu.memref_slice %arg14[%dma_start3A_363, %dma_start3A_364] : memref<5120x128xf32, #tpu.memory_space<vmem_shared>> -> memref<5120x128xf32, #tpu.memory_space<vmem_shared>>
        tpu.enqueue_indirect_dma source(%arg12 : memref<128x128xf32, #tpu.memory_space<vmem>>) target(%dma_start3A_365 : memref<5120x128xf32, #tpu.memory_space<vmem_shared>>) offsets(%dma_start3A_362 : memref<128xi32, #tpu.memory_space<vmem>>) semaphore(%run_scoped3A_360 : memref<!tpu.dma_semaphore, #tpu.memory_space<semaphore_mem>>) {add = true}
        %dma_wait3A = arith.constant 0 : i32
        %dma_wait3A_366 = tpu.memref_slice %arg13[%run_scoped3A, %dma_wait3A] : memref<1x128xi32, #tpu.memory_space<vmem>> -> memref<1x128xi32, #tpu.memory_space<vmem>>
        %dma_wait3A_367 = tpu.memref_squeeze %dma_wait3A_366 : memref<1x128xi32, #tpu.memory_space<vmem>> -> memref<128xi32, #tpu.memory_space<vmem>>
        %dma_wait3A_368 = arith.constant 0 : i32
        %dma_wait3A_369 = arith.constant 0 : i32
        %dma_wait3A_370 = tpu.memref_slice %arg14[%dma_wait3A_368, %dma_wait3A_369] : memref<5120x128xf32, #tpu.memory_space<vmem_shared>> -> memref<5120x128xf32, #tpu.memory_space<vmem_shared>>
        tpu.wait_indirect_dma semaphore(%run_scoped3A_360 : memref<!tpu.dma_semaphore, #tpu.memory_space<semaphore_mem>>) src(%arg12 : memref<128x128xf32, #tpu.memory_space<vmem>>) dst(%dma_wait3A_370 : memref<5120x128xf32, #tpu.memory_space<vmem_shared>>)
        tpu.yield
      }) : () -> ()
      %get3A_312 = arith.index_cast %scan3A_71 : i32 to index
      %get3A_313 = arith.constant 0 : index
      %get3A_314 = tpu.vector_load %arg10[%get3A_312, %get3A_313] {strides = array<i32>} : memref<80x128xi32, #tpu.memory_space<vmem>>, vector<16xi32>,
      %add3A_315 = arith.constant 0 : i32
      %add3A_316 = vector.broadcast %add3A_315 : i32 to vector<16xi32>
      %add3A_317 = arith.addi %add3A_316, %iota3A : vector<16xi32>
      tpu.vector_store_idx %arg12[%add3A_317, %get3A_314], %broadcast_in_dim3A_7 : memref<128x128xf32, #tpu.memory_space<vmem>>[vector<16xi32>, vector<16xi32>], vector<16xf32>,
      %get3A_318 = arith.index_cast %scan3A_71 : i32 to index
      %get3A_319 = arith.constant 16 : index
      %get3A_320 = tpu.vector_load %arg10[%get3A_318, %get3A_319] {strides = array<i32>} : memref<80x128xi32, #tpu.memory_space<vmem>>, vector<16xi32>,
      %add3A_321 = arith.constant 16 : i32
      %add3A_322 = vector.broadcast %add3A_321 : i32 to vector<16xi32>
      %add3A_323 = arith.addi %add3A_322, %iota3A : vector<16xi32>
      tpu.vector_store_idx %arg12[%add3A_323, %get3A_320], %broadcast_in_dim3A_7 : memref<128x128xf32, #tpu.memory_space<vmem>>[vector<16xi32>, vector<16xi32>], vector<16xf32>,
      %get3A_324 = arith.index_cast %scan3A_71 : i32 to index
      %get3A_325 = arith.constant 32 : index
      %get3A_326 = tpu.vector_load %arg10[%get3A_324, %get3A_325] {strides = array<i32>} : memref<80x128xi32, #tpu.memory_space<vmem>>, vector<16xi32>,
      %add3A_327 = arith.constant 32 : i32
      %add3A_328 = vector.broadcast %add3A_327 : i32 to vector<16xi32>
      %add3A_329 = arith.addi %add3A_328, %iota3A : vector<16xi32>
      tpu.vector_store_idx %arg12[%add3A_329, %get3A_326], %broadcast_in_dim3A_7 : memref<128x128xf32, #tpu.memory_space<vmem>>[vector<16xi32>, vector<16xi32>], vector<16xf32>,
      %get3A_330 = arith.index_cast %scan3A_71 : i32 to index
      %get3A_331 = arith.constant 48 : index
      %get3A_332 = tpu.vector_load %arg10[%get3A_330, %get3A_331] {strides = array<i32>} : memref<80x128xi32, #tpu.memory_space<vmem>>, vector<16xi32>,
      %add3A_333 = arith.constant 48 : i32
      %add3A_334 = vector.broadcast %add3A_333 : i32 to vector<16xi32>
      %add3A_335 = arith.addi %add3A_334, %iota3A : vector<16xi32>
      tpu.vector_store_idx %arg12[%add3A_335, %get3A_332], %broadcast_in_dim3A_7 : memref<128x128xf32, #tpu.memory_space<vmem>>[vector<16xi32>, vector<16xi32>], vector<16xf32>,
      %get3A_336 = arith.index_cast %scan3A_71 : i32 to index
      %get3A_337 = arith.constant 64 : index
      %get3A_338 = tpu.vector_load %arg10[%get3A_336, %get3A_337] {strides = array<i32>} : memref<80x128xi32, #tpu.memory_space<vmem>>, vector<16xi32>,
      %add3A_339 = arith.constant 64 : i32
      %add3A_340 = vector.broadcast %add3A_339 : i32 to vector<16xi32>
      %add3A_341 = arith.addi %add3A_340, %iota3A : vector<16xi32>
      tpu.vector_store_idx %arg12[%add3A_341, %get3A_338], %broadcast_in_dim3A_7 : memref<128x128xf32, #tpu.memory_space<vmem>>[vector<16xi32>, vector<16xi32>], vector<16xf32>,
      %get3A_342 = arith.index_cast %scan3A_71 : i32 to index
      %get3A_343 = arith.constant 80 : index
      %get3A_344 = tpu.vector_load %arg10[%get3A_342, %get3A_343] {strides = array<i32>} : memref<80x128xi32, #tpu.memory_space<vmem>>, vector<16xi32>,
      %add3A_345 = arith.constant 80 : i32
      %add3A_346 = vector.broadcast %add3A_345 : i32 to vector<16xi32>
      %add3A_347 = arith.addi %add3A_346, %iota3A : vector<16xi32>
      tpu.vector_store_idx %arg12[%add3A_347, %get3A_344], %broadcast_in_dim3A_7 : memref<128x128xf32, #tpu.memory_space<vmem>>[vector<16xi32>, vector<16xi32>], vector<16xf32>,
      %get3A_348 = arith.index_cast %scan3A_71 : i32 to index
      %get3A_349 = arith.constant 96 : index
      %get3A_350 = tpu.vector_load %arg10[%get3A_348, %get3A_349] {strides = array<i32>} : memref<80x128xi32, #tpu.memory_space<vmem>>, vector<16xi32>,
      %add3A_351 = arith.constant 96 : i32
      %add3A_352 = vector.broadcast %add3A_351 : i32 to vector<16xi32>
      %add3A_353 = arith.addi %add3A_352, %iota3A : vector<16xi32>
      tpu.vector_store_idx %arg12[%add3A_353, %get3A_350], %broadcast_in_dim3A_7 : memref<128x128xf32, #tpu.memory_space<vmem>>[vector<16xi32>, vector<16xi32>], vector<16xf32>,
      %get3A_354 = arith.index_cast %scan3A_71 : i32 to index
      %get3A_355 = arith.constant 112 : index
      %get3A_356 = tpu.vector_load %arg10[%get3A_354, %get3A_355] {strides = array<i32>} : memref<80x128xi32, #tpu.memory_space<vmem>>, vector<16xi32>,
      %add3A_357 = arith.constant 112 : i32
      %add3A_358 = vector.broadcast %add3A_357 : i32 to vector<16xi32>
      %add3A_359 = arith.addi %add3A_358, %iota3A : vector<16xi32>
      tpu.vector_store_idx %arg12[%add3A_359, %get3A_356], %broadcast_in_dim3A_7 : memref<128x128xf32, #tpu.memory_space<vmem>>[vector<16xi32>, vector<16xi32>], vector<16xf32>,
    }
    %scan3A_17 = arith.constant 80 : i32
    %barrier3A_18 = arith.constant 0 : index
    tpu.barrier barrier_id(%barrier3A_18)
    %add3A_19 = arith.constant 0 : i32
    %add3A_20 = arith.addi %mul3A_0, %add3A_19 : i32
    "tpu.region"() ({
      %run_scoped3A = tpu.sem_alloc : memref<!tpu.dma_semaphore, #tpu.memory_space<semaphore_mem>>
      %dma_start3A = arith.constant 0 : i32
      %dma_start3A_71 = arith.constant 0 : i32
      %dma_start3A_72 = tpu.memref_slice %arg12[%dma_start3A, %dma_start3A_71] : memref<128x128xf32, #tpu.memory_space<vmem>> -> memref<128x128xf32, #tpu.memory_space<vmem>>
      %dma_start3A_73 = arith.constant 0 : i32
      %dma_start3A_74 = tpu.memref_slice %arg14[%add3A_20, %dma_start3A_73] : memref<5120x128xf32, #tpu.memory_space<vmem_shared>> -> memref<128x128xf32, #tpu.memory_space<vmem_shared>>
      %dma_start3A_75 = arith.constant 0 : i32
      %dma_start3A_76 = arith.constant 0 : i32
      %dma_start3A_77 = tpu.memref_slice %arg12[%dma_start3A_75, %dma_start3A_76] : memref<128x128xf32, #tpu.memory_space<vmem>> -> memref<128x128xf32, #tpu.memory_space<vmem>>
      %dma_start3A_78 = arith.constant 0 : i32
      %dma_start3A_79 = tpu.memref_slice %arg14[%add3A_20, %dma_start3A_78] : memref<5120x128xf32, #tpu.memory_space<vmem_shared>> -> memref<128x128xf32, #tpu.memory_space<vmem_shared>>
      tpu.enqueue_dma source(%dma_start3A_79 : memref<128x128xf32, #tpu.memory_space<vmem_shared>>) target(%dma_start3A_77 : memref<128x128xf32, #tpu.memory_space<vmem>>) target_semaphore(%run_scoped3A : memref<!tpu.dma_semaphore, #tpu.memory_space<semaphore_mem>>)
      %dma_wait3A = arith.constant 0 : i32
      %dma_wait3A_80 = arith.constant 0 : i32
      %dma_wait3A_81 = tpu.memref_slice %arg12[%dma_wait3A, %dma_wait3A_80] : memref<128x128xf32, #tpu.memory_space<vmem>> -> memref<128x128xf32, #tpu.memory_space<vmem>>
      %dma_wait3A_82 = arith.constant 0 : i32
      %dma_wait3A_83 = tpu.memref_slice %arg14[%add3A_20, %dma_wait3A_82] : memref<5120x128xf32, #tpu.memory_space<vmem_shared>> -> memref<128x128xf32, #tpu.memory_space<vmem_shared>>
      %dma_wait3A_84 = arith.constant 0 : i32
      %dma_wait3A_85 = arith.constant 0 : i32
      %dma_wait3A_86 = tpu.memref_slice %arg12[%dma_wait3A_84, %dma_wait3A_85] : memref<128x128xf32, #tpu.memory_space<vmem>> -> memref<128x128xf32, #tpu.memory_space<vmem>>
      %dma_wait3A_87 = arith.constant 0 : i32
      %dma_wait3A_88 = tpu.memref_slice %arg14[%add3A_20, %dma_wait3A_87] : memref<5120x128xf32, #tpu.memory_space<vmem_shared>> -> memref<128x128xf32, #tpu.memory_space<vmem_shared>>
      tpu.wait_dma2 semaphore(%run_scoped3A : memref<!tpu.dma_semaphore, #tpu.memory_space<semaphore_mem>>) src(%dma_wait3A_88 : memref<128x128xf32, #tpu.memory_space<vmem_shared>>) dst(%dma_wait3A_86 : memref<128x128xf32, #tpu.memory_space<vmem>>)
      tpu.yield
    }) : () -> ()
    %add3A_21 = arith.constant 0 : i32
    %add3A_22 = arith.addi %add3A_21, %mul3A_0 : i32
    %add3A_23 = arith.constant 0 : i32
    %add3A_24 = arith.addi %add3A_22, %add3A_23 : i32
    "tpu.region"() ({
      %run_scoped3A = tpu.sem_alloc : memref<!tpu.dma_semaphore, #tpu.memory_space<semaphore_mem>>
      %dma_start3A = arith.constant 0 : i32
      %dma_start3A_71 = arith.constant 0 : i32
      %dma_start3A_72 = tpu.memref_slice %arg12[%dma_start3A, %dma_start3A_71] : memref<128x128xf32, #tpu.memory_space<vmem>> -> memref<128x128xf32, #tpu.memory_space<vmem>>
      %dma_start3A_73 = arith.constant 0 : i32
      %dma_start3A_74 = tpu.memref_slice %arg7[%arg0, %add3A_24, %dma_start3A_73] : memref<2x10240x128xf32, #tpu.memory_space<hbm>> -> memref<1x128x128xf32, #tpu.memory_space<hbm>>
      %dma_start3A_75 = tpu.memref_squeeze %dma_start3A_74 : memref<1x128x128xf32, #tpu.memory_space<hbm>> -> memref<128x128xf32, #tpu.memory_space<hbm>>
      %dma_start3A_76 = arith.constant 0 : i32
      %dma_start3A_77 = tpu.memref_slice %arg7[%arg0, %add3A_24, %dma_start3A_76] : memref<2x10240x128xf32, #tpu.memory_space<hbm>> -> memref<1x128x128xf32, #tpu.memory_space<hbm>>
      %dma_start3A_78 = tpu.memref_squeeze %dma_start3A_77 : memref<1x128x128xf32, #tpu.memory_space<hbm>> -> memref<128x128xf32, #tpu.memory_space<hbm>>
      %dma_start3A_79 = arith.constant 0 : i32
      %dma_start3A_80 = arith.constant 0 : i32
      %dma_start3A_81 = tpu.memref_slice %arg12[%dma_start3A_79, %dma_start3A_80] : memref<128x128xf32, #tpu.memory_space<vmem>> -> memref<128x128xf32, #tpu.memory_space<vmem>>
      tpu.enqueue_dma source(%dma_start3A_81 : memref<128x128xf32, #tpu.memory_space<vmem>>) target(%dma_start3A_78 : memref<128x128xf32, #tpu.memory_space<hbm>>) target_semaphore(%run_scoped3A : memref<!tpu.dma_semaphore, #tpu.memory_space<semaphore_mem>>)
      %dma_wait3A = arith.constant 0 : i32
      %dma_wait3A_82 = arith.constant 0 : i32
      %dma_wait3A_83 = tpu.memref_slice %arg12[%dma_wait3A, %dma_wait3A_82] : memref<128x128xf32, #tpu.memory_space<vmem>> -> memref<128x128xf32, #tpu.memory_space<vmem>>
      %dma_wait3A_84 = arith.constant 0 : i32
      %dma_wait3A_85 = tpu.memref_slice %arg7[%arg0, %add3A_24, %dma_wait3A_84] : memref<2x10240x128xf32, #tpu.memory_space<hbm>> -> memref<1x128x128xf32, #tpu.memory_space<hbm>>
      %dma_wait3A_86 = tpu.memref_squeeze %dma_wait3A_85 : memref<1x128x128xf32, #tpu.memory_space<hbm>> -> memref<128x128xf32, #tpu.memory_space<hbm>>
      %dma_wait3A_87 = arith.constant 0 : i32
      %dma_wait3A_88 = tpu.memref_slice %arg7[%arg0, %add3A_24, %dma_wait3A_87] : memref<2x10240x128xf32, #tpu.memory_space<hbm>> -> memref<1x128x128xf32, #tpu.memory_space<hbm>>
      %dma_wait3A_89 = tpu.memref_squeeze %dma_wait3A_88 : memref<1x128x128xf32, #tpu.memory_space<hbm>> -> memref<128x128xf32, #tpu.memory_space<hbm>>
      %dma_wait3A_90 = arith.constant 0 : i32
      %dma_wait3A_91 = arith.constant 0 : i32
      %dma_wait3A_92 = tpu.memref_slice %arg12[%dma_wait3A_90, %dma_wait3A_91] : memref<128x128xf32, #tpu.memory_space<vmem>> -> memref<128x128xf32, #tpu.memory_space<vmem>>
      tpu.wait_dma2 semaphore(%run_scoped3A : memref<!tpu.dma_semaphore, #tpu.memory_space<semaphore_mem>>) src(%dma_wait3A_92 : memref<128x128xf32, #tpu.memory_space<vmem>>) dst(%dma_wait3A_89 : memref<128x128xf32, #tpu.memory_space<hbm>>)
      tpu.yield
    }) : () -> ()
    %add3A_25 = arith.constant 128 : i32
    %add3A_26 = arith.addi %mul3A_0, %add3A_25 : i32
    "tpu.region"() ({
      %run_scoped3A = tpu.sem_alloc : memref<!tpu.dma_semaphore, #tpu.memory_space<semaphore_mem>>
      %dma_start3A = arith.constant 0 : i32
      %dma_start3A_71 = arith.constant 0 : i32
      %dma_start3A_72 = tpu.memref_slice %arg12[%dma_start3A, %dma_start3A_71] : memref<128x128xf32, #tpu.memory_space<vmem>> -> memref<128x128xf32, #tpu.memory_space<vmem>>
      %dma_start3A_73 = arith.constant 0 : i32
      %dma_start3A_74 = tpu.memref_slice %arg14[%add3A_26, %dma_start3A_73] : memref<5120x128xf32, #tpu.memory_space<vmem_shared>> -> memref<128x128xf32, #tpu.memory_space<vmem_shared>>
      %dma_start3A_75 = arith.constant 0 : i32
      %dma_start3A_76 = arith.constant 0 : i32
      %dma_start3A_77 = tpu.memref_slice %arg12[%dma_start3A_75, %dma_start3A_76] : memref<128x128xf32, #tpu.memory_space<vmem>> -> memref<128x128xf32, #tpu.memory_space<vmem>>
      %dma_start3A_78 = arith.constant 0 : i32
      %dma_start3A_79 = tpu.memref_slice %arg14[%add3A_26, %dma_start3A_78] : memref<5120x128xf32, #tpu.memory_space<vmem_shared>> -> memref<128x128xf32, #tpu.memory_space<vmem_shared>>
      tpu.enqueue_dma source(%dma_start3A_79 : memref<128x128xf32, #tpu.memory_space<vmem_shared>>) target(%dma_start3A_77 : memref<128x128xf32, #tpu.memory_space<vmem>>) target_semaphore(%run_scoped3A : memref<!tpu.dma_semaphore, #tpu.memory_space<semaphore_mem>>)
      %dma_wait3A = arith.constant 0 : i32
      %dma_wait3A_80 = arith.constant 0 : i32
      %dma_wait3A_81 = tpu.memref_slice %arg12[%dma_wait3A, %dma_wait3A_80] : memref<128x128xf32, #tpu.memory_space<vmem>> -> memref<128x128xf32, #tpu.memory_space<vmem>>
      %dma_wait3A_82 = arith.constant 0 : i32
      %dma_wait3A_83 = tpu.memref_slice %arg14[%add3A_26, %dma_wait3A_82] : memref<5120x128xf32, #tpu.memory_space<vmem_shared>> -> memref<128x128xf32, #tpu.memory_space<vmem_shared>>
      %dma_wait3A_84 = arith.constant 0 : i32
      %dma_wait3A_85 = arith.constant 0 : i32
      %dma_wait3A_86 = tpu.memref_slice %arg12[%dma_wait3A_84, %dma_wait3A_85] : memref<128x128xf32, #tpu.memory_space<vmem>> -> memref<128x128xf32, #tpu.memory_space<vmem>>
      %dma_wait3A_87 = arith.constant 0 : i32
      %dma_wait3A_88 = tpu.memref_slice %arg14[%add3A_26, %dma_wait3A_87] : memref<5120x128xf32, #tpu.memory_space<vmem_shared>> -> memref<128x128xf32, #tpu.memory_space<vmem_shared>>
      tpu.wait_dma2 semaphore(%run_scoped3A : memref<!tpu.dma_semaphore, #tpu.memory_space<semaphore_mem>>) src(%dma_wait3A_88 : memref<128x128xf32, #tpu.memory_space<vmem_shared>>) dst(%dma_wait3A_86 : memref<128x128xf32, #tpu.memory_space<vmem>>)
      tpu.yield
    }) : () -> ()
    %add3A_27 = arith.constant 0 : i32
    %add3A_28 = arith.addi %add3A_27, %mul3A_0 : i32
    %add3A_29 = arith.constant 128 : i32
    %add3A_30 = arith.addi %add3A_28, %add3A_29 : i32
    "tpu.region"() ({
      %run_scoped3A = tpu.sem_alloc : memref<!tpu.dma_semaphore, #tpu.memory_space<semaphore_mem>>
      %dma_start3A = arith.constant 0 : i32
      %dma_start3A_71 = arith.constant 0 : i32
      %dma_start3A_72 = tpu.memref_slice %arg12[%dma_start3A, %dma_start3A_71] : memref<128x128xf32, #tpu.memory_space<vmem>> -> memref<128x128xf32, #tpu.memory_space<vmem>>
      %dma_start3A_73 = arith.constant 0 : i32
      %dma_start3A_74 = tpu.memref_slice %arg7[%arg0, %add3A_30, %dma_start3A_73] : memref<2x10240x128xf32, #tpu.memory_space<hbm>> -> memref<1x128x128xf32, #tpu.memory_space<hbm>>
      %dma_start3A_75 = tpu.memref_squeeze %dma_start3A_74 : memref<1x128x128xf32, #tpu.memory_space<hbm>> -> memref<128x128xf32, #tpu.memory_space<hbm>>
      %dma_start3A_76 = arith.constant 0 : i32
      %dma_start3A_77 = tpu.memref_slice %arg7[%arg0, %add3A_30, %dma_start3A_76] : memref<2x10240x128xf32, #tpu.memory_space<hbm>> -> memref<1x128x128xf32, #tpu.memory_space<hbm>>
      %dma_start3A_78 = tpu.memref_squeeze %dma_start3A_77 : memref<1x128x128xf32, #tpu.memory_space<hbm>> -> memref<128x128xf32, #tpu.memory_space<hbm>>
      %dma_start3A_79 = arith.constant 0 : i32
      %dma_start3A_80 = arith.constant 0 : i32
      %dma_start3A_81 = tpu.memref_slice %arg12[%dma_start3A_79, %dma_start3A_80] : memref<128x128xf32, #tpu.memory_space<vmem>> -> memref<128x128xf32, #tpu.memory_space<vmem>>
      tpu.enqueue_dma source(%dma_start3A_81 : memref<128x128xf32, #tpu.memory_space<vmem>>) target(%dma_start3A_78 : memref<128x128xf32, #tpu.memory_space<hbm>>) target_semaphore(%run_scoped3A : memref<!tpu.dma_semaphore, #tpu.memory_space<semaphore_mem>>)
      %dma_wait3A = arith.constant 0 : i32
      %dma_wait3A_82 = arith.constant 0 : i32
      %dma_wait3A_83 = tpu.memref_slice %arg12[%dma_wait3A, %dma_wait3A_82] : memref<128x128xf32, #tpu.memory_space<vmem>> -> memref<128x128xf32, #tpu.memory_space<vmem>>
      %dma_wait3A_84 = arith.constant 0 : i32
      %dma_wait3A_85 = tpu.memref_slice %arg7[%arg0, %add3A_30, %dma_wait3A_84] : memref<2x10240x128xf32, #tpu.memory_space<hbm>> -> memref<1x128x128xf32, #tpu.memory_space<hbm>>
      %dma_wait3A_86 = tpu.memref_squeeze %dma_wait3A_85 : memref<1x128x128xf32, #tpu.memory_space<hbm>> -> memref<128x128xf32, #tpu.memory_space<hbm>>
      %dma_wait3A_87 = arith.constant 0 : i32
      %dma_wait3A_88 = tpu.memref_slice %arg7[%arg0, %add3A_30, %dma_wait3A_87] : memref<2x10240x128xf32, #tpu.memory_space<hbm>> -> memref<1x128x128xf32, #tpu.memory_space<hbm>>
      %dma_wait3A_89 = tpu.memref_squeeze %dma_wait3A_88 : memref<1x128x128xf32, #tpu.memory_space<hbm>> -> memref<128x128xf32, #tpu.memory_space<hbm>>
      %dma_wait3A_90 = arith.constant 0 : i32
      %dma_wait3A_91 = arith.constant 0 : i32
      %dma_wait3A_92 = tpu.memref_slice %arg12[%dma_wait3A_90, %dma_wait3A_91] : memref<128x128xf32, #tpu.memory_space<vmem>> -> memref<128x128xf32, #tpu.memory_space<vmem>>
      tpu.wait_dma2 semaphore(%run_scoped3A : memref<!tpu.dma_semaphore, #tpu.memory_space<semaphore_mem>>) src(%dma_wait3A_92 : memref<128x128xf32, #tpu.memory_space<vmem>>) dst(%dma_wait3A_89 : memref<128x128xf32, #tpu.memory_space<hbm>>)
      tpu.yield
    }) : () -> ()
    %add3A_31 = arith.constant 256 : i32
    %add3A_32 = arith.addi %mul3A_0, %add3A_31 : i32
    "tpu.region"() ({
      %run_scoped3A = tpu.sem_alloc : memref<!tpu.dma_semaphore, #tpu.memory_space<semaphore_mem>>
      %dma_start3A = arith.constant 0 : i32
      %dma_start3A_71 = arith.constant 0 : i32
      %dma_start3A_72 = tpu.memref_slice %arg12[%dma_start3A, %dma_start3A_71] : memref<128x128xf32, #tpu.memory_space<vmem>> -> memref<64x128xf32, #tpu.memory_space<vmem>>
      %dma_start3A_73 = arith.constant 0 : i32
      %dma_start3A_74 = tpu.memref_slice %arg14[%add3A_32, %dma_start3A_73] : memref<5120x128xf32, #tpu.memory_space<vmem_shared>> -> memref<64x128xf32, #tpu.memory_space<vmem_shared>>
      %dma_start3A_75 = arith.constant 0 : i32
      %dma_start3A_76 = arith.constant 0 : i32
      %dma_start3A_77 = tpu.memref_slice %arg12[%dma_start3A_75, %dma_start3A_76] : memref<128x128xf32, #tpu.memory_space<vmem>> -> memref<64x128xf32, #tpu.memory_space<vmem>>
      %dma_start3A_78 = arith.constant 0 : i32
      %dma_start3A_79 = tpu.memref_slice %arg14[%add3A_32, %dma_start3A_78] : memref<5120x128xf32, #tpu.memory_space<vmem_shared>> -> memref<64x128xf32, #tpu.memory_space<vmem_shared>>
      tpu.enqueue_dma source(%dma_start3A_79 : memref<64x128xf32, #tpu.memory_space<vmem_shared>>) target(%dma_start3A_77 : memref<64x128xf32, #tpu.memory_space<vmem>>) target_semaphore(%run_scoped3A : memref<!tpu.dma_semaphore, #tpu.memory_space<semaphore_mem>>)
      %dma_wait3A = arith.constant 0 : i32
      %dma_wait3A_80 = arith.constant 0 : i32
      %dma_wait3A_81 = tpu.memref_slice %arg12[%dma_wait3A, %dma_wait3A_80] : memref<128x128xf32, #tpu.memory_space<vmem>> -> memref<64x128xf32, #tpu.memory_space<vmem>>
      %dma_wait3A_82 = arith.constant 0 : i32
      %dma_wait3A_83 = tpu.memref_slice %arg14[%add3A_32, %dma_wait3A_82] : memref<5120x128xf32, #tpu.memory_space<vmem_shared>> -> memref<64x128xf32, #tpu.memory_space<vmem_shared>>
      %dma_wait3A_84 = arith.constant 0 : i32
      %dma_wait3A_85 = arith.constant 0 : i32
      %dma_wait3A_86 = tpu.memref_slice %arg12[%dma_wait3A_84, %dma_wait3A_85] : memref<128x128xf32, #tpu.memory_space<vmem>> -> memref<64x128xf32, #tpu.memory_space<vmem>>
      %dma_wait3A_87 = arith.constant 0 : i32
      %dma_wait3A_88 = tpu.memref_slice %arg14[%add3A_32, %dma_wait3A_87] : memref<5120x128xf32, #tpu.memory_space<vmem_shared>> -> memref<64x128xf32, #tpu.memory_space<vmem_shared>>
      tpu.wait_dma2 semaphore(%run_scoped3A : memref<!tpu.dma_semaphore, #tpu.memory_space<semaphore_mem>>) src(%dma_wait3A_88 : memref<64x128xf32, #tpu.memory_space<vmem_shared>>) dst(%dma_wait3A_86 : memref<64x128xf32, #tpu.memory_space<vmem>>)
      tpu.yield
    }) : () -> ()
    %add3A_33 = arith.constant 0 : i32
    %add3A_34 = arith.addi %add3A_33, %mul3A_0 : i32
    %add3A_35 = arith.constant 256 : i32
    %add3A_36 = arith.addi %add3A_34, %add3A_35 : i32
    "tpu.region"() ({
      %run_scoped3A = tpu.sem_alloc : memref<!tpu.dma_semaphore, #tpu.memory_space<semaphore_mem>>
      %dma_start3A = arith.constant 0 : i32
      %dma_start3A_71 = arith.constant 0 : i32
      %dma_start3A_72 = tpu.memref_slice %arg12[%dma_start3A, %dma_start3A_71] : memref<128x128xf32, #tpu.memory_space<vmem>> -> memref<64x128xf32, #tpu.memory_space<vmem>>
      %dma_start3A_73 = arith.constant 0 : i32
      %dma_start3A_74 = tpu.memref_slice %arg7[%arg0, %add3A_36, %dma_start3A_73] : memref<2x10240x128xf32, #tpu.memory_space<hbm>> -> memref<1x64x128xf32, #tpu.memory_space<hbm>>
      %dma_start3A_75 = tpu.memref_squeeze %dma_start3A_74 : memref<1x64x128xf32, #tpu.memory_space<hbm>> -> memref<64x128xf32, #tpu.memory_space<hbm>>
      %dma_start3A_76 = arith.constant 0 : i32
      %dma_start3A_77 = tpu.memref_slice %arg7[%arg0, %add3A_36, %dma_start3A_76] : memref<2x10240x128xf32, #tpu.memory_space<hbm>> -> memref<1x64x128xf32, #tpu.memory_space<hbm>>
      %dma_start3A_78 = tpu.memref_squeeze %dma_start3A_77 : memref<1x64x128xf32, #tpu.memory_space<hbm>> -> memref<64x128xf32, #tpu.memory_space<hbm>>
      %dma_start3A_79 = arith.constant 0 : i32
      %dma_start3A_80 = arith.constant 0 : i32
      %dma_start3A_81 = tpu.memref_slice %arg12[%dma_start3A_79, %dma_start3A_80] : memref<128x128xf32, #tpu.memory_space<vmem>> -> memref<64x128xf32, #tpu.memory_space<vmem>>
      tpu.enqueue_dma source(%dma_start3A_81 : memref<64x128xf32, #tpu.memory_space<vmem>>) target(%dma_start3A_78 : memref<64x128xf32, #tpu.memory_space<hbm>>) target_semaphore(%run_scoped3A : memref<!tpu.dma_semaphore, #tpu.memory_space<semaphore_mem>>)
      %dma_wait3A = arith.constant 0 : i32
      %dma_wait3A_82 = arith.constant 0 : i32
      %dma_wait3A_83 = tpu.memref_slice %arg12[%dma_wait3A, %dma_wait3A_82] : memref<128x128xf32, #tpu.memory_space<vmem>> -> memref<64x128xf32, #tpu.memory_space<vmem>>
      %dma_wait3A_84 = arith.constant 0 : i32
      %dma_wait3A_85 = tpu.memref_slice %arg7[%arg0, %add3A_36, %dma_wait3A_84] : memref<2x10240x128xf32, #tpu.memory_space<hbm>> -> memref<1x64x128xf32, #tpu.memory_space<hbm>>
      %dma_wait3A_86 = tpu.memref_squeeze %dma_wait3A_85 : memref<1x64x128xf32, #tpu.memory_space<hbm>> -> memref<64x128xf32, #tpu.memory_space<hbm>>
      %dma_wait3A_87 = arith.constant 0 : i32
      %dma_wait3A_88 = tpu.memref_slice %arg7[%arg0, %add3A_36, %dma_wait3A_87] : memref<2x10240x128xf32, #tpu.memory_space<hbm>> -> memref<1x64x128xf32, #tpu.memory_space<hbm>>
      %dma_wait3A_89 = tpu.memref_squeeze %dma_wait3A_88 : memref<1x64x128xf32, #tpu.memory_space<hbm>> -> memref<64x128xf32, #tpu.memory_space<hbm>>
      %dma_wait3A_90 = arith.constant 0 : i32
      %dma_wait3A_91 = arith.constant 0 : i32
      %dma_wait3A_92 = tpu.memref_slice %arg12[%dma_wait3A_90, %dma_wait3A_91] : memref<128x128xf32, #tpu.memory_space<vmem>> -> memref<64x128xf32, #tpu.memory_space<vmem>>
      tpu.wait_dma2 semaphore(%run_scoped3A : memref<!tpu.dma_semaphore, #tpu.memory_space<semaphore_mem>>) src(%dma_wait3A_92 : memref<64x128xf32, #tpu.memory_space<vmem>>) dst(%dma_wait3A_89 : memref<64x128xf32, #tpu.memory_space<hbm>>)
      tpu.yield
    }) : () -> ()
    "tpu.region"() ({
      %run_scoped3A = tpu.sem_alloc : memref<!tpu.dma_semaphore, #tpu.memory_space<semaphore_mem>>
      tpu.enqueue_dma source(%arg6 : memref<128x128xf32, #tpu.memory_space<hbm>>) target(%arg12 : memref<128x128xf32, #tpu.memory_space<vmem>>) target_semaphore(%run_scoped3A : memref<!tpu.dma_semaphore, #tpu.memory_space<semaphore_mem>>)
      tpu.wait_dma2 semaphore(%run_scoped3A : memref<!tpu.dma_semaphore, #tpu.memory_space<semaphore_mem>>) src(%arg6 : memref<128x128xf32, #tpu.memory_space<hbm>>) dst(%arg12 : memref<128x128xf32, #tpu.memory_space<vmem>>)
      tpu.yield
    }) : () -> ()
    %barrier3A_37 = arith.constant 0 : index
    tpu.barrier barrier_id(%barrier3A_37)
    %add3A_38 = arith.constant 0 : i32
    %add3A_39 = arith.addi %mul3A_0, %add3A_38 : i32
    "tpu.region"() ({
      %run_scoped3A = tpu.sem_alloc : memref<!tpu.dma_semaphore, #tpu.memory_space<semaphore_mem>>
      %dma_start3A = arith.constant 0 : i32
      %dma_start3A_71 = arith.constant 0 : i32
      %dma_start3A_72 = tpu.memref_slice %arg12[%dma_start3A, %dma_start3A_71] : memref<128x128xf32, #tpu.memory_space<vmem>> -> memref<128x128xf32, #tpu.memory_space<vmem>>
      %dma_start3A_73 = arith.constant 0 : i32
      %dma_start3A_74 = tpu.memref_slice %arg14[%add3A_39, %dma_start3A_73] : memref<5120x128xf32, #tpu.memory_space<vmem_shared>> -> memref<128x128xf32, #tpu.memory_space<vmem_shared>>
      %dma_start3A_75 = arith.constant 0 : i32
      %dma_start3A_76 = tpu.memref_slice %arg14[%add3A_39, %dma_start3A_75] : memref<5120x128xf32, #tpu.memory_space<vmem_shared>> -> memref<128x128xf32, #tpu.memory_space<vmem_shared>>
      %dma_start3A_77 = arith.constant 0 : i32
      %dma_start3A_78 = arith.constant 0 : i32
      %dma_start3A_79 = tpu.memref_slice %arg12[%dma_start3A_77, %dma_start3A_78] : memref<128x128xf32, #tpu.memory_space<vmem>> -> memref<128x128xf32, #tpu.memory_space<vmem>>
      tpu.enqueue_dma source(%dma_start3A_79 : memref<128x128xf32, #tpu.memory_space<vmem>>) target(%dma_start3A_76 : memref<128x128xf32, #tpu.memory_space<vmem_shared>>) target_semaphore(%run_scoped3A : memref<!tpu.dma_semaphore, #tpu.memory_space<semaphore_mem>>)
      %dma_wait3A = arith.constant 0 : i32
      %dma_wait3A_80 = arith.constant 0 : i32
      %dma_wait3A_81 = tpu.memref_slice %arg12[%dma_wait3A, %dma_wait3A_80] : memref<128x128xf32, #tpu.memory_space<vmem>> -> memref<128x128xf32, #tpu.memory_space<vmem>>
      %dma_wait3A_82 = arith.constant 0 : i32
      %dma_wait3A_83 = tpu.memref_slice %arg14[%add3A_39, %dma_wait3A_82] : memref<5120x128xf32, #tpu.memory_space<vmem_shared>> -> memref<128x128xf32, #tpu.memory_space<vmem_shared>>
      %dma_wait3A_84 = arith.constant 0 : i32
      %dma_wait3A_85 = tpu.memref_slice %arg14[%add3A_39, %dma_wait3A_84] : memref<5120x128xf32, #tpu.memory_space<vmem_shared>> -> memref<128x128xf32, #tpu.memory_space<vmem_shared>>
      %dma_wait3A_86 = arith.constant 0 : i32
      %dma_wait3A_87 = arith.constant 0 : i32
      %dma_wait3A_88 = tpu.memref_slice %arg12[%dma_wait3A_86, %dma_wait3A_87] : memref<128x128xf32, #tpu.memory_space<vmem>> -> memref<128x128xf32, #tpu.memory_space<vmem>>
      tpu.wait_dma2 semaphore(%run_scoped3A : memref<!tpu.dma_semaphore, #tpu.memory_space<semaphore_mem>>) src(%dma_wait3A_88 : memref<128x128xf32, #tpu.memory_space<vmem>>) dst(%dma_wait3A_85 : memref<128x128xf32, #tpu.memory_space<vmem_shared>>)
      tpu.yield
    }) : () -> ()
    %add3A_40 = arith.constant 128 : i32
    %add3A_41 = arith.addi %mul3A_0, %add3A_40 : i32
    "tpu.region"() ({
      %run_scoped3A = tpu.sem_alloc : memref<!tpu.dma_semaphore, #tpu.memory_space<semaphore_mem>>
      %dma_start3A = arith.constant 0 : i32
      %dma_start3A_71 = arith.constant 0 : i32
      %dma_start3A_72 = tpu.memref_slice %arg12[%dma_start3A, %dma_start3A_71] : memref<128x128xf32, #tpu.memory_space<vmem>> -> memref<128x128xf32, #tpu.memory_space<vmem>>
      %dma_start3A_73 = arith.constant 0 : i32
      %dma_start3A_74 = tpu.memref_slice %arg14[%add3A_41, %dma_start3A_73] : memref<5120x128xf32, #tpu.memory_space<vmem_shared>> -> memref<128x128xf32, #tpu.memory_space<vmem_shared>>
      %dma_start3A_75 = arith.constant 0 : i32
      %dma_start3A_76 = tpu.memref_slice %arg14[%add3A_41, %dma_start3A_75] : memref<5120x128xf32, #tpu.memory_space<vmem_shared>> -> memref<128x128xf32, #tpu.memory_space<vmem_shared>>
      %dma_start3A_77 = arith.constant 0 : i32
      %dma_start3A_78 = arith.constant 0 : i32
      %dma_start3A_79 = tpu.memref_slice %arg12[%dma_start3A_77, %dma_start3A_78] : memref<128x128xf32, #tpu.memory_space<vmem>> -> memref<128x128xf32, #tpu.memory_space<vmem>>
      tpu.enqueue_dma source(%dma_start3A_79 : memref<128x128xf32, #tpu.memory_space<vmem>>) target(%dma_start3A_76 : memref<128x128xf32, #tpu.memory_space<vmem_shared>>) target_semaphore(%run_scoped3A : memref<!tpu.dma_semaphore, #tpu.memory_space<semaphore_mem>>)
      %dma_wait3A = arith.constant 0 : i32
      %dma_wait3A_80 = arith.constant 0 : i32
      %dma_wait3A_81 = tpu.memref_slice %arg12[%dma_wait3A, %dma_wait3A_80] : memref<128x128xf32, #tpu.memory_space<vmem>> -> memref<128x128xf32, #tpu.memory_space<vmem>>
      %dma_wait3A_82 = arith.constant 0 : i32
      %dma_wait3A_83 = tpu.memref_slice %arg14[%add3A_41, %dma_wait3A_82] : memref<5120x128xf32, #tpu.memory_space<vmem_shared>> -> memref<128x128xf32, #tpu.memory_space<vmem_shared>>
      %dma_wait3A_84 = arith.constant 0 : i32
      %dma_wait3A_85 = tpu.memref_slice %arg14[%add3A_41, %dma_wait3A_84] : memref<5120x128xf32, #tpu.memory_space<vmem_shared>> -> memref<128x128xf32, #tpu.memory_space<vmem_shared>>
      %dma_wait3A_86 = arith.constant 0 : i32
      %dma_wait3A_87 = arith.constant 0 : i32
      %dma_wait3A_88 = tpu.memref_slice %arg12[%dma_wait3A_86, %dma_wait3A_87] : memref<128x128xf32, #tpu.memory_space<vmem>> -> memref<128x128xf32, #tpu.memory_space<vmem>>
      tpu.wait_dma2 semaphore(%run_scoped3A : memref<!tpu.dma_semaphore, #tpu.memory_space<semaphore_mem>>) src(%dma_wait3A_88 : memref<128x128xf32, #tpu.memory_space<vmem>>) dst(%dma_wait3A_85 : memref<128x128xf32, #tpu.memory_space<vmem_shared>>)
      tpu.yield
    }) : () -> ()
    %add3A_42 = arith.constant 256 : i32
    %add3A_43 = arith.addi %mul3A_0, %add3A_42 : i32
    "tpu.region"() ({
      %run_scoped3A = tpu.sem_alloc : memref<!tpu.dma_semaphore, #tpu.memory_space<semaphore_mem>>
      %dma_start3A = arith.constant 0 : i32
      %dma_start3A_71 = arith.constant 0 : i32
      %dma_start3A_72 = tpu.memref_slice %arg12[%dma_start3A, %dma_start3A_71] : memref<128x128xf32, #tpu.memory_space<vmem>> -> memref<64x128xf32, #tpu.memory_space<vmem>>
      %dma_start3A_73 = arith.constant 0 : i32
      %dma_start3A_74 = tpu.memref_slice %arg14[%add3A_43, %dma_start3A_73] : memref<5120x128xf32, #tpu.memory_space<vmem_shared>> -> memref<64x128xf32, #tpu.memory_space<vmem_shared>>
      %dma_start3A_75 = arith.constant 0 : i32
      %dma_start3A_76 = tpu.memref_slice %arg14[%add3A_43, %dma_start3A_75] : memref<5120x128xf32, #tpu.memory_space<vmem_shared>> -> memref<64x128xf32, #tpu.memory_space<vmem_shared>>
      %dma_start3A_77 = arith.constant 0 : i32
      %dma_start3A_78 = arith.constant 0 : i32
      %dma_start3A_79 = tpu.memref_slice %arg12[%dma_start3A_77, %dma_start3A_78] : memref<128x128xf32, #tpu.memory_space<vmem>> -> memref<64x128xf32, #tpu.memory_space<vmem>>
      tpu.enqueue_dma source(%dma_start3A_79 : memref<64x128xf32, #tpu.memory_space<vmem>>) target(%dma_start3A_76 : memref<64x128xf32, #tpu.memory_space<vmem_shared>>) target_semaphore(%run_scoped3A : memref<!tpu.dma_semaphore, #tpu.memory_space<semaphore_mem>>)
      %dma_wait3A = arith.constant 0 : i32
      %dma_wait3A_80 = arith.constant 0 : i32
      %dma_wait3A_81 = tpu.memref_slice %arg12[%dma_wait3A, %dma_wait3A_80] : memref<128x128xf32, #tpu.memory_space<vmem>> -> memref<64x128xf32, #tpu.memory_space<vmem>>
      %dma_wait3A_82 = arith.constant 0 : i32
      %dma_wait3A_83 = tpu.memref_slice %arg14[%add3A_43, %dma_wait3A_82] : memref<5120x128xf32, #tpu.memory_space<vmem_shared>> -> memref<64x128xf32, #tpu.memory_space<vmem_shared>>
      %dma_wait3A_84 = arith.constant 0 : i32
      %dma_wait3A_85 = tpu.memref_slice %arg14[%add3A_43, %dma_wait3A_84] : memref<5120x128xf32, #tpu.memory_space<vmem_shared>> -> memref<64x128xf32, #tpu.memory_space<vmem_shared>>
      %dma_wait3A_86 = arith.constant 0 : i32
      %dma_wait3A_87 = arith.constant 0 : i32
      %dma_wait3A_88 = tpu.memref_slice %arg12[%dma_wait3A_86, %dma_wait3A_87] : memref<128x128xf32, #tpu.memory_space<vmem>> -> memref<64x128xf32, #tpu.memory_space<vmem>>
      tpu.wait_dma2 semaphore(%run_scoped3A : memref<!tpu.dma_semaphore, #tpu.memory_space<semaphore_mem>>) src(%dma_wait3A_88 : memref<64x128xf32, #tpu.memory_space<vmem>>) dst(%dma_wait3A_85 : memref<64x128xf32, #tpu.memory_space<vmem_shared>>)
      tpu.yield
    }) : () -> ()
    %barrier3A_44 = arith.constant 0 : index
    tpu.barrier barrier_id(%barrier3A_44)
    %scan3A_45 = arith.constant 0 : i32
    %scan3A_46 = arith.constant 0 : i32
    %scan3A_47 = arith.constant 80 : i32
    %scan3A_48 = arith.addi %scan3A_46, %scan3A_47 : i32
    %scan3A_49 = arith.constant 1 : i32
    scf.for %scan3A_71 = %scan3A_46 to %scan3A_48 step %scan3A_49  : i32 {
      %get3A = arith.index_cast %scan3A_71 : i32 to index
      %get3A_72 = arith.constant 0 : index
      %get3A_73 = tpu.vector_load %arg8[%get3A, %get3A_72] {strides = array<i32>} : memref<80x128xi32, #tpu.memory_space<vmem>>, vector<16xi32>,
      %get3A_74 = arith.index_cast %scan3A_71 : i32 to index
      %get3A_75 = arith.constant 0 : index
      %get3A_76 = tpu.vector_load %arg10[%get3A_74, %get3A_75] {strides = array<i32>} : memref<80x128xi32, #tpu.memory_space<vmem>>, vector<16xi32>,
      %get3A_77 = arith.index_cast %scan3A_71 : i32 to index
      %get3A_78 = arith.constant 0 : index
      %get3A_79 = tpu.vector_load %arg9[%get3A_77, %get3A_78] {strides = array<i32>} : memref<80x128xi32, #tpu.memory_space<vmem>>, vector<16xi32>,
      %gather3A = tpu.vector_load_idx %arg11[%get3A_73] : memref<20224xf32, #tpu.memory_space<vmem>>[vector<16xi32>], vector<16xf32>,
      %add3A_80 = arith.constant 0 : i32
      %add3A_81 = vector.broadcast %add3A_80 : i32 to vector<16xi32>
      %add3A_82 = arith.addi %add3A_81, %iota3A : vector<16xi32>
      tpu.vector_store_idx %arg12[%add3A_82, %get3A_76], %gather3A : memref<128x128xf32, #tpu.memory_space<vmem>>[vector<16xi32>, vector<16xi32>], vector<16xf32>,
      %ge3A = arith.constant 5056 : i32
      %ge3A_83 = vector.broadcast %ge3A : i32 to vector<16xi32>
      %ge3A_84 = arith.cmpi sge, %get3A_79, %ge3A_83 : vector<16xi32>
      %lt3A = arith.constant 10112 : i32
      %lt3A_85 = vector.broadcast %lt3A : i32 to vector<16xi32>
      %lt3A_86 = arith.cmpi slt, %get3A_79, %lt3A_85 : vector<16xi32>
      %and3A = arith.andi %ge3A_84, %lt3A_86 : vector<16xi1>
      %sub3A = arith.constant 5056 : i32
      %sub3A_87 = vector.broadcast %sub3A : i32 to vector<16xi32>
      %sub3A_88 = arith.subi %get3A_79, %sub3A_87 : vector<16xi32>
      %jit3A = arith.constant 5056 : i32
      %broadcast_in_dim3A_89 = vector.broadcast %jit3A : i32 to vector<16xi32>
      %select_n3A = arith.select %and3A, %sub3A_88, %broadcast_in_dim3A_89 : vector<16xi1>, vector<16xi32>
      %broadcast_in_dim3A_90 = arith.constant 0 : i32
      %broadcast_in_dim3A_91 = vector.broadcast %broadcast_in_dim3A_90 : i32 to vector<16xi32>
      %add3A_92 = arith.constant 0 : i32
      %add3A_93 = vector.broadcast %add3A_92 : i32 to vector<16xi32>
      %add3A_94 = arith.addi %add3A_93, %iota3A : vector<16xi32>
      tpu.vector_store_idx %arg13[%broadcast_in_dim3A_91, %add3A_94], %select_n3A : memref<1x128xi32, #tpu.memory_space<vmem>>[vector<16xi32>, vector<16xi32>], vector<16xi32>,
      %get3A_95 = arith.index_cast %scan3A_71 : i32 to index
      %get3A_96 = arith.constant 16 : index
      %get3A_97 = tpu.vector_load %arg8[%get3A_95, %get3A_96] {strides = array<i32>} : memref<80x128xi32, #tpu.memory_space<vmem>>, vector<16xi32>,
      %get3A_98 = arith.index_cast %scan3A_71 : i32 to index
      %get3A_99 = arith.constant 16 : index
      %get3A_100 = tpu.vector_load %arg10[%get3A_98, %get3A_99] {strides = array<i32>} : memref<80x128xi32, #tpu.memory_space<vmem>>, vector<16xi32>,
      %get3A_101 = arith.index_cast %scan3A_71 : i32 to index
      %get3A_102 = arith.constant 16 : index
      %get3A_103 = tpu.vector_load %arg9[%get3A_101, %get3A_102] {strides = array<i32>} : memref<80x128xi32, #tpu.memory_space<vmem>>, vector<16xi32>,
      %gather3A_104 = tpu.vector_load_idx %arg11[%get3A_97] : memref<20224xf32, #tpu.memory_space<vmem>>[vector<16xi32>], vector<16xf32>,
      %add3A_105 = arith.constant 16 : i32
      %add3A_106 = vector.broadcast %add3A_105 : i32 to vector<16xi32>
      %add3A_107 = arith.addi %add3A_106, %iota3A : vector<16xi32>
      tpu.vector_store_idx %arg12[%add3A_107, %get3A_100], %gather3A_104 : memref<128x128xf32, #tpu.memory_space<vmem>>[vector<16xi32>, vector<16xi32>], vector<16xf32>,
      %ge3A_108 = arith.constant 5056 : i32
      %ge3A_109 = vector.broadcast %ge3A_108 : i32 to vector<16xi32>
      %ge3A_110 = arith.cmpi sge, %get3A_103, %ge3A_109 : vector<16xi32>
      %lt3A_111 = arith.constant 10112 : i32
      %lt3A_112 = vector.broadcast %lt3A_111 : i32 to vector<16xi32>
      %lt3A_113 = arith.cmpi slt, %get3A_103, %lt3A_112 : vector<16xi32>
      %and3A_114 = arith.andi %ge3A_110, %lt3A_113 : vector<16xi1>
      %sub3A_115 = arith.constant 5056 : i32
      %sub3A_116 = vector.broadcast %sub3A_115 : i32 to vector<16xi32>
      %sub3A_117 = arith.subi %get3A_103, %sub3A_116 : vector<16xi32>
      %jit3A_118 = arith.constant 5056 : i32
      %broadcast_in_dim3A_119 = vector.broadcast %jit3A_118 : i32 to vector<16xi32>
      %select_n3A_120 = arith.select %and3A_114, %sub3A_117, %broadcast_in_dim3A_119 : vector<16xi1>, vector<16xi32>
      %broadcast_in_dim3A_121 = arith.constant 0 : i32
      %broadcast_in_dim3A_122 = vector.broadcast %broadcast_in_dim3A_121 : i32 to vector<16xi32>
      %add3A_123 = arith.constant 16 : i32
      %add3A_124 = vector.broadcast %add3A_123 : i32 to vector<16xi32>
      %add3A_125 = arith.addi %add3A_124, %iota3A : vector<16xi32>
      tpu.vector_store_idx %arg13[%broadcast_in_dim3A_122, %add3A_125], %select_n3A_120 : memref<1x128xi32, #tpu.memory_space<vmem>>[vector<16xi32>, vector<16xi32>], vector<16xi32>,
      %get3A_126 = arith.index_cast %scan3A_71 : i32 to index
      %get3A_127 = arith.constant 32 : index
      %get3A_128 = tpu.vector_load %arg8[%get3A_126, %get3A_127] {strides = array<i32>} : memref<80x128xi32, #tpu.memory_space<vmem>>, vector<16xi32>,
      %get3A_129 = arith.index_cast %scan3A_71 : i32 to index
      %get3A_130 = arith.constant 32 : index
      %get3A_131 = tpu.vector_load %arg10[%get3A_129, %get3A_130] {strides = array<i32>} : memref<80x128xi32, #tpu.memory_space<vmem>>, vector<16xi32>,
      %get3A_132 = arith.index_cast %scan3A_71 : i32 to index
      %get3A_133 = arith.constant 32 : index
      %get3A_134 = tpu.vector_load %arg9[%get3A_132, %get3A_133] {strides = array<i32>} : memref<80x128xi32, #tpu.memory_space<vmem>>, vector<16xi32>,
      %gather3A_135 = tpu.vector_load_idx %arg11[%get3A_128] : memref<20224xf32, #tpu.memory_space<vmem>>[vector<16xi32>], vector<16xf32>,
      %add3A_136 = arith.constant 32 : i32
      %add3A_137 = vector.broadcast %add3A_136 : i32 to vector<16xi32>
      %add3A_138 = arith.addi %add3A_137, %iota3A : vector<16xi32>
      tpu.vector_store_idx %arg12[%add3A_138, %get3A_131], %gather3A_135 : memref<128x128xf32, #tpu.memory_space<vmem>>[vector<16xi32>, vector<16xi32>], vector<16xf32>,
      %ge3A_139 = arith.constant 5056 : i32
      %ge3A_140 = vector.broadcast %ge3A_139 : i32 to vector<16xi32>
      %ge3A_141 = arith.cmpi sge, %get3A_134, %ge3A_140 : vector<16xi32>
      %lt3A_142 = arith.constant 10112 : i32
      %lt3A_143 = vector.broadcast %lt3A_142 : i32 to vector<16xi32>
      %lt3A_144 = arith.cmpi slt, %get3A_134, %lt3A_143 : vector<16xi32>
      %and3A_145 = arith.andi %ge3A_141, %lt3A_144 : vector<16xi1>
      %sub3A_146 = arith.constant 5056 : i32
      %sub3A_147 = vector.broadcast %sub3A_146 : i32 to vector<16xi32>
      %sub3A_148 = arith.subi %get3A_134, %sub3A_147 : vector<16xi32>
      %jit3A_149 = arith.constant 5056 : i32
      %broadcast_in_dim3A_150 = vector.broadcast %jit3A_149 : i32 to vector<16xi32>
      %select_n3A_151 = arith.select %and3A_145, %sub3A_148, %broadcast_in_dim3A_150 : vector<16xi1>, vector<16xi32>
      %broadcast_in_dim3A_152 = arith.constant 0 : i32
      %broadcast_in_dim3A_153 = vector.broadcast %broadcast_in_dim3A_152 : i32 to vector<16xi32>
      %add3A_154 = arith.constant 32 : i32
      %add3A_155 = vector.broadcast %add3A_154 : i32 to vector<16xi32>
      %add3A_156 = arith.addi %add3A_155, %iota3A : vector<16xi32>
      tpu.vector_store_idx %arg13[%broadcast_in_dim3A_153, %add3A_156], %select_n3A_151 : memref<1x128xi32, #tpu.memory_space<vmem>>[vector<16xi32>, vector<16xi32>], vector<16xi32>,
      %get3A_157 = arith.index_cast %scan3A_71 : i32 to index
      %get3A_158 = arith.constant 48 : index
      %get3A_159 = tpu.vector_load %arg8[%get3A_157, %get3A_158] {strides = array<i32>} : memref<80x128xi32, #tpu.memory_space<vmem>>, vector<16xi32>,
      %get3A_160 = arith.index_cast %scan3A_71 : i32 to index
      %get3A_161 = arith.constant 48 : index
      %get3A_162 = tpu.vector_load %arg10[%get3A_160, %get3A_161] {strides = array<i32>} : memref<80x128xi32, #tpu.memory_space<vmem>>, vector<16xi32>,
      %get3A_163 = arith.index_cast %scan3A_71 : i32 to index
      %get3A_164 = arith.constant 48 : index
      %get3A_165 = tpu.vector_load %arg9[%get3A_163, %get3A_164] {strides = array<i32>} : memref<80x128xi32, #tpu.memory_space<vmem>>, vector<16xi32>,
      %gather3A_166 = tpu.vector_load_idx %arg11[%get3A_159] : memref<20224xf32, #tpu.memory_space<vmem>>[vector<16xi32>], vector<16xf32>,
      %add3A_167 = arith.constant 48 : i32
      %add3A_168 = vector.broadcast %add3A_167 : i32 to vector<16xi32>
      %add3A_169 = arith.addi %add3A_168, %iota3A : vector<16xi32>
      tpu.vector_store_idx %arg12[%add3A_169, %get3A_162], %gather3A_166 : memref<128x128xf32, #tpu.memory_space<vmem>>[vector<16xi32>, vector<16xi32>], vector<16xf32>,
      %ge3A_170 = arith.constant 5056 : i32
      %ge3A_171 = vector.broadcast %ge3A_170 : i32 to vector<16xi32>
      %ge3A_172 = arith.cmpi sge, %get3A_165, %ge3A_171 : vector<16xi32>
      %lt3A_173 = arith.constant 10112 : i32
      %lt3A_174 = vector.broadcast %lt3A_173 : i32 to vector<16xi32>
      %lt3A_175 = arith.cmpi slt, %get3A_165, %lt3A_174 : vector<16xi32>
      %and3A_176 = arith.andi %ge3A_172, %lt3A_175 : vector<16xi1>
      %sub3A_177 = arith.constant 5056 : i32
      %sub3A_178 = vector.broadcast %sub3A_177 : i32 to vector<16xi32>
      %sub3A_179 = arith.subi %get3A_165, %sub3A_178 : vector<16xi32>
      %jit3A_180 = arith.constant 5056 : i32
      %broadcast_in_dim3A_181 = vector.broadcast %jit3A_180 : i32 to vector<16xi32>
      %select_n3A_182 = arith.select %and3A_176, %sub3A_179, %broadcast_in_dim3A_181 : vector<16xi1>, vector<16xi32>
      %broadcast_in_dim3A_183 = arith.constant 0 : i32
      %broadcast_in_dim3A_184 = vector.broadcast %broadcast_in_dim3A_183 : i32 to vector<16xi32>
      %add3A_185 = arith.constant 48 : i32
      %add3A_186 = vector.broadcast %add3A_185 : i32 to vector<16xi32>
      %add3A_187 = arith.addi %add3A_186, %iota3A : vector<16xi32>
      tpu.vector_store_idx %arg13[%broadcast_in_dim3A_184, %add3A_187], %select_n3A_182 : memref<1x128xi32, #tpu.memory_space<vmem>>[vector<16xi32>, vector<16xi32>], vector<16xi32>,
      %get3A_188 = arith.index_cast %scan3A_71 : i32 to index
      %get3A_189 = arith.constant 64 : index
      %get3A_190 = tpu.vector_load %arg8[%get3A_188, %get3A_189] {strides = array<i32>} : memref<80x128xi32, #tpu.memory_space<vmem>>, vector<16xi32>,
      %get3A_191 = arith.index_cast %scan3A_71 : i32 to index
      %get3A_192 = arith.constant 64 : index
      %get3A_193 = tpu.vector_load %arg10[%get3A_191, %get3A_192] {strides = array<i32>} : memref<80x128xi32, #tpu.memory_space<vmem>>, vector<16xi32>,
      %get3A_194 = arith.index_cast %scan3A_71 : i32 to index
      %get3A_195 = arith.constant 64 : index
      %get3A_196 = tpu.vector_load %arg9[%get3A_194, %get3A_195] {strides = array<i32>} : memref<80x128xi32, #tpu.memory_space<vmem>>, vector<16xi32>,
      %gather3A_197 = tpu.vector_load_idx %arg11[%get3A_190] : memref<20224xf32, #tpu.memory_space<vmem>>[vector<16xi32>], vector<16xf32>,
      %add3A_198 = arith.constant 64 : i32
      %add3A_199 = vector.broadcast %add3A_198 : i32 to vector<16xi32>
      %add3A_200 = arith.addi %add3A_199, %iota3A : vector<16xi32>
      tpu.vector_store_idx %arg12[%add3A_200, %get3A_193], %gather3A_197 : memref<128x128xf32, #tpu.memory_space<vmem>>[vector<16xi32>, vector<16xi32>], vector<16xf32>,
      %ge3A_201 = arith.constant 5056 : i32
      %ge3A_202 = vector.broadcast %ge3A_201 : i32 to vector<16xi32>
      %ge3A_203 = arith.cmpi sge, %get3A_196, %ge3A_202 : vector<16xi32>
      %lt3A_204 = arith.constant 10112 : i32
      %lt3A_205 = vector.broadcast %lt3A_204 : i32 to vector<16xi32>
      %lt3A_206 = arith.cmpi slt, %get3A_196, %lt3A_205 : vector<16xi32>
      %and3A_207 = arith.andi %ge3A_203, %lt3A_206 : vector<16xi1>
      %sub3A_208 = arith.constant 5056 : i32
      %sub3A_209 = vector.broadcast %sub3A_208 : i32 to vector<16xi32>
      %sub3A_210 = arith.subi %get3A_196, %sub3A_209 : vector<16xi32>
      %jit3A_211 = arith.constant 5056 : i32
      %broadcast_in_dim3A_212 = vector.broadcast %jit3A_211 : i32 to vector<16xi32>
      %select_n3A_213 = arith.select %and3A_207, %sub3A_210, %broadcast_in_dim3A_212 : vector<16xi1>, vector<16xi32>
      %broadcast_in_dim3A_214 = arith.constant 0 : i32
      %broadcast_in_dim3A_215 = vector.broadcast %broadcast_in_dim3A_214 : i32 to vector<16xi32>
      %add3A_216 = arith.constant 64 : i32
      %add3A_217 = vector.broadcast %add3A_216 : i32 to vector<16xi32>
      %add3A_218 = arith.addi %add3A_217, %iota3A : vector<16xi32>
      tpu.vector_store_idx %arg13[%broadcast_in_dim3A_215, %add3A_218], %select_n3A_213 : memref<1x128xi32, #tpu.memory_space<vmem>>[vector<16xi32>, vector<16xi32>], vector<16xi32>,
      %get3A_219 = arith.index_cast %scan3A_71 : i32 to index
      %get3A_220 = arith.constant 80 : index
      %get3A_221 = tpu.vector_load %arg8[%get3A_219, %get3A_220] {strides = array<i32>} : memref<80x128xi32, #tpu.memory_space<vmem>>, vector<16xi32>,
      %get3A_222 = arith.index_cast %scan3A_71 : i32 to index
      %get3A_223 = arith.constant 80 : index
      %get3A_224 = tpu.vector_load %arg10[%get3A_222, %get3A_223] {strides = array<i32>} : memref<80x128xi32, #tpu.memory_space<vmem>>, vector<16xi32>,
      %get3A_225 = arith.index_cast %scan3A_71 : i32 to index
      %get3A_226 = arith.constant 80 : index
      %get3A_227 = tpu.vector_load %arg9[%get3A_225, %get3A_226] {strides = array<i32>} : memref<80x128xi32, #tpu.memory_space<vmem>>, vector<16xi32>,
      %gather3A_228 = tpu.vector_load_idx %arg11[%get3A_221] : memref<20224xf32, #tpu.memory_space<vmem>>[vector<16xi32>], vector<16xf32>,
      %add3A_229 = arith.constant 80 : i32
      %add3A_230 = vector.broadcast %add3A_229 : i32 to vector<16xi32>
      %add3A_231 = arith.addi %add3A_230, %iota3A : vector<16xi32>
      tpu.vector_store_idx %arg12[%add3A_231, %get3A_224], %gather3A_228 : memref<128x128xf32, #tpu.memory_space<vmem>>[vector<16xi32>, vector<16xi32>], vector<16xf32>,
      %ge3A_232 = arith.constant 5056 : i32
      %ge3A_233 = vector.broadcast %ge3A_232 : i32 to vector<16xi32>
      %ge3A_234 = arith.cmpi sge, %get3A_227, %ge3A_233 : vector<16xi32>
      %lt3A_235 = arith.constant 10112 : i32
      %lt3A_236 = vector.broadcast %lt3A_235 : i32 to vector<16xi32>
      %lt3A_237 = arith.cmpi slt, %get3A_227, %lt3A_236 : vector<16xi32>
      %and3A_238 = arith.andi %ge3A_234, %lt3A_237 : vector<16xi1>
      %sub3A_239 = arith.constant 5056 : i32
      %sub3A_240 = vector.broadcast %sub3A_239 : i32 to vector<16xi32>
      %sub3A_241 = arith.subi %get3A_227, %sub3A_240 : vector<16xi32>
      %jit3A_242 = arith.constant 5056 : i32
      %broadcast_in_dim3A_243 = vector.broadcast %jit3A_242 : i32 to vector<16xi32>
      %select_n3A_244 = arith.select %and3A_238, %sub3A_241, %broadcast_in_dim3A_243 : vector<16xi1>, vector<16xi32>
      %broadcast_in_dim3A_245 = arith.constant 0 : i32
      %broadcast_in_dim3A_246 = vector.broadcast %broadcast_in_dim3A_245 : i32 to vector<16xi32>
      %add3A_247 = arith.constant 80 : i32
      %add3A_248 = vector.broadcast %add3A_247 : i32 to vector<16xi32>
      %add3A_249 = arith.addi %add3A_248, %iota3A : vector<16xi32>
      tpu.vector_store_idx %arg13[%broadcast_in_dim3A_246, %add3A_249], %select_n3A_244 : memref<1x128xi32, #tpu.memory_space<vmem>>[vector<16xi32>, vector<16xi32>], vector<16xi32>,
      %get3A_250 = arith.index_cast %scan3A_71 : i32 to index
      %get3A_251 = arith.constant 96 : index
      %get3A_252 = tpu.vector_load %arg8[%get3A_250, %get3A_251] {strides = array<i32>} : memref<80x128xi32, #tpu.memory_space<vmem>>, vector<16xi32>,
      %get3A_253 = arith.index_cast %scan3A_71 : i32 to index
      %get3A_254 = arith.constant 96 : index
      %get3A_255 = tpu.vector_load %arg10[%get3A_253, %get3A_254] {strides = array<i32>} : memref<80x128xi32, #tpu.memory_space<vmem>>, vector<16xi32>,
      %get3A_256 = arith.index_cast %scan3A_71 : i32 to index
      %get3A_257 = arith.constant 96 : index
      %get3A_258 = tpu.vector_load %arg9[%get3A_256, %get3A_257] {strides = array<i32>} : memref<80x128xi32, #tpu.memory_space<vmem>>, vector<16xi32>,
      %gather3A_259 = tpu.vector_load_idx %arg11[%get3A_252] : memref<20224xf32, #tpu.memory_space<vmem>>[vector<16xi32>], vector<16xf32>,
      %add3A_260 = arith.constant 96 : i32
      %add3A_261 = vector.broadcast %add3A_260 : i32 to vector<16xi32>
      %add3A_262 = arith.addi %add3A_261, %iota3A : vector<16xi32>
      tpu.vector_store_idx %arg12[%add3A_262, %get3A_255], %gather3A_259 : memref<128x128xf32, #tpu.memory_space<vmem>>[vector<16xi32>, vector<16xi32>], vector<16xf32>,
      %ge3A_263 = arith.constant 5056 : i32
      %ge3A_264 = vector.broadcast %ge3A_263 : i32 to vector<16xi32>
      %ge3A_265 = arith.cmpi sge, %get3A_258, %ge3A_264 : vector<16xi32>
      %lt3A_266 = arith.constant 10112 : i32
      %lt3A_267 = vector.broadcast %lt3A_266 : i32 to vector<16xi32>
      %lt3A_268 = arith.cmpi slt, %get3A_258, %lt3A_267 : vector<16xi32>
      %and3A_269 = arith.andi %ge3A_265, %lt3A_268 : vector<16xi1>
      %sub3A_270 = arith.constant 5056 : i32
      %sub3A_271 = vector.broadcast %sub3A_270 : i32 to vector<16xi32>
      %sub3A_272 = arith.subi %get3A_258, %sub3A_271 : vector<16xi32>
      %jit3A_273 = arith.constant 5056 : i32
      %broadcast_in_dim3A_274 = vector.broadcast %jit3A_273 : i32 to vector<16xi32>
      %select_n3A_275 = arith.select %and3A_269, %sub3A_272, %broadcast_in_dim3A_274 : vector<16xi1>, vector<16xi32>
      %broadcast_in_dim3A_276 = arith.constant 0 : i32
      %broadcast_in_dim3A_277 = vector.broadcast %broadcast_in_dim3A_276 : i32 to vector<16xi32>
      %add3A_278 = arith.constant 96 : i32
      %add3A_279 = vector.broadcast %add3A_278 : i32 to vector<16xi32>
      %add3A_280 = arith.addi %add3A_279, %iota3A : vector<16xi32>
      tpu.vector_store_idx %arg13[%broadcast_in_dim3A_277, %add3A_280], %select_n3A_275 : memref<1x128xi32, #tpu.memory_space<vmem>>[vector<16xi32>, vector<16xi32>], vector<16xi32>,
      %get3A_281 = arith.index_cast %scan3A_71 : i32 to index
      %get3A_282 = arith.constant 112 : index
      %get3A_283 = tpu.vector_load %arg8[%get3A_281, %get3A_282] {strides = array<i32>} : memref<80x128xi32, #tpu.memory_space<vmem>>, vector<16xi32>,
      %get3A_284 = arith.index_cast %scan3A_71 : i32 to index
      %get3A_285 = arith.constant 112 : index
      %get3A_286 = tpu.vector_load %arg10[%get3A_284, %get3A_285] {strides = array<i32>} : memref<80x128xi32, #tpu.memory_space<vmem>>, vector<16xi32>,
      %get3A_287 = arith.index_cast %scan3A_71 : i32 to index
      %get3A_288 = arith.constant 112 : index
      %get3A_289 = tpu.vector_load %arg9[%get3A_287, %get3A_288] {strides = array<i32>} : memref<80x128xi32, #tpu.memory_space<vmem>>, vector<16xi32>,
      %gather3A_290 = tpu.vector_load_idx %arg11[%get3A_283] : memref<20224xf32, #tpu.memory_space<vmem>>[vector<16xi32>], vector<16xf32>,
      %add3A_291 = arith.constant 112 : i32
      %add3A_292 = vector.broadcast %add3A_291 : i32 to vector<16xi32>
      %add3A_293 = arith.addi %add3A_292, %iota3A : vector<16xi32>
      tpu.vector_store_idx %arg12[%add3A_293, %get3A_286], %gather3A_290 : memref<128x128xf32, #tpu.memory_space<vmem>>[vector<16xi32>, vector<16xi32>], vector<16xf32>,
      %ge3A_294 = arith.constant 5056 : i32
      %ge3A_295 = vector.broadcast %ge3A_294 : i32 to vector<16xi32>
      %ge3A_296 = arith.cmpi sge, %get3A_289, %ge3A_295 : vector<16xi32>
      %lt3A_297 = arith.constant 10112 : i32
      %lt3A_298 = vector.broadcast %lt3A_297 : i32 to vector<16xi32>
      %lt3A_299 = arith.cmpi slt, %get3A_289, %lt3A_298 : vector<16xi32>
      %and3A_300 = arith.andi %ge3A_296, %lt3A_299 : vector<16xi1>
      %sub3A_301 = arith.constant 5056 : i32
      %sub3A_302 = vector.broadcast %sub3A_301 : i32 to vector<16xi32>
      %sub3A_303 = arith.subi %get3A_289, %sub3A_302 : vector<16xi32>
      %jit3A_304 = arith.constant 5056 : i32
      %broadcast_in_dim3A_305 = vector.broadcast %jit3A_304 : i32 to vector<16xi32>
      %select_n3A_306 = arith.select %and3A_300, %sub3A_303, %broadcast_in_dim3A_305 : vector<16xi1>, vector<16xi32>
      %broadcast_in_dim3A_307 = arith.constant 0 : i32
      %broadcast_in_dim3A_308 = vector.broadcast %broadcast_in_dim3A_307 : i32 to vector<16xi32>
      %add3A_309 = arith.constant 112 : i32
      %add3A_310 = vector.broadcast %add3A_309 : i32 to vector<16xi32>
      %add3A_311 = arith.addi %add3A_310, %iota3A : vector<16xi32>
      tpu.vector_store_idx %arg13[%broadcast_in_dim3A_308, %add3A_311], %select_n3A_306 : memref<1x128xi32, #tpu.memory_space<vmem>>[vector<16xi32>, vector<16xi32>], vector<16xi32>,
      %run_scoped3A = arith.constant 0 : i32
      "tpu.region"() ({
        %run_scoped3A_360 = tpu.sem_alloc : memref<!tpu.dma_semaphore, #tpu.memory_space<semaphore_mem>>
        %dma_start3A = arith.constant 0 : i32
        %dma_start3A_361 = tpu.memref_slice %arg13[%run_scoped3A, %dma_start3A] : memref<1x128xi32, #tpu.memory_space<vmem>> -> memref<1x128xi32, #tpu.memory_space<vmem>>
        %dma_start3A_362 = tpu.memref_squeeze %dma_start3A_361 : memref<1x128xi32, #tpu.memory_space<vmem>> -> memref<128xi32, #tpu.memory_space<vmem>>
        %dma_start3A_363 = arith.constant 0 : i32
        %dma_start3A_364 = arith.constant 0 : i32
        %dma_start3A_365 = tpu.memref_slice %arg14[%dma_start3A_363, %dma_start3A_364] : memref<5120x128xf32, #tpu.memory_space<vmem_shared>> -> memref<5120x128xf32, #tpu.memory_space<vmem_shared>>
        tpu.enqueue_indirect_dma source(%arg12 : memref<128x128xf32, #tpu.memory_space<vmem>>) target(%dma_start3A_365 : memref<5120x128xf32, #tpu.memory_space<vmem_shared>>) offsets(%dma_start3A_362 : memref<128xi32, #tpu.memory_space<vmem>>) semaphore(%run_scoped3A_360 : memref<!tpu.dma_semaphore, #tpu.memory_space<semaphore_mem>>) {add = true}
        %dma_wait3A = arith.constant 0 : i32
        %dma_wait3A_366 = tpu.memref_slice %arg13[%run_scoped3A, %dma_wait3A] : memref<1x128xi32, #tpu.memory_space<vmem>> -> memref<1x128xi32, #tpu.memory_space<vmem>>
        %dma_wait3A_367 = tpu.memref_squeeze %dma_wait3A_366 : memref<1x128xi32, #tpu.memory_space<vmem>> -> memref<128xi32, #tpu.memory_space<vmem>>
        %dma_wait3A_368 = arith.constant 0 : i32
        %dma_wait3A_369 = arith.constant 0 : i32
        %dma_wait3A_370 = tpu.memref_slice %arg14[%dma_wait3A_368, %dma_wait3A_369] : memref<5120x128xf32, #tpu.memory_space<vmem_shared>> -> memref<5120x128xf32, #tpu.memory_space<vmem_shared>>
        tpu.wait_indirect_dma semaphore(%run_scoped3A_360 : memref<!tpu.dma_semaphore, #tpu.memory_space<semaphore_mem>>) src(%arg12 : memref<128x128xf32, #tpu.memory_space<vmem>>) dst(%dma_wait3A_370 : memref<5120x128xf32, #tpu.memory_space<vmem_shared>>)
        tpu.yield
      }) : () -> ()
      %get3A_312 = arith.index_cast %scan3A_71 : i32 to index
      %get3A_313 = arith.constant 0 : index
      %get3A_314 = tpu.vector_load %arg10[%get3A_312, %get3A_313] {strides = array<i32>} : memref<80x128xi32, #tpu.memory_space<vmem>>, vector<16xi32>,
      %add3A_315 = arith.constant 0 : i32
      %add3A_316 = vector.broadcast %add3A_315 : i32 to vector<16xi32>
      %add3A_317 = arith.addi %add3A_316, %iota3A : vector<16xi32>
      tpu.vector_store_idx %arg12[%add3A_317, %get3A_314], %broadcast_in_dim3A_7 : memref<128x128xf32, #tpu.memory_space<vmem>>[vector<16xi32>, vector<16xi32>], vector<16xf32>,
      %get3A_318 = arith.index_cast %scan3A_71 : i32 to index
      %get3A_319 = arith.constant 16 : index
      %get3A_320 = tpu.vector_load %arg10[%get3A_318, %get3A_319] {strides = array<i32>} : memref<80x128xi32, #tpu.memory_space<vmem>>, vector<16xi32>,
      %add3A_321 = arith.constant 16 : i32
      %add3A_322 = vector.broadcast %add3A_321 : i32 to vector<16xi32>
      %add3A_323 = arith.addi %add3A_322, %iota3A : vector<16xi32>
      tpu.vector_store_idx %arg12[%add3A_323, %get3A_320], %broadcast_in_dim3A_7 : memref<128x128xf32, #tpu.memory_space<vmem>>[vector<16xi32>, vector<16xi32>], vector<16xf32>,
      %get3A_324 = arith.index_cast %scan3A_71 : i32 to index
      %get3A_325 = arith.constant 32 : index
      %get3A_326 = tpu.vector_load %arg10[%get3A_324, %get3A_325] {strides = array<i32>} : memref<80x128xi32, #tpu.memory_space<vmem>>, vector<16xi32>,
      %add3A_327 = arith.constant 32 : i32
      %add3A_328 = vector.broadcast %add3A_327 : i32 to vector<16xi32>
      %add3A_329 = arith.addi %add3A_328, %iota3A : vector<16xi32>
      tpu.vector_store_idx %arg12[%add3A_329, %get3A_326], %broadcast_in_dim3A_7 : memref<128x128xf32, #tpu.memory_space<vmem>>[vector<16xi32>, vector<16xi32>], vector<16xf32>,
      %get3A_330 = arith.index_cast %scan3A_71 : i32 to index
      %get3A_331 = arith.constant 48 : index
      %get3A_332 = tpu.vector_load %arg10[%get3A_330, %get3A_331] {strides = array<i32>} : memref<80x128xi32, #tpu.memory_space<vmem>>, vector<16xi32>,
      %add3A_333 = arith.constant 48 : i32
      %add3A_334 = vector.broadcast %add3A_333 : i32 to vector<16xi32>
      %add3A_335 = arith.addi %add3A_334, %iota3A : vector<16xi32>
      tpu.vector_store_idx %arg12[%add3A_335, %get3A_332], %broadcast_in_dim3A_7 : memref<128x128xf32, #tpu.memory_space<vmem>>[vector<16xi32>, vector<16xi32>], vector<16xf32>,
      %get3A_336 = arith.index_cast %scan3A_71 : i32 to index
      %get3A_337 = arith.constant 64 : index
      %get3A_338 = tpu.vector_load %arg10[%get3A_336, %get3A_337] {strides = array<i32>} : memref<80x128xi32, #tpu.memory_space<vmem>>, vector<16xi32>,
      %add3A_339 = arith.constant 64 : i32
      %add3A_340 = vector.broadcast %add3A_339 : i32 to vector<16xi32>
      %add3A_341 = arith.addi %add3A_340, %iota3A : vector<16xi32>
      tpu.vector_store_idx %arg12[%add3A_341, %get3A_338], %broadcast_in_dim3A_7 : memref<128x128xf32, #tpu.memory_space<vmem>>[vector<16xi32>, vector<16xi32>], vector<16xf32>,
      %get3A_342 = arith.index_cast %scan3A_71 : i32 to index
      %get3A_343 = arith.constant 80 : index
      %get3A_344 = tpu.vector_load %arg10[%get3A_342, %get3A_343] {strides = array<i32>} : memref<80x128xi32, #tpu.memory_space<vmem>>, vector<16xi32>,
      %add3A_345 = arith.constant 80 : i32
      %add3A_346 = vector.broadcast %add3A_345 : i32 to vector<16xi32>
      %add3A_347 = arith.addi %add3A_346, %iota3A : vector<16xi32>
      tpu.vector_store_idx %arg12[%add3A_347, %get3A_344], %broadcast_in_dim3A_7 : memref<128x128xf32, #tpu.memory_space<vmem>>[vector<16xi32>, vector<16xi32>], vector<16xf32>,
      %get3A_348 = arith.index_cast %scan3A_71 : i32 to index
      %get3A_349 = arith.constant 96 : index
      %get3A_350 = tpu.vector_load %arg10[%get3A_348, %get3A_349] {strides = array<i32>} : memref<80x128xi32, #tpu.memory_space<vmem>>, vector<16xi32>,
      %add3A_351 = arith.constant 96 : i32
      %add3A_352 = vector.broadcast %add3A_351 : i32 to vector<16xi32>
      %add3A_353 = arith.addi %add3A_352, %iota3A : vector<16xi32>
      tpu.vector_store_idx %arg12[%add3A_353, %get3A_350], %broadcast_in_dim3A_7 : memref<128x128xf32, #tpu.memory_space<vmem>>[vector<16xi32>, vector<16xi32>], vector<16xf32>,
      %get3A_354 = arith.index_cast %scan3A_71 : i32 to index
      %get3A_355 = arith.constant 112 : index
      %get3A_356 = tpu.vector_load %arg10[%get3A_354, %get3A_355] {strides = array<i32>} : memref<80x128xi32, #tpu.memory_space<vmem>>, vector<16xi32>,
      %add3A_357 = arith.constant 112 : i32
      %add3A_358 = vector.broadcast %add3A_357 : i32 to vector<16xi32>
      %add3A_359 = arith.addi %add3A_358, %iota3A : vector<16xi32>
      tpu.vector_store_idx %arg12[%add3A_359, %get3A_356], %broadcast_in_dim3A_7 : memref<128x128xf32, #tpu.memory_space<vmem>>[vector<16xi32>, vector<16xi32>], vector<16xf32>,
    }
    %scan3A_50 = arith.constant 80 : i32
    %barrier3A_51 = arith.constant 0 : index
    tpu.barrier barrier_id(%barrier3A_51)
    %add3A_52 = arith.constant 0 : i32
    %add3A_53 = arith.addi %mul3A_0, %add3A_52 : i32
    "tpu.region"() ({
      %run_scoped3A = tpu.sem_alloc : memref<!tpu.dma_semaphore, #tpu.memory_space<semaphore_mem>>
      %dma_start3A = arith.constant 0 : i32
      %dma_start3A_71 = arith.constant 0 : i32
      %dma_start3A_72 = tpu.memref_slice %arg12[%dma_start3A, %dma_start3A_71] : memref<128x128xf32, #tpu.memory_space<vmem>> -> memref<128x128xf32, #tpu.memory_space<vmem>>
      %dma_start3A_73 = arith.constant 0 : i32
      %dma_start3A_74 = tpu.memref_slice %arg14[%add3A_53, %dma_start3A_73] : memref<5120x128xf32, #tpu.memory_space<vmem_shared>> -> memref<128x128xf32, #tpu.memory_space<vmem_shared>>
      %dma_start3A_75 = arith.constant 0 : i32
      %dma_start3A_76 = arith.constant 0 : i32
      %dma_start3A_77 = tpu.memref_slice %arg12[%dma_start3A_75, %dma_start3A_76] : memref<128x128xf32, #tpu.memory_space<vmem>> -> memref<128x128xf32, #tpu.memory_space<vmem>>
      %dma_start3A_78 = arith.constant 0 : i32
      %dma_start3A_79 = tpu.memref_slice %arg14[%add3A_53, %dma_start3A_78] : memref<5120x128xf32, #tpu.memory_space<vmem_shared>> -> memref<128x128xf32, #tpu.memory_space<vmem_shared>>
      tpu.enqueue_dma source(%dma_start3A_79 : memref<128x128xf32, #tpu.memory_space<vmem_shared>>) target(%dma_start3A_77 : memref<128x128xf32, #tpu.memory_space<vmem>>) target_semaphore(%run_scoped3A : memref<!tpu.dma_semaphore, #tpu.memory_space<semaphore_mem>>)
      %dma_wait3A = arith.constant 0 : i32
      %dma_wait3A_80 = arith.constant 0 : i32
      %dma_wait3A_81 = tpu.memref_slice %arg12[%dma_wait3A, %dma_wait3A_80] : memref<128x128xf32, #tpu.memory_space<vmem>> -> memref<128x128xf32, #tpu.memory_space<vmem>>
      %dma_wait3A_82 = arith.constant 0 : i32
      %dma_wait3A_83 = tpu.memref_slice %arg14[%add3A_53, %dma_wait3A_82] : memref<5120x128xf32, #tpu.memory_space<vmem_shared>> -> memref<128x128xf32, #tpu.memory_space<vmem_shared>>
      %dma_wait3A_84 = arith.constant 0 : i32
      %dma_wait3A_85 = arith.constant 0 : i32
      %dma_wait3A_86 = tpu.memref_slice %arg12[%dma_wait3A_84, %dma_wait3A_85] : memref<128x128xf32, #tpu.memory_space<vmem>> -> memref<128x128xf32, #tpu.memory_space<vmem>>
      %dma_wait3A_87 = arith.constant 0 : i32
      %dma_wait3A_88 = tpu.memref_slice %arg14[%add3A_53, %dma_wait3A_87] : memref<5120x128xf32, #tpu.memory_space<vmem_shared>> -> memref<128x128xf32, #tpu.memory_space<vmem_shared>>
      tpu.wait_dma2 semaphore(%run_scoped3A : memref<!tpu.dma_semaphore, #tpu.memory_space<semaphore_mem>>) src(%dma_wait3A_88 : memref<128x128xf32, #tpu.memory_space<vmem_shared>>) dst(%dma_wait3A_86 : memref<128x128xf32, #tpu.memory_space<vmem>>)
      tpu.yield
    }) : () -> ()
    %add3A_54 = arith.constant 5120 : i32
    %add3A_55 = arith.addi %add3A_54, %mul3A_0 : i32
    %add3A_56 = arith.constant 0 : i32
    %add3A_57 = arith.addi %add3A_55, %add3A_56 : i32
    "tpu.region"() ({
      %run_scoped3A = tpu.sem_alloc : memref<!tpu.dma_semaphore, #tpu.memory_space<semaphore_mem>>
      %dma_start3A = arith.constant 0 : i32
      %dma_start3A_71 = arith.constant 0 : i32
      %dma_start3A_72 = tpu.memref_slice %arg12[%dma_start3A, %dma_start3A_71] : memref<128x128xf32, #tpu.memory_space<vmem>> -> memref<128x128xf32, #tpu.memory_space<vmem>>
      %dma_start3A_73 = arith.constant 0 : i32
      %dma_start3A_74 = tpu.memref_slice %arg7[%arg0, %add3A_57, %dma_start3A_73] : memref<2x10240x128xf32, #tpu.memory_space<hbm>> -> memref<1x128x128xf32, #tpu.memory_space<hbm>>
      %dma_start3A_75 = tpu.memref_squeeze %dma_start3A_74 : memref<1x128x128xf32, #tpu.memory_space<hbm>> -> memref<128x128xf32, #tpu.memory_space<hbm>>
      %dma_start3A_76 = arith.constant 0 : i32
      %dma_start3A_77 = tpu.memref_slice %arg7[%arg0, %add3A_57, %dma_start3A_76] : memref<2x10240x128xf32, #tpu.memory_space<hbm>> -> memref<1x128x128xf32, #tpu.memory_space<hbm>>
      %dma_start3A_78 = tpu.memref_squeeze %dma_start3A_77 : memref<1x128x128xf32, #tpu.memory_space<hbm>> -> memref<128x128xf32, #tpu.memory_space<hbm>>
      %dma_start3A_79 = arith.constant 0 : i32
      %dma_start3A_80 = arith.constant 0 : i32
      %dma_start3A_81 = tpu.memref_slice %arg12[%dma_start3A_79, %dma_start3A_80] : memref<128x128xf32, #tpu.memory_space<vmem>> -> memref<128x128xf32, #tpu.memory_space<vmem>>
      tpu.enqueue_dma source(%dma_start3A_81 : memref<128x128xf32, #tpu.memory_space<vmem>>) target(%dma_start3A_78 : memref<128x128xf32, #tpu.memory_space<hbm>>) target_semaphore(%run_scoped3A : memref<!tpu.dma_semaphore, #tpu.memory_space<semaphore_mem>>)
      %dma_wait3A = arith.constant 0 : i32
      %dma_wait3A_82 = arith.constant 0 : i32
      %dma_wait3A_83 = tpu.memref_slice %arg12[%dma_wait3A, %dma_wait3A_82] : memref<128x128xf32, #tpu.memory_space<vmem>> -> memref<128x128xf32, #tpu.memory_space<vmem>>
      %dma_wait3A_84 = arith.constant 0 : i32
      %dma_wait3A_85 = tpu.memref_slice %arg7[%arg0, %add3A_57, %dma_wait3A_84] : memref<2x10240x128xf32, #tpu.memory_space<hbm>> -> memref<1x128x128xf32, #tpu.memory_space<hbm>>
      %dma_wait3A_86 = tpu.memref_squeeze %dma_wait3A_85 : memref<1x128x128xf32, #tpu.memory_space<hbm>> -> memref<128x128xf32, #tpu.memory_space<hbm>>
      %dma_wait3A_87 = arith.constant 0 : i32
      %dma_wait3A_88 = tpu.memref_slice %arg7[%arg0, %add3A_57, %dma_wait3A_87] : memref<2x10240x128xf32, #tpu.memory_space<hbm>> -> memref<1x128x128xf32, #tpu.memory_space<hbm>>
      %dma_wait3A_89 = tpu.memref_squeeze %dma_wait3A_88 : memref<1x128x128xf32, #tpu.memory_space<hbm>> -> memref<128x128xf32, #tpu.memory_space<hbm>>
      %dma_wait3A_90 = arith.constant 0 : i32
      %dma_wait3A_91 = arith.constant 0 : i32
      %dma_wait3A_92 = tpu.memref_slice %arg12[%dma_wait3A_90, %dma_wait3A_91] : memref<128x128xf32, #tpu.memory_space<vmem>> -> memref<128x128xf32, #tpu.memory_space<vmem>>
      tpu.wait_dma2 semaphore(%run_scoped3A : memref<!tpu.dma_semaphore, #tpu.memory_space<semaphore_mem>>) src(%dma_wait3A_92 : memref<128x128xf32, #tpu.memory_space<vmem>>) dst(%dma_wait3A_89 : memref<128x128xf32, #tpu.memory_space<hbm>>)
      tpu.yield
    }) : () -> ()
    %add3A_58 = arith.constant 128 : i32
    %add3A_59 = arith.addi %mul3A_0, %add3A_58 : i32
    "tpu.region"() ({
      %run_scoped3A = tpu.sem_alloc : memref<!tpu.dma_semaphore, #tpu.memory_space<semaphore_mem>>
      %dma_start3A = arith.constant 0 : i32
      %dma_start3A_71 = arith.constant 0 : i32
      %dma_start3A_72 = tpu.memref_slice %arg12[%dma_start3A, %dma_start3A_71] : memref<128x128xf32, #tpu.memory_space<vmem>> -> memref<128x128xf32, #tpu.memory_space<vmem>>
      %dma_start3A_73 = arith.constant 0 : i32
      %dma_start3A_74 = tpu.memref_slice %arg14[%add3A_59, %dma_start3A_73] : memref<5120x128xf32, #tpu.memory_space<vmem_shared>> -> memref<128x128xf32, #tpu.memory_space<vmem_shared>>
      %dma_start3A_75 = arith.constant 0 : i32
      %dma_start3A_76 = arith.constant 0 : i32
      %dma_start3A_77 = tpu.memref_slice %arg12[%dma_start3A_75, %dma_start3A_76] : memref<128x128xf32, #tpu.memory_space<vmem>> -> memref<128x128xf32, #tpu.memory_space<vmem>>
      %dma_start3A_78 = arith.constant 0 : i32
      %dma_start3A_79 = tpu.memref_slice %arg14[%add3A_59, %dma_start3A_78] : memref<5120x128xf32, #tpu.memory_space<vmem_shared>> -> memref<128x128xf32, #tpu.memory_space<vmem_shared>>
      tpu.enqueue_dma source(%dma_start3A_79 : memref<128x128xf32, #tpu.memory_space<vmem_shared>>) target(%dma_start3A_77 : memref<128x128xf32, #tpu.memory_space<vmem>>) target_semaphore(%run_scoped3A : memref<!tpu.dma_semaphore, #tpu.memory_space<semaphore_mem>>)
      %dma_wait3A = arith.constant 0 : i32
      %dma_wait3A_80 = arith.constant 0 : i32
      %dma_wait3A_81 = tpu.memref_slice %arg12[%dma_wait3A, %dma_wait3A_80] : memref<128x128xf32, #tpu.memory_space<vmem>> -> memref<128x128xf32, #tpu.memory_space<vmem>>
      %dma_wait3A_82 = arith.constant 0 : i32
      %dma_wait3A_83 = tpu.memref_slice %arg14[%add3A_59, %dma_wait3A_82] : memref<5120x128xf32, #tpu.memory_space<vmem_shared>> -> memref<128x128xf32, #tpu.memory_space<vmem_shared>>
      %dma_wait3A_84 = arith.constant 0 : i32
      %dma_wait3A_85 = arith.constant 0 : i32
      %dma_wait3A_86 = tpu.memref_slice %arg12[%dma_wait3A_84, %dma_wait3A_85] : memref<128x128xf32, #tpu.memory_space<vmem>> -> memref<128x128xf32, #tpu.memory_space<vmem>>
      %dma_wait3A_87 = arith.constant 0 : i32
      %dma_wait3A_88 = tpu.memref_slice %arg14[%add3A_59, %dma_wait3A_87] : memref<5120x128xf32, #tpu.memory_space<vmem_shared>> -> memref<128x128xf32, #tpu.memory_space<vmem_shared>>
      tpu.wait_dma2 semaphore(%run_scoped3A : memref<!tpu.dma_semaphore, #tpu.memory_space<semaphore_mem>>) src(%dma_wait3A_88 : memref<128x128xf32, #tpu.memory_space<vmem_shared>>) dst(%dma_wait3A_86 : memref<128x128xf32, #tpu.memory_space<vmem>>)
      tpu.yield
    }) : () -> ()
    %add3A_60 = arith.constant 5120 : i32
    %add3A_61 = arith.addi %add3A_60, %mul3A_0 : i32
    %add3A_62 = arith.constant 128 : i32
    %add3A_63 = arith.addi %add3A_61, %add3A_62 : i32
    "tpu.region"() ({
      %run_scoped3A = tpu.sem_alloc : memref<!tpu.dma_semaphore, #tpu.memory_space<semaphore_mem>>
      %dma_start3A = arith.constant 0 : i32
      %dma_start3A_71 = arith.constant 0 : i32
      %dma_start3A_72 = tpu.memref_slice %arg12[%dma_start3A, %dma_start3A_71] : memref<128x128xf32, #tpu.memory_space<vmem>> -> memref<128x128xf32, #tpu.memory_space<vmem>>
      %dma_start3A_73 = arith.constant 0 : i32
      %dma_start3A_74 = tpu.memref_slice %arg7[%arg0, %add3A_63, %dma_start3A_73] : memref<2x10240x128xf32, #tpu.memory_space<hbm>> -> memref<1x128x128xf32, #tpu.memory_space<hbm>>
      %dma_start3A_75 = tpu.memref_squeeze %dma_start3A_74 : memref<1x128x128xf32, #tpu.memory_space<hbm>> -> memref<128x128xf32, #tpu.memory_space<hbm>>
      %dma_start3A_76 = arith.constant 0 : i32
      %dma_start3A_77 = tpu.memref_slice %arg7[%arg0, %add3A_63, %dma_start3A_76] : memref<2x10240x128xf32, #tpu.memory_space<hbm>> -> memref<1x128x128xf32, #tpu.memory_space<hbm>>
      %dma_start3A_78 = tpu.memref_squeeze %dma_start3A_77 : memref<1x128x128xf32, #tpu.memory_space<hbm>> -> memref<128x128xf32, #tpu.memory_space<hbm>>
      %dma_start3A_79 = arith.constant 0 : i32
      %dma_start3A_80 = arith.constant 0 : i32
      %dma_start3A_81 = tpu.memref_slice %arg12[%dma_start3A_79, %dma_start3A_80] : memref<128x128xf32, #tpu.memory_space<vmem>> -> memref<128x128xf32, #tpu.memory_space<vmem>>
      tpu.enqueue_dma source(%dma_start3A_81 : memref<128x128xf32, #tpu.memory_space<vmem>>) target(%dma_start3A_78 : memref<128x128xf32, #tpu.memory_space<hbm>>) target_semaphore(%run_scoped3A : memref<!tpu.dma_semaphore, #tpu.memory_space<semaphore_mem>>)
      %dma_wait3A = arith.constant 0 : i32
      %dma_wait3A_82 = arith.constant 0 : i32
      %dma_wait3A_83 = tpu.memref_slice %arg12[%dma_wait3A, %dma_wait3A_82] : memref<128x128xf32, #tpu.memory_space<vmem>> -> memref<128x128xf32, #tpu.memory_space<vmem>>
      %dma_wait3A_84 = arith.constant 0 : i32
      %dma_wait3A_85 = tpu.memref_slice %arg7[%arg0, %add3A_63, %dma_wait3A_84] : memref<2x10240x128xf32, #tpu.memory_space<hbm>> -> memref<1x128x128xf32, #tpu.memory_space<hbm>>
      %dma_wait3A_86 = tpu.memref_squeeze %dma_wait3A_85 : memref<1x128x128xf32, #tpu.memory_space<hbm>> -> memref<128x128xf32, #tpu.memory_space<hbm>>
      %dma_wait3A_87 = arith.constant 0 : i32
      %dma_wait3A_88 = tpu.memref_slice %arg7[%arg0, %add3A_63, %dma_wait3A_87] : memref<2x10240x128xf32, #tpu.memory_space<hbm>> -> memref<1x128x128xf32, #tpu.memory_space<hbm>>
      %dma_wait3A_89 = tpu.memref_squeeze %dma_wait3A_88 : memref<1x128x128xf32, #tpu.memory_space<hbm>> -> memref<128x128xf32, #tpu.memory_space<hbm>>
      %dma_wait3A_90 = arith.constant 0 : i32
      %dma_wait3A_91 = arith.constant 0 : i32
      %dma_wait3A_92 = tpu.memref_slice %arg12[%dma_wait3A_90, %dma_wait3A_91] : memref<128x128xf32, #tpu.memory_space<vmem>> -> memref<128x128xf32, #tpu.memory_space<vmem>>
      tpu.wait_dma2 semaphore(%run_scoped3A : memref<!tpu.dma_semaphore, #tpu.memory_space<semaphore_mem>>) src(%dma_wait3A_92 : memref<128x128xf32, #tpu.memory_space<vmem>>) dst(%dma_wait3A_89 : memref<128x128xf32, #tpu.memory_space<hbm>>)
      tpu.yield
    }) : () -> ()
    %add3A_64 = arith.constant 256 : i32
    %add3A_65 = arith.addi %mul3A_0, %add3A_64 : i32
    "tpu.region"() ({
      %run_scoped3A = tpu.sem_alloc : memref<!tpu.dma_semaphore, #tpu.memory_space<semaphore_mem>>
      %dma_start3A = arith.constant 0 : i32
      %dma_start3A_71 = arith.constant 0 : i32
      %dma_start3A_72 = tpu.memref_slice %arg12[%dma_start3A, %dma_start3A_71] : memref<128x128xf32, #tpu.memory_space<vmem>> -> memref<64x128xf32, #tpu.memory_space<vmem>>
      %dma_start3A_73 = arith.constant 0 : i32
      %dma_start3A_74 = tpu.memref_slice %arg14[%add3A_65, %dma_start3A_73] : memref<5120x128xf32, #tpu.memory_space<vmem_shared>> -> memref<64x128xf32, #tpu.memory_space<vmem_shared>>
      %dma_start3A_75 = arith.constant 0 : i32
      %dma_start3A_76 = arith.constant 0 : i32
      %dma_start3A_77 = tpu.memref_slice %arg12[%dma_start3A_75, %dma_start3A_76] : memref<128x128xf32, #tpu.memory_space<vmem>> -> memref<64x128xf32, #tpu.memory_space<vmem>>
      %dma_start3A_78 = arith.constant 0 : i32
      %dma_start3A_79 = tpu.memref_slice %arg14[%add3A_65, %dma_start3A_78] : memref<5120x128xf32, #tpu.memory_space<vmem_shared>> -> memref<64x128xf32, #tpu.memory_space<vmem_shared>>
      tpu.enqueue_dma source(%dma_start3A_79 : memref<64x128xf32, #tpu.memory_space<vmem_shared>>) target(%dma_start3A_77 : memref<64x128xf32, #tpu.memory_space<vmem>>) target_semaphore(%run_scoped3A : memref<!tpu.dma_semaphore, #tpu.memory_space<semaphore_mem>>)
      %dma_wait3A = arith.constant 0 : i32
      %dma_wait3A_80 = arith.constant 0 : i32
      %dma_wait3A_81 = tpu.memref_slice %arg12[%dma_wait3A, %dma_wait3A_80] : memref<128x128xf32, #tpu.memory_space<vmem>> -> memref<64x128xf32, #tpu.memory_space<vmem>>
      %dma_wait3A_82 = arith.constant 0 : i32
      %dma_wait3A_83 = tpu.memref_slice %arg14[%add3A_65, %dma_wait3A_82] : memref<5120x128xf32, #tpu.memory_space<vmem_shared>> -> memref<64x128xf32, #tpu.memory_space<vmem_shared>>
      %dma_wait3A_84 = arith.constant 0 : i32
      %dma_wait3A_85 = arith.constant 0 : i32
      %dma_wait3A_86 = tpu.memref_slice %arg12[%dma_wait3A_84, %dma_wait3A_85] : memref<128x128xf32, #tpu.memory_space<vmem>> -> memref<64x128xf32, #tpu.memory_space<vmem>>
      %dma_wait3A_87 = arith.constant 0 : i32
      %dma_wait3A_88 = tpu.memref_slice %arg14[%add3A_65, %dma_wait3A_87] : memref<5120x128xf32, #tpu.memory_space<vmem_shared>> -> memref<64x128xf32, #tpu.memory_space<vmem_shared>>
      tpu.wait_dma2 semaphore(%run_scoped3A : memref<!tpu.dma_semaphore, #tpu.memory_space<semaphore_mem>>) src(%dma_wait3A_88 : memref<64x128xf32, #tpu.memory_space<vmem_shared>>) dst(%dma_wait3A_86 : memref<64x128xf32, #tpu.memory_space<vmem>>)
      tpu.yield
    }) : () -> ()
    %add3A_66 = arith.constant 5120 : i32
    %add3A_67 = arith.addi %add3A_66, %mul3A_0 : i32
    %add3A_68 = arith.constant 256 : i32
    %add3A_69 = arith.addi %add3A_67, %add3A_68 : i32
    "tpu.region"() ({
      %run_scoped3A = tpu.sem_alloc : memref<!tpu.dma_semaphore, #tpu.memory_space<semaphore_mem>>
      %dma_start3A = arith.constant 0 : i32
      %dma_start3A_71 = arith.constant 0 : i32
      %dma_start3A_72 = tpu.memref_slice %arg12[%dma_start3A, %dma_start3A_71] : memref<128x128xf32, #tpu.memory_space<vmem>> -> memref<64x128xf32, #tpu.memory_space<vmem>>
      %dma_start3A_73 = arith.constant 0 : i32
      %dma_start3A_74 = tpu.memref_slice %arg7[%arg0, %add3A_69, %dma_start3A_73] : memref<2x10240x128xf32, #tpu.memory_space<hbm>> -> memref<1x64x128xf32, #tpu.memory_space<hbm>>
      %dma_start3A_75 = tpu.memref_squeeze %dma_start3A_74 : memref<1x64x128xf32, #tpu.memory_space<hbm>> -> memref<64x128xf32, #tpu.memory_space<hbm>>
      %dma_start3A_76 = arith.constant 0 : i32
      %dma_start3A_77 = tpu.memref_slice %arg7[%arg0, %add3A_69, %dma_start3A_76] : memref<2x10240x128xf32, #tpu.memory_space<hbm>> -> memref<1x64x128xf32, #tpu.memory_space<hbm>>
      %dma_start3A_78 = tpu.memref_squeeze %dma_start3A_77 : memref<1x64x128xf32, #tpu.memory_space<hbm>> -> memref<64x128xf32, #tpu.memory_space<hbm>>
      %dma_start3A_79 = arith.constant 0 : i32
      %dma_start3A_80 = arith.constant 0 : i32
      %dma_start3A_81 = tpu.memref_slice %arg12[%dma_start3A_79, %dma_start3A_80] : memref<128x128xf32, #tpu.memory_space<vmem>> -> memref<64x128xf32, #tpu.memory_space<vmem>>
      tpu.enqueue_dma source(%dma_start3A_81 : memref<64x128xf32, #tpu.memory_space<vmem>>) target(%dma_start3A_78 : memref<64x128xf32, #tpu.memory_space<hbm>>) target_semaphore(%run_scoped3A : memref<!tpu.dma_semaphore, #tpu.memory_space<semaphore_mem>>)
      %dma_wait3A = arith.constant 0 : i32
      %dma_wait3A_82 = arith.constant 0 : i32
      %dma_wait3A_83 = tpu.memref_slice %arg12[%dma_wait3A, %dma_wait3A_82] : memref<128x128xf32, #tpu.memory_space<vmem>> -> memref<64x128xf32, #tpu.memory_space<vmem>>
      %dma_wait3A_84 = arith.constant 0 : i32
      %dma_wait3A_85 = tpu.memref_slice %arg7[%arg0, %add3A_69, %dma_wait3A_84] : memref<2x10240x128xf32, #tpu.memory_space<hbm>> -> memref<1x64x128xf32, #tpu.memory_space<hbm>>
      %dma_wait3A_86 = tpu.memref_squeeze %dma_wait3A_85 : memref<1x64x128xf32, #tpu.memory_space<hbm>> -> memref<64x128xf32, #tpu.memory_space<hbm>>
      %dma_wait3A_87 = arith.constant 0 : i32
      %dma_wait3A_88 = tpu.memref_slice %arg7[%arg0, %add3A_69, %dma_wait3A_87] : memref<2x10240x128xf32, #tpu.memory_space<hbm>> -> memref<1x64x128xf32, #tpu.memory_space<hbm>>
      %dma_wait3A_89 = tpu.memref_squeeze %dma_wait3A_88 : memref<1x64x128xf32, #tpu.memory_space<hbm>> -> memref<64x128xf32, #tpu.memory_space<hbm>>
      %dma_wait3A_90 = arith.constant 0 : i32
      %dma_wait3A_91 = arith.constant 0 : i32
      %dma_wait3A_92 = tpu.memref_slice %arg12[%dma_wait3A_90, %dma_wait3A_91] : memref<128x128xf32, #tpu.memory_space<vmem>> -> memref<64x128xf32, #tpu.memory_space<vmem>>
      tpu.wait_dma2 semaphore(%run_scoped3A : memref<!tpu.dma_semaphore, #tpu.memory_space<semaphore_mem>>) src(%dma_wait3A_92 : memref<64x128xf32, #tpu.memory_space<vmem>>) dst(%dma_wait3A_89 : memref<64x128xf32, #tpu.memory_space<hbm>>)
      tpu.yield
    }) : () -> ()
    "tpu.region"() ({
      %run_scoped3A = tpu.sem_alloc : memref<!tpu.dma_semaphore, #tpu.memory_space<semaphore_mem>>
      tpu.enqueue_dma source(%arg6 : memref<128x128xf32, #tpu.memory_space<hbm>>) target(%arg12 : memref<128x128xf32, #tpu.memory_space<vmem>>) target_semaphore(%run_scoped3A : memref<!tpu.dma_semaphore, #tpu.memory_space<semaphore_mem>>)
      tpu.wait_dma2 semaphore(%run_scoped3A : memref<!tpu.dma_semaphore, #tpu.memory_space<semaphore_mem>>) src(%arg6 : memref<128x128xf32, #tpu.memory_space<hbm>>) dst(%arg12 : memref<128x128xf32, #tpu.memory_space<vmem>>)
      tpu.yield
    }) : () -> ()
    %barrier3A_70 = arith.constant 0 : index
    tpu.barrier barrier_id(%barrier3A_70)
    return
  }
}

#map = affine_map<(d0, d1) -> (0, 0)>
#map1 = affine_map<(d0, d1) -> (0, 0, 0)>
module attributes {stable_mosaic.version = 14 : i64} {
  func.func @_sc_agg_body(%arg0: i32, %arg1: i32, %arg2: memref<20224x128xf32, #tpu.memory_space<hbm>>, %arg3: memref<2x2560x128xi32, #tpu.memory_space<hbm>>, %arg4: memref<2x10112x128xf32, #tpu.memory_space<hbm>>, %arg5: memref<160x128xi32, #tpu.memory_space<vmem>>, %arg6: memref<128x128xf32, #tpu.memory_space<vmem>>, %arg7: memref<10112x128xf32, #tpu.memory_space<vmem_shared>>) attributes {dimension_semantics = [#tpu.dimension_semantics<core_parallel>, #tpu.dimension_semantics<subcore_parallel>], iteration_bounds = array<i64: 2, 16>, scalar_prefetch = 0 : i64, scratch_operands = 3 : i64, tpu.core_type = #tpu.core_type<sc_vector_subcore>, window_params = [{transform_indices = #map}, {transform_indices = #map1}, {transform_indices = #map1}]} {
    %mul3A = arith.constant 632 : i32
    %mul3A_0 = arith.muli %arg1, %mul3A : i32
    "tpu.region"() ({
      %run_scoped3A = tpu.sem_alloc : memref<!tpu.dma_semaphore, #tpu.memory_space<semaphore_mem>>
      %dma_start3A = arith.constant 10000 : i32
      %dma_start3A_42 = arith.constant 0 : i32
      %dma_start3A_43 = tpu.memref_slice %arg2[%dma_start3A, %dma_start3A_42] : memref<20224x128xf32, #tpu.memory_space<hbm>> -> memref<128x128xf32, #tpu.memory_space<hbm>>
      %dma_start3A_44 = arith.constant 10000 : i32
      %dma_start3A_45 = arith.constant 0 : i32
      %dma_start3A_46 = tpu.memref_slice %arg2[%dma_start3A_44, %dma_start3A_45] : memref<20224x128xf32, #tpu.memory_space<hbm>> -> memref<128x128xf32, #tpu.memory_space<hbm>>
      tpu.enqueue_dma source(%dma_start3A_46 : memref<128x128xf32, #tpu.memory_space<hbm>>) target(%arg6 : memref<128x128xf32, #tpu.memory_space<vmem>>) target_semaphore(%run_scoped3A : memref<!tpu.dma_semaphore, #tpu.memory_space<semaphore_mem>>)
      %dma_wait3A = arith.constant 10000 : i32
      %dma_wait3A_47 = arith.constant 0 : i32
      %dma_wait3A_48 = tpu.memref_slice %arg2[%dma_wait3A, %dma_wait3A_47] : memref<20224x128xf32, #tpu.memory_space<hbm>> -> memref<128x128xf32, #tpu.memory_space<hbm>>
      %dma_wait3A_49 = arith.constant 10000 : i32
      %dma_wait3A_50 = arith.constant 0 : i32
      %dma_wait3A_51 = tpu.memref_slice %arg2[%dma_wait3A_49, %dma_wait3A_50] : memref<20224x128xf32, #tpu.memory_space<hbm>> -> memref<128x128xf32, #tpu.memory_space<hbm>>
      tpu.wait_dma2 semaphore(%run_scoped3A : memref<!tpu.dma_semaphore, #tpu.memory_space<semaphore_mem>>) src(%dma_wait3A_51 : memref<128x128xf32, #tpu.memory_space<hbm>>) dst(%arg6 : memref<128x128xf32, #tpu.memory_space<vmem>>)
      tpu.yield
    }) : () -> ()
    %add3A = arith.constant 0 : i32
    %add3A_1 = arith.addi %mul3A_0, %add3A : i32
    "tpu.region"() ({
      %run_scoped3A = tpu.sem_alloc : memref<!tpu.dma_semaphore, #tpu.memory_space<semaphore_mem>>
      %dma_start3A = arith.constant 0 : i32
      %dma_start3A_42 = arith.constant 0 : i32
      %dma_start3A_43 = tpu.memref_slice %arg6[%dma_start3A, %dma_start3A_42] : memref<128x128xf32, #tpu.memory_space<vmem>> -> memref<128x128xf32, #tpu.memory_space<vmem>>
      %dma_start3A_44 = arith.constant 0 : i32
      %dma_start3A_45 = tpu.memref_slice %arg7[%add3A_1, %dma_start3A_44] : memref<10112x128xf32, #tpu.memory_space<vmem_shared>> -> memref<128x128xf32, #tpu.memory_space<vmem_shared>>
      %dma_start3A_46 = arith.constant 0 : i32
      %dma_start3A_47 = tpu.memref_slice %arg7[%add3A_1, %dma_start3A_46] : memref<10112x128xf32, #tpu.memory_space<vmem_shared>> -> memref<128x128xf32, #tpu.memory_space<vmem_shared>>
      %dma_start3A_48 = arith.constant 0 : i32
      %dma_start3A_49 = arith.constant 0 : i32
      %dma_start3A_50 = tpu.memref_slice %arg6[%dma_start3A_48, %dma_start3A_49] : memref<128x128xf32, #tpu.memory_space<vmem>> -> memref<128x128xf32, #tpu.memory_space<vmem>>
      tpu.enqueue_dma source(%dma_start3A_50 : memref<128x128xf32, #tpu.memory_space<vmem>>) target(%dma_start3A_47 : memref<128x128xf32, #tpu.memory_space<vmem_shared>>) target_semaphore(%run_scoped3A : memref<!tpu.dma_semaphore, #tpu.memory_space<semaphore_mem>>)
      %dma_wait3A = arith.constant 0 : i32
      %dma_wait3A_51 = arith.constant 0 : i32
      %dma_wait3A_52 = tpu.memref_slice %arg6[%dma_wait3A, %dma_wait3A_51] : memref<128x128xf32, #tpu.memory_space<vmem>> -> memref<128x128xf32, #tpu.memory_space<vmem>>
      %dma_wait3A_53 = arith.constant 0 : i32
      %dma_wait3A_54 = tpu.memref_slice %arg7[%add3A_1, %dma_wait3A_53] : memref<10112x128xf32, #tpu.memory_space<vmem_shared>> -> memref<128x128xf32, #tpu.memory_space<vmem_shared>>
      %dma_wait3A_55 = arith.constant 0 : i32
      %dma_wait3A_56 = tpu.memref_slice %arg7[%add3A_1, %dma_wait3A_55] : memref<10112x128xf32, #tpu.memory_space<vmem_shared>> -> memref<128x128xf32, #tpu.memory_space<vmem_shared>>
      %dma_wait3A_57 = arith.constant 0 : i32
      %dma_wait3A_58 = arith.constant 0 : i32
      %dma_wait3A_59 = tpu.memref_slice %arg6[%dma_wait3A_57, %dma_wait3A_58] : memref<128x128xf32, #tpu.memory_space<vmem>> -> memref<128x128xf32, #tpu.memory_space<vmem>>
      tpu.wait_dma2 semaphore(%run_scoped3A : memref<!tpu.dma_semaphore, #tpu.memory_space<semaphore_mem>>) src(%dma_wait3A_59 : memref<128x128xf32, #tpu.memory_space<vmem>>) dst(%dma_wait3A_56 : memref<128x128xf32, #tpu.memory_space<vmem_shared>>)
      tpu.yield
    }) : () -> ()
    %add3A_2 = arith.constant 128 : i32
    %add3A_3 = arith.addi %mul3A_0, %add3A_2 : i32
    "tpu.region"() ({
      %run_scoped3A = tpu.sem_alloc : memref<!tpu.dma_semaphore, #tpu.memory_space<semaphore_mem>>
      %dma_start3A = arith.constant 0 : i32
      %dma_start3A_42 = arith.constant 0 : i32
      %dma_start3A_43 = tpu.memref_slice %arg6[%dma_start3A, %dma_start3A_42] : memref<128x128xf32, #tpu.memory_space<vmem>> -> memref<128x128xf32, #tpu.memory_space<vmem>>
      %dma_start3A_44 = arith.constant 0 : i32
      %dma_start3A_45 = tpu.memref_slice %arg7[%add3A_3, %dma_start3A_44] : memref<10112x128xf32, #tpu.memory_space<vmem_shared>> -> memref<128x128xf32, #tpu.memory_space<vmem_shared>>
      %dma_start3A_46 = arith.constant 0 : i32
      %dma_start3A_47 = tpu.memref_slice %arg7[%add3A_3, %dma_start3A_46] : memref<10112x128xf32, #tpu.memory_space<vmem_shared>> -> memref<128x128xf32, #tpu.memory_space<vmem_shared>>
      %dma_start3A_48 = arith.constant 0 : i32
      %dma_start3A_49 = arith.constant 0 : i32
      %dma_start3A_50 = tpu.memref_slice %arg6[%dma_start3A_48, %dma_start3A_49] : memref<128x128xf32, #tpu.memory_space<vmem>> -> memref<128x128xf32, #tpu.memory_space<vmem>>
      tpu.enqueue_dma source(%dma_start3A_50 : memref<128x128xf32, #tpu.memory_space<vmem>>) target(%dma_start3A_47 : memref<128x128xf32, #tpu.memory_space<vmem_shared>>) target_semaphore(%run_scoped3A : memref<!tpu.dma_semaphore, #tpu.memory_space<semaphore_mem>>)
      %dma_wait3A = arith.constant 0 : i32
      %dma_wait3A_51 = arith.constant 0 : i32
      %dma_wait3A_52 = tpu.memref_slice %arg6[%dma_wait3A, %dma_wait3A_51] : memref<128x128xf32, #tpu.memory_space<vmem>> -> memref<128x128xf32, #tpu.memory_space<vmem>>
      %dma_wait3A_53 = arith.constant 0 : i32
      %dma_wait3A_54 = tpu.memref_slice %arg7[%add3A_3, %dma_wait3A_53] : memref<10112x128xf32, #tpu.memory_space<vmem_shared>> -> memref<128x128xf32, #tpu.memory_space<vmem_shared>>
      %dma_wait3A_55 = arith.constant 0 : i32
      %dma_wait3A_56 = tpu.memref_slice %arg7[%add3A_3, %dma_wait3A_55] : memref<10112x128xf32, #tpu.memory_space<vmem_shared>> -> memref<128x128xf32, #tpu.memory_space<vmem_shared>>
      %dma_wait3A_57 = arith.constant 0 : i32
      %dma_wait3A_58 = arith.constant 0 : i32
      %dma_wait3A_59 = tpu.memref_slice %arg6[%dma_wait3A_57, %dma_wait3A_58] : memref<128x128xf32, #tpu.memory_space<vmem>> -> memref<128x128xf32, #tpu.memory_space<vmem>>
      tpu.wait_dma2 semaphore(%run_scoped3A : memref<!tpu.dma_semaphore, #tpu.memory_space<semaphore_mem>>) src(%dma_wait3A_59 : memref<128x128xf32, #tpu.memory_space<vmem>>) dst(%dma_wait3A_56 : memref<128x128xf32, #tpu.memory_space<vmem_shared>>)
      tpu.yield
    }) : () -> ()
    %add3A_4 = arith.constant 256 : i32
    %add3A_5 = arith.addi %mul3A_0, %add3A_4 : i32
    "tpu.region"() ({
      %run_scoped3A = tpu.sem_alloc : memref<!tpu.dma_semaphore, #tpu.memory_space<semaphore_mem>>
      %dma_start3A = arith.constant 0 : i32
      %dma_start3A_42 = arith.constant 0 : i32
      %dma_start3A_43 = tpu.memref_slice %arg6[%dma_start3A, %dma_start3A_42] : memref<128x128xf32, #tpu.memory_space<vmem>> -> memref<128x128xf32, #tpu.memory_space<vmem>>
      %dma_start3A_44 = arith.constant 0 : i32
      %dma_start3A_45 = tpu.memref_slice %arg7[%add3A_5, %dma_start3A_44] : memref<10112x128xf32, #tpu.memory_space<vmem_shared>> -> memref<128x128xf32, #tpu.memory_space<vmem_shared>>
      %dma_start3A_46 = arith.constant 0 : i32
      %dma_start3A_47 = tpu.memref_slice %arg7[%add3A_5, %dma_start3A_46] : memref<10112x128xf32, #tpu.memory_space<vmem_shared>> -> memref<128x128xf32, #tpu.memory_space<vmem_shared>>
      %dma_start3A_48 = arith.constant 0 : i32
      %dma_start3A_49 = arith.constant 0 : i32
      %dma_start3A_50 = tpu.memref_slice %arg6[%dma_start3A_48, %dma_start3A_49] : memref<128x128xf32, #tpu.memory_space<vmem>> -> memref<128x128xf32, #tpu.memory_space<vmem>>
      tpu.enqueue_dma source(%dma_start3A_50 : memref<128x128xf32, #tpu.memory_space<vmem>>) target(%dma_start3A_47 : memref<128x128xf32, #tpu.memory_space<vmem_shared>>) target_semaphore(%run_scoped3A : memref<!tpu.dma_semaphore, #tpu.memory_space<semaphore_mem>>)
      %dma_wait3A = arith.constant 0 : i32
      %dma_wait3A_51 = arith.constant 0 : i32
      %dma_wait3A_52 = tpu.memref_slice %arg6[%dma_wait3A, %dma_wait3A_51] : memref<128x128xf32, #tpu.memory_space<vmem>> -> memref<128x128xf32, #tpu.memory_space<vmem>>
      %dma_wait3A_53 = arith.constant 0 : i32
      %dma_wait3A_54 = tpu.memref_slice %arg7[%add3A_5, %dma_wait3A_53] : memref<10112x128xf32, #tpu.memory_space<vmem_shared>> -> memref<128x128xf32, #tpu.memory_space<vmem_shared>>
      %dma_wait3A_55 = arith.constant 0 : i32
      %dma_wait3A_56 = tpu.memref_slice %arg7[%add3A_5, %dma_wait3A_55] : memref<10112x128xf32, #tpu.memory_space<vmem_shared>> -> memref<128x128xf32, #tpu.memory_space<vmem_shared>>
      %dma_wait3A_57 = arith.constant 0 : i32
      %dma_wait3A_58 = arith.constant 0 : i32
      %dma_wait3A_59 = tpu.memref_slice %arg6[%dma_wait3A_57, %dma_wait3A_58] : memref<128x128xf32, #tpu.memory_space<vmem>> -> memref<128x128xf32, #tpu.memory_space<vmem>>
      tpu.wait_dma2 semaphore(%run_scoped3A : memref<!tpu.dma_semaphore, #tpu.memory_space<semaphore_mem>>) src(%dma_wait3A_59 : memref<128x128xf32, #tpu.memory_space<vmem>>) dst(%dma_wait3A_56 : memref<128x128xf32, #tpu.memory_space<vmem_shared>>)
      tpu.yield
    }) : () -> ()
    %add3A_6 = arith.constant 384 : i32
    %add3A_7 = arith.addi %mul3A_0, %add3A_6 : i32
    "tpu.region"() ({
      %run_scoped3A = tpu.sem_alloc : memref<!tpu.dma_semaphore, #tpu.memory_space<semaphore_mem>>
      %dma_start3A = arith.constant 0 : i32
      %dma_start3A_42 = arith.constant 0 : i32
      %dma_start3A_43 = tpu.memref_slice %arg6[%dma_start3A, %dma_start3A_42] : memref<128x128xf32, #tpu.memory_space<vmem>> -> memref<128x128xf32, #tpu.memory_space<vmem>>
      %dma_start3A_44 = arith.constant 0 : i32
      %dma_start3A_45 = tpu.memref_slice %arg7[%add3A_7, %dma_start3A_44] : memref<10112x128xf32, #tpu.memory_space<vmem_shared>> -> memref<128x128xf32, #tpu.memory_space<vmem_shared>>
      %dma_start3A_46 = arith.constant 0 : i32
      %dma_start3A_47 = tpu.memref_slice %arg7[%add3A_7, %dma_start3A_46] : memref<10112x128xf32, #tpu.memory_space<vmem_shared>> -> memref<128x128xf32, #tpu.memory_space<vmem_shared>>
      %dma_start3A_48 = arith.constant 0 : i32
      %dma_start3A_49 = arith.constant 0 : i32
      %dma_start3A_50 = tpu.memref_slice %arg6[%dma_start3A_48, %dma_start3A_49] : memref<128x128xf32, #tpu.memory_space<vmem>> -> memref<128x128xf32, #tpu.memory_space<vmem>>
      tpu.enqueue_dma source(%dma_start3A_50 : memref<128x128xf32, #tpu.memory_space<vmem>>) target(%dma_start3A_47 : memref<128x128xf32, #tpu.memory_space<vmem_shared>>) target_semaphore(%run_scoped3A : memref<!tpu.dma_semaphore, #tpu.memory_space<semaphore_mem>>)
      %dma_wait3A = arith.constant 0 : i32
      %dma_wait3A_51 = arith.constant 0 : i32
      %dma_wait3A_52 = tpu.memref_slice %arg6[%dma_wait3A, %dma_wait3A_51] : memref<128x128xf32, #tpu.memory_space<vmem>> -> memref<128x128xf32, #tpu.memory_space<vmem>>
      %dma_wait3A_53 = arith.constant 0 : i32
      %dma_wait3A_54 = tpu.memref_slice %arg7[%add3A_7, %dma_wait3A_53] : memref<10112x128xf32, #tpu.memory_space<vmem_shared>> -> memref<128x128xf32, #tpu.memory_space<vmem_shared>>
      %dma_wait3A_55 = arith.constant 0 : i32
      %dma_wait3A_56 = tpu.memref_slice %arg7[%add3A_7, %dma_wait3A_55] : memref<10112x128xf32, #tpu.memory_space<vmem_shared>> -> memref<128x128xf32, #tpu.memory_space<vmem_shared>>
      %dma_wait3A_57 = arith.constant 0 : i32
      %dma_wait3A_58 = arith.constant 0 : i32
      %dma_wait3A_59 = tpu.memref_slice %arg6[%dma_wait3A_57, %dma_wait3A_58] : memref<128x128xf32, #tpu.memory_space<vmem>> -> memref<128x128xf32, #tpu.memory_space<vmem>>
      tpu.wait_dma2 semaphore(%run_scoped3A : memref<!tpu.dma_semaphore, #tpu.memory_space<semaphore_mem>>) src(%dma_wait3A_59 : memref<128x128xf32, #tpu.memory_space<vmem>>) dst(%dma_wait3A_56 : memref<128x128xf32, #tpu.memory_space<vmem_shared>>)
      tpu.yield
    }) : () -> ()
    %add3A_8 = arith.constant 512 : i32
    %add3A_9 = arith.addi %mul3A_0, %add3A_8 : i32
    "tpu.region"() ({
      %run_scoped3A = tpu.sem_alloc : memref<!tpu.dma_semaphore, #tpu.memory_space<semaphore_mem>>
      %dma_start3A = arith.constant 0 : i32
      %dma_start3A_42 = arith.constant 0 : i32
      %dma_start3A_43 = tpu.memref_slice %arg6[%dma_start3A, %dma_start3A_42] : memref<128x128xf32, #tpu.memory_space<vmem>> -> memref<120x128xf32, #tpu.memory_space<vmem>>
      %dma_start3A_44 = arith.constant 0 : i32
      %dma_start3A_45 = tpu.memref_slice %arg7[%add3A_9, %dma_start3A_44] : memref<10112x128xf32, #tpu.memory_space<vmem_shared>> -> memref<120x128xf32, #tpu.memory_space<vmem_shared>>
      %dma_start3A_46 = arith.constant 0 : i32
      %dma_start3A_47 = tpu.memref_slice %arg7[%add3A_9, %dma_start3A_46] : memref<10112x128xf32, #tpu.memory_space<vmem_shared>> -> memref<120x128xf32, #tpu.memory_space<vmem_shared>>
      %dma_start3A_48 = arith.constant 0 : i32
      %dma_start3A_49 = arith.constant 0 : i32
      %dma_start3A_50 = tpu.memref_slice %arg6[%dma_start3A_48, %dma_start3A_49] : memref<128x128xf32, #tpu.memory_space<vmem>> -> memref<120x128xf32, #tpu.memory_space<vmem>>
      tpu.enqueue_dma source(%dma_start3A_50 : memref<120x128xf32, #tpu.memory_space<vmem>>) target(%dma_start3A_47 : memref<120x128xf32, #tpu.memory_space<vmem_shared>>) target_semaphore(%run_scoped3A : memref<!tpu.dma_semaphore, #tpu.memory_space<semaphore_mem>>)
      %dma_wait3A = arith.constant 0 : i32
      %dma_wait3A_51 = arith.constant 0 : i32
      %dma_wait3A_52 = tpu.memref_slice %arg6[%dma_wait3A, %dma_wait3A_51] : memref<128x128xf32, #tpu.memory_space<vmem>> -> memref<120x128xf32, #tpu.memory_space<vmem>>
      %dma_wait3A_53 = arith.constant 0 : i32
      %dma_wait3A_54 = tpu.memref_slice %arg7[%add3A_9, %dma_wait3A_53] : memref<10112x128xf32, #tpu.memory_space<vmem_shared>> -> memref<120x128xf32, #tpu.memory_space<vmem_shared>>
      %dma_wait3A_55 = arith.constant 0 : i32
      %dma_wait3A_56 = tpu.memref_slice %arg7[%add3A_9, %dma_wait3A_55] : memref<10112x128xf32, #tpu.memory_space<vmem_shared>> -> memref<120x128xf32, #tpu.memory_space<vmem_shared>>
      %dma_wait3A_57 = arith.constant 0 : i32
      %dma_wait3A_58 = arith.constant 0 : i32
      %dma_wait3A_59 = tpu.memref_slice %arg6[%dma_wait3A_57, %dma_wait3A_58] : memref<128x128xf32, #tpu.memory_space<vmem>> -> memref<120x128xf32, #tpu.memory_space<vmem>>
      tpu.wait_dma2 semaphore(%run_scoped3A : memref<!tpu.dma_semaphore, #tpu.memory_space<semaphore_mem>>) src(%dma_wait3A_59 : memref<120x128xf32, #tpu.memory_space<vmem>>) dst(%dma_wait3A_56 : memref<120x128xf32, #tpu.memory_space<vmem_shared>>)
      tpu.yield
    }) : () -> ()
    %mul3A_10 = arith.constant 80 : i32
    %mul3A_11 = arith.muli %arg1, %mul3A_10 : i32
    "tpu.region"() ({
      %run_scoped3A = tpu.sem_alloc : memref<!tpu.dma_semaphore, #tpu.memory_space<semaphore_mem>>
      %dma_start3A = arith.constant 0 : i32
      %dma_start3A_42 = arith.constant 0 : i32
      %dma_start3A_43 = tpu.memref_slice %arg5[%dma_start3A, %dma_start3A_42] : memref<160x128xi32, #tpu.memory_space<vmem>> -> memref<80x128xi32, #tpu.memory_space<vmem>>
      %dma_start3A_44 = arith.constant 0 : i32
      %dma_start3A_45 = tpu.memref_slice %arg3[%arg0, %mul3A_11, %dma_start3A_44] : memref<2x2560x128xi32, #tpu.memory_space<hbm>> -> memref<1x80x128xi32, #tpu.memory_space<hbm>>
      %dma_start3A_46 = tpu.memref_squeeze %dma_start3A_45 : memref<1x80x128xi32, #tpu.memory_space<hbm>> -> memref<80x128xi32, #tpu.memory_space<hbm>>
      %dma_start3A_47 = arith.constant 0 : i32
      %dma_start3A_48 = arith.constant 0 : i32
      %dma_start3A_49 = tpu.memref_slice %arg5[%dma_start3A_47, %dma_start3A_48] : memref<160x128xi32, #tpu.memory_space<vmem>> -> memref<80x128xi32, #tpu.memory_space<vmem>>
      %dma_start3A_50 = arith.constant 0 : i32
      %dma_start3A_51 = tpu.memref_slice %arg3[%arg0, %mul3A_11, %dma_start3A_50] : memref<2x2560x128xi32, #tpu.memory_space<hbm>> -> memref<1x80x128xi32, #tpu.memory_space<hbm>>
      %dma_start3A_52 = tpu.memref_squeeze %dma_start3A_51 : memref<1x80x128xi32, #tpu.memory_space<hbm>> -> memref<80x128xi32, #tpu.memory_space<hbm>>
      tpu.enqueue_dma source(%dma_start3A_52 : memref<80x128xi32, #tpu.memory_space<hbm>>) target(%dma_start3A_49 : memref<80x128xi32, #tpu.memory_space<vmem>>) target_semaphore(%run_scoped3A : memref<!tpu.dma_semaphore, #tpu.memory_space<semaphore_mem>>)
      %dma_wait3A = arith.constant 0 : i32
      %dma_wait3A_53 = arith.constant 0 : i32
      %dma_wait3A_54 = tpu.memref_slice %arg5[%dma_wait3A, %dma_wait3A_53] : memref<160x128xi32, #tpu.memory_space<vmem>> -> memref<80x128xi32, #tpu.memory_space<vmem>>
      %dma_wait3A_55 = arith.constant 0 : i32
      %dma_wait3A_56 = tpu.memref_slice %arg3[%arg0, %mul3A_11, %dma_wait3A_55] : memref<2x2560x128xi32, #tpu.memory_space<hbm>> -> memref<1x80x128xi32, #tpu.memory_space<hbm>>
      %dma_wait3A_57 = tpu.memref_squeeze %dma_wait3A_56 : memref<1x80x128xi32, #tpu.memory_space<hbm>> -> memref<80x128xi32, #tpu.memory_space<hbm>>
      %dma_wait3A_58 = arith.constant 0 : i32
      %dma_wait3A_59 = arith.constant 0 : i32
      %dma_wait3A_60 = tpu.memref_slice %arg5[%dma_wait3A_58, %dma_wait3A_59] : memref<160x128xi32, #tpu.memory_space<vmem>> -> memref<80x128xi32, #tpu.memory_space<vmem>>
      %dma_wait3A_61 = arith.constant 0 : i32
      %dma_wait3A_62 = tpu.memref_slice %arg3[%arg0, %mul3A_11, %dma_wait3A_61] : memref<2x2560x128xi32, #tpu.memory_space<hbm>> -> memref<1x80x128xi32, #tpu.memory_space<hbm>>
      %dma_wait3A_63 = tpu.memref_squeeze %dma_wait3A_62 : memref<1x80x128xi32, #tpu.memory_space<hbm>> -> memref<80x128xi32, #tpu.memory_space<hbm>>
      tpu.wait_dma2 semaphore(%run_scoped3A : memref<!tpu.dma_semaphore, #tpu.memory_space<semaphore_mem>>) src(%dma_wait3A_63 : memref<80x128xi32, #tpu.memory_space<hbm>>) dst(%dma_wait3A_60 : memref<80x128xi32, #tpu.memory_space<vmem>>)
      tpu.yield
    }) : () -> ()
    %mul3A_12 = arith.constant 80 : i32
    %mul3A_13 = arith.muli %arg1, %mul3A_12 : i32
    %add3A_14 = arith.constant 1280 : i32
    %add3A_15 = arith.addi %add3A_14, %mul3A_13 : i32
    "tpu.region"() ({
      %run_scoped3A = tpu.sem_alloc : memref<!tpu.dma_semaphore, #tpu.memory_space<semaphore_mem>>
      %dma_start3A = arith.constant 80 : i32
      %dma_start3A_42 = arith.constant 0 : i32
      %dma_start3A_43 = tpu.memref_slice %arg5[%dma_start3A, %dma_start3A_42] : memref<160x128xi32, #tpu.memory_space<vmem>> -> memref<80x128xi32, #tpu.memory_space<vmem>>
      %dma_start3A_44 = arith.constant 0 : i32
      %dma_start3A_45 = tpu.memref_slice %arg3[%arg0, %add3A_15, %dma_start3A_44] : memref<2x2560x128xi32, #tpu.memory_space<hbm>> -> memref<1x80x128xi32, #tpu.memory_space<hbm>>
      %dma_start3A_46 = tpu.memref_squeeze %dma_start3A_45 : memref<1x80x128xi32, #tpu.memory_space<hbm>> -> memref<80x128xi32, #tpu.memory_space<hbm>>
      %dma_start3A_47 = arith.constant 80 : i32
      %dma_start3A_48 = arith.constant 0 : i32
      %dma_start3A_49 = tpu.memref_slice %arg5[%dma_start3A_47, %dma_start3A_48] : memref<160x128xi32, #tpu.memory_space<vmem>> -> memref<80x128xi32, #tpu.memory_space<vmem>>
      %dma_start3A_50 = arith.constant 0 : i32
      %dma_start3A_51 = tpu.memref_slice %arg3[%arg0, %add3A_15, %dma_start3A_50] : memref<2x2560x128xi32, #tpu.memory_space<hbm>> -> memref<1x80x128xi32, #tpu.memory_space<hbm>>
      %dma_start3A_52 = tpu.memref_squeeze %dma_start3A_51 : memref<1x80x128xi32, #tpu.memory_space<hbm>> -> memref<80x128xi32, #tpu.memory_space<hbm>>
      tpu.enqueue_dma source(%dma_start3A_52 : memref<80x128xi32, #tpu.memory_space<hbm>>) target(%dma_start3A_49 : memref<80x128xi32, #tpu.memory_space<vmem>>) target_semaphore(%run_scoped3A : memref<!tpu.dma_semaphore, #tpu.memory_space<semaphore_mem>>)
      %dma_wait3A = arith.constant 80 : i32
      %dma_wait3A_53 = arith.constant 0 : i32
      %dma_wait3A_54 = tpu.memref_slice %arg5[%dma_wait3A, %dma_wait3A_53] : memref<160x128xi32, #tpu.memory_space<vmem>> -> memref<80x128xi32, #tpu.memory_space<vmem>>
      %dma_wait3A_55 = arith.constant 0 : i32
      %dma_wait3A_56 = tpu.memref_slice %arg3[%arg0, %add3A_15, %dma_wait3A_55] : memref<2x2560x128xi32, #tpu.memory_space<hbm>> -> memref<1x80x128xi32, #tpu.memory_space<hbm>>
      %dma_wait3A_57 = tpu.memref_squeeze %dma_wait3A_56 : memref<1x80x128xi32, #tpu.memory_space<hbm>> -> memref<80x128xi32, #tpu.memory_space<hbm>>
      %dma_wait3A_58 = arith.constant 80 : i32
      %dma_wait3A_59 = arith.constant 0 : i32
      %dma_wait3A_60 = tpu.memref_slice %arg5[%dma_wait3A_58, %dma_wait3A_59] : memref<160x128xi32, #tpu.memory_space<vmem>> -> memref<80x128xi32, #tpu.memory_space<vmem>>
      %dma_wait3A_61 = arith.constant 0 : i32
      %dma_wait3A_62 = tpu.memref_slice %arg3[%arg0, %add3A_15, %dma_wait3A_61] : memref<2x2560x128xi32, #tpu.memory_space<hbm>> -> memref<1x80x128xi32, #tpu.memory_space<hbm>>
      %dma_wait3A_63 = tpu.memref_squeeze %dma_wait3A_62 : memref<1x80x128xi32, #tpu.memory_space<hbm>> -> memref<80x128xi32, #tpu.memory_space<hbm>>
      tpu.wait_dma2 semaphore(%run_scoped3A : memref<!tpu.dma_semaphore, #tpu.memory_space<semaphore_mem>>) src(%dma_wait3A_63 : memref<80x128xi32, #tpu.memory_space<hbm>>) dst(%dma_wait3A_60 : memref<80x128xi32, #tpu.memory_space<vmem>>)
      tpu.yield
    }) : () -> ()
    %barrier3A = arith.constant 0 : index
    tpu.barrier barrier_id(%barrier3A)
    %scan3A = arith.constant 0 : i32
    %scan3A_16 = arith.constant 0 : i32
    %scan3A_17 = arith.constant 80 : i32
    %scan3A_18 = arith.addi %scan3A_16, %scan3A_17 : i32
    %scan3A_19 = arith.constant 1 : i32
    scf.for %scan3A_42 = %scan3A_16 to %scan3A_18 step %scan3A_19  : i32 {
      "tpu.region"() ({
        %run_scoped3A = tpu.sem_alloc : memref<!tpu.dma_semaphore, #tpu.memory_space<semaphore_mem>>
        %dma_start3A = arith.constant 0 : i32
        %dma_start3A_45 = tpu.memref_slice %arg5[%scan3A_42, %dma_start3A] : memref<160x128xi32, #tpu.memory_space<vmem>> -> memref<1x128xi32, #tpu.memory_space<vmem>>
        %dma_start3A_46 = tpu.memref_squeeze %dma_start3A_45 : memref<1x128xi32, #tpu.memory_space<vmem>> -> memref<128xi32, #tpu.memory_space<vmem>>
        %dma_start3A_47 = arith.constant 0 : i32
        %dma_start3A_48 = arith.constant 0 : i32
        %dma_start3A_49 = tpu.memref_slice %arg2[%dma_start3A_47, %dma_start3A_48] : memref<20224x128xf32, #tpu.memory_space<hbm>> -> memref<20224x128xf32, #tpu.memory_space<hbm>>
        tpu.enqueue_indirect_dma source(%dma_start3A_49 : memref<20224x128xf32, #tpu.memory_space<hbm>>) target(%arg6 : memref<128x128xf32, #tpu.memory_space<vmem>>) offsets(%dma_start3A_46 : memref<128xi32, #tpu.memory_space<vmem>>) semaphore(%run_scoped3A : memref<!tpu.dma_semaphore, #tpu.memory_space<semaphore_mem>>)
        %dma_wait3A = arith.constant 0 : i32
        %dma_wait3A_50 = tpu.memref_slice %arg5[%scan3A_42, %dma_wait3A] : memref<160x128xi32, #tpu.memory_space<vmem>> -> memref<1x128xi32, #tpu.memory_space<vmem>>
        %dma_wait3A_51 = tpu.memref_squeeze %dma_wait3A_50 : memref<1x128xi32, #tpu.memory_space<vmem>> -> memref<128xi32, #tpu.memory_space<vmem>>
        %dma_wait3A_52 = arith.constant 0 : i32
        %dma_wait3A_53 = arith.constant 0 : i32
        %dma_wait3A_54 = tpu.memref_slice %arg2[%dma_wait3A_52, %dma_wait3A_53] : memref<20224x128xf32, #tpu.memory_space<hbm>> -> memref<20224x128xf32, #tpu.memory_space<hbm>>
        tpu.wait_indirect_dma semaphore(%run_scoped3A : memref<!tpu.dma_semaphore, #tpu.memory_space<semaphore_mem>>) src(%dma_wait3A_54 : memref<20224x128xf32, #tpu.memory_space<hbm>>) dst(%arg6 : memref<128x128xf32, #tpu.memory_space<vmem>>)
        tpu.yield
      }) : () -> ()
      %add3A_43 = arith.constant 80 : i32
      %add3A_44 = arith.addi %add3A_43, %scan3A_42 : i32
      "tpu.region"() ({
        %run_scoped3A = tpu.sem_alloc : memref<!tpu.dma_semaphore, #tpu.memory_space<semaphore_mem>>
        %dma_start3A = arith.constant 0 : i32
        %dma_start3A_45 = tpu.memref_slice %arg5[%add3A_44, %dma_start3A] : memref<160x128xi32, #tpu.memory_space<vmem>> -> memref<1x128xi32, #tpu.memory_space<vmem>>
        %dma_start3A_46 = tpu.memref_squeeze %dma_start3A_45 : memref<1x128xi32, #tpu.memory_space<vmem>> -> memref<128xi32, #tpu.memory_space<vmem>>
        %dma_start3A_47 = arith.constant 0 : i32
        %dma_start3A_48 = arith.constant 0 : i32
        %dma_start3A_49 = tpu.memref_slice %arg7[%dma_start3A_47, %dma_start3A_48] : memref<10112x128xf32, #tpu.memory_space<vmem_shared>> -> memref<10112x128xf32, #tpu.memory_space<vmem_shared>>
        tpu.enqueue_indirect_dma source(%arg6 : memref<128x128xf32, #tpu.memory_space<vmem>>) target(%dma_start3A_49 : memref<10112x128xf32, #tpu.memory_space<vmem_shared>>) offsets(%dma_start3A_46 : memref<128xi32, #tpu.memory_space<vmem>>) semaphore(%run_scoped3A : memref<!tpu.dma_semaphore, #tpu.memory_space<semaphore_mem>>) {add = true}
        %dma_wait3A = arith.constant 0 : i32
        %dma_wait3A_50 = tpu.memref_slice %arg5[%add3A_44, %dma_wait3A] : memref<160x128xi32, #tpu.memory_space<vmem>> -> memref<1x128xi32, #tpu.memory_space<vmem>>
        %dma_wait3A_51 = tpu.memref_squeeze %dma_wait3A_50 : memref<1x128xi32, #tpu.memory_space<vmem>> -> memref<128xi32, #tpu.memory_space<vmem>>
        %dma_wait3A_52 = arith.constant 0 : i32
        %dma_wait3A_53 = arith.constant 0 : i32
        %dma_wait3A_54 = tpu.memref_slice %arg7[%dma_wait3A_52, %dma_wait3A_53] : memref<10112x128xf32, #tpu.memory_space<vmem_shared>> -> memref<10112x128xf32, #tpu.memory_space<vmem_shared>>
        tpu.wait_indirect_dma semaphore(%run_scoped3A : memref<!tpu.dma_semaphore, #tpu.memory_space<semaphore_mem>>) src(%arg6 : memref<128x128xf32, #tpu.memory_space<vmem>>) dst(%dma_wait3A_54 : memref<10112x128xf32, #tpu.memory_space<vmem_shared>>)
        tpu.yield
      }) : () -> ()
    }
    %scan3A_20 = arith.constant 80 : i32
    %barrier3A_21 = arith.constant 0 : index
    tpu.barrier barrier_id(%barrier3A_21)
    %add3A_22 = arith.constant 0 : i32
    %add3A_23 = arith.addi %mul3A_0, %add3A_22 : i32
    "tpu.region"() ({
      %run_scoped3A = tpu.sem_alloc : memref<!tpu.dma_semaphore, #tpu.memory_space<semaphore_mem>>
      %dma_start3A = arith.constant 0 : i32
      %dma_start3A_42 = arith.constant 0 : i32
      %dma_start3A_43 = tpu.memref_slice %arg6[%dma_start3A, %dma_start3A_42] : memref<128x128xf32, #tpu.memory_space<vmem>> -> memref<128x128xf32, #tpu.memory_space<vmem>>
      %dma_start3A_44 = arith.constant 0 : i32
      %dma_start3A_45 = tpu.memref_slice %arg7[%add3A_23, %dma_start3A_44] : memref<10112x128xf32, #tpu.memory_space<vmem_shared>> -> memref<128x128xf32, #tpu.memory_space<vmem_shared>>
      %dma_start3A_46 = arith.constant 0 : i32
      %dma_start3A_47 = arith.constant 0 : i32
      %dma_start3A_48 = tpu.memref_slice %arg6[%dma_start3A_46, %dma_start3A_47] : memref<128x128xf32, #tpu.memory_space<vmem>> -> memref<128x128xf32, #tpu.memory_space<vmem>>
      %dma_start3A_49 = arith.constant 0 : i32
      %dma_start3A_50 = tpu.memref_slice %arg7[%add3A_23, %dma_start3A_49] : memref<10112x128xf32, #tpu.memory_space<vmem_shared>> -> memref<128x128xf32, #tpu.memory_space<vmem_shared>>
      tpu.enqueue_dma source(%dma_start3A_50 : memref<128x128xf32, #tpu.memory_space<vmem_shared>>) target(%dma_start3A_48 : memref<128x128xf32, #tpu.memory_space<vmem>>) target_semaphore(%run_scoped3A : memref<!tpu.dma_semaphore, #tpu.memory_space<semaphore_mem>>)
      %dma_wait3A = arith.constant 0 : i32
      %dma_wait3A_51 = arith.constant 0 : i32
      %dma_wait3A_52 = tpu.memref_slice %arg6[%dma_wait3A, %dma_wait3A_51] : memref<128x128xf32, #tpu.memory_space<vmem>> -> memref<128x128xf32, #tpu.memory_space<vmem>>
      %dma_wait3A_53 = arith.constant 0 : i32
      %dma_wait3A_54 = tpu.memref_slice %arg7[%add3A_23, %dma_wait3A_53] : memref<10112x128xf32, #tpu.memory_space<vmem_shared>> -> memref<128x128xf32, #tpu.memory_space<vmem_shared>>
      %dma_wait3A_55 = arith.constant 0 : i32
      %dma_wait3A_56 = arith.constant 0 : i32
      %dma_wait3A_57 = tpu.memref_slice %arg6[%dma_wait3A_55, %dma_wait3A_56] : memref<128x128xf32, #tpu.memory_space<vmem>> -> memref<128x128xf32, #tpu.memory_space<vmem>>
      %dma_wait3A_58 = arith.constant 0 : i32
      %dma_wait3A_59 = tpu.memref_slice %arg7[%add3A_23, %dma_wait3A_58] : memref<10112x128xf32, #tpu.memory_space<vmem_shared>> -> memref<128x128xf32, #tpu.memory_space<vmem_shared>>
      tpu.wait_dma2 semaphore(%run_scoped3A : memref<!tpu.dma_semaphore, #tpu.memory_space<semaphore_mem>>) src(%dma_wait3A_59 : memref<128x128xf32, #tpu.memory_space<vmem_shared>>) dst(%dma_wait3A_57 : memref<128x128xf32, #tpu.memory_space<vmem>>)
      tpu.yield
    }) : () -> ()
    %add3A_24 = arith.constant 0 : i32
    %add3A_25 = arith.addi %mul3A_0, %add3A_24 : i32
    "tpu.region"() ({
      %run_scoped3A = tpu.sem_alloc : memref<!tpu.dma_semaphore, #tpu.memory_space<semaphore_mem>>
      %dma_start3A = arith.constant 0 : i32
      %dma_start3A_42 = arith.constant 0 : i32
      %dma_start3A_43 = tpu.memref_slice %arg6[%dma_start3A, %dma_start3A_42] : memref<128x128xf32, #tpu.memory_space<vmem>> -> memref<128x128xf32, #tpu.memory_space<vmem>>
      %dma_start3A_44 = arith.constant 0 : i32
      %dma_start3A_45 = tpu.memref_slice %arg4[%arg0, %add3A_25, %dma_start3A_44] : memref<2x10112x128xf32, #tpu.memory_space<hbm>> -> memref<1x128x128xf32, #tpu.memory_space<hbm>>
      %dma_start3A_46 = tpu.memref_squeeze %dma_start3A_45 : memref<1x128x128xf32, #tpu.memory_space<hbm>> -> memref<128x128xf32, #tpu.memory_space<hbm>>
      %dma_start3A_47 = arith.constant 0 : i32
      %dma_start3A_48 = tpu.memref_slice %arg4[%arg0, %add3A_25, %dma_start3A_47] : memref<2x10112x128xf32, #tpu.memory_space<hbm>> -> memref<1x128x128xf32, #tpu.memory_space<hbm>>
      %dma_start3A_49 = tpu.memref_squeeze %dma_start3A_48 : memref<1x128x128xf32, #tpu.memory_space<hbm>> -> memref<128x128xf32, #tpu.memory_space<hbm>>
      %dma_start3A_50 = arith.constant 0 : i32
      %dma_start3A_51 = arith.constant 0 : i32
      %dma_start3A_52 = tpu.memref_slice %arg6[%dma_start3A_50, %dma_start3A_51] : memref<128x128xf32, #tpu.memory_space<vmem>> -> memref<128x128xf32, #tpu.memory_space<vmem>>
      tpu.enqueue_dma source(%dma_start3A_52 : memref<128x128xf32, #tpu.memory_space<vmem>>) target(%dma_start3A_49 : memref<128x128xf32, #tpu.memory_space<hbm>>) target_semaphore(%run_scoped3A : memref<!tpu.dma_semaphore, #tpu.memory_space<semaphore_mem>>)
      %dma_wait3A = arith.constant 0 : i32
      %dma_wait3A_53 = arith.constant 0 : i32
      %dma_wait3A_54 = tpu.memref_slice %arg6[%dma_wait3A, %dma_wait3A_53] : memref<128x128xf32, #tpu.memory_space<vmem>> -> memref<128x128xf32, #tpu.memory_space<vmem>>
      %dma_wait3A_55 = arith.constant 0 : i32
      %dma_wait3A_56 = tpu.memref_slice %arg4[%arg0, %add3A_25, %dma_wait3A_55] : memref<2x10112x128xf32, #tpu.memory_space<hbm>> -> memref<1x128x128xf32, #tpu.memory_space<hbm>>
      %dma_wait3A_57 = tpu.memref_squeeze %dma_wait3A_56 : memref<1x128x128xf32, #tpu.memory_space<hbm>> -> memref<128x128xf32, #tpu.memory_space<hbm>>
      %dma_wait3A_58 = arith.constant 0 : i32
      %dma_wait3A_59 = tpu.memref_slice %arg4[%arg0, %add3A_25, %dma_wait3A_58] : memref<2x10112x128xf32, #tpu.memory_space<hbm>> -> memref<1x128x128xf32, #tpu.memory_space<hbm>>
      %dma_wait3A_60 = tpu.memref_squeeze %dma_wait3A_59 : memref<1x128x128xf32, #tpu.memory_space<hbm>> -> memref<128x128xf32, #tpu.memory_space<hbm>>
      %dma_wait3A_61 = arith.constant 0 : i32
      %dma_wait3A_62 = arith.constant 0 : i32
      %dma_wait3A_63 = tpu.memref_slice %arg6[%dma_wait3A_61, %dma_wait3A_62] : memref<128x128xf32, #tpu.memory_space<vmem>> -> memref<128x128xf32, #tpu.memory_space<vmem>>
      tpu.wait_dma2 semaphore(%run_scoped3A : memref<!tpu.dma_semaphore, #tpu.memory_space<semaphore_mem>>) src(%dma_wait3A_63 : memref<128x128xf32, #tpu.memory_space<vmem>>) dst(%dma_wait3A_60 : memref<128x128xf32, #tpu.memory_space<hbm>>)
      tpu.yield
    }) : () -> ()
    %add3A_26 = arith.constant 128 : i32
    %add3A_27 = arith.addi %mul3A_0, %add3A_26 : i32
    "tpu.region"() ({
      %run_scoped3A = tpu.sem_alloc : memref<!tpu.dma_semaphore, #tpu.memory_space<semaphore_mem>>
      %dma_start3A = arith.constant 0 : i32
      %dma_start3A_42 = arith.constant 0 : i32
      %dma_start3A_43 = tpu.memref_slice %arg6[%dma_start3A, %dma_start3A_42] : memref<128x128xf32, #tpu.memory_space<vmem>> -> memref<128x128xf32, #tpu.memory_space<vmem>>
      %dma_start3A_44 = arith.constant 0 : i32
      %dma_start3A_45 = tpu.memref_slice %arg7[%add3A_27, %dma_start3A_44] : memref<10112x128xf32, #tpu.memory_space<vmem_shared>> -> memref<128x128xf32, #tpu.memory_space<vmem_shared>>
      %dma_start3A_46 = arith.constant 0 : i32
      %dma_start3A_47 = arith.constant 0 : i32
      %dma_start3A_48 = tpu.memref_slice %arg6[%dma_start3A_46, %dma_start3A_47] : memref<128x128xf32, #tpu.memory_space<vmem>> -> memref<128x128xf32, #tpu.memory_space<vmem>>
      %dma_start3A_49 = arith.constant 0 : i32
      %dma_start3A_50 = tpu.memref_slice %arg7[%add3A_27, %dma_start3A_49] : memref<10112x128xf32, #tpu.memory_space<vmem_shared>> -> memref<128x128xf32, #tpu.memory_space<vmem_shared>>
      tpu.enqueue_dma source(%dma_start3A_50 : memref<128x128xf32, #tpu.memory_space<vmem_shared>>) target(%dma_start3A_48 : memref<128x128xf32, #tpu.memory_space<vmem>>) target_semaphore(%run_scoped3A : memref<!tpu.dma_semaphore, #tpu.memory_space<semaphore_mem>>)
      %dma_wait3A = arith.constant 0 : i32
      %dma_wait3A_51 = arith.constant 0 : i32
      %dma_wait3A_52 = tpu.memref_slice %arg6[%dma_wait3A, %dma_wait3A_51] : memref<128x128xf32, #tpu.memory_space<vmem>> -> memref<128x128xf32, #tpu.memory_space<vmem>>
      %dma_wait3A_53 = arith.constant 0 : i32
      %dma_wait3A_54 = tpu.memref_slice %arg7[%add3A_27, %dma_wait3A_53] : memref<10112x128xf32, #tpu.memory_space<vmem_shared>> -> memref<128x128xf32, #tpu.memory_space<vmem_shared>>
      %dma_wait3A_55 = arith.constant 0 : i32
      %dma_wait3A_56 = arith.constant 0 : i32
      %dma_wait3A_57 = tpu.memref_slice %arg6[%dma_wait3A_55, %dma_wait3A_56] : memref<128x128xf32, #tpu.memory_space<vmem>> -> memref<128x128xf32, #tpu.memory_space<vmem>>
      %dma_wait3A_58 = arith.constant 0 : i32
      %dma_wait3A_59 = tpu.memref_slice %arg7[%add3A_27, %dma_wait3A_58] : memref<10112x128xf32, #tpu.memory_space<vmem_shared>> -> memref<128x128xf32, #tpu.memory_space<vmem_shared>>
      tpu.wait_dma2 semaphore(%run_scoped3A : memref<!tpu.dma_semaphore, #tpu.memory_space<semaphore_mem>>) src(%dma_wait3A_59 : memref<128x128xf32, #tpu.memory_space<vmem_shared>>) dst(%dma_wait3A_57 : memref<128x128xf32, #tpu.memory_space<vmem>>)
      tpu.yield
    }) : () -> ()
    %add3A_28 = arith.constant 128 : i32
    %add3A_29 = arith.addi %mul3A_0, %add3A_28 : i32
    "tpu.region"() ({
      %run_scoped3A = tpu.sem_alloc : memref<!tpu.dma_semaphore, #tpu.memory_space<semaphore_mem>>
      %dma_start3A = arith.constant 0 : i32
      %dma_start3A_42 = arith.constant 0 : i32
      %dma_start3A_43 = tpu.memref_slice %arg6[%dma_start3A, %dma_start3A_42] : memref<128x128xf32, #tpu.memory_space<vmem>> -> memref<128x128xf32, #tpu.memory_space<vmem>>
      %dma_start3A_44 = arith.constant 0 : i32
      %dma_start3A_45 = tpu.memref_slice %arg4[%arg0, %add3A_29, %dma_start3A_44] : memref<2x10112x128xf32, #tpu.memory_space<hbm>> -> memref<1x128x128xf32, #tpu.memory_space<hbm>>
      %dma_start3A_46 = tpu.memref_squeeze %dma_start3A_45 : memref<1x128x128xf32, #tpu.memory_space<hbm>> -> memref<128x128xf32, #tpu.memory_space<hbm>>
      %dma_start3A_47 = arith.constant 0 : i32
      %dma_start3A_48 = tpu.memref_slice %arg4[%arg0, %add3A_29, %dma_start3A_47] : memref<2x10112x128xf32, #tpu.memory_space<hbm>> -> memref<1x128x128xf32, #tpu.memory_space<hbm>>
      %dma_start3A_49 = tpu.memref_squeeze %dma_start3A_48 : memref<1x128x128xf32, #tpu.memory_space<hbm>> -> memref<128x128xf32, #tpu.memory_space<hbm>>
      %dma_start3A_50 = arith.constant 0 : i32
      %dma_start3A_51 = arith.constant 0 : i32
      %dma_start3A_52 = tpu.memref_slice %arg6[%dma_start3A_50, %dma_start3A_51] : memref<128x128xf32, #tpu.memory_space<vmem>> -> memref<128x128xf32, #tpu.memory_space<vmem>>
      tpu.enqueue_dma source(%dma_start3A_52 : memref<128x128xf32, #tpu.memory_space<vmem>>) target(%dma_start3A_49 : memref<128x128xf32, #tpu.memory_space<hbm>>) target_semaphore(%run_scoped3A : memref<!tpu.dma_semaphore, #tpu.memory_space<semaphore_mem>>)
      %dma_wait3A = arith.constant 0 : i32
      %dma_wait3A_53 = arith.constant 0 : i32
      %dma_wait3A_54 = tpu.memref_slice %arg6[%dma_wait3A, %dma_wait3A_53] : memref<128x128xf32, #tpu.memory_space<vmem>> -> memref<128x128xf32, #tpu.memory_space<vmem>>
      %dma_wait3A_55 = arith.constant 0 : i32
      %dma_wait3A_56 = tpu.memref_slice %arg4[%arg0, %add3A_29, %dma_wait3A_55] : memref<2x10112x128xf32, #tpu.memory_space<hbm>> -> memref<1x128x128xf32, #tpu.memory_space<hbm>>
      %dma_wait3A_57 = tpu.memref_squeeze %dma_wait3A_56 : memref<1x128x128xf32, #tpu.memory_space<hbm>> -> memref<128x128xf32, #tpu.memory_space<hbm>>
      %dma_wait3A_58 = arith.constant 0 : i32
      %dma_wait3A_59 = tpu.memref_slice %arg4[%arg0, %add3A_29, %dma_wait3A_58] : memref<2x10112x128xf32, #tpu.memory_space<hbm>> -> memref<1x128x128xf32, #tpu.memory_space<hbm>>
      %dma_wait3A_60 = tpu.memref_squeeze %dma_wait3A_59 : memref<1x128x128xf32, #tpu.memory_space<hbm>> -> memref<128x128xf32, #tpu.memory_space<hbm>>
      %dma_wait3A_61 = arith.constant 0 : i32
      %dma_wait3A_62 = arith.constant 0 : i32
      %dma_wait3A_63 = tpu.memref_slice %arg6[%dma_wait3A_61, %dma_wait3A_62] : memref<128x128xf32, #tpu.memory_space<vmem>> -> memref<128x128xf32, #tpu.memory_space<vmem>>
      tpu.wait_dma2 semaphore(%run_scoped3A : memref<!tpu.dma_semaphore, #tpu.memory_space<semaphore_mem>>) src(%dma_wait3A_63 : memref<128x128xf32, #tpu.memory_space<vmem>>) dst(%dma_wait3A_60 : memref<128x128xf32, #tpu.memory_space<hbm>>)
      tpu.yield
    }) : () -> ()
    %add3A_30 = arith.constant 256 : i32
    %add3A_31 = arith.addi %mul3A_0, %add3A_30 : i32
    "tpu.region"() ({
      %run_scoped3A = tpu.sem_alloc : memref<!tpu.dma_semaphore, #tpu.memory_space<semaphore_mem>>
      %dma_start3A = arith.constant 0 : i32
      %dma_start3A_42 = arith.constant 0 : i32
      %dma_start3A_43 = tpu.memref_slice %arg6[%dma_start3A, %dma_start3A_42] : memref<128x128xf32, #tpu.memory_space<vmem>> -> memref<128x128xf32, #tpu.memory_space<vmem>>
      %dma_start3A_44 = arith.constant 0 : i32
      %dma_start3A_45 = tpu.memref_slice %arg7[%add3A_31, %dma_start3A_44] : memref<10112x128xf32, #tpu.memory_space<vmem_shared>> -> memref<128x128xf32, #tpu.memory_space<vmem_shared>>
      %dma_start3A_46 = arith.constant 0 : i32
      %dma_start3A_47 = arith.constant 0 : i32
      %dma_start3A_48 = tpu.memref_slice %arg6[%dma_start3A_46, %dma_start3A_47] : memref<128x128xf32, #tpu.memory_space<vmem>> -> memref<128x128xf32, #tpu.memory_space<vmem>>
      %dma_start3A_49 = arith.constant 0 : i32
      %dma_start3A_50 = tpu.memref_slice %arg7[%add3A_31, %dma_start3A_49] : memref<10112x128xf32, #tpu.memory_space<vmem_shared>> -> memref<128x128xf32, #tpu.memory_space<vmem_shared>>
      tpu.enqueue_dma source(%dma_start3A_50 : memref<128x128xf32, #tpu.memory_space<vmem_shared>>) target(%dma_start3A_48 : memref<128x128xf32, #tpu.memory_space<vmem>>) target_semaphore(%run_scoped3A : memref<!tpu.dma_semaphore, #tpu.memory_space<semaphore_mem>>)
      %dma_wait3A = arith.constant 0 : i32
      %dma_wait3A_51 = arith.constant 0 : i32
      %dma_wait3A_52 = tpu.memref_slice %arg6[%dma_wait3A, %dma_wait3A_51] : memref<128x128xf32, #tpu.memory_space<vmem>> -> memref<128x128xf32, #tpu.memory_space<vmem>>
      %dma_wait3A_53 = arith.constant 0 : i32
      %dma_wait3A_54 = tpu.memref_slice %arg7[%add3A_31, %dma_wait3A_53] : memref<10112x128xf32, #tpu.memory_space<vmem_shared>> -> memref<128x128xf32, #tpu.memory_space<vmem_shared>>
      %dma_wait3A_55 = arith.constant 0 : i32
      %dma_wait3A_56 = arith.constant 0 : i32
      %dma_wait3A_57 = tpu.memref_slice %arg6[%dma_wait3A_55, %dma_wait3A_56] : memref<128x128xf32, #tpu.memory_space<vmem>> -> memref<128x128xf32, #tpu.memory_space<vmem>>
      %dma_wait3A_58 = arith.constant 0 : i32
      %dma_wait3A_59 = tpu.memref_slice %arg7[%add3A_31, %dma_wait3A_58] : memref<10112x128xf32, #tpu.memory_space<vmem_shared>> -> memref<128x128xf32, #tpu.memory_space<vmem_shared>>
      tpu.wait_dma2 semaphore(%run_scoped3A : memref<!tpu.dma_semaphore, #tpu.memory_space<semaphore_mem>>) src(%dma_wait3A_59 : memref<128x128xf32, #tpu.memory_space<vmem_shared>>) dst(%dma_wait3A_57 : memref<128x128xf32, #tpu.memory_space<vmem>>)
      tpu.yield
    }) : () -> ()
    %add3A_32 = arith.constant 256 : i32
    %add3A_33 = arith.addi %mul3A_0, %add3A_32 : i32
    "tpu.region"() ({
      %run_scoped3A = tpu.sem_alloc : memref<!tpu.dma_semaphore, #tpu.memory_space<semaphore_mem>>
      %dma_start3A = arith.constant 0 : i32
      %dma_start3A_42 = arith.constant 0 : i32
      %dma_start3A_43 = tpu.memref_slice %arg6[%dma_start3A, %dma_start3A_42] : memref<128x128xf32, #tpu.memory_space<vmem>> -> memref<128x128xf32, #tpu.memory_space<vmem>>
      %dma_start3A_44 = arith.constant 0 : i32
      %dma_start3A_45 = tpu.memref_slice %arg4[%arg0, %add3A_33, %dma_start3A_44] : memref<2x10112x128xf32, #tpu.memory_space<hbm>> -> memref<1x128x128xf32, #tpu.memory_space<hbm>>
      %dma_start3A_46 = tpu.memref_squeeze %dma_start3A_45 : memref<1x128x128xf32, #tpu.memory_space<hbm>> -> memref<128x128xf32, #tpu.memory_space<hbm>>
      %dma_start3A_47 = arith.constant 0 : i32
      %dma_start3A_48 = tpu.memref_slice %arg4[%arg0, %add3A_33, %dma_start3A_47] : memref<2x10112x128xf32, #tpu.memory_space<hbm>> -> memref<1x128x128xf32, #tpu.memory_space<hbm>>
      %dma_start3A_49 = tpu.memref_squeeze %dma_start3A_48 : memref<1x128x128xf32, #tpu.memory_space<hbm>> -> memref<128x128xf32, #tpu.memory_space<hbm>>
      %dma_start3A_50 = arith.constant 0 : i32
      %dma_start3A_51 = arith.constant 0 : i32
      %dma_start3A_52 = tpu.memref_slice %arg6[%dma_start3A_50, %dma_start3A_51] : memref<128x128xf32, #tpu.memory_space<vmem>> -> memref<128x128xf32, #tpu.memory_space<vmem>>
      tpu.enqueue_dma source(%dma_start3A_52 : memref<128x128xf32, #tpu.memory_space<vmem>>) target(%dma_start3A_49 : memref<128x128xf32, #tpu.memory_space<hbm>>) target_semaphore(%run_scoped3A : memref<!tpu.dma_semaphore, #tpu.memory_space<semaphore_mem>>)
      %dma_wait3A = arith.constant 0 : i32
      %dma_wait3A_53 = arith.constant 0 : i32
      %dma_wait3A_54 = tpu.memref_slice %arg6[%dma_wait3A, %dma_wait3A_53] : memref<128x128xf32, #tpu.memory_space<vmem>> -> memref<128x128xf32, #tpu.memory_space<vmem>>
      %dma_wait3A_55 = arith.constant 0 : i32
      %dma_wait3A_56 = tpu.memref_slice %arg4[%arg0, %add3A_33, %dma_wait3A_55] : memref<2x10112x128xf32, #tpu.memory_space<hbm>> -> memref<1x128x128xf32, #tpu.memory_space<hbm>>
      %dma_wait3A_57 = tpu.memref_squeeze %dma_wait3A_56 : memref<1x128x128xf32, #tpu.memory_space<hbm>> -> memref<128x128xf32, #tpu.memory_space<hbm>>
      %dma_wait3A_58 = arith.constant 0 : i32
      %dma_wait3A_59 = tpu.memref_slice %arg4[%arg0, %add3A_33, %dma_wait3A_58] : memref<2x10112x128xf32, #tpu.memory_space<hbm>> -> memref<1x128x128xf32, #tpu.memory_space<hbm>>
      %dma_wait3A_60 = tpu.memref_squeeze %dma_wait3A_59 : memref<1x128x128xf32, #tpu.memory_space<hbm>> -> memref<128x128xf32, #tpu.memory_space<hbm>>
      %dma_wait3A_61 = arith.constant 0 : i32
      %dma_wait3A_62 = arith.constant 0 : i32
      %dma_wait3A_63 = tpu.memref_slice %arg6[%dma_wait3A_61, %dma_wait3A_62] : memref<128x128xf32, #tpu.memory_space<vmem>> -> memref<128x128xf32, #tpu.memory_space<vmem>>
      tpu.wait_dma2 semaphore(%run_scoped3A : memref<!tpu.dma_semaphore, #tpu.memory_space<semaphore_mem>>) src(%dma_wait3A_63 : memref<128x128xf32, #tpu.memory_space<vmem>>) dst(%dma_wait3A_60 : memref<128x128xf32, #tpu.memory_space<hbm>>)
      tpu.yield
    }) : () -> ()
    %add3A_34 = arith.constant 384 : i32
    %add3A_35 = arith.addi %mul3A_0, %add3A_34 : i32
    "tpu.region"() ({
      %run_scoped3A = tpu.sem_alloc : memref<!tpu.dma_semaphore, #tpu.memory_space<semaphore_mem>>
      %dma_start3A = arith.constant 0 : i32
      %dma_start3A_42 = arith.constant 0 : i32
      %dma_start3A_43 = tpu.memref_slice %arg6[%dma_start3A, %dma_start3A_42] : memref<128x128xf32, #tpu.memory_space<vmem>> -> memref<128x128xf32, #tpu.memory_space<vmem>>
      %dma_start3A_44 = arith.constant 0 : i32
      %dma_start3A_45 = tpu.memref_slice %arg7[%add3A_35, %dma_start3A_44] : memref<10112x128xf32, #tpu.memory_space<vmem_shared>> -> memref<128x128xf32, #tpu.memory_space<vmem_shared>>
      %dma_start3A_46 = arith.constant 0 : i32
      %dma_start3A_47 = arith.constant 0 : i32
      %dma_start3A_48 = tpu.memref_slice %arg6[%dma_start3A_46, %dma_start3A_47] : memref<128x128xf32, #tpu.memory_space<vmem>> -> memref<128x128xf32, #tpu.memory_space<vmem>>
      %dma_start3A_49 = arith.constant 0 : i32
      %dma_start3A_50 = tpu.memref_slice %arg7[%add3A_35, %dma_start3A_49] : memref<10112x128xf32, #tpu.memory_space<vmem_shared>> -> memref<128x128xf32, #tpu.memory_space<vmem_shared>>
      tpu.enqueue_dma source(%dma_start3A_50 : memref<128x128xf32, #tpu.memory_space<vmem_shared>>) target(%dma_start3A_48 : memref<128x128xf32, #tpu.memory_space<vmem>>) target_semaphore(%run_scoped3A : memref<!tpu.dma_semaphore, #tpu.memory_space<semaphore_mem>>)
      %dma_wait3A = arith.constant 0 : i32
      %dma_wait3A_51 = arith.constant 0 : i32
      %dma_wait3A_52 = tpu.memref_slice %arg6[%dma_wait3A, %dma_wait3A_51] : memref<128x128xf32, #tpu.memory_space<vmem>> -> memref<128x128xf32, #tpu.memory_space<vmem>>
      %dma_wait3A_53 = arith.constant 0 : i32
      %dma_wait3A_54 = tpu.memref_slice %arg7[%add3A_35, %dma_wait3A_53] : memref<10112x128xf32, #tpu.memory_space<vmem_shared>> -> memref<128x128xf32, #tpu.memory_space<vmem_shared>>
      %dma_wait3A_55 = arith.constant 0 : i32
      %dma_wait3A_56 = arith.constant 0 : i32
      %dma_wait3A_57 = tpu.memref_slice %arg6[%dma_wait3A_55, %dma_wait3A_56] : memref<128x128xf32, #tpu.memory_space<vmem>> -> memref<128x128xf32, #tpu.memory_space<vmem>>
      %dma_wait3A_58 = arith.constant 0 : i32
      %dma_wait3A_59 = tpu.memref_slice %arg7[%add3A_35, %dma_wait3A_58] : memref<10112x128xf32, #tpu.memory_space<vmem_shared>> -> memref<128x128xf32, #tpu.memory_space<vmem_shared>>
      tpu.wait_dma2 semaphore(%run_scoped3A : memref<!tpu.dma_semaphore, #tpu.memory_space<semaphore_mem>>) src(%dma_wait3A_59 : memref<128x128xf32, #tpu.memory_space<vmem_shared>>) dst(%dma_wait3A_57 : memref<128x128xf32, #tpu.memory_space<vmem>>)
      tpu.yield
    }) : () -> ()
    %add3A_36 = arith.constant 384 : i32
    %add3A_37 = arith.addi %mul3A_0, %add3A_36 : i32
    "tpu.region"() ({
      %run_scoped3A = tpu.sem_alloc : memref<!tpu.dma_semaphore, #tpu.memory_space<semaphore_mem>>
      %dma_start3A = arith.constant 0 : i32
      %dma_start3A_42 = arith.constant 0 : i32
      %dma_start3A_43 = tpu.memref_slice %arg6[%dma_start3A, %dma_start3A_42] : memref<128x128xf32, #tpu.memory_space<vmem>> -> memref<128x128xf32, #tpu.memory_space<vmem>>
      %dma_start3A_44 = arith.constant 0 : i32
      %dma_start3A_45 = tpu.memref_slice %arg4[%arg0, %add3A_37, %dma_start3A_44] : memref<2x10112x128xf32, #tpu.memory_space<hbm>> -> memref<1x128x128xf32, #tpu.memory_space<hbm>>
      %dma_start3A_46 = tpu.memref_squeeze %dma_start3A_45 : memref<1x128x128xf32, #tpu.memory_space<hbm>> -> memref<128x128xf32, #tpu.memory_space<hbm>>
      %dma_start3A_47 = arith.constant 0 : i32
      %dma_start3A_48 = tpu.memref_slice %arg4[%arg0, %add3A_37, %dma_start3A_47] : memref<2x10112x128xf32, #tpu.memory_space<hbm>> -> memref<1x128x128xf32, #tpu.memory_space<hbm>>
      %dma_start3A_49 = tpu.memref_squeeze %dma_start3A_48 : memref<1x128x128xf32, #tpu.memory_space<hbm>> -> memref<128x128xf32, #tpu.memory_space<hbm>>
      %dma_start3A_50 = arith.constant 0 : i32
      %dma_start3A_51 = arith.constant 0 : i32
      %dma_start3A_52 = tpu.memref_slice %arg6[%dma_start3A_50, %dma_start3A_51] : memref<128x128xf32, #tpu.memory_space<vmem>> -> memref<128x128xf32, #tpu.memory_space<vmem>>
      tpu.enqueue_dma source(%dma_start3A_52 : memref<128x128xf32, #tpu.memory_space<vmem>>) target(%dma_start3A_49 : memref<128x128xf32, #tpu.memory_space<hbm>>) target_semaphore(%run_scoped3A : memref<!tpu.dma_semaphore, #tpu.memory_space<semaphore_mem>>)
      %dma_wait3A = arith.constant 0 : i32
      %dma_wait3A_53 = arith.constant 0 : i32
      %dma_wait3A_54 = tpu.memref_slice %arg6[%dma_wait3A, %dma_wait3A_53] : memref<128x128xf32, #tpu.memory_space<vmem>> -> memref<128x128xf32, #tpu.memory_space<vmem>>
      %dma_wait3A_55 = arith.constant 0 : i32
      %dma_wait3A_56 = tpu.memref_slice %arg4[%arg0, %add3A_37, %dma_wait3A_55] : memref<2x10112x128xf32, #tpu.memory_space<hbm>> -> memref<1x128x128xf32, #tpu.memory_space<hbm>>
      %dma_wait3A_57 = tpu.memref_squeeze %dma_wait3A_56 : memref<1x128x128xf32, #tpu.memory_space<hbm>> -> memref<128x128xf32, #tpu.memory_space<hbm>>
      %dma_wait3A_58 = arith.constant 0 : i32
      %dma_wait3A_59 = tpu.memref_slice %arg4[%arg0, %add3A_37, %dma_wait3A_58] : memref<2x10112x128xf32, #tpu.memory_space<hbm>> -> memref<1x128x128xf32, #tpu.memory_space<hbm>>
      %dma_wait3A_60 = tpu.memref_squeeze %dma_wait3A_59 : memref<1x128x128xf32, #tpu.memory_space<hbm>> -> memref<128x128xf32, #tpu.memory_space<hbm>>
      %dma_wait3A_61 = arith.constant 0 : i32
      %dma_wait3A_62 = arith.constant 0 : i32
      %dma_wait3A_63 = tpu.memref_slice %arg6[%dma_wait3A_61, %dma_wait3A_62] : memref<128x128xf32, #tpu.memory_space<vmem>> -> memref<128x128xf32, #tpu.memory_space<vmem>>
      tpu.wait_dma2 semaphore(%run_scoped3A : memref<!tpu.dma_semaphore, #tpu.memory_space<semaphore_mem>>) src(%dma_wait3A_63 : memref<128x128xf32, #tpu.memory_space<vmem>>) dst(%dma_wait3A_60 : memref<128x128xf32, #tpu.memory_space<hbm>>)
      tpu.yield
    }) : () -> ()
    %add3A_38 = arith.constant 512 : i32
    %add3A_39 = arith.addi %mul3A_0, %add3A_38 : i32
    "tpu.region"() ({
      %run_scoped3A = tpu.sem_alloc : memref<!tpu.dma_semaphore, #tpu.memory_space<semaphore_mem>>
      %dma_start3A = arith.constant 0 : i32
      %dma_start3A_42 = arith.constant 0 : i32
      %dma_start3A_43 = tpu.memref_slice %arg6[%dma_start3A, %dma_start3A_42] : memref<128x128xf32, #tpu.memory_space<vmem>> -> memref<120x128xf32, #tpu.memory_space<vmem>>
      %dma_start3A_44 = arith.constant 0 : i32
      %dma_start3A_45 = tpu.memref_slice %arg7[%add3A_39, %dma_start3A_44] : memref<10112x128xf32, #tpu.memory_space<vmem_shared>> -> memref<120x128xf32, #tpu.memory_space<vmem_shared>>
      %dma_start3A_46 = arith.constant 0 : i32
      %dma_start3A_47 = arith.constant 0 : i32
      %dma_start3A_48 = tpu.memref_slice %arg6[%dma_start3A_46, %dma_start3A_47] : memref<128x128xf32, #tpu.memory_space<vmem>> -> memref<120x128xf32, #tpu.memory_space<vmem>>
      %dma_start3A_49 = arith.constant 0 : i32
      %dma_start3A_50 = tpu.memref_slice %arg7[%add3A_39, %dma_start3A_49] : memref<10112x128xf32, #tpu.memory_space<vmem_shared>> -> memref<120x128xf32, #tpu.memory_space<vmem_shared>>
      tpu.enqueue_dma source(%dma_start3A_50 : memref<120x128xf32, #tpu.memory_space<vmem_shared>>) target(%dma_start3A_48 : memref<120x128xf32, #tpu.memory_space<vmem>>) target_semaphore(%run_scoped3A : memref<!tpu.dma_semaphore, #tpu.memory_space<semaphore_mem>>)
      %dma_wait3A = arith.constant 0 : i32
      %dma_wait3A_51 = arith.constant 0 : i32
      %dma_wait3A_52 = tpu.memref_slice %arg6[%dma_wait3A, %dma_wait3A_51] : memref<128x128xf32, #tpu.memory_space<vmem>> -> memref<120x128xf32, #tpu.memory_space<vmem>>
      %dma_wait3A_53 = arith.constant 0 : i32
      %dma_wait3A_54 = tpu.memref_slice %arg7[%add3A_39, %dma_wait3A_53] : memref<10112x128xf32, #tpu.memory_space<vmem_shared>> -> memref<120x128xf32, #tpu.memory_space<vmem_shared>>
      %dma_wait3A_55 = arith.constant 0 : i32
      %dma_wait3A_56 = arith.constant 0 : i32
      %dma_wait3A_57 = tpu.memref_slice %arg6[%dma_wait3A_55, %dma_wait3A_56] : memref<128x128xf32, #tpu.memory_space<vmem>> -> memref<120x128xf32, #tpu.memory_space<vmem>>
      %dma_wait3A_58 = arith.constant 0 : i32
      %dma_wait3A_59 = tpu.memref_slice %arg7[%add3A_39, %dma_wait3A_58] : memref<10112x128xf32, #tpu.memory_space<vmem_shared>> -> memref<120x128xf32, #tpu.memory_space<vmem_shared>>
      tpu.wait_dma2 semaphore(%run_scoped3A : memref<!tpu.dma_semaphore, #tpu.memory_space<semaphore_mem>>) src(%dma_wait3A_59 : memref<120x128xf32, #tpu.memory_space<vmem_shared>>) dst(%dma_wait3A_57 : memref<120x128xf32, #tpu.memory_space<vmem>>)
      tpu.yield
    }) : () -> ()
    %add3A_40 = arith.constant 512 : i32
    %add3A_41 = arith.addi %mul3A_0, %add3A_40 : i32
    "tpu.region"() ({
      %run_scoped3A = tpu.sem_alloc : memref<!tpu.dma_semaphore, #tpu.memory_space<semaphore_mem>>
      %dma_start3A = arith.constant 0 : i32
      %dma_start3A_42 = arith.constant 0 : i32
      %dma_start3A_43 = tpu.memref_slice %arg6[%dma_start3A, %dma_start3A_42] : memref<128x128xf32, #tpu.memory_space<vmem>> -> memref<120x128xf32, #tpu.memory_space<vmem>>
      %dma_start3A_44 = arith.constant 0 : i32
      %dma_start3A_45 = tpu.memref_slice %arg4[%arg0, %add3A_41, %dma_start3A_44] : memref<2x10112x128xf32, #tpu.memory_space<hbm>> -> memref<1x120x128xf32, #tpu.memory_space<hbm>>
      %dma_start3A_46 = tpu.memref_squeeze %dma_start3A_45 : memref<1x120x128xf32, #tpu.memory_space<hbm>> -> memref<120x128xf32, #tpu.memory_space<hbm>>
      %dma_start3A_47 = arith.constant 0 : i32
      %dma_start3A_48 = tpu.memref_slice %arg4[%arg0, %add3A_41, %dma_start3A_47] : memref<2x10112x128xf32, #tpu.memory_space<hbm>> -> memref<1x120x128xf32, #tpu.memory_space<hbm>>
      %dma_start3A_49 = tpu.memref_squeeze %dma_start3A_48 : memref<1x120x128xf32, #tpu.memory_space<hbm>> -> memref<120x128xf32, #tpu.memory_space<hbm>>
      %dma_start3A_50 = arith.constant 0 : i32
      %dma_start3A_51 = arith.constant 0 : i32
      %dma_start3A_52 = tpu.memref_slice %arg6[%dma_start3A_50, %dma_start3A_51] : memref<128x128xf32, #tpu.memory_space<vmem>> -> memref<120x128xf32, #tpu.memory_space<vmem>>
      tpu.enqueue_dma source(%dma_start3A_52 : memref<120x128xf32, #tpu.memory_space<vmem>>) target(%dma_start3A_49 : memref<120x128xf32, #tpu.memory_space<hbm>>) target_semaphore(%run_scoped3A : memref<!tpu.dma_semaphore, #tpu.memory_space<semaphore_mem>>)
      %dma_wait3A = arith.constant 0 : i32
      %dma_wait3A_53 = arith.constant 0 : i32
      %dma_wait3A_54 = tpu.memref_slice %arg6[%dma_wait3A, %dma_wait3A_53] : memref<128x128xf32, #tpu.memory_space<vmem>> -> memref<120x128xf32, #tpu.memory_space<vmem>>
      %dma_wait3A_55 = arith.constant 0 : i32
      %dma_wait3A_56 = tpu.memref_slice %arg4[%arg0, %add3A_41, %dma_wait3A_55] : memref<2x10112x128xf32, #tpu.memory_space<hbm>> -> memref<1x120x128xf32, #tpu.memory_space<hbm>>
      %dma_wait3A_57 = tpu.memref_squeeze %dma_wait3A_56 : memref<1x120x128xf32, #tpu.memory_space<hbm>> -> memref<120x128xf32, #tpu.memory_space<hbm>>
      %dma_wait3A_58 = arith.constant 0 : i32
      %dma_wait3A_59 = tpu.memref_slice %arg4[%arg0, %add3A_41, %dma_wait3A_58] : memref<2x10112x128xf32, #tpu.memory_space<hbm>> -> memref<1x120x128xf32, #tpu.memory_space<hbm>>
      %dma_wait3A_60 = tpu.memref_squeeze %dma_wait3A_59 : memref<1x120x128xf32, #tpu.memory_space<hbm>> -> memref<120x128xf32, #tpu.memory_space<hbm>>
      %dma_wait3A_61 = arith.constant 0 : i32
      %dma_wait3A_62 = arith.constant 0 : i32
      %dma_wait3A_63 = tpu.memref_slice %arg6[%dma_wait3A_61, %dma_wait3A_62] : memref<128x128xf32, #tpu.memory_space<vmem>> -> memref<120x128xf32, #tpu.memory_space<vmem>>
      tpu.wait_dma2 semaphore(%run_scoped3A : memref<!tpu.dma_semaphore, #tpu.memory_space<semaphore_mem>>) src(%dma_wait3A_63 : memref<120x128xf32, #tpu.memory_space<vmem>>) dst(%dma_wait3A_60 : memref<120x128xf32, #tpu.memory_space<hbm>>)
      tpu.yield
    }) : () -> ()
    return
  }
}

module attributes {stable_mosaic.version = 14 : i64} {
  func.func @_tc_prep_body(%arg0: memref<20224x16xf32, #tpu.memory_space<vmem>>, %arg1: memref<10000x128xf32, #tpu.memory_space<vmem>>, %arg2: memref<20224x16xf32, #tpu.memory_space<vmem>>, %arg3: memref<20224x128xf32, #tpu.memory_space<vmem>>) attributes {dimension_semantics = [], scalar_prefetch = 0 : i64, scratch_operands = 0 : i64, tpu.core_type = #tpu.core_type<tc>} {
    %get3A = arith.constant 0 : index
    %get3A_0 = arith.constant 0 : index
    %get3A_1 = vector.load %arg1[%get3A, %get3A_0] : memref<10000x128xf32, #tpu.memory_space<vmem>>, vector<10000x128xf32>
    %broadcast_in_dim3A = arith.constant 0.000000e+00 : f32
    %broadcast_in_dim3A_2 = vector.broadcast %broadcast_in_dim3A : f32 to vector<112x128xf32>
    %get3A_3 = arith.constant 0 : index
    %get3A_4 = arith.constant 0 : index
    %get3A_5 = vector.load %arg0[%get3A_3, %get3A_4] : memref<20224x16xf32, #tpu.memory_space<vmem>>, vector<10112x16xf32>
    %reduce_sum3A = arith.constant dense<0.000000e+00> : vector<10112xf32>
    %reduce_sum3A_6 = vector.multi_reduction <add>, %get3A_5, %reduce_sum3A [1] : vector<10112x16xf32> to vector<10112xf32>
    %broadcast_in_dim3A_7 = vector.shape_cast %reduce_sum3A_6 : vector<10112xf32> to vector<10112x1xf32>
    %gt3A = arith.constant 0.000000e+00 : f32
    %gt3A_8 = vector.broadcast %gt3A : f32 to vector<10112x1xf32>
    %gt3A_9 = arith.cmpf ogt, %broadcast_in_dim3A_7, %gt3A_8 : vector<10112x1xf32>
    %rsqrt3A = math.rsqrt %broadcast_in_dim3A_7 : vector<10112x1xf32>
    %jit3A = arith.constant 0.000000e+00 : f32
    %broadcast_in_dim3A_10 = vector.broadcast %jit3A : f32 to vector<10112x1xf32>
    %select_n3A = arith.select %gt3A_9, %rsqrt3A, %broadcast_in_dim3A_10 : vector<10112x1xi1>, vector<10112x1xf32>
    %broadcast_in_dim3A_11 = vector.shape_cast %select_n3A : vector<10112x1xf32> to vector<10112x1xf32>
    %broadcast_in_dim3A_12 = vector.broadcast %broadcast_in_dim3A_11 : vector<10112x1xf32> to vector<10112x16xf32>
    %swap3A = arith.constant 0 : index
    %swap3A_13 = arith.constant 0 : index
    %swap3A_14 = vector.load %arg2[%swap3A, %swap3A_13] : memref<20224x16xf32, #tpu.memory_space<vmem>>, vector<10112x16xf32>
    tpu.vector_store %arg2[%swap3A, %swap3A_13], %broadcast_in_dim3A_12 {strides = array<i32>} : memref<20224x16xf32, #tpu.memory_space<vmem>>, vector<10112x16xf32>,
    %slice3A = vector.extract_strided_slice %select_n3A {offsets = [0, 0], sizes = [10000, 1], strides = [1, 1]} : vector<10112x1xf32> to vector<10000x1xf32>
    %mul3A = vector.broadcast %slice3A : vector<10000x1xf32> to vector<10000x128xf32>
    %mul3A_15 = arith.mulf %mul3A, %get3A_1 : vector<10000x128xf32>
    %swap3A_16 = arith.constant 0 : index
    %swap3A_17 = arith.constant 0 : index
    %swap3A_18 = vector.load %arg3[%swap3A_16, %swap3A_17] : memref<20224x128xf32, #tpu.memory_space<vmem>>, vector<10000x128xf32>
    tpu.vector_store %arg3[%swap3A_16, %swap3A_17], %mul3A_15 {strides = array<i32>} : memref<20224x128xf32, #tpu.memory_space<vmem>>, vector<10000x128xf32>,
    %swap3A_19 = arith.constant 10000 : index
    %swap3A_20 = arith.constant 0 : index
    %swap3A_21 = vector.load %arg3[%swap3A_19, %swap3A_20] : memref<20224x128xf32, #tpu.memory_space<vmem>>, vector<112x128xf32>
    tpu.vector_store %arg3[%swap3A_19, %swap3A_20], %broadcast_in_dim3A_2 {strides = array<i32>} : memref<20224x128xf32, #tpu.memory_space<vmem>>, vector<112x128xf32>,
    %get3A_22 = arith.constant 10112 : index
    %get3A_23 = arith.constant 0 : index
    %get3A_24 = vector.load %arg0[%get3A_22, %get3A_23] : memref<20224x16xf32, #tpu.memory_space<vmem>>, vector<10112x16xf32>
    %reduce_sum3A_25 = arith.constant dense<0.000000e+00> : vector<10112xf32>
    %reduce_sum3A_26 = vector.multi_reduction <add>, %get3A_24, %reduce_sum3A_25 [1] : vector<10112x16xf32> to vector<10112xf32>
    %broadcast_in_dim3A_27 = vector.shape_cast %reduce_sum3A_26 : vector<10112xf32> to vector<10112x1xf32>
    %gt3A_28 = arith.constant 0.000000e+00 : f32
    %gt3A_29 = vector.broadcast %gt3A_28 : f32 to vector<10112x1xf32>
    %gt3A_30 = arith.cmpf ogt, %broadcast_in_dim3A_27, %gt3A_29 : vector<10112x1xf32>
    %rsqrt3A_31 = math.rsqrt %broadcast_in_dim3A_27 : vector<10112x1xf32>
    %jit3A_32 = arith.constant 0.000000e+00 : f32
    %broadcast_in_dim3A_33 = vector.broadcast %jit3A_32 : f32 to vector<10112x1xf32>
    %select_n3A_34 = arith.select %gt3A_30, %rsqrt3A_31, %broadcast_in_dim3A_33 : vector<10112x1xi1>, vector<10112x1xf32>
    %broadcast_in_dim3A_35 = vector.shape_cast %select_n3A_34 : vector<10112x1xf32> to vector<10112x1xf32>
    %broadcast_in_dim3A_36 = vector.broadcast %broadcast_in_dim3A_35 : vector<10112x1xf32> to vector<10112x16xf32>
    %swap3A_37 = arith.constant 10112 : index
    %swap3A_38 = arith.constant 0 : index
    %swap3A_39 = vector.load %arg2[%swap3A_37, %swap3A_38] : memref<20224x16xf32, #tpu.memory_space<vmem>>, vector<10112x16xf32>
    tpu.vector_store %arg2[%swap3A_37, %swap3A_38], %broadcast_in_dim3A_36 {strides = array<i32>} : memref<20224x16xf32, #tpu.memory_space<vmem>>, vector<10112x16xf32>,
    %slice3A_40 = vector.extract_strided_slice %select_n3A_34 {offsets = [0, 0], sizes = [10000, 1], strides = [1, 1]} : vector<10112x1xf32> to vector<10000x1xf32>
    %mul3A_41 = vector.broadcast %slice3A_40 : vector<10000x1xf32> to vector<10000x128xf32>
    %mul3A_42 = arith.mulf %mul3A_41, %get3A_1 : vector<10000x128xf32>
    %swap3A_43 = arith.constant 10112 : index
    %swap3A_44 = arith.constant 0 : index
    %swap3A_45 = vector.load %arg3[%swap3A_43, %swap3A_44] : memref<20224x128xf32, #tpu.memory_space<vmem>>, vector<10000x128xf32>
    tpu.vector_store %arg3[%swap3A_43, %swap3A_44], %mul3A_42 {strides = array<i32>} : memref<20224x128xf32, #tpu.memory_space<vmem>>, vector<10000x128xf32>,
    %swap3A_46 = arith.constant 20112 : index
    %swap3A_47 = arith.constant 0 : index
    %swap3A_48 = vector.load %arg3[%swap3A_46, %swap3A_47] : memref<20224x128xf32, #tpu.memory_space<vmem>>, vector<112x128xf32>
    tpu.vector_store %arg3[%swap3A_46, %swap3A_47], %broadcast_in_dim3A_2 {strides = array<i32>} : memref<20224x128xf32, #tpu.memory_space<vmem>>, vector<112x128xf32>,
    return
  }
}

module attributes {stable_mosaic.version = 14 : i64} {
  func.func @_tc_loop_body(%arg0: memref<10000x128xf32, #tpu.memory_space<vmem>>, %arg1: memref<1x128xf32, #tpu.memory_space<vmem>>, %arg2: memref<128x128xf32, #tpu.memory_space<vmem>>, %arg3: memref<10000x128xf32, #tpu.memory_space<vmem>>) attributes {dimension_semantics = [], scalar_prefetch = 0 : i64, scratch_operands = 0 : i64, tpu.core_type = #tpu.core_type<tc>} {
    %get3A = arith.constant 0 : index
    %get3A_0 = arith.constant 0 : index
    %get3A_1 = vector.load %arg0[%get3A, %get3A_0] : memref<10000x128xf32, #tpu.memory_space<vmem>>, vector<10000x128xf32>
    %get3A_2 = arith.constant 0 : index
    %get3A_3 = arith.constant 0 : index
    %get3A_4 = vector.load %arg1[%get3A_2, %get3A_3] : memref<1x128xf32, #tpu.memory_space<vmem>>, vector<1x128xf32>
    %sub3A = vector.broadcast %get3A_4 : vector<1x128xf32> to vector<10000x128xf32>
    %sub3A_5 = arith.subf %get3A_1, %sub3A : vector<10000x128xf32>
    %get3A_6 = arith.constant 0 : index
    %get3A_7 = arith.constant 0 : index
    %get3A_8 = vector.load %arg2[%get3A_6, %get3A_7] : memref<128x128xf32, #tpu.memory_space<vmem>>, vector<128x128xf32>
    %dot_general3A = arith.constant dense<0.000000e+00> : vector<10000x128xf32>
    %dot_general3A_9 = tpu.matmul %sub3A_5, %get3A_8, %dot_general3A {dimension_numbers = #tpu.dot_dimension_numbers<[1], [0], [0], [1], [0, 0, 1, 1], [], []>, precision = #tpu.contract_precision<fp32>, transpose_lhs_hint = false} : vector<10000x128xf32>, vector<128x128xf32>, vector<10000x128xf32> -> vector<10000x128xf32>
    %swap3A = arith.constant 0 : index
    %swap3A_10 = arith.constant 0 : index
    %swap3A_11 = vector.load %arg3[%swap3A, %swap3A_10] : memref<10000x128xf32, #tpu.memory_space<vmem>>, vector<10000x128xf32>
    tpu.vector_store %arg3[%swap3A, %swap3A_10], %dot_general3A_9 {strides = array<i32>} : memref<10000x128xf32, #tpu.memory_space<vmem>>, vector<10000x128xf32>,
    return
  }
}

module attributes {stable_mosaic.version = 14 : i64} {
  func.func @body(%arg0: memref<2x10112x128xf32, #tpu.memory_space<vmem>>, %arg1: memref<2x10112x16xf32, #tpu.memory_space<vmem>>, %arg2: memref<20224x16xf32, #tpu.memory_space<vmem>>, %arg3: memref<16x128xf32, #tpu.memory_space<vmem>>, %arg4: memref<128x128xf32, #tpu.memory_space<vmem>>, %arg5: memref<10000x128xf32, #tpu.memory_space<vmem>>) attributes {dimension_semantics = [], scalar_prefetch = 0 : i64, scratch_operands = 0 : i64, tpu.core_type = #tpu.core_type<tc>} {
    %get3A = arith.constant 10112 : index
    %get3A_0 = arith.constant 0 : index
    %get3A_1 = vector.load %arg2[%get3A, %get3A_0] : memref<20224x16xf32, #tpu.memory_space<vmem>>, vector<10000x1xf32>
    %get3A_2 = arith.constant 1 : index
    %get3A_3 = arith.constant 0 : index
    %get3A_4 = arith.constant 0 : index
    %get3A_5 = vector.load %arg0[%get3A_2, %get3A_3, %get3A_4] : memref<2x10112x128xf32, #tpu.memory_space<vmem>>, vector<1x10000x128xf32>
    %get3A_6 = vector.shape_cast %get3A_5 : vector<1x10000x128xf32> to vector<10000x128xf32>
    %get3A_7 = arith.constant 1 : index
    %get3A_8 = arith.constant 0 : index
    %get3A_9 = arith.constant 0 : index
    %get3A_10 = vector.load %arg1[%get3A_7, %get3A_8, %get3A_9] : memref<2x10112x16xf32, #tpu.memory_space<vmem>>, vector<1x10000x16xf32>
    %get3A_11 = vector.shape_cast %get3A_10 : vector<1x10000x16xf32> to vector<10000x16xf32>
    %get3A_12 = arith.constant 0 : index
    %get3A_13 = arith.constant 0 : index
    %get3A_14 = vector.load %arg3[%get3A_12, %get3A_13] : memref<16x128xf32, #tpu.memory_space<vmem>>, vector<16x128xf32>
    %dot_general3A = arith.constant dense<0.000000e+00> : vector<10000x128xf32>
    %dot_general3A_15 = tpu.matmul %get3A_11, %get3A_14, %dot_general3A {dimension_numbers = #tpu.dot_dimension_numbers<[1], [0], [0], [1], [0, 0, 1, 1], [], []>, precision = #tpu.contract_precision<fp32>, transpose_lhs_hint = false} : vector<10000x16xf32>, vector<16x128xf32>, vector<10000x128xf32> -> vector<10000x128xf32>
    %sub3A = arith.subf %get3A_6, %dot_general3A_15 : vector<10000x128xf32>
    %mul3A = vector.broadcast %get3A_1 : vector<10000x1xf32> to vector<10000x128xf32>
    %mul3A_16 = arith.mulf %mul3A, %sub3A : vector<10000x128xf32>
    %get3A_17 = arith.constant 0 : index
    %get3A_18 = arith.constant 0 : index
    %get3A_19 = vector.load %arg4[%get3A_17, %get3A_18] : memref<128x128xf32, #tpu.memory_space<vmem>>, vector<128x128xf32>
    %dot_general3A_20 = arith.constant dense<0.000000e+00> : vector<10000x128xf32>
    %dot_general3A_21 = tpu.matmul %mul3A_16, %get3A_19, %dot_general3A_20 {dimension_numbers = #tpu.dot_dimension_numbers<[1], [0], [0], [1], [0, 0, 1, 1], [], []>, precision = #tpu.contract_precision<fp32>, transpose_lhs_hint = false} : vector<10000x128xf32>, vector<128x128xf32>, vector<10000x128xf32> -> vector<10000x128xf32>
    %swap3A = arith.constant 0 : index
    %swap3A_22 = arith.constant 0 : index
    %swap3A_23 = vector.load %arg5[%swap3A, %swap3A_22] : memref<10000x128xf32, #tpu.memory_space<vmem>>, vector<10000x128xf32>
    tpu.vector_store %arg5[%swap3A, %swap3A_22], %dot_general3A_21 {strides = array<i32>} : memref<10000x128xf32, #tpu.memory_space<vmem>>, vector<10000x128xf32>,
    return
  }
}

module attributes {stable_mosaic.version = 14 : i64} {
  func.func @body(%arg0: memref<2x10112x128xf32, #tpu.memory_space<vmem>>, %arg1: memref<2x10112x16xf32, #tpu.memory_space<vmem>>, %arg2: memref<20224x16xf32, #tpu.memory_space<vmem>>, %arg3: memref<16x128xf32, #tpu.memory_space<vmem>>, %arg4: memref<128x128xf32, #tpu.memory_space<vmem>>, %arg5: memref<10000x128xf32, #tpu.memory_space<vmem>>) attributes {dimension_semantics = [], scalar_prefetch = 0 : i64, scratch_operands = 0 : i64, tpu.core_type = #tpu.core_type<tc>} {
    %get3A = arith.constant 0 : index
    %get3A_0 = arith.constant 0 : index
    %get3A_1 = vector.load %arg2[%get3A, %get3A_0] : memref<20224x16xf32, #tpu.memory_space<vmem>>, vector<10000x1xf32>
    %get3A_2 = arith.constant 0 : index
    %get3A_3 = arith.constant 0 : index
    %get3A_4 = arith.constant 0 : index
    %get3A_5 = vector.load %arg0[%get3A_2, %get3A_3, %get3A_4] : memref<2x10112x128xf32, #tpu.memory_space<vmem>>, vector<1x10000x128xf32>
    %get3A_6 = vector.shape_cast %get3A_5 : vector<1x10000x128xf32> to vector<10000x128xf32>
    %get3A_7 = arith.constant 0 : index
    %get3A_8 = arith.constant 0 : index
    %get3A_9 = arith.constant 0 : index
    %get3A_10 = vector.load %arg1[%get3A_7, %get3A_8, %get3A_9] : memref<2x10112x16xf32, #tpu.memory_space<vmem>>, vector<1x10000x16xf32>
    %get3A_11 = vector.shape_cast %get3A_10 : vector<1x10000x16xf32> to vector<10000x16xf32>
    %get3A_12 = arith.constant 0 : index
    %get3A_13 = arith.constant 0 : index
    %get3A_14 = vector.load %arg3[%get3A_12, %get3A_13] : memref<16x128xf32, #tpu.memory_space<vmem>>, vector<16x128xf32>
    %dot_general3A = arith.constant dense<0.000000e+00> : vector<10000x128xf32>
    %dot_general3A_15 = tpu.matmul %get3A_11, %get3A_14, %dot_general3A {dimension_numbers = #tpu.dot_dimension_numbers<[1], [0], [0], [1], [0, 0, 1, 1], [], []>, precision = #tpu.contract_precision<fp32>, transpose_lhs_hint = false} : vector<10000x16xf32>, vector<16x128xf32>, vector<10000x128xf32> -> vector<10000x128xf32>
    %sub3A = arith.subf %get3A_6, %dot_general3A_15 : vector<10000x128xf32>
    %mul3A = vector.broadcast %get3A_1 : vector<10000x1xf32> to vector<10000x128xf32>
    %mul3A_16 = arith.mulf %mul3A, %sub3A : vector<10000x128xf32>
    %get3A_17 = arith.constant 0 : index
    %get3A_18 = arith.constant 0 : index
    %get3A_19 = vector.load %arg4[%get3A_17, %get3A_18] : memref<128x128xf32, #tpu.memory_space<vmem>>, vector<128x128xf32>
    %dot_general3A_20 = arith.constant dense<0.000000e+00> : vector<10000x128xf32>
    %dot_general3A_21 = tpu.matmul %mul3A_16, %get3A_19, %dot_general3A_20 {dimension_numbers = #tpu.dot_dimension_numbers<[1], [0], [0], [1], [0, 0, 1, 1], [], []>, precision = #tpu.contract_precision<fp32>, transpose_lhs_hint = false} : vector<10000x128xf32>, vector<128x128xf32>, vector<10000x128xf32> -> vector<10000x128xf32>
    %swap3A = arith.constant 0 : index
    %swap3A_22 = arith.constant 0 : index
    %swap3A_23 = vector.load %arg5[%swap3A, %swap3A_22] : memref<10000x128xf32, #tpu.memory_space<vmem>>, vector<10000x128xf32>
    tpu.vector_store %arg5[%swap3A, %swap3A_22], %dot_general3A_21 {strides = array<i32>} : memref<10000x128xf32, #tpu.memory_space<vmem>>, vector<10000x128xf32>,
    return
  }
}

module attributes {stable_mosaic.version = 14 : i64} {
  func.func @_tc_bn_body(%arg0: memref<10000x128xf32, #tpu.memory_space<vmem>>, %arg1: memref<10000x128xf32, #tpu.memory_space<vmem>>, %arg2: memref<10000x128xf32, #tpu.memory_space<vmem>>, %arg3: memref<1x128xf32, #tpu.memory_space<vmem>>, %arg4: memref<1x128xf32, #tpu.memory_space<vmem>>, %arg5: memref<1x128xf32, #tpu.memory_space<vmem>>, %arg6: memref<16x128xf32, #tpu.memory_space<vmem>>, %arg7: memref<128x128xf32, #tpu.memory_space<vmem>>, %arg8: memref<10000x128xf32, #tpu.memory_space<vmem>>, %arg9: memref<16x128xf32, #tpu.memory_space<vmem>>) attributes {dimension_semantics = [], scalar_prefetch = 0 : i64, scratch_operands = 0 : i64, tpu.core_type = #tpu.core_type<tc>} {
    %get3A = arith.constant 0 : index
    %get3A_0 = arith.constant 0 : index
    %get3A_1 = vector.load %arg0[%get3A, %get3A_0] : memref<10000x128xf32, #tpu.memory_space<vmem>>, vector<10000x128xf32>
    %get3A_2 = arith.constant 0 : index
    %get3A_3 = arith.constant 0 : index
    %get3A_4 = vector.load %arg1[%get3A_2, %get3A_3] : memref<10000x128xf32, #tpu.memory_space<vmem>>, vector<10000x128xf32>
    %get3A_5 = arith.constant 0 : index
    %get3A_6 = arith.constant 0 : index
    %get3A_7 = vector.load %arg2[%get3A_5, %get3A_6] : memref<10000x128xf32, #tpu.memory_space<vmem>>, vector<10000x128xf32>
    %get3A_8 = arith.constant 0 : index
    %get3A_9 = arith.constant 0 : index
    %get3A_10 = vector.load %arg3[%get3A_8, %get3A_9] : memref<1x128xf32, #tpu.memory_space<vmem>>, vector<1x128xf32>
    %get3A_11 = arith.constant 0 : index
    %get3A_12 = arith.constant 0 : index
    %get3A_13 = vector.load %arg4[%get3A_11, %get3A_12] : memref<1x128xf32, #tpu.memory_space<vmem>>, vector<1x128xf32>
    %get3A_14 = arith.constant 0 : index
    %get3A_15 = arith.constant 0 : index
    %get3A_16 = vector.load %arg5[%get3A_14, %get3A_15] : memref<1x128xf32, #tpu.memory_space<vmem>>, vector<1x128xf32>
    %add3A = arith.addf %get3A_1, %get3A_4 : vector<10000x128xf32>
    %add3A_17 = arith.addf %add3A, %get3A_7 : vector<10000x128xf32>
    %div3A = arith.constant 3.000000e+00 : f32
    %div3A_18 = vector.broadcast %div3A : f32 to vector<10000x128xf32>
    %div3A_19 = arith.divf %add3A_17, %div3A_18 : vector<10000x128xf32>
    %add3A_20 = vector.broadcast %get3A_10 : vector<1x128xf32> to vector<10000x128xf32>
    %add3A_21 = arith.addf %div3A_19, %add3A_20 : vector<10000x128xf32>
    %reduce_sum3A = arith.constant dense<0.000000e+00> : vector<128xf32>
    %reduce_sum3A_22 = vector.multi_reduction <add>, %add3A_21, %reduce_sum3A [0] : vector<10000x128xf32> to vector<128xf32>
    %broadcast_in_dim3A = vector.shape_cast %reduce_sum3A_22 : vector<128xf32> to vector<1x128xf32>
    %div3A_23 = arith.constant 1.000000e+04 : f32
    %div3A_24 = vector.broadcast %div3A_23 : f32 to vector<1x128xf32>
    %div3A_25 = arith.divf %broadcast_in_dim3A, %div3A_24 : vector<1x128xf32>
    %sub3A = vector.broadcast %div3A_25 : vector<1x128xf32> to vector<10000x128xf32>
    %sub3A_26 = arith.subf %add3A_21, %sub3A : vector<10000x128xf32>
    %integer_pow3A = arith.mulf %sub3A_26, %sub3A_26 : vector<10000x128xf32>
    %reduce_sum3A_27 = arith.constant dense<0.000000e+00> : vector<128xf32>
    %reduce_sum3A_28 = vector.multi_reduction <add>, %integer_pow3A, %reduce_sum3A_27 [0] : vector<10000x128xf32> to vector<128xf32>
    %broadcast_in_dim3A_29 = vector.shape_cast %reduce_sum3A_28 : vector<128xf32> to vector<1x128xf32>
    %div3A_30 = arith.constant 1.000000e+04 : f32
    %div3A_31 = vector.broadcast %div3A_30 : f32 to vector<1x128xf32>
    %div3A_32 = arith.divf %broadcast_in_dim3A_29, %div3A_31 : vector<1x128xf32>
    %sub3A_33 = vector.broadcast %div3A_25 : vector<1x128xf32> to vector<10000x128xf32>
    %sub3A_34 = arith.subf %add3A_21, %sub3A_33 : vector<10000x128xf32>
    %add3A_35 = arith.constant 9.99999974E-6 : f32
    %add3A_36 = vector.broadcast %add3A_35 : f32 to vector<1x128xf32>
    %add3A_37 = arith.addf %div3A_32, %add3A_36 : vector<1x128xf32>
    %rsqrt3A = math.rsqrt %add3A_37 : vector<1x128xf32>
    %mul3A = vector.broadcast %rsqrt3A : vector<1x128xf32> to vector<10000x128xf32>
    %mul3A_38 = arith.mulf %sub3A_34, %mul3A : vector<10000x128xf32>
    %mul3A_39 = vector.broadcast %get3A_13 : vector<1x128xf32> to vector<10000x128xf32>
    %mul3A_40 = arith.mulf %mul3A_38, %mul3A_39 : vector<10000x128xf32>
    %add3A_41 = vector.broadcast %get3A_16 : vector<1x128xf32> to vector<10000x128xf32>
    %add3A_42 = arith.addf %mul3A_40, %add3A_41 : vector<10000x128xf32>
    %max3A = arith.constant 0.000000e+00 : f32
    %max3A_43 = vector.broadcast %max3A : f32 to vector<10000x128xf32>
    %max3A_44 = arith.maximumf %add3A_42, %max3A_43 : vector<10000x128xf32>
    %swap3A = arith.constant 0 : index
    %swap3A_45 = arith.constant 0 : index
    %swap3A_46 = vector.load %arg8[%swap3A, %swap3A_45] : memref<10000x128xf32, #tpu.memory_space<vmem>>, vector<10000x128xf32>
    tpu.vector_store %arg8[%swap3A, %swap3A_45], %max3A_44 {strides = array<i32>} : memref<10000x128xf32, #tpu.memory_space<vmem>>, vector<10000x128xf32>,
    %get3A_47 = arith.constant 0 : index
    %get3A_48 = arith.constant 0 : index
    %get3A_49 = vector.load %arg6[%get3A_47, %get3A_48] : memref<16x128xf32, #tpu.memory_space<vmem>>, vector<16x128xf32>
    %get3A_50 = arith.constant 0 : index
    %get3A_51 = arith.constant 0 : index
    %get3A_52 = vector.load %arg7[%get3A_50, %get3A_51] : memref<128x128xf32, #tpu.memory_space<vmem>>, vector<128x128xf32>
    %dot_general3A = arith.constant dense<0.000000e+00> : vector<16x128xf32>
    %dot_general3A_53 = tpu.matmul %get3A_49, %get3A_52, %dot_general3A {dimension_numbers = #tpu.dot_dimension_numbers<[1], [0], [0], [1], [0, 0, 1, 1], [], []>, precision = #tpu.contract_precision<fp32>, transpose_lhs_hint = false} : vector<16x128xf32>, vector<128x128xf32>, vector<16x128xf32> -> vector<16x128xf32>
    %swap3A_54 = arith.constant 0 : index
    %swap3A_55 = arith.constant 0 : index
    %swap3A_56 = vector.load %arg9[%swap3A_54, %swap3A_55] : memref<16x128xf32, #tpu.memory_space<vmem>>, vector<16x128xf32>
    tpu.vector_store %arg9[%swap3A_54, %swap3A_55], %dot_general3A_53 {strides = array<i32>} : memref<16x128xf32, #tpu.memory_space<vmem>>, vector<16x128xf32>,
    return
  }
}

module attributes {stable_mosaic.version = 14 : i64} {
  func.func @_tc_scale_body(%arg0: memref<20224x16xf32, #tpu.memory_space<vmem>>, %arg1: memref<10000x128xf32, #tpu.memory_space<vmem>>, %arg2: memref<20224x128xf32, #tpu.memory_space<vmem>>) attributes {dimension_semantics = [], scalar_prefetch = 0 : i64, scratch_operands = 0 : i64, tpu.core_type = #tpu.core_type<tc>} {
    %get3A = arith.constant 0 : index
    %get3A_0 = arith.constant 0 : index
    %get3A_1 = vector.load %arg1[%get3A, %get3A_0] : memref<10000x128xf32, #tpu.memory_space<vmem>>, vector<10000x128xf32>
    %broadcast_in_dim3A = arith.constant 0.000000e+00 : f32
    %broadcast_in_dim3A_2 = vector.broadcast %broadcast_in_dim3A : f32 to vector<112x128xf32>
    %get3A_3 = arith.constant 0 : index
    %get3A_4 = arith.constant 0 : index
    %get3A_5 = vector.load %arg0[%get3A_3, %get3A_4] : memref<20224x16xf32, #tpu.memory_space<vmem>>, vector<10000x1xf32>
    %mul3A = vector.broadcast %get3A_5 : vector<10000x1xf32> to vector<10000x128xf32>
    %mul3A_6 = arith.mulf %mul3A, %get3A_1 : vector<10000x128xf32>
    %swap3A = arith.constant 0 : index
    %swap3A_7 = arith.constant 0 : index
    %swap3A_8 = vector.load %arg2[%swap3A, %swap3A_7] : memref<20224x128xf32, #tpu.memory_space<vmem>>, vector<10000x128xf32>
    tpu.vector_store %arg2[%swap3A, %swap3A_7], %mul3A_6 {strides = array<i32>} : memref<20224x128xf32, #tpu.memory_space<vmem>>, vector<10000x128xf32>,
    %swap3A_9 = arith.constant 10000 : index
    %swap3A_10 = arith.constant 0 : index
    %swap3A_11 = vector.load %arg2[%swap3A_9, %swap3A_10] : memref<20224x128xf32, #tpu.memory_space<vmem>>, vector<112x128xf32>
    tpu.vector_store %arg2[%swap3A_9, %swap3A_10], %broadcast_in_dim3A_2 {strides = array<i32>} : memref<20224x128xf32, #tpu.memory_space<vmem>>, vector<112x128xf32>,
    %get3A_12 = arith.constant 10112 : index
    %get3A_13 = arith.constant 0 : index
    %get3A_14 = vector.load %arg0[%get3A_12, %get3A_13] : memref<20224x16xf32, #tpu.memory_space<vmem>>, vector<10000x1xf32>
    %mul3A_15 = vector.broadcast %get3A_14 : vector<10000x1xf32> to vector<10000x128xf32>
    %mul3A_16 = arith.mulf %mul3A_15, %get3A_1 : vector<10000x128xf32>
    %swap3A_17 = arith.constant 10112 : index
    %swap3A_18 = arith.constant 0 : index
    %swap3A_19 = vector.load %arg2[%swap3A_17, %swap3A_18] : memref<20224x128xf32, #tpu.memory_space<vmem>>, vector<10000x128xf32>
    tpu.vector_store %arg2[%swap3A_17, %swap3A_18], %mul3A_16 {strides = array<i32>} : memref<20224x128xf32, #tpu.memory_space<vmem>>, vector<10000x128xf32>,
    %swap3A_20 = arith.constant 20112 : index
    %swap3A_21 = arith.constant 0 : index
    %swap3A_22 = vector.load %arg2[%swap3A_20, %swap3A_21] : memref<20224x128xf32, #tpu.memory_space<vmem>>, vector<112x128xf32>
    tpu.vector_store %arg2[%swap3A_20, %swap3A_21], %broadcast_in_dim3A_2 {strides = array<i32>} : memref<20224x128xf32, #tpu.memory_space<vmem>>, vector<112x128xf32>,
    return
  }
}

module attributes {stable_mosaic.version = 14 : i64} {
  func.func @_tc_bnfinal_body(%arg0: memref<10000x128xf32, #tpu.memory_space<vmem>>, %arg1: memref<10000x128xf32, #tpu.memory_space<vmem>>, %arg2: memref<10000x128xf32, #tpu.memory_space<vmem>>, %arg3: memref<1x128xf32, #tpu.memory_space<vmem>>, %arg4: memref<1x128xf32, #tpu.memory_space<vmem>>, %arg5: memref<1x128xf32, #tpu.memory_space<vmem>>, %arg6: memref<1x10000xf32, #tpu.memory_space<vmem>>, %arg7: memref<1x64xf32, #tpu.memory_space<vmem>>, %arg8: memref<16x128xf32, #tpu.memory_space<vmem>>, %arg9: memref<256x2xf32, #tpu.memory_space<vmem>>, %arg10: memref<1x2xf32, #tpu.memory_space<vmem>>, %arg11: memref<64x2xf32, #tpu.memory_space<vmem>>) attributes {dimension_semantics = [], scalar_prefetch = 0 : i64, scratch_operands = 0 : i64, tpu.core_type = #tpu.core_type<tc>} {
    %get3A = arith.constant 0 : index
    %get3A_0 = arith.constant 0 : index
    %get3A_1 = vector.load %arg0[%get3A, %get3A_0] : memref<10000x128xf32, #tpu.memory_space<vmem>>, vector<10000x128xf32>
    %get3A_2 = arith.constant 0 : index
    %get3A_3 = arith.constant 0 : index
    %get3A_4 = vector.load %arg1[%get3A_2, %get3A_3] : memref<10000x128xf32, #tpu.memory_space<vmem>>, vector<10000x128xf32>
    %get3A_5 = arith.constant 0 : index
    %get3A_6 = arith.constant 0 : index
    %get3A_7 = vector.load %arg2[%get3A_5, %get3A_6] : memref<10000x128xf32, #tpu.memory_space<vmem>>, vector<10000x128xf32>
    %get3A_8 = arith.constant 0 : index
    %get3A_9 = arith.constant 0 : index
    %get3A_10 = vector.load %arg3[%get3A_8, %get3A_9] : memref<1x128xf32, #tpu.memory_space<vmem>>, vector<1x128xf32>
    %get3A_11 = arith.constant 0 : index
    %get3A_12 = arith.constant 0 : index
    %get3A_13 = vector.load %arg4[%get3A_11, %get3A_12] : memref<1x128xf32, #tpu.memory_space<vmem>>, vector<1x128xf32>
    %get3A_14 = arith.constant 0 : index
    %get3A_15 = arith.constant 0 : index
    %get3A_16 = vector.load %arg5[%get3A_14, %get3A_15] : memref<1x128xf32, #tpu.memory_space<vmem>>, vector<1x128xf32>
    %add3A = arith.addf %get3A_1, %get3A_4 : vector<10000x128xf32>
    %add3A_17 = arith.addf %add3A, %get3A_7 : vector<10000x128xf32>
    %div3A = arith.constant 3.000000e+00 : f32
    %div3A_18 = vector.broadcast %div3A : f32 to vector<10000x128xf32>
    %div3A_19 = arith.divf %add3A_17, %div3A_18 : vector<10000x128xf32>
    %add3A_20 = vector.broadcast %get3A_10 : vector<1x128xf32> to vector<10000x128xf32>
    %add3A_21 = arith.addf %div3A_19, %add3A_20 : vector<10000x128xf32>
    %reduce_sum3A = arith.constant dense<0.000000e+00> : vector<128xf32>
    %reduce_sum3A_22 = vector.multi_reduction <add>, %add3A_21, %reduce_sum3A [0] : vector<10000x128xf32> to vector<128xf32>
    %broadcast_in_dim3A = vector.shape_cast %reduce_sum3A_22 : vector<128xf32> to vector<1x128xf32>
    %div3A_23 = arith.constant 1.000000e+04 : f32
    %div3A_24 = vector.broadcast %div3A_23 : f32 to vector<1x128xf32>
    %div3A_25 = arith.divf %broadcast_in_dim3A, %div3A_24 : vector<1x128xf32>
    %sub3A = vector.broadcast %div3A_25 : vector<1x128xf32> to vector<10000x128xf32>
    %sub3A_26 = arith.subf %add3A_21, %sub3A : vector<10000x128xf32>
    %integer_pow3A = arith.mulf %sub3A_26, %sub3A_26 : vector<10000x128xf32>
    %reduce_sum3A_27 = arith.constant dense<0.000000e+00> : vector<128xf32>
    %reduce_sum3A_28 = vector.multi_reduction <add>, %integer_pow3A, %reduce_sum3A_27 [0] : vector<10000x128xf32> to vector<128xf32>
    %broadcast_in_dim3A_29 = vector.shape_cast %reduce_sum3A_28 : vector<128xf32> to vector<1x128xf32>
    %div3A_30 = arith.constant 1.000000e+04 : f32
    %div3A_31 = vector.broadcast %div3A_30 : f32 to vector<1x128xf32>
    %div3A_32 = arith.divf %broadcast_in_dim3A_29, %div3A_31 : vector<1x128xf32>
    %sub3A_33 = vector.broadcast %div3A_25 : vector<1x128xf32> to vector<10000x128xf32>
    %sub3A_34 = arith.subf %add3A_21, %sub3A_33 : vector<10000x128xf32>
    %add3A_35 = arith.constant 9.99999974E-6 : f32
    %add3A_36 = vector.broadcast %add3A_35 : f32 to vector<1x128xf32>
    %add3A_37 = arith.addf %div3A_32, %add3A_36 : vector<1x128xf32>
    %rsqrt3A = math.rsqrt %add3A_37 : vector<1x128xf32>
    %mul3A = vector.broadcast %rsqrt3A : vector<1x128xf32> to vector<10000x128xf32>
    %mul3A_38 = arith.mulf %sub3A_34, %mul3A : vector<10000x128xf32>
    %mul3A_39 = vector.broadcast %get3A_13 : vector<1x128xf32> to vector<10000x128xf32>
    %mul3A_40 = arith.mulf %mul3A_38, %mul3A_39 : vector<10000x128xf32>
    %add3A_41 = vector.broadcast %get3A_16 : vector<1x128xf32> to vector<10000x128xf32>
    %add3A_42 = arith.addf %mul3A_40, %add3A_41 : vector<10000x128xf32>
    %max3A = arith.constant 0.000000e+00 : f32
    %max3A_43 = vector.broadcast %max3A : f32 to vector<10000x128xf32>
    %max3A_44 = arith.maximumf %add3A_42, %max3A_43 : vector<10000x128xf32>
    %get3A_45 = arith.constant 0 : index
    %get3A_46 = arith.constant 0 : index
    %get3A_47 = vector.load %arg6[%get3A_45, %get3A_46] : memref<1x10000xf32, #tpu.memory_space<vmem>>, vector<1x10000xf32>
    %iota3A = tpu.iota {dimensions = array<i32: 0>} : vector<64x10000xi32>
    %convert_element_type3A = arith.sitofp %iota3A : vector<64x10000xi32> to vector<64x10000xf32>
    %eq3A = vector.broadcast %get3A_47 : vector<1x10000xf32> to vector<64x10000xf32>
    %eq3A_48 = arith.cmpf oeq, %eq3A, %convert_element_type3A : vector<64x10000xf32>
    %jit3A = arith.constant 1.000000e+00 : f32
    %jit3A_49 = arith.constant 0.000000e+00 : f32
    %broadcast_in_dim3A_50 = vector.broadcast %jit3A : f32 to vector<64x10000xf32>
    %broadcast_in_dim3A_51 = vector.broadcast %jit3A_49 : f32 to vector<64x10000xf32>
    %select_n3A = arith.select %eq3A_48, %broadcast_in_dim3A_50, %broadcast_in_dim3A_51 : vector<64x10000xi1>, vector<64x10000xf32>
    %reduce_sum3A_52 = arith.constant dense<0.000000e+00> : vector<64xf32>
    %reduce_sum3A_53 = vector.multi_reduction <add>, %select_n3A, %reduce_sum3A_52 [1] : vector<64x10000xf32> to vector<64xf32>
    %broadcast_in_dim3A_54 = vector.shape_cast %reduce_sum3A_53 : vector<64xf32> to vector<64x1xf32>
    %dot_general3A = arith.constant dense<0.000000e+00> : vector<64x128xf32>
    %dot_general3A_55 = tpu.matmul %select_n3A, %max3A_44, %dot_general3A {dimension_numbers = #tpu.dot_dimension_numbers<[1], [0], [0], [1], [0, 0, 1, 1], [], []>, precision = #tpu.contract_precision<fp32>, transpose_lhs_hint = false} : vector<64x10000xf32>, vector<10000x128xf32>, vector<64x128xf32> -> vector<64x128xf32>
    %max3A_56 = arith.constant 1.000000e+00 : f32
    %max3A_57 = vector.broadcast %max3A_56 : f32 to vector<64x1xf32>
    %max3A_58 = arith.maximumf %broadcast_in_dim3A_54, %max3A_57 : vector<64x1xf32>
    %div3A_59 = vector.broadcast %max3A_58 : vector<64x1xf32> to vector<64x128xf32>
    %div3A_60 = arith.divf %dot_general3A_55, %div3A_59 : vector<64x128xf32>
    %get3A_61 = arith.constant 0 : index
    %get3A_62 = arith.constant 0 : index
    %get3A_63 = vector.load %arg7[%get3A_61, %get3A_62] : memref<1x64xf32, #tpu.memory_space<vmem>>, vector<1x64xf32>
    %reshape3A = vector.shape_cast %get3A_63 : vector<1x64xf32> to vector<64x1xf32>
    %iota3A_64 = tpu.iota {dimensions = array<i32: 1>} : vector<64x16xi32>
    %convert_element_type3A_65 = arith.sitofp %iota3A_64 : vector<64x16xi32> to vector<64x16xf32>
    %eq3A_66 = vector.broadcast %reshape3A : vector<64x1xf32> to vector<64x16xf32>
    %eq3A_67 = arith.cmpf oeq, %eq3A_66, %convert_element_type3A_65 : vector<64x16xf32>
    %jit3A_68 = arith.constant 1.000000e+00 : f32
    %jit3A_69 = arith.constant 0.000000e+00 : f32
    %broadcast_in_dim3A_70 = vector.broadcast %jit3A_68 : f32 to vector<64x16xf32>
    %broadcast_in_dim3A_71 = vector.broadcast %jit3A_69 : f32 to vector<64x16xf32>
    %select_n3A_72 = arith.select %eq3A_67, %broadcast_in_dim3A_70, %broadcast_in_dim3A_71 : vector<64x16xi1>, vector<64x16xf32>
    %get3A_73 = arith.constant 0 : index
    %get3A_74 = arith.constant 0 : index
    %get3A_75 = vector.load %arg8[%get3A_73, %get3A_74] : memref<16x128xf32, #tpu.memory_space<vmem>>, vector<16x128xf32>
    %dot_general3A_76 = arith.constant dense<0.000000e+00> : vector<64x128xf32>
    %dot_general3A_77 = tpu.matmul %select_n3A_72, %get3A_75, %dot_general3A_76 {dimension_numbers = #tpu.dot_dimension_numbers<[1], [0], [0], [1], [0, 0, 1, 1], [], []>, precision = #tpu.contract_precision<fp32>, transpose_lhs_hint = false} : vector<64x16xf32>, vector<16x128xf32>, vector<64x128xf32> -> vector<64x128xf32>
    %get3A_78 = arith.constant 0 : index
    %get3A_79 = arith.constant 0 : index
    %get3A_80 = vector.load %arg9[%get3A_78, %get3A_79] : memref<256x2xf32, #tpu.memory_space<vmem>>, vector<256x2xf32>
    %slice3A = vector.extract_strided_slice %get3A_80 {offsets = [0, 0], sizes = [128, 2], strides = [1, 1]} : vector<256x2xf32> to vector<128x2xf32>
    %dot_general3A_81 = arith.constant dense<0.000000e+00> : vector<64x2xf32>
    %dot_general3A_82 = tpu.matmul %div3A_60, %slice3A, %dot_general3A_81 {dimension_numbers = #tpu.dot_dimension_numbers<[1], [0], [0], [1], [0, 0, 1, 1], [], []>, precision = #tpu.contract_precision<fp32>, transpose_lhs_hint = false} : vector<64x128xf32>, vector<128x2xf32>, vector<64x2xf32> -> vector<64x2xf32>
    %slice3A_83 = vector.extract_strided_slice %get3A_80 {offsets = [128, 0], sizes = [128, 2], strides = [1, 1]} : vector<256x2xf32> to vector<128x2xf32>
    %dot_general3A_84 = arith.constant dense<0.000000e+00> : vector<64x2xf32>
    %dot_general3A_85 = tpu.matmul %dot_general3A_77, %slice3A_83, %dot_general3A_84 {dimension_numbers = #tpu.dot_dimension_numbers<[1], [0], [0], [1], [0, 0, 1, 1], [], []>, precision = #tpu.contract_precision<fp32>, transpose_lhs_hint = false} : vector<64x128xf32>, vector<128x2xf32>, vector<64x2xf32> -> vector<64x2xf32>
    %add3A_86 = arith.addf %dot_general3A_82, %dot_general3A_85 : vector<64x2xf32>
    %get3A_87 = arith.constant 0 : index
    %get3A_88 = arith.constant 0 : index
    %get3A_89 = vector.load %arg10[%get3A_87, %get3A_88] : memref<1x2xf32, #tpu.memory_space<vmem>>, vector<1x2xf32>
    %add3A_90 = vector.broadcast %get3A_89 : vector<1x2xf32> to vector<64x2xf32>
    %add3A_91 = arith.addf %add3A_86, %add3A_90 : vector<64x2xf32>
    %swap3A = arith.constant 0 : index
    %swap3A_92 = arith.constant 0 : index
    %swap3A_93 = vector.load %arg11[%swap3A, %swap3A_92] : memref<64x2xf32, #tpu.memory_space<vmem>>, vector<64x2xf32>
    tpu.vector_store %arg11[%swap3A, %swap3A_92], %add3A_91 {strides = array<i32>} : memref<64x2xf32, #tpu.memory_space<vmem>>, vector<64x2xf32>,
    return
  }
}

</mosaic_0001>

<sc_bundles>
// kernel: kernel.22.cloned.1.call-start
scs
__scs_entry_jumppad:
0x0: {  	(pc) =	sbr.rel $0x88, $3  }
0x1: {  	(tag) =	ssettag $0x0;
	lr =	simm.s32 $0x1  }
0x2: {  	[smem:$0x3F81] =	sst lr;
	_ =	strace $0xD0000000  }
0x3: {  	_ = 	snop  }
0x4: {  	_ = 	snop  }
0x5: {  	_ = 	snop  }
0x6: {  	_ = 	snop  }
0x7: {  	_ = 	snop  }
__scs_overlays_trampoline_lowered:
0x8: {  	[smem:$0x3F90] =	sst s0  }
0x9: {  	[smem:$0x3F91] =	sst s1  }
0xa: {  	[smem:$0x3F92] =	sst s2  }
0xb: {  	[smem:$0x3F93] =	sst s3  }
0xc: {  	[smem:$0x3F94] =	sst s4  }
0xd: {  	[smem:$0x3F95] =	sst s5  }
0xe: {  	[smem:$0x3F96] =	sst s6  }
0xf: {  	[smem:$0x3F97] =	sst s7  }
0x10: {  	[smem:$0x3F98] =	sst s8  }
0x11: {  	[smem:$0x3F99] =	sst s9;
	s0 =	simm.s32 @!p0 $0x0  }
0x12: {  	s1 =	sld [smem:$0x3F7F];
	s0 =	simm.s32 @p0 $0x1  }
0x13: {  	[smem:$0x3F9A] =	sst s0;
	s0 =	simm.s32 @!p1 $0x0  }
0x14: {  	s2 =	sld [smem:$0x3F7E];
	s0 =	simm.s32 @p1 $0x1  }
0x15: {  	[smem:$0x3F9B] =	sst s0;
	s0 =	simm.s32 @!p2 $0x0  }
0x16: {  	s3 =	sld [smem:$0x3FDB];
	s0 =	simm.s32 @p2 $0x1  }
0x17: {  	s4 =	simm.s32 $0x1BF5;
	[smem:$0x3F9D] =	sst s0  }
0x18: {  	s0 =	sld [smem:$0x3F80];
	_ =	swait.ge [sflag:s4], $0x0  }
0x19: {  	s7 =	sld [smem:$0x3F81]  }
0x1a: {  	s8 =	sadd.s32 $0xFFFFE003, lr  }
0x1b: {  	s9 =	sadd.s32 $0xFFFFFEF7, lr;
	s5 =	simm.s32 $0xFFFFFFFF;
	p2 =	slt.u32 s8, $0xFFFFF086  }
0x1c: {  	p1 =	slt.u32 s9, $0xF7A;
	s5 =	simm.s32 @!p2 $0x0  }
0x1d: {  	s5 =	simm.s32 @p1 $0x1;
	p0 =	seq.s32 s7, s2  }
0x1e: {  	s7 =	smul.u32 @!p0 $0xF7A, s2;
	p2 =	seq.s32 @!p0 s5, $0x0  }
0x1f: {  	s9 =	smul.u32 $0xF7A, s1;
	s8 =	simm.s32 @!p0 $0x1BF5;
	p2 =	por !p2, p0  }
0x20: {  	[sflag:s8] =	ssyncset.s32 @!p0 $0xFFFFF086;
	s6 =	sadd.s32 @!p0 s3, s7;
	s7 =	simm.s32 @!p0 $0x108  }
0x21: {  	s3 =	sadd.s32 s3, s9;
	s6 =	sadd.s32 @!p0 $0x88, s6;
	s7 =	simm.s32 @p2 $0x1082  }
0x22: {  	[simem:s7], [sflag:s8] =	dma.local @!p0 [hbm:s6], $0xF7A  }
0x23: {  	s9 =	sor.u32 $0xD0000000, s2;
	s6 =	simm.s32 $0x108;
	_ =	swait.ge @!p0 [sflag:s8], $0x0  }
0x24: {  	s3 =	sadd.s32 $0x88, s3;
	s6 =	simm.s32 @!p1 $0x1082;
	[sflag:s4] =	ssyncset.s32 $0xFFFFF086  }
0x25: {  	[simem:s6], [sflag:s4] =	dma.local [hbm:s3], $0xF7A  }
0x26: {  	[smem:$0x3F81] =	sst s1;
	(tag) =	ssettag s2;
	_ =	strace s9  }
0x27: {  	s1 =	sld [smem:$0x3F91]  }
0x28: {  	s2 =	sld [smem:$0x3F92]  }
0x29: {  	s4 =	sld [smem:$0x3F94]  }
0x2a: {  	p0 =	seq.s32 s5, $0x0;
	s5 =	sld [smem:$0x3F95]  }
0x2b: {  	s6 =	sld [smem:$0x3F96]  }
0x2c: {  	s7 =	sld [smem:$0x3F97]  }
0x2d: {  	s3 =	simm.s32 $0x108;
	s8 =	sld [smem:$0x3F98]  }
0x2e: {  	s3 =	simm.s32 @!p0 $0x1082;
	s9 =	sld [smem:$0x3F99]  }
0x2f: {  	lr =	sadd.s32 s0, s3;
	s0 =	sld [smem:$0x3F90]  }
0x30: {  	s3 =	sld [smem:$0x3F93]  }
0x31: {  	[smem:$0x3F9C] =	sst s10  }
0x32: {  	s10 =	sld [smem:$0x3F9A];
	_ =	sdelay $0x3  }
0x33: {  	p0 =	seq.s32 s10, $0x1;
	s10 =	sld [smem:$0x3F9C];
	_ =	sdelay $0x3  }
0x34: {  	[smem:$0x3F9C] =	sst s10  }
0x35: {  	s10 =	sld [smem:$0x3F9B];
	_ =	sdelay $0x3  }
0x36: {  	p1 =	seq.s32 s10, $0x1;
	s10 =	sld [smem:$0x3F9C];
	_ =	sdelay $0x3  }
0x37: {  	[smem:$0x3F9C] =	sst s10  }
0x38: {  	s10 =	sld [smem:$0x3F9D]  }
0x39: {  	_ = 	snop;
	(pc) =	sbr.ind lr, $3  }
0x3a: {  	_ = 	snop  }
0x3b: {  	_ = 	snop  }
0x3c: {  	p2 =	seq.s32 s10, $0x1;
	s10 =	sld [smem:$0x3F9C]  }
0x3d: {  	_ =	shalt  }
0x3e: {  	_ =	shalt  }
0x3f: {  	_ =	shalt  }
0x40: {  	_ =	shalt  }
0x41: {  	_ =	shalt  }
0x42: {  	_ =	shalt  }
0x43: {  	_ =	shalt  }
0x44: {  	_ =	shalt  }
0x45: {  	_ =	shalt  }
0x46: {  	_ =	shalt  }
0x47: {  	_ =	shalt  }
0x48: {  	_ =	shalt  }
0x49: {  	_ =	shalt  }
0x4a: {  	_ =	shalt  }
0x4b: {  	_ =	shalt  }
0x4c: {  	_ =	shalt  }
0x4d: {  	_ =	shalt  }
0x4e: {  	_ =	shalt  }
0x4f: {  	_ =	shalt  }
0x50: {  	_ =	shalt  }
0x51: {  	_ =	shalt  }
0x52: {  	_ =	shalt  }
0x53: {  	_ =	shalt  }
0x54: {  	_ =	shalt  }
0x55: {  	_ =	shalt  }
0x56: {  	_ =	shalt  }
0x57: {  	_ =	shalt  }
0x58: {  	_ =	shalt  }
0x59: {  	_ =	shalt  }
0x5a: {  	_ =	shalt  }
0x5b: {  	_ =	shalt  }
0x5c: {  	_ =	shalt  }
0x5d: {  	_ =	shalt  }
0x5e: {  	_ =	shalt  }
0x5f: {  	_ =	shalt  }
0x60: {  	_ =	shalt  }
0x61: {  	_ =	shalt  }
0x62: {  	_ =	shalt  }
0x63: {  	_ =	shalt  }
0x64: {  	_ =	shalt  }
0x65: {  	_ =	shalt  }
0x66: {  	_ =	shalt  }
0x67: {  	_ =	shalt  }
0x68: {  	_ =	shalt  }
0x69: {  	_ =	shalt  }
0x6a: {  	_ =	shalt  }
0x6b: {  	_ =	shalt  }
0x6c: {  	_ =	shalt  }
0x6d: {  	_ =	shalt  }
0x6e: {  	_ =	shalt  }
0x6f: {  	_ =	shalt  }
0x70: {  	_ =	shalt  }
0x71: {  	_ =	shalt  }
0x72: {  	_ =	shalt  }
0x73: {  	_ =	shalt  }
0x74: {  	_ =	shalt  }
0x75: {  	_ =	shalt  }
0x76: {  	_ =	shalt  }
0x77: {  	_ =	shalt  }
0x78: {  	_ =	shalt  }
0x79: {  	_ =	shalt  }
0x7a: {  	_ =	shalt  }
0x7b: {  	_ =	shalt  }
0x7c: {  	_ =	shalt  }
0x7d: {  	_ =	shalt  }
0x7e: {  	_ =	shalt  }
0x7f: {  	_ =	shalt  }
0x80: {  	_ =	shalt  }
0x81: {  	_ =	shalt  }
0x82: {  	_ =	shalt  }
0x83: {  	_ =	shalt  }
0x84: {  	_ =	shalt  }
0x85: {  	_ =	shalt  }
0x86: {  	_ =	shalt  }
0x87: {  	_ =	shalt  }
.Lfunc_end0:
.L_simem_size_0:
called_computation_lowered:
.L_overlay_start_0:
0x88: {  	s2 =	sld [smem:$0x3FD9]  }
0x89: {  	s3 =	sld [smem:$0x3FFE];
	_ =	sdelay $0x1  }
0x8a: {  	s1 =	srdreg.scid  }
0x8b: {  	s0 =	sand.u32 $0x1, s1  }
0x8c: {  	s16 =	sshll.u32 s0, $0xA;
	s2 =	sadd.s32 s3, s2  }
0x8d: {  	s2 =	sadd.s32 s2, s16  }
0x8e: {  	[smem:$0x3FA8] =	sst s2  }
0x8f: {  	_ = 	snop  }
0x90: {  	(tm) =	ssettm $0x1  }
0x91: {  	s17 =	sld [smem:$0x3FFB];
	_ =	sdelay $0x3  }
0x92: {  	_ =	strace s17  }
0x93: {  	s2 =	sld [smem:$0x3FFC];
	_ =	sdelay $0x3  }
0x94: {  	_ =	strace s2  }
0x95: {  	s2 =	sld [smem:$0x3FFD];
	_ =	sdelay $0x3  }
0x96: {  	_ =	strace s2  }
0x97: {  	_ =	strace $0x8FFFFFFF  }
0x98: {  	s18 =	sld [smem:$0x3FDB];
	_ =	sdelay $0x1  }
0x99: {  	s19 =	simm.s32 $_scs_section_size  }
0x9a: {  	s4 =	simm.s32 $_size__tile_overlayer_lowered;
	s5 =	simm.s32 $_tile_overlayer_lowered  }
0x9b: {  	s22 =	simm.s32 $0x1BFF;
	s21 =	sshll.u32 s5, $0x1;
	s2 =	sadd.s32 s19, s18  }
0x9c: {  	s6 =	simm.s32 $0x0;
	s20 =	sshll.u32 s4, $0x1;
	s4 =	sadd.s32 s21, s2  }
0x9d: {  	[timem:s6], [sflag:s22] =	dma.local [hbm:s4], s20  }
0x9e: {  	_ =	swait.ge [sflag:s22], s20  }
0x9f: {  	s3 =	ssub.s32 $0x0, s20;
	[sflag:s22] =	ssyncset.done $0x0  }
0xa0: {  	[sflag:s22] =	ssyncadd.s32 s3;
	_ =	sdelay $0x1  }
0xa1: {  	s23 =	simm.s32 $0x1B8B  }
0xa2: {  	_ =	swait.ge [sflag:s23], $0x1  }
0xa3: {  	[sflag:s23] =	ssyncset.done $0x0  }
0xa4: {  	s25 =	simm.s32 $0x1B8E;
	s24 =	sld [smem:$0x3FFE];
	[sflag:s23] =	ssyncadd.s32 $0xFFFFFFFF  }
0xa5: {  	s26 =	simm.s32 $execute0_lowered;
	[smem:$0x3FD2] =	sst s25  }
0xa6: {  	s4 =	sshll.u32 s26, $0x1;
	_ =	strace $0x80000046;
	[dreg:$0x1] =	wrdreg $0xFFFFFFFF  }
0xa7: {  	s28 =	simm.s32 $_size_execute0_lowered;
	s2 =	sadd.s32 s2, s4;
	[dreg:$0x0] =	wrdreg $0x0  }
0xa8: {  	s4 =	sshll.u32 s28, $0x1;
	[dreg:$0x2] =	wrdreg s2  }
0xa9: {  	[dreg:$0x3] =	wrdreg s4  }
0xaa: {  	[dreg:$0x4] =	wrdreg $0xC0  }
0xab: {  	_ =	task [dreg:s6], $0x5FFFF  }
0xac: {  	[dreg:$0x1] =	wrdreg $0xFFFFFFFF  }
0xad: {  	[dreg:$0x0] =	wrdreg $0x60  }
0xae: {  	[dreg:$0x2] =	wrdreg s24  }
0xaf: {  	[dreg:$0x3] =	wrdreg $0x68000  }
0xb0: {  	[dreg:$0x4] =	wrdreg $0x9  }
0xb1: {  	_ =	task.clear_ibuf [dreg:s6], $0x5FFFF;
	_ =	strace $0x90000046  }
0xb2: {  	s29 =	simm.s32 $0x9;
	_ =	strace $0x80000048  }
0xb3: {  	_ =	swait.ge [sflag:s29], $0x1  }
0xb4: {  	[sflag:s29] =	ssyncadd.s32 $0xFFFFFFFF  }
0xb5: {  	_ =	strace $0x90000048  }
0xb6: {  	_ =	sfence  }
0xb7: {  	s30 =	sld [smem:$0x0];
	_ =	sdelay $0x2  }
0xb8: {  	s31 =	sshll.u32 s1, $0xD;
	s1 =	sshrl.u32 s1, $0x2  }
0xb9: {  	s3 =	sand.u32 $0x4000, s31;
	s1 =	sadd.s32 s1, s30  }
0xba: {  	s0 =	sor.u32 s3, s0;
	s1 =	sshll.u32 s1, $0x11  }
0xbb: {  	s0 =	sor.u32 s1, s0  }
0xbc: {  	s0 =	sadd.s32 $0x8F2B, s0  }
0xbd: {  	[sflag:s0] =	ssyncadd.remote.s32 $0x1  }
0xbe: {  	_ =	sfence.sel $0xFFFF  }
0xbf: {  	[dreg:$0x0] =	wrdreg $0xFFFFFFFF;
	(pc) =	sbr.abs _section_cstart, $3  }
0xc0: {  	[dreg:$0x1] =	wrdreg $0xFFFFFFFF  }
0xc1: {  	_ =	task.clear_ibuf [dreg:s6], $0x2FFFF;
	_ =	strace $0x9FFFFFFF  }
0xc2: {  	(tm) =	ssettm $0x7FFFFFFF  }
0xc3: {  	_ =	shalt  }
tec
execute0_lowered:
.L_overlay_start_1:
0x0: {  	(tag) =	ssettag $0x1  }
0x1: {  	s0 =	srdreg.scid;
	s6 =	rddreg [dreg:$0x0]  }
0x2: {  	s2 =	rddreg [dreg:$0x1];
	s7 =	sand.u32 $0x1, s0  }
0x3: {  	s0 =	stileid.u32;
	s4 =	smul.u32 $0x28000, s7  }
0x4: {  	s1 =	rddreg [dreg:$0x2];
	s3 =	simm.s32 $0x0;
	s5 =	smul.u32 $0x2800, s0  }
0x5: {  	s20 =	simm.s32 $0x80;
	s21 =	simm.s32 $0x0;
	s8 =	smul.u32 $0x4F000, s0  }
0x6: {  	[smem:$0x7FF] =	sst s3;
	s16 =	sadd.s32 $0x17000, s6;
	s12 =	smul.u32 $0x13C00, s0  }
0x7: {  	_ =	strace $0x80000047;
	s9 =	ssub.s32 $0x2, s7;
	s15 =	smul.u32 $0x13C000, s7  }
0x8: {  	s10 =	sshrl.u32 s9, $0x1;
	s4 =	sadd.s32 s5, s4;
	s5 =	sadd.s32 $0x16800, s6  }
0x9: {  	s8 =	sshrl.u32 s8, $0x2;
	s17 =	ssub.s32 s9, s10;
	s13 =	sadd.s32 $0x4000, s12  }
0xa: {  	s14 =	sadd.s32 $0x8000, s12;
	s18 =	sadd.s32 $0xC000, s12;
	s19 =	sadd.s32 $0x10000, s12  }
0xb: {  	s12 =	sadd.s32 s12, s15;
	s4 =	sshrl.u32 s4, $0x3;
	s7 =	sadd.s32 s13, s2  }
0xc: {  	s9 =	sadd.s32 s18, s2;
	s10 =	sadd.s32 s19, s2;
	s12 =	sshrl.u32 s12, $0x3  }
0xd: {  	s13 =	sadd.s32 s15, s13;
	s18 =	sadd.s32 s15, s18;
	s19 =	sadd.s32 s15, s19  }
0xe: {  	s17 =	smax.u32 s17, $0x1;
	s11 =	sadd.s32 s4, s6;
	s4 =	sadd.s32 $0x16000, s6  }
0xf: {  	s6 =	sadd.s32 s8, s2;
	s8 =	sadd.s32 s14, s2;
	s12 =	sadd.s32 s16, s12  }
0x10: {  	s13 =	sshrl.u32 s13, $0x3;
	s14 =	sadd.s32 s15, s14;
	s18 =	sshrl.u32 s18, $0x3  }
0x11: {  	s31 =	sshrl.u32 s19, $0x3;
	s19 =	simm.s32 $0x1;
	s11 =	sadd.s32 $0x2000, s11  }
0x12: {  	s13 =	sadd.s32 s16, s13;
	s14 =	sshrl.u32 s14, $0x3;
	s15 =	sadd.s32 s16, s18  }
0x13: {  	s18 =	simm.s32 $0x2800;
	s14 =	sadd.s32 s16, s14;
	s16 =	sadd.s32 s16, s31  }
.LBB2_1:
0x14: {  	[tilespmem:s18], [sflag:$0x1] =	stream.linear.gather [hbm4b:s5+s3], $0x4000, $0x38;
	[tilespmem:$0x1A400] =	vst v63  }
0x15: {  	_ =	swait.ge [sflag:s19], $0x4000  }
0x16: {  	[sflag:s19] =	ssyncset.done $0x0  }
0x17: {  	[sflag:s19] =	ssyncadd.s32 $0xFFFFC000  }
0x18: {  	[spmem:s6] =	stream.linear.scatter [tilespmem:s18], [sflag:$0x1], $0x4000, $0x38;
	[tilespmem:$0x1A400] =	vst v63  }
0x19: {  	_ =	swait.ge [sflag:s19], $0x4000  }
0x1a: {  	[sflag:s19] =	ssyncset.done $0x0  }
0x1b: {  	[sflag:s19] =	ssyncadd.s32 $0xFFFFC000  }
0x1c: {  	[spmem:s7] =	stream.linear.scatter [tilespmem:s18], [sflag:$0x1], $0x4000, $0x38;
	[tilespmem:$0x1A400] =	vst v63  }
0x1d: {  	_ =	swait.ge [sflag:s19], $0x4000  }
0x1e: {  	[sflag:s19] =	ssyncset.done $0x0  }
0x1f: {  	[sflag:s19] =	ssyncadd.s32 $0xFFFFC000  }
0x20: {  	[spmem:s8] =	stream.linear.scatter [tilespmem:s18], [sflag:$0x1], $0x4000, $0x38;
	[tilespmem:$0x1A400] =	vst v63  }
0x21: {  	_ =	swait.ge [sflag:s19], $0x4000  }
0x22: {  	[sflag:s19] =	ssyncset.done $0x0  }
0x23: {  	[sflag:s19] =	ssyncadd.s32 $0xFFFFC000  }
0x24: {  	[spmem:s9] =	stream.linear.scatter [tilespmem:s18], [sflag:$0x1], $0x4000, $0x38;
	[tilespmem:$0x1A400] =	vst v63  }
0x25: {  	_ =	swait.ge [sflag:s19], $0x4000  }
0x26: {  	[sflag:s19] =	ssyncset.done $0x0  }
0x27: {  	[sflag:s19] =	ssyncadd.s32 $0xFFFFC000  }
0x28: {  	[spmem:s10] =	stream.linear.scatter [tilespmem:s18], [sflag:$0x1], $0x3C00, $0x38;
	[tilespmem:$0x1A400] =	vst v63  }
0x29: {  	_ =	swait.ge [sflag:s19], $0x3C00  }
0x2a: {  	[sflag:s19] =	ssyncset.done $0x0  }
0x2b: {  	[sflag:s19] =	ssyncadd.s32 $0xFFFFC400  }
0x2c: {  	[tilespmem:s18], [sflag:$0x1] =	stream.linear.gather [hbm4b:s4+s3], $0x4000, $0x38;
	[tilespmem:$0x1A400] =	vst v63  }
0x2d: {  	_ =	swait.ge [sflag:s19], $0x4000  }
0x2e: {  	[sflag:s19] =	ssyncset.done $0x0  }
0x2f: {  	[sflag:s19] =	ssyncadd.s32 $0xFFFFC000  }
0x30: {  	[tilespmem:s3], [sflag:$0x1] =	stream.linear.gather [hbm4b:s11+s3], $0x2800, $0x38;
	[tilespmem:$0x1A400] =	vst v63  }
0x31: {  	_ =	swait.ge [sflag:s19], $0x2800  }
0x32: {  	[sflag:s19] =	ssyncset.done $0x0  }
0x33: {  	[sflag:s19] =	ssyncadd.s32 $0xFFFFD800  }
0x34: {  	s22 =	simm.s32 $0x0;
	[bflag:$0x0] =	sbarrier.arrive $0xFFFF  }
0x35: {  	[spmem:s2] =	stream.indirect.scatter.add.f32 [tilespmem:s18], [sflag:$0x1], $0x80, s22, s20, $0xb8;
	[tilespmem:$0x1A400] =	vst v63  }
0x36: {  	_ =	swait.ge [sflag:s19], $0x4000  }
0x37: {  	s22 =	simm.s32 $0x200;
	[sflag:s19] =	ssyncset.done $0x0  }
.LBB2_2:
0x38: {  	s23 =	sshra.s32 s22, $0x2;
	[sflag:s19] =	ssyncadd.s32 $0xFFFFC000;
	p0 =	sne.s32 s22, $0x9E00  }
0x39: {  	[spmem:s2] =	stream.indirect.scatter.add.f32 [tilespmem:s18], [sflag:$0x1], $0x80, s23, s20, $0xb8;
	[tilespmem:$0x1A400] =	vst v63  }
.Ltmp0:
0x3a: {  	_ = 	snop;
	(pc) =	sbr.rel @p0 .LBB2_2-.Ltmp0, $4  }
0x3b: {  	_ = 	snop  }
0x3c: {  	s22 =	sadd.s32 $0x200, s22  }
0x3d: {  	_ =	swait.ge [sflag:s19], $0x4000  }
0x3e: {  	[sflag:s19] =	ssyncset.done $0x0  }
0x3f: {  	[sflag:s19] =	ssyncadd.s32 $0xFFFFC000  }
0x40: {  	[bflag:$0x0] =	sbarrier.arrive $0xFFFF  }
0x41: {  	[tilespmem:s18], [sflag:$0x1] =	stream.linear.gather [spmem:s6], $0x4000, $0x38;
	[tilespmem:$0x1A400] =	vst v63  }
0x42: {  	_ =	swait.ge [sflag:s19], $0x4000  }
0x43: {  	[sflag:s19] =	ssyncset.done $0x0  }
0x44: {  	[sflag:s19] =	ssyncadd.s32 $0xFFFFC000  }
0x45: {  	[hbm4b:s12+s3] =	stream.linear.scatter [tilespmem:s18], [sflag:$0x1], $0x4000, $0x38;
	[tilespmem:$0x1A400] =	vst v63  }
0x46: {  	_ =	swait.ge [sflag:s19], $0x4000  }
0x47: {  	[sflag:s19] =	ssyncset.done $0x0  }
0x48: {  	[sflag:s19] =	ssyncadd.s32 $0xFFFFC000  }
0x49: {  	[tilespmem:s18], [sflag:$0x1] =	stream.linear.gather [spmem:s7], $0x4000, $0x38;
	[tilespmem:$0x1A400] =	vst v63  }
0x4a: {  	_ =	swait.ge [sflag:s19], $0x4000  }
0x4b: {  	[sflag:s19] =	ssyncset.done $0x0  }
0x4c: {  	[sflag:s19] =	ssyncadd.s32 $0xFFFFC000  }
0x4d: {  	[hbm4b:s13+s3] =	stream.linear.scatter [tilespmem:s18], [sflag:$0x1], $0x4000, $0x38;
	[tilespmem:$0x1A400] =	vst v63  }
0x4e: {  	_ =	swait.ge [sflag:s19], $0x4000  }
0x4f: {  	[sflag:s19] =	ssyncset.done $0x0  }
0x50: {  	[sflag:s19] =	ssyncadd.s32 $0xFFFFC000  }
0x51: {  	[tilespmem:s18], [sflag:$0x1] =	stream.linear.gather [spmem:s8], $0x4000, $0x38;
	[tilespmem:$0x1A400] =	vst v63  }
0x52: {  	_ =	swait.ge [sflag:s19], $0x4000  }
0x53: {  	[sflag:s19] =	ssyncset.done $0x0  }
0x54: {  	[sflag:s19] =	ssyncadd.s32 $0xFFFFC000  }
0x55: {  	[hbm4b:s14+s3] =	stream.linear.scatter [tilespmem:s18], [sflag:$0x1], $0x4000, $0x38;
	[tilespmem:$0x1A400] =	vst v63  }
0x56: {  	_ =	swait.ge [sflag:s19], $0x4000  }
0x57: {  	[sflag:s19] =	ssyncset.done $0x0  }
0x58: {  	[sflag:s19] =	ssyncadd.s32 $0xFFFFC000  }
0x59: {  	[tilespmem:s18], [sflag:$0x1] =	stream.linear.gather [spmem:s9], $0x4000, $0x38;
	[tilespmem:$0x1A400] =	vst v63  }
0x5a: {  	_ =	swait.ge [sflag:s19], $0x4000  }
0x5b: {  	[sflag:s19] =	ssyncset.done $0x0  }
0x5c: {  	[sflag:s19] =	ssyncadd.s32 $0xFFFFC000  }
0x5d: {  	[hbm4b:s15+s3] =	stream.linear.scatter [tilespmem:s18], [sflag:$0x1], $0x4000, $0x38;
	[tilespmem:$0x1A400] =	vst v63  }
0x5e: {  	_ =	swait.ge [sflag:s19], $0x4000  }
0x5f: {  	[sflag:s19] =	ssyncset.done $0x0  }
0x60: {  	[sflag:s19] =	ssyncadd.s32 $0xFFFFC000  }
0x61: {  	[tilespmem:s18], [sflag:$0x1] =	stream.linear.gather [spmem:s10], $0x3C00, $0x38;
	[tilespmem:$0x1A400] =	vst v63  }
0x62: {  	s21 =	sadd.s32 $0x1, s21;
	_ =	swait.ge [sflag:s19], $0x3C00  }
0x63: {  	p0 =	sne.s32 s21, s17;
	[sflag:s19] =	ssyncset.done $0x0  }
.Ltmp1:
0x64: {  	[sflag:s19] =	ssyncadd.s32 $0xFFFFC400;
	(pc) =	sbr.rel @p0 .LBB2_1-.Ltmp1, $4  }
0x65: {  	[hbm4b:s16+s3] =	stream.linear.scatter [tilespmem:s18], [sflag:$0x1], $0x3C00, $0x38;
	[tilespmem:$0x1A400] =	vst v63  }
0x66: {  	_ =	swait.ge [sflag:s19], $0x3C00  }
0x67: {  	[sflag:s19] =	ssyncset.done $0x0  }
0x68: {  	[sflag:s19] =	ssyncadd.s32 $0xFFFFC400  }
0x69: {  	_ =	sfence.sel $0x180000  }
0x6a: {  	[bflag:$0x0] =	sbarrier.arrive $0xFFFF  }
0x6b: {  	p0 =	sne.s32 s0, $0x0;
	_ =	strace $0x90000047  }
0x6c: {  	s0 =	sadd.s32 @!p0 $0x100000, s1;
	[bflag:$0x2] =	sbarrier.arrive $0xFFFF  }
0x6d: {  	[sflag:s0] =	ssyncadd.tile.s32 @!p0 $0x1;
	_ =	shalt  }
.Lfunc_end2:
_tile_overlayer_lowered:
.L_overlay_start_2:
0x6e: {  	(tag) =	ssettag $0x2  }
0x6f: {  	s0 =	rddreg [dreg:$0x0];
	s2 =	stileid.u32  }
0x70: {  	s1 =	rddreg [dreg:$0x1];
	p0 =	sne.s32 s2, $0x0  }
0x71: {  	s3 =	rddreg [dreg:$0x2];
	[bflag:$0x3] =	sbarrier.arrive $0xFFFF;
	s2 =	simm.s32 @!p0 $0x1C01  }
0x72: {  	[timem:s3], [sflag:s2] =	dma.local @!p0 [hbm:s0], s1  }
0x73: {  	s0 =	simm.s32 @!p0 $0x1  }
0x74: {  	_ =	swait.ge @!p0 [sflag:s0], s1  }
0x75: {  	s1 =	ssub.s32 @!p0 $0x0, s1;
	[sflag:s0] =	ssyncset.done @!p0 $0x0  }
0x76: {  	[sflag:s0] =	ssyncadd.s32 @!p0 s1  }
0x77: {  	[bflag:$0x3] =	sbarrier.arrive $0xFFFF  }
0x78: {  	_ =	shalt  }

// kernel: kernel.25.cloned.1.call-start
scs
__scs_entry_jumppad:
0x0: {  	(pc) =	sbr.rel $0x88, $3  }
0x1: {  	(tag) =	ssettag $0x0;
	lr =	simm.s32 $0x1  }
0x2: {  	[smem:$0x3F81] =	sst lr;
	_ =	strace $0xD0000000  }
0x3: {  	_ = 	snop  }
0x4: {  	_ = 	snop  }
0x5: {  	_ = 	snop  }
0x6: {  	_ = 	snop  }
0x7: {  	_ = 	snop  }
__scs_overlays_trampoline_lowered:
0x8: {  	[smem:$0x3F90] =	sst s0  }
0x9: {  	[smem:$0x3F91] =	sst s1  }
0xa: {  	[smem:$0x3F92] =	sst s2  }
0xb: {  	[smem:$0x3F93] =	sst s3  }
0xc: {  	[smem:$0x3F94] =	sst s4  }
0xd: {  	[smem:$0x3F95] =	sst s5  }
0xe: {  	[smem:$0x3F96] =	sst s6  }
0xf: {  	[smem:$0x3F97] =	sst s7  }
0x10: {  	[smem:$0x3F98] =	sst s8  }
0x11: {  	[smem:$0x3F99] =	sst s9;
	s0 =	simm.s32 @!p0 $0x0  }
0x12: {  	s1 =	sld [smem:$0x3F7F];
	s0 =	simm.s32 @p0 $0x1  }
0x13: {  	[smem:$0x3F9A] =	sst s0;
	s0 =	simm.s32 @!p1 $0x0  }
0x14: {  	s2 =	sld [smem:$0x3F7E];
	s0 =	simm.s32 @p1 $0x1  }
0x15: {  	[smem:$0x3F9B] =	sst s0;
	s0 =	simm.s32 @!p2 $0x0  }
0x16: {  	s3 =	sld [smem:$0x3FDB];
	s0 =	simm.s32 @p2 $0x1  }
0x17: {  	s4 =	simm.s32 $0x1BF5;
	[smem:$0x3F9D] =	sst s0  }
0x18: {  	s0 =	sld [smem:$0x3F80];
	_ =	swait.ge [sflag:s4], $0x0  }
0x19: {  	s7 =	sld [smem:$0x3F81]  }
0x1a: {  	s8 =	sadd.s32 $0xFFFFE003, lr  }
0x1b: {  	s9 =	sadd.s32 $0xFFFFFEF7, lr;
	s5 =	simm.s32 $0xFFFFFFFF;
	p2 =	slt.u32 s8, $0xFFFFF086  }
0x1c: {  	p1 =	slt.u32 s9, $0xF7A;
	s5 =	simm.s32 @!p2 $0x0  }
0x1d: {  	s5 =	simm.s32 @p1 $0x1;
	p0 =	seq.s32 s7, s2  }
0x1e: {  	s7 =	smul.u32 @!p0 $0xF7A, s2;
	p2 =	seq.s32 @!p0 s5, $0x0  }
0x1f: {  	s9 =	smul.u32 $0xF7A, s1;
	s8 =	simm.s32 @!p0 $0x1BF5;
	p2 =	por !p2, p0  }
0x20: {  	[sflag:s8] =	ssyncset.s32 @!p0 $0xFFFFF086;
	s6 =	sadd.s32 @!p0 s3, s7;
	s7 =	simm.s32 @!p0 $0x108  }
0x21: {  	s3 =	sadd.s32 s3, s9;
	s6 =	sadd.s32 @!p0 $0x88, s6;
	s7 =	simm.s32 @p2 $0x1082  }
0x22: {  	[simem:s7], [sflag:s8] =	dma.local @!p0 [hbm:s6], $0xF7A  }
0x23: {  	s9 =	sor.u32 $0xD0000000, s2;
	s6 =	simm.s32 $0x108;
	_ =	swait.ge @!p0 [sflag:s8], $0x0  }
0x24: {  	s3 =	sadd.s32 $0x88, s3;
	s6 =	simm.s32 @!p1 $0x1082;
	[sflag:s4] =	ssyncset.s32 $0xFFFFF086  }
0x25: {  	[simem:s6], [sflag:s4] =	dma.local [hbm:s3], $0xF7A  }
0x26: {  	[smem:$0x3F81] =	sst s1;
	(tag) =	ssettag s2;
	_ =	strace s9  }
0x27: {  	s1 =	sld [smem:$0x3F91]  }
0x28: {  	s2 =	sld [smem:$0x3F92]  }
0x29: {  	s4 =	sld [smem:$0x3F94]  }
0x2a: {  	p0 =	seq.s32 s5, $0x0;
	s5 =	sld [smem:$0x3F95]  }
0x2b: {  	s6 =	sld [smem:$0x3F96]  }
0x2c: {  	s7 =	sld [smem:$0x3F97]  }
0x2d: {  	s3 =	simm.s32 $0x108;
	s8 =	sld [smem:$0x3F98]  }
0x2e: {  	s3 =	simm.s32 @!p0 $0x1082;
	s9 =	sld [smem:$0x3F99]  }
0x2f: {  	lr =	sadd.s32 s0, s3;
	s0 =	sld [smem:$0x3F90]  }
0x30: {  	s3 =	sld [smem:$0x3F93]  }
0x31: {  	[smem:$0x3F9C] =	sst s10  }
0x32: {  	s10 =	sld [smem:$0x3F9A];
	_ =	sdelay $0x3  }
0x33: {  	p0 =	seq.s32 s10, $0x1;
	s10 =	sld [smem:$0x3F9C];
	_ =	sdelay $0x3  }
0x34: {  	[smem:$0x3F9C] =	sst s10  }
0x35: {  	s10 =	sld [smem:$0x3F9B];
	_ =	sdelay $0x3  }
0x36: {  	p1 =	seq.s32 s10, $0x1;
	s10 =	sld [smem:$0x3F9C];
	_ =	sdelay $0x3  }
0x37: {  	[smem:$0x3F9C] =	sst s10  }
0x38: {  	s10 =	sld [smem:$0x3F9D]  }
0x39: {  	_ = 	snop;
	(pc) =	sbr.ind lr, $3  }
0x3a: {  	_ = 	snop  }
0x3b: {  	_ = 	snop  }
0x3c: {  	p2 =	seq.s32 s10, $0x1;
	s10 =	sld [smem:$0x3F9C]  }
0x3d: {  	_ =	shalt  }
0x3e: {  	_ =	shalt  }
0x3f: {  	_ =	shalt  }
0x40: {  	_ =	shalt  }
0x41: {  	_ =	shalt  }
0x42: {  	_ =	shalt  }
0x43: {  	_ =	shalt  }
0x44: {  	_ =	shalt  }
0x45: {  	_ =	shalt  }
0x46: {  	_ =	shalt  }
0x47: {  	_ =	shalt  }
0x48: {  	_ =	shalt  }
0x49: {  	_ =	shalt  }
0x4a: {  	_ =	shalt  }
0x4b: {  	_ =	shalt  }
0x4c: {  	_ =	shalt  }
0x4d: {  	_ =	shalt  }
0x4e: {  	_ =	shalt  }
0x4f: {  	_ =	shalt  }
0x50: {  	_ =	shalt  }
0x51: {  	_ =	shalt  }
0x52: {  	_ =	shalt  }
0x53: {  	_ =	shalt  }
0x54: {  	_ =	shalt  }
0x55: {  	_ =	shalt  }
0x56: {  	_ =	shalt  }
0x57: {  	_ =	shalt  }
0x58: {  	_ =	shalt  }
0x59: {  	_ =	shalt  }
0x5a: {  	_ =	shalt  }
0x5b: {  	_ =	shalt  }
0x5c: {  	_ =	shalt  }
0x5d: {  	_ =	shalt  }
0x5e: {  	_ =	shalt  }
0x5f: {  	_ =	shalt  }
0x60: {  	_ =	shalt  }
0x61: {  	_ =	shalt  }
0x62: {  	_ =	shalt  }
0x63: {  	_ =	shalt  }
0x64: {  	_ =	shalt  }
0x65: {  	_ =	shalt  }
0x66: {  	_ =	shalt  }
0x67: {  	_ =	shalt  }
0x68: {  	_ =	shalt  }
0x69: {  	_ =	shalt  }
0x6a: {  	_ =	shalt  }
0x6b: {  	_ =	shalt  }
0x6c: {  	_ =	shalt  }
0x6d: {  	_ =	shalt  }
0x6e: {  	_ =	shalt  }
0x6f: {  	_ =	shalt  }
0x70: {  	_ =	shalt  }
0x71: {  	_ =	shalt  }
0x72: {  	_ =	shalt  }
0x73: {  	_ =	shalt  }
0x74: {  	_ =	shalt  }
0x75: {  	_ =	shalt  }
0x76: {  	_ =	shalt  }
0x77: {  	_ =	shalt  }
0x78: {  	_ =	shalt  }
0x79: {  	_ =	shalt  }
0x7a: {  	_ =	shalt  }
0x7b: {  	_ =	shalt  }
0x7c: {  	_ =	shalt  }
0x7d: {  	_ =	shalt  }
0x7e: {  	_ =	shalt  }
0x7f: {  	_ =	shalt  }
0x80: {  	_ =	shalt  }
0x81: {  	_ =	shalt  }
0x82: {  	_ =	shalt  }
0x83: {  	_ =	shalt  }
0x84: {  	_ =	shalt  }
0x85: {  	_ =	shalt  }
0x86: {  	_ =	shalt  }
0x87: {  	_ =	shalt  }
.Lfunc_end0:
.L_simem_size_0:
called_computation.1_lowered:
.L_overlay_start_0:
0x88: {  	s2 =	sld [smem:$0x3FD9]  }
0x89: {  	s3 =	sld [smem:$0x3FFE];
	_ =	sdelay $0x1  }
0x8a: {  	s1 =	srdreg.scid  }
0x8b: {  	s0 =	sand.u32 $0x1, s1  }
0x8c: {  	s16 =	sshll.u32 s0, $0xA;
	s2 =	sadd.s32 s3, s2  }
0x8d: {  	s2 =	sadd.s32 s2, s16  }
0x8e: {  	[smem:$0x3FA8] =	sst s2  }
0x8f: {  	_ = 	snop  }
0x90: {  	(tm) =	ssettm $0x1  }
0x91: {  	s17 =	sld [smem:$0x3FFB];
	_ =	sdelay $0x3  }
0x92: {  	_ =	strace s17  }
0x93: {  	s2 =	sld [smem:$0x3FFC];
	_ =	sdelay $0x3  }
0x94: {  	_ =	strace s2  }
0x95: {  	s2 =	sld [smem:$0x3FFD];
	_ =	sdelay $0x3  }
0x96: {  	_ =	strace s2  }
0x97: {  	_ =	strace $0x8FFFFFFF  }
0x98: {  	s18 =	sld [smem:$0x3FDB];
	_ =	sdelay $0x1  }
0x99: {  	s19 =	simm.s32 $_scs_section_size  }
0x9a: {  	s4 =	simm.s32 $_size__tile_overlayer_lowered;
	s5 =	simm.s32 $_tile_overlayer_lowered  }
0x9b: {  	s22 =	simm.s32 $0x1BFF;
	s21 =	sshll.u32 s5, $0x1;
	s2 =	sadd.s32 s19, s18  }
0x9c: {  	s6 =	simm.s32 $0x0;
	s20 =	sshll.u32 s4, $0x1;
	s4 =	sadd.s32 s21, s2  }
0x9d: {  	[timem:s6], [sflag:s22] =	dma.local [hbm:s4], s20  }
0x9e: {  	_ =	swait.ge [sflag:s22], s20  }
0x9f: {  	s3 =	ssub.s32 $0x0, s20;
	[sflag:s22] =	ssyncset.done $0x0  }
0xa0: {  	[sflag:s22] =	ssyncadd.s32 s3;
	_ =	sdelay $0x1  }
0xa1: {  	s23 =	simm.s32 $0x1B8B  }
0xa2: {  	_ =	swait.ge [sflag:s23], $0x1  }
0xa3: {  	[sflag:s23] =	ssyncset.done $0x0  }
0xa4: {  	s25 =	simm.s32 $0x1B8E;
	s24 =	sld [smem:$0x3FFE];
	[sflag:s23] =	ssyncadd.s32 $0xFFFFFFFF  }
0xa5: {  	s26 =	simm.s32 $execute0_lowered;
	[smem:$0x3FD2] =	sst s25  }
0xa6: {  	s4 =	sshll.u32 s26, $0x1;
	_ =	strace $0x80000049;
	[dreg:$0x1] =	wrdreg $0xFFFFFFFF  }
0xa7: {  	s28 =	simm.s32 $_size_execute0_lowered;
	s2 =	sadd.s32 s2, s4;
	[dreg:$0x0] =	wrdreg $0x0  }
0xa8: {  	s4 =	sshll.u32 s28, $0x1;
	[dreg:$0x2] =	wrdreg s2  }
0xa9: {  	[dreg:$0x3] =	wrdreg s4  }
0xaa: {  	[dreg:$0x4] =	wrdreg $0xC0  }
0xab: {  	_ =	task [dreg:s6], $0x5FFFF  }
0xac: {  	[dreg:$0x1] =	wrdreg $0xFFFFFFFF  }
0xad: {  	[dreg:$0x0] =	wrdreg $0x60  }
0xae: {  	[dreg:$0x2] =	wrdreg s24  }
0xaf: {  	[dreg:$0x3] =	wrdreg $0x107800  }
0xb0: {  	[dreg:$0x4] =	wrdreg $0x9  }
0xb1: {  	_ =	task.clear_ibuf [dreg:s6], $0x5FFFF;
	_ =	strace $0x90000049  }
0xb2: {  	s29 =	simm.s32 $0x9;
	_ =	strace $0x8000004B  }
0xb3: {  	_ =	swait.ge [sflag:s29], $0x1  }
0xb4: {  	[sflag:s29] =	ssyncadd.s32 $0xFFFFFFFF  }
0xb5: {  	_ =	strace $0x9000004B  }
0xb6: {  	_ =	sfence  }
0xb7: {  	s30 =	sld [smem:$0x0];
	_ =	sdelay $0x2  }
0xb8: {  	s31 =	sshll.u32 s1, $0xD;
	s1 =	sshrl.u32 s1, $0x2  }
0xb9: {  	s3 =	sand.u32 $0x4000, s31;
	s1 =	sadd.s32 s1, s30  }
0xba: {  	s0 =	sor.u32 s3, s0;
	s1 =	sshll.u32 s1, $0x11  }
0xbb: {  	s0 =	sor.u32 s1, s0  }
0xbc: {  	s0 =	sadd.s32 $0x8F2B, s0  }
0xbd: {  	[sflag:s0] =	ssyncadd.remote.s32 $0x1  }
0xbe: {  	_ =	sfence.sel $0xFFFF  }
0xbf: {  	[dreg:$0x0] =	wrdreg $0xFFFFFFFF;
	(pc) =	sbr.abs _section_cstart, $3  }
0xc0: {  	[dreg:$0x1] =	wrdreg $0xFFFFFFFF  }
0xc1: {  	_ =	task.clear_ibuf [dreg:s6], $0x2FFFF;
	_ =	strace $0x9FFFFFFF  }
0xc2: {  	(tm) =	ssettm $0x7FFFFFFF  }
0xc3: {  	_ =	shalt  }
tec
execute0_lowered:
.L_overlay_start_1:
0x0: {  	(tag) =	ssettag $0x1  }
0x1: {  	s6 =	rddreg [dreg:$0x0]  }
0x2: {  	s2 =	rddreg [dreg:$0x1]  }
0x3: {  	s0 =	srdreg.scid;
	s1 =	rddreg [dreg:$0x2];
	s3 =	simm.s32 $0x0  }
0x4: {  	s19 =	simm.s32 $0x1;
	s20 =	simm.s32 $0x2800;
	s21 =	simm.s32 $0x5000  }
0x5: {  	s22 =	simm.s32 $0x7800;
	s23 =	simm.s32 $0xC700;
	s9 =	sand.u32 $0x1, s0  }
0x6: {  	s24 =	simm.s32 $0x10700;
	s0 =	stileid.u32;
	s4 =	smul.u32 $0x28000, s9  }
0x7: {  	s25 =	simm.s32 $0x80;
	s26 =	simm.s32 $0x0;
	s5 =	smul.u32 $0x2800, s0  }
0x8: {  	[smem:$0x7FF] =	sst s3;
	s14 =	sadd.s32 $0xC9000, s6;
	s10 =	smul.u32 $0x28000, s0  }
0x9: {  	_ =	strace $0x8000004A;
	s7 =	ssub.s32 $0x2, s9;
	s12 =	smul.u32 $0xA000, s0  }
0xa: {  	s16 =	smul.u32 $0x140000, s9;
	s31 =	sshrl.u32 s7, $0x1;
	s4 =	sadd.s32 s5, s4  }
0xb: {  	s5 =	sadd.s32 $0x16800, s6;
	s18 =	ssub.s32 s7, s31;
	s10 =	sshrl.u32 s10, $0x2  }
0xc: {  	s13 =	sadd.s32 $0x4000, s12;
	s15 =	sadd.s32 $0x8000, s12;
	s12 =	sadd.s32 s12, s16  }
0xd: {  	s4 =	sshrl.u32 s4, $0x3;
	s9 =	sadd.s32 s10, s2;
	s10 =	sadd.s32 s13, s2  }
0xe: {  	v0 =	vlaneseq.u32;
	v16 =	vimm.f32 $0.0e+00;
	s11 =	sadd.s32 s15, s2;
	s13 =	sadd.s32 s16, s13;
	s15 =	sadd.s32 s16, s15  }
0xf: {  	v1 =	vmul.u32 $0x80, v0;
	v3 =	vor.u32 $0x10, v0;
	v5 =	vor.u32 $0x20, v0;
	s12 =	sshrl.u32 s12, $0x3;
	s18 =	smax.u32 s18, $0x1;
	s8 =	sadd.s32 s4, s6  }
0x10: {  	v7 =	vor.u32 $0x30, v0;
	v9 =	vor.u32 $0x40, v0;
	v11 =	vor.u32 $0x50, v0;
	s4 =	sadd.s32 $0x2000, s6;
	s13 =	sshrl.u32 s13, $0x3;
	s15 =	sshrl.u32 s15, $0x3  }
0x11: {  	v13 =	vor.u32 $0x60, v0;
	v15 =	vor.u32 $0x70, v0;
	v2 =	vor.u32 $0x800, v1;
	s12 =	sadd.s32 s14, s12;
	s6 =	sadd.s32 $0xC000, s8;
	s7 =	sadd.s32 $0x66000, s8  }
0x12: {  	v4 =	vor.u32 $0x1000, v1;
	v6 =	vor.u32 $0x1800, v1;
	v8 =	vor.u32 $0x2000, v1;
	s8 =	sadd.s32 $0x70000, s8;
	s13 =	sadd.s32 s14, s13;
	s14 =	sadd.s32 s14, s15  }
0x13: {  	v10 =	vor.u32 $0x2800, v1;
	v12 =	vor.u32 $0x3000, v1;
	v14 =	vor.u32 $0x3800, v1;
	s15 =	sadd.s32 $0x14000, s12;
	s16 =	sadd.s32 $0x14800, s12;
	s17 =	sadd.s32 $0x15000, s12  }
.LBB2_1:
0x14: {  	[tilespmem:s3], [sflag:$0x1] =	stream.linear.gather [hbm4b:s6+s3], $0x2800, $0x38;
	[tilespmem:$0x1A780] =	vst v63  }
0x15: {  	_ =	swait.ge [sflag:s19], $0x2800  }
0x16: {  	[sflag:s19] =	ssyncset.done $0x0  }
0x17: {  	[sflag:s19] =	ssyncadd.s32 $0xFFFFD800  }
0x18: {  	[tilespmem:s20], [sflag:$0x1] =	stream.linear.gather [hbm4b:s7+s3], $0x2800, $0x38;
	[tilespmem:$0x1A780] =	vst v63  }
0x19: {  	_ =	swait.ge [sflag:s19], $0x2800  }
0x1a: {  	[sflag:s19] =	ssyncset.done $0x0  }
0x1b: {  	[sflag:s19] =	ssyncadd.s32 $0xFFFFD800  }
0x1c: {  	[tilespmem:s21], [sflag:$0x1] =	stream.linear.gather [hbm4b:s8+s3], $0x2800, $0x38;
	[tilespmem:$0x1A780] =	vst v63  }
0x1d: {  	_ =	swait.ge [sflag:s19], $0x2800  }
0x1e: {  	[sflag:s19] =	ssyncset.done $0x0  }
0x1f: {  	[sflag:s19] =	ssyncadd.s32 $0xFFFFD800  }
0x20: {  	[tilespmem:s22], [sflag:$0x1] =	stream.linear.gather [hbm4b:s4+s3], $0x4F00, $0x38;
	[tilespmem:$0x1A780] =	vst v63  }
0x21: {  	_ =	swait.ge [sflag:s19], $0x4F00  }
0x22: {  	[sflag:s19] =	ssyncset.done $0x0  }
0x23: {  	[sflag:s19] =	ssyncadd.s32 $0xFFFFB100  }
0x24: {  	[tilespmem:s23], [sflag:$0x1] =	stream.linear.gather [hbm4b:s5+s3], $0x4000, $0x38;
	[tilespmem:$0x1A780] =	vst v63  }
0x25: {  	_ =	swait.ge [sflag:s19], $0x4000  }
0x26: {  	[sflag:s19] =	ssyncset.done $0x0  }
0x27: {  	[sflag:s19] =	ssyncadd.s32 $0xFFFFC000  }
0x28: {  	[spmem:s9] =	stream.linear.scatter [tilespmem:s23], [sflag:$0x1], $0x4000, $0x38;
	[tilespmem:$0x1A780] =	vst v63  }
0x29: {  	_ =	swait.ge [sflag:s19], $0x4000  }
0x2a: {  	[sflag:s19] =	ssyncset.done $0x0  }
0x2b: {  	[sflag:s19] =	ssyncadd.s32 $0xFFFFC000  }
0x2c: {  	[spmem:s10] =	stream.linear.scatter [tilespmem:s23], [sflag:$0x1], $0x4000, $0x38;
	[tilespmem:$0x1A780] =	vst v63  }
0x2d: {  	_ =	swait.ge [sflag:s19], $0x4000  }
0x2e: {  	[sflag:s19] =	ssyncset.done $0x0  }
0x2f: {  	[sflag:s19] =	ssyncadd.s32 $0xFFFFC000  }
0x30: {  	[spmem:s11] =	stream.linear.scatter [tilespmem:s23], [sflag:$0x1], $0x2000, $0x38;
	[tilespmem:$0x1A780] =	vst v63  }
0x31: {  	_ =	swait.ge [sflag:s19], $0x2000  }
0x32: {  	[sflag:s19] =	ssyncset.done $0x0  }
0x33: {  	[sflag:s19] =	ssyncadd.s32 $0xFFFFE000  }
0x34: {  	s28 =	simm.s32 $0x0;
	[bflag:$0x0] =	sbarrier.arrive $0xFFFF  }
.LBB2_2:
0x35: {  	s29 =	sshra.s32 s28, $0x2  }
0x36: {  	v17 =	vld [tilespmem:s29+$0x0];
	_ =	sdelay $0x2  }
0x37: {  	v18 =	vld [tilespmem:s29+$0x5000];
	_ =	sdelay $0x3  }
0x38: {  	v19 =	vld [tilespmem:s29+$0x2800]  }
0x39: {  	v18 =	vadd.s32 v1, v18;
	v17 =	vld.idx.msk [tilespmem:v17+s22+$0x0], $0xffff;
	_ =	sdelay $0x4  }
0x3a: {  	[tilespmem:v18+s23+$0x0] =	vst.idx.msk $0xffff, v17;
	v17 =	vmin.u32 v19, $0x13C0  }
0x3b: {  	[tilespmem:v0+s24+$0x0] =	vst.idx.msk $0xffff, v17  }
0x3c: {  	v17 =	vld [tilespmem:s29+$0x10];
	_ =	sdelay $0x2  }
0x3d: {  	v18 =	vld [tilespmem:s29+$0x5010];
	_ =	sdelay $0x3  }
0x3e: {  	v19 =	vld [tilespmem:s29+$0x2810]  }
0x3f: {  	v18 =	vadd.s32 v2, v18;
	v17 =	vld.idx.msk [tilespmem:v17+s22+$0x0], $0xffff;
	_ =	sdelay $0x4  }
0x40: {  	[tilespmem:v18+s23+$0x0] =	vst.idx.msk $0xffff, v17;
	v17 =	vmin.u32 v19, $0x13C0  }
0x41: {  	[tilespmem:v3+s24+$0x0] =	vst.idx.msk $0xffff, v17  }
0x42: {  	v17 =	vld [tilespmem:s29+$0x20];
	_ =	sdelay $0x2  }
0x43: {  	v18 =	vld [tilespmem:s29+$0x5020];
	_ =	sdelay $0x3  }
0x44: {  	v19 =	vld [tilespmem:s29+$0x2820]  }
0x45: {  	v18 =	vadd.s32 v4, v18;
	v17 =	vld.idx.msk [tilespmem:v17+s22+$0x0], $0xffff;
	_ =	sdelay $0x4  }
0x46: {  	[tilespmem:v18+s23+$0x0] =	vst.idx.msk $0xffff, v17;
	v17 =	vmin.u32 v19, $0x13C0  }
0x47: {  	[tilespmem:v5+s24+$0x0] =	vst.idx.msk $0xffff, v17  }
0x48: {  	v17 =	vld [tilespmem:s29+$0x30];
	_ =	sdelay $0x2  }
0x49: {  	v18 =	vld [tilespmem:s29+$0x5030];
	_ =	sdelay $0x3  }
0x4a: {  	v19 =	vld [tilespmem:s29+$0x2830]  }
0x4b: {  	v18 =	vadd.s32 v6, v18;
	v17 =	vld.idx.msk [tilespmem:v17+s22+$0x0], $0xffff;
	_ =	sdelay $0x4  }
0x4c: {  	[tilespmem:v18+s23+$0x0] =	vst.idx.msk $0xffff, v17;
	v17 =	vmin.u32 v19, $0x13C0  }
0x4d: {  	[tilespmem:v7+s24+$0x0] =	vst.idx.msk $0xffff, v17  }
0x4e: {  	v17 =	vld [tilespmem:s29+$0x40];
	_ =	sdelay $0x2  }
0x4f: {  	v18 =	vld [tilespmem:s29+$0x5040];
	_ =	sdelay $0x3  }
0x50: {  	v19 =	vld [tilespmem:s29+$0x2840]  }
0x51: {  	v18 =	vadd.s32 v8, v18;
	v17 =	vld.idx.msk [tilespmem:v17+s22+$0x0], $0xffff;
	_ =	sdelay $0x4  }
0x52: {  	[tilespmem:v18+s23+$0x0] =	vst.idx.msk $0xffff, v17;
	v17 =	vmin.u32 v19, $0x13C0  }
0x53: {  	[tilespmem:v9+s24+$0x0] =	vst.idx.msk $0xffff, v17  }
0x54: {  	v17 =	vld [tilespmem:s29+$0x50];
	_ =	sdelay $0x2  }
0x55: {  	v18 =	vld [tilespmem:s29+$0x5050];
	_ =	sdelay $0x3  }
0x56: {  	v19 =	vld [tilespmem:s29+$0x2850]  }
0x57: {  	v18 =	vadd.s32 v10, v18;
	v17 =	vld.idx.msk [tilespmem:v17+s22+$0x0], $0xffff;
	_ =	sdelay $0x4  }
0x58: {  	[tilespmem:v18+s23+$0x0] =	vst.idx.msk $0xffff, v17;
	v17 =	vmin.u32 v19, $0x13C0  }
0x59: {  	[tilespmem:v11+s24+$0x0] =	vst.idx.msk $0xffff, v17  }
0x5a: {  	v17 =	vld [tilespmem:s29+$0x60];
	_ =	sdelay $0x2  }
0x5b: {  	v18 =	vld [tilespmem:s29+$0x5060];
	_ =	sdelay $0x3  }
0x5c: {  	v19 =	vld [tilespmem:s29+$0x2860]  }
0x5d: {  	v18 =	vadd.s32 v12, v18;
	v17 =	vld.idx.msk [tilespmem:v17+s22+$0x0], $0xffff;
	_ =	sdelay $0x4  }
0x5e: {  	[tilespmem:v18+s23+$0x0] =	vst.idx.msk $0xffff, v17;
	v17 =	vmin.u32 v19, $0x13C0  }
0x5f: {  	[tilespmem:v13+s24+$0x0] =	vst.idx.msk $0xffff, v17  }
0x60: {  	v17 =	vld [tilespmem:s29+$0x70];
	_ =	sdelay $0x2  }
0x61: {  	v18 =	vld [tilespmem:s29+$0x5070];
	_ =	sdelay $0x3  }
0x62: {  	v19 =	vld [tilespmem:s29+$0x2870]  }
0x63: {  	v18 =	vadd.s32 v14, v18;
	v17 =	vld.idx.msk [tilespmem:v17+s22+$0x0], $0xffff;
	_ =	sdelay $0x4  }
0x64: {  	[tilespmem:v18+s23+$0x0] =	vst.idx.msk $0xffff, v17;
	v17 =	vmin.u32 v19, $0x13C0  }
0x65: {  	[tilespmem:v15+s24+$0x0] =	vst.idx.msk $0xffff, v17  }
0x66: {  	[spmem:s2] =	stream.indirect.scatter.add.f32 [tilespmem:s23], [sflag:$0x1], $0x80, s24, s25, $0xb8;
	[tilespmem:$0x1A780] =	vst v63  }
0x67: {  	_ =	swait.ge [sflag:s19], $0x4000  }
0x68: {  	[sflag:s19] =	ssyncset.done $0x0  }
0x69: {  	[sflag:s19] =	ssyncadd.s32 $0xFFFFC000  }
0x6a: {  	v17 =	vld [tilespmem:s29+$0x5000];
	_ =	sdelay $0x4  }
0x6b: {  	v17 =	vadd.s32 v1, v17;
	_ =	sdelay $0x4  }
0x6c: {  	[tilespmem:v17+s23+$0x0] =	vst.idx.msk $0xffff, v16  }
0x6d: {  	v17 =	vld [tilespmem:s29+$0x5010];
	_ =	sdelay $0x4  }
0x6e: {  	v17 =	vadd.s32 v2, v17;
	_ =	sdelay $0x4  }
0x6f: {  	[tilespmem:v17+s23+$0x0] =	vst.idx.msk $0xffff, v16  }
0x70: {  	v17 =	vld [tilespmem:s29+$0x5020];
	_ =	sdelay $0x4  }
0x71: {  	v17 =	vadd.s32 v4, v17;
	_ =	sdelay $0x4  }
0x72: {  	[tilespmem:v17+s23+$0x0] =	vst.idx.msk $0xffff, v16  }
0x73: {  	v17 =	vld [tilespmem:s29+$0x5030];
	_ =	sdelay $0x4  }
0x74: {  	v17 =	vadd.s32 v6, v17;
	_ =	sdelay $0x4  }
0x75: {  	[tilespmem:v17+s23+$0x0] =	vst.idx.msk $0xffff, v16  }
0x76: {  	v17 =	vld [tilespmem:s29+$0x5040];
	_ =	sdelay $0x4  }
0x77: {  	v17 =	vadd.s32 v8, v17;
	_ =	sdelay $0x4  }
0x78: {  	[tilespmem:v17+s23+$0x0] =	vst.idx.msk $0xffff, v16  }
0x79: {  	v17 =	vld [tilespmem:s29+$0x5050];
	_ =	sdelay $0x4  }
0x7a: {  	v17 =	vadd.s32 v10, v17;
	_ =	sdelay $0x4  }
0x7b: {  	[tilespmem:v17+s23+$0x0] =	vst.idx.msk $0xffff, v16  }
0x7c: {  	v17 =	vld [tilespmem:s29+$0x5060];
	_ =	sdelay $0x4  }
0x7d: {  	v17 =	vadd.s32 v12, v17;
	_ =	sdelay $0x4  }
0x7e: {  	[tilespmem:v17+s23+$0x0] =	vst.idx.msk $0xffff, v16  }
0x7f: {  	v17 =	vld [tilespmem:s29+$0x5070];
	_ =	sdelay $0x4  }
0x80: {  	p0 =	sne.s32 s28, $0x9E00;
	v17 =	vadd.s32 v14, v17  }
.Ltmp0:
0x81: {  	_ = 	snop;
	(pc) =	sbr.rel @p0 .LBB2_2-.Ltmp0, $2  }
0x82: {  	_ =	sdelay $0x2  }
0x83: {  	s28 =	sadd.s32 $0x200, s28;
	[tilespmem:v17+s23+$0x0] =	vst.idx.msk $0xffff, v16  }
0x84: {  	[bflag:$0x0] =	sbarrier.arrive $0xFFFF  }
0x85: {  	[tilespmem:s23], [sflag:$0x1] =	stream.linear.gather [spmem:s9], $0x4000, $0x38;
	[tilespmem:$0x1A780] =	vst v63  }
0x86: {  	_ =	swait.ge [sflag:s19], $0x4000  }
0x87: {  	[sflag:s19] =	ssyncset.done $0x0  }
0x88: {  	s28 =	simm.s32 $0x0;
	[sflag:s19] =	ssyncadd.s32 $0xFFFFC000  }
0x89: {  	[hbm4b:s12+s28] =	stream.linear.scatter [tilespmem:s23], [sflag:$0x1], $0x4000, $0x38;
	[tilespmem:$0x1A780] =	vst v63  }
0x8a: {  	_ =	swait.ge [sflag:s19], $0x4000  }
0x8b: {  	[sflag:s19] =	ssyncset.done $0x0  }
0x8c: {  	[sflag:s19] =	ssyncadd.s32 $0xFFFFC000  }
0x8d: {  	[tilespmem:s23], [sflag:$0x1] =	stream.linear.gather [spmem:s10], $0x4000, $0x38;
	[tilespmem:$0x1A780] =	vst v63  }
0x8e: {  	_ =	swait.ge [sflag:s19], $0x4000  }
0x8f: {  	[sflag:s19] =	ssyncset.done $0x0  }
0x90: {  	[sflag:s19] =	ssyncadd.s32 $0xFFFFC000  }
0x91: {  	[hbm4b:s13+s28] =	stream.linear.scatter [tilespmem:s23], [sflag:$0x1], $0x4000, $0x38;
	[tilespmem:$0x1A780] =	vst v63  }
0x92: {  	_ =	swait.ge [sflag:s19], $0x4000  }
0x93: {  	[sflag:s19] =	ssyncset.done $0x0  }
0x94: {  	[sflag:s19] =	ssyncadd.s32 $0xFFFFC000  }
0x95: {  	[tilespmem:s23], [sflag:$0x1] =	stream.linear.gather [spmem:s11], $0x2000, $0x38;
	[tilespmem:$0x1A780] =	vst v63  }
0x96: {  	_ =	swait.ge [sflag:s19], $0x2000  }
0x97: {  	[sflag:s19] =	ssyncset.done $0x0  }
0x98: {  	[sflag:s19] =	ssyncadd.s32 $0xFFFFE000  }
0x99: {  	[hbm4b:s14+s28] =	stream.linear.scatter [tilespmem:s23], [sflag:$0x1], $0x2000, $0x38;
	[tilespmem:$0x1A780] =	vst v63  }
0x9a: {  	_ =	swait.ge [sflag:s19], $0x2000  }
0x9b: {  	[sflag:s19] =	ssyncset.done $0x0  }
0x9c: {  	[sflag:s19] =	ssyncadd.s32 $0xFFFFE000  }
0x9d: {  	[tilespmem:s23], [sflag:$0x1] =	stream.linear.gather [hbm4b:s5+s28], $0x4000, $0x38;
	[tilespmem:$0x1A780] =	vst v63  }
0x9e: {  	_ =	swait.ge [sflag:s19], $0x4000  }
0x9f: {  	[sflag:s19] =	ssyncset.done $0x0  }
0xa0: {  	[sflag:s19] =	ssyncadd.s32 $0xFFFFC000  }
0xa1: {  	[bflag:$0x0] =	sbarrier.arrive $0xFFFF  }
0xa2: {  	[spmem:s9] =	stream.linear.scatter [tilespmem:s23], [sflag:$0x1], $0x4000, $0x38;
	[tilespmem:$0x1A780] =	vst v63  }
0xa3: {  	_ =	swait.ge [sflag:s19], $0x4000  }
0xa4: {  	[sflag:s19] =	ssyncset.done $0x0  }
0xa5: {  	[sflag:s19] =	ssyncadd.s32 $0xFFFFC000  }
0xa6: {  	[spmem:s10] =	stream.linear.scatter [tilespmem:s23], [sflag:$0x1], $0x4000, $0x38;
	[tilespmem:$0x1A780] =	vst v63  }
0xa7: {  	_ =	swait.ge [sflag:s19], $0x4000  }
0xa8: {  	[sflag:s19] =	ssyncset.done $0x0  }
0xa9: {  	[sflag:s19] =	ssyncadd.s32 $0xFFFFC000  }
0xaa: {  	[spmem:s11] =	stream.linear.scatter [tilespmem:s23], [sflag:$0x1], $0x2000, $0x38;
	[tilespmem:$0x1A780] =	vst v63  }
0xab: {  	_ =	swait.ge [sflag:s19], $0x2000  }
0xac: {  	[sflag:s19] =	ssyncset.done $0x0  }
0xad: {  	[sflag:s19] =	ssyncadd.s32 $0xFFFFE000  }
0xae: {  	[bflag:$0x0] =	sbarrier.arrive $0xFFFF  }
.LBB2_4:
0xaf: {  	s29 =	sshra.s32 s28, $0x2  }
0xb0: {  	v17 =	vld [tilespmem:s29+$0x0];
	_ =	sdelay $0x2  }
0xb1: {  	v18 =	vld [tilespmem:s29+$0x5000];
	_ =	sdelay $0x3  }
0xb2: {  	v19 =	vld [tilespmem:s29+$0x2800]  }
0xb3: {  	v18 =	vadd.s32 v1, v18;
	v17 =	vld.idx.msk [tilespmem:v17+s22+$0x0], $0xffff;
	_ =	sdelay $0x3  }
0xb4: {  	v19 =	vadd.s32 $0xFFFFEC40, v19  }
0xb5: {  	[tilespmem:v18+s23+$0x0] =	vst.idx.msk $0xffff, v17;
	v17 =	vmin.u32 v19, $0x13C0  }
0xb6: {  	[tilespmem:v0+s24+$0x0] =	vst.idx.msk $0xffff, v17  }
0xb7: {  	v17 =	vld [tilespmem:s29+$0x10];
	_ =	sdelay $0x2  }
0xb8: {  	v18 =	vld [tilespmem:s29+$0x5010];
	_ =	sdelay $0x3  }
0xb9: {  	v19 =	vld [tilespmem:s29+$0x2810]  }
0xba: {  	v18 =	vadd.s32 v2, v18;
	v17 =	vld.idx.msk [tilespmem:v17+s22+$0x0], $0xffff;
	_ =	sdelay $0x3  }
0xbb: {  	v19 =	vadd.s32 $0xFFFFEC40, v19  }
0xbc: {  	[tilespmem:v18+s23+$0x0] =	vst.idx.msk $0xffff, v17;
	v17 =	vmin.u32 v19, $0x13C0  }
0xbd: {  	[tilespmem:v3+s24+$0x0] =	vst.idx.msk $0xffff, v17  }
0xbe: {  	v17 =	vld [tilespmem:s29+$0x20];
	_ =	sdelay $0x2  }
0xbf: {  	v18 =	vld [tilespmem:s29+$0x5020];
	_ =	sdelay $0x3  }
0xc0: {  	v19 =	vld [tilespmem:s29+$0x2820]  }
0xc1: {  	v18 =	vadd.s32 v4, v18;
	v17 =	vld.idx.msk [tilespmem:v17+s22+$0x0], $0xffff;
	_ =	sdelay $0x3  }
0xc2: {  	v19 =	vadd.s32 $0xFFFFEC40, v19  }
0xc3: {  	[tilespmem:v18+s23+$0x0] =	vst.idx.msk $0xffff, v17;
	v17 =	vmin.u32 v19, $0x13C0  }
0xc4: {  	[tilespmem:v5+s24+$0x0] =	vst.idx.msk $0xffff, v17  }
0xc5: {  	v17 =	vld [tilespmem:s29+$0x30];
	_ =	sdelay $0x2  }
0xc6: {  	v18 =	vld [tilespmem:s29+$0x5030];
	_ =	sdelay $0x3  }
0xc7: {  	v19 =	vld [tilespmem:s29+$0x2830]  }
0xc8: {  	v18 =	vadd.s32 v6, v18;
	v17 =	vld.idx.msk [tilespmem:v17+s22+$0x0], $0xffff;
	_ =	sdelay $0x3  }
0xc9: {  	v19 =	vadd.s32 $0xFFFFEC40, v19  }
0xca: {  	[tilespmem:v18+s23+$0x0] =	vst.idx.msk $0xffff, v17;
	v17 =	vmin.u32 v19, $0x13C0  }
0xcb: {  	[tilespmem:v7+s24+$0x0] =	vst.idx.msk $0xffff, v17  }
0xcc: {  	v17 =	vld [tilespmem:s29+$0x40];
	_ =	sdelay $0x2  }
0xcd: {  	v18 =	vld [tilespmem:s29+$0x5040];
	_ =	sdelay $0x3  }
0xce: {  	v19 =	vld [tilespmem:s29+$0x2840]  }
0xcf: {  	v18 =	vadd.s32 v8, v18;
	v17 =	vld.idx.msk [tilespmem:v17+s22+$0x0], $0xffff;
	_ =	sdelay $0x3  }
0xd0: {  	v19 =	vadd.s32 $0xFFFFEC40, v19  }
0xd1: {  	[tilespmem:v18+s23+$0x0] =	vst.idx.msk $0xffff, v17;
	v17 =	vmin.u32 v19, $0x13C0  }
0xd2: {  	[tilespmem:v9+s24+$0x0] =	vst.idx.msk $0xffff, v17  }
0xd3: {  	v17 =	vld [tilespmem:s29+$0x50];
	_ =	sdelay $0x2  }
0xd4: {  	v18 =	vld [tilespmem:s29+$0x5050];
	_ =	sdelay $0x3  }
0xd5: {  	v19 =	vld [tilespmem:s29+$0x2850]  }
0xd6: {  	v18 =	vadd.s32 v10, v18;
	v17 =	vld.idx.msk [tilespmem:v17+s22+$0x0], $0xffff;
	_ =	sdelay $0x3  }
0xd7: {  	v19 =	vadd.s32 $0xFFFFEC40, v19  }
0xd8: {  	[tilespmem:v18+s23+$0x0] =	vst.idx.msk $0xffff, v17;
	v17 =	vmin.u32 v19, $0x13C0  }
0xd9: {  	[tilespmem:v11+s24+$0x0] =	vst.idx.msk $0xffff, v17  }
0xda: {  	v17 =	vld [tilespmem:s29+$0x60];
	_ =	sdelay $0x2  }
0xdb: {  	v18 =	vld [tilespmem:s29+$0x5060];
	_ =	sdelay $0x3  }
0xdc: {  	v19 =	vld [tilespmem:s29+$0x2860]  }
0xdd: {  	v18 =	vadd.s32 v12, v18;
	v17 =	vld.idx.msk [tilespmem:v17+s22+$0x0], $0xffff;
	_ =	sdelay $0x3  }
0xde: {  	v19 =	vadd.s32 $0xFFFFEC40, v19  }
0xdf: {  	[tilespmem:v18+s23+$0x0] =	vst.idx.msk $0xffff, v17;
	v17 =	vmin.u32 v19, $0x13C0  }
0xe0: {  	[tilespmem:v13+s24+$0x0] =	vst.idx.msk $0xffff, v17  }
0xe1: {  	v17 =	vld [tilespmem:s29+$0x70];
	_ =	sdelay $0x2  }
0xe2: {  	v18 =	vld [tilespmem:s29+$0x5070];
	_ =	sdelay $0x3  }
0xe3: {  	v19 =	vld [tilespmem:s29+$0x2870]  }
0xe4: {  	v18 =	vadd.s32 v14, v18;
	v17 =	vld.idx.msk [tilespmem:v17+s22+$0x0], $0xffff;
	_ =	sdelay $0x3  }
0xe5: {  	v19 =	vadd.s32 $0xFFFFEC40, v19  }
0xe6: {  	[tilespmem:v18+s23+$0x0] =	vst.idx.msk $0xffff, v17;
	v17 =	vmin.u32 v19, $0x13C0  }
0xe7: {  	[tilespmem:v15+s24+$0x0] =	vst.idx.msk $0xffff, v17  }
0xe8: {  	[spmem:s2] =	stream.indirect.scatter.add.f32 [tilespmem:s23], [sflag:$0x1], $0x80, s24, s25, $0xb8;
	[tilespmem:$0x1A780] =	vst v63  }
0xe9: {  	_ =	swait.ge [sflag:s19], $0x4000  }
0xea: {  	[sflag:s19] =	ssyncset.done $0x0  }
0xeb: {  	[sflag:s19] =	ssyncadd.s32 $0xFFFFC000  }
0xec: {  	v17 =	vld [tilespmem:s29+$0x5000];
	_ =	sdelay $0x4  }
0xed: {  	v17 =	vadd.s32 v1, v17;
	_ =	sdelay $0x4  }
0xee: {  	[tilespmem:v17+s23+$0x0] =	vst.idx.msk $0xffff, v16  }
0xef: {  	v17 =	vld [tilespmem:s29+$0x5010];
	_ =	sdelay $0x4  }
0xf0: {  	v17 =	vadd.s32 v2, v17;
	_ =	sdelay $0x4  }
0xf1: {  	[tilespmem:v17+s23+$0x0] =	vst.idx.msk $0xffff, v16  }
0xf2: {  	v17 =	vld [tilespmem:s29+$0x5020];
	_ =	sdelay $0x4  }
0xf3: {  	v17 =	vadd.s32 v4, v17;
	_ =	sdelay $0x4  }
0xf4: {  	[tilespmem:v17+s23+$0x0] =	vst.idx.msk $0xffff, v16  }
0xf5: {  	v17 =	vld [tilespmem:s29+$0x5030];
	_ =	sdelay $0x4  }
0xf6: {  	v17 =	vadd.s32 v6, v17;
	_ =	sdelay $0x4  }
0xf7: {  	[tilespmem:v17+s23+$0x0] =	vst.idx.msk $0xffff, v16  }
0xf8: {  	v17 =	vld [tilespmem:s29+$0x5040];
	_ =	sdelay $0x4  }
0xf9: {  	v17 =	vadd.s32 v8, v17;
	_ =	sdelay $0x4  }
0xfa: {  	[tilespmem:v17+s23+$0x0] =	vst.idx.msk $0xffff, v16  }
0xfb: {  	v17 =	vld [tilespmem:s29+$0x5050];
	_ =	sdelay $0x4  }
0xfc: {  	v17 =	vadd.s32 v10, v17;
	_ =	sdelay $0x4  }
0xfd: {  	[tilespmem:v17+s23+$0x0] =	vst.idx.msk $0xffff, v16  }
0xfe: {  	v17 =	vld [tilespmem:s29+$0x5060];
	_ =	sdelay $0x4  }
0xff: {  	v17 =	vadd.s32 v12, v17;
	_ =	sdelay $0x4  }
0x100: {  	[tilespmem:v17+s23+$0x0] =	vst.idx.msk $0xffff, v16  }
0x101: {  	v17 =	vld [tilespmem:s29+$0x5070];
	_ =	sdelay $0x4  }
0x102: {  	p0 =	sne.s32 s28, $0x9E00;
	v17 =	vadd.s32 v14, v17  }
.Ltmp1:
0x103: {  	_ = 	snop;
	(pc) =	sbr.rel @p0 .LBB2_4-.Ltmp1, $2  }
0x104: {  	_ =	sdelay $0x2  }
0x105: {  	s28 =	sadd.s32 $0x200, s28;
	[tilespmem:v17+s23+$0x0] =	vst.idx.msk $0xffff, v16  }
0x106: {  	[bflag:$0x0] =	sbarrier.arrive $0xFFFF  }
0x107: {  	[tilespmem:s23], [sflag:$0x1] =	stream.linear.gather [spmem:s9], $0x4000, $0x38;
	[tilespmem:$0x1A780] =	vst v63  }
0x108: {  	_ =	swait.ge [sflag:s19], $0x4000  }
0x109: {  	[sflag:s19] =	ssyncset.done $0x0  }
0x10a: {  	[sflag:s19] =	ssyncadd.s32 $0xFFFFC000  }
0x10b: {  	[hbm4b:s15+s3] =	stream.linear.scatter [tilespmem:s23], [sflag:$0x1], $0x4000, $0x38;
	[tilespmem:$0x1A780] =	vst v63  }
0x10c: {  	_ =	swait.ge [sflag:s19], $0x4000  }
0x10d: {  	[sflag:s19] =	ssyncset.done $0x0  }
0x10e: {  	[sflag:s19] =	ssyncadd.s32 $0xFFFFC000  }
0x10f: {  	[tilespmem:s23], [sflag:$0x1] =	stream.linear.gather [spmem:s10], $0x4000, $0x38;
	[tilespmem:$0x1A780] =	vst v63  }
0x110: {  	_ =	swait.ge [sflag:s19], $0x4000  }
0x111: {  	[sflag:s19] =	ssyncset.done $0x0  }
0x112: {  	[sflag:s19] =	ssyncadd.s32 $0xFFFFC000  }
0x113: {  	[hbm4b:s16+s3] =	stream.linear.scatter [tilespmem:s23], [sflag:$0x1], $0x4000, $0x38;
	[tilespmem:$0x1A780] =	vst v63  }
0x114: {  	_ =	swait.ge [sflag:s19], $0x4000  }
0x115: {  	[sflag:s19] =	ssyncset.done $0x0  }
0x116: {  	[sflag:s19] =	ssyncadd.s32 $0xFFFFC000  }
0x117: {  	[tilespmem:s23], [sflag:$0x1] =	stream.linear.gather [spmem:s11], $0x2000, $0x38;
	[tilespmem:$0x1A780] =	vst v63  }
0x118: {  	_ =	swait.ge [sflag:s19], $0x2000  }
0x119: {  	[sflag:s19] =	ssyncset.done $0x0  }
0x11a: {  	[sflag:s19] =	ssyncadd.s32 $0xFFFFE000  }
0x11b: {  	[hbm4b:s17+s3] =	stream.linear.scatter [tilespmem:s23], [sflag:$0x1], $0x2000, $0x38;
	[tilespmem:$0x1A780] =	vst v63  }
0x11c: {  	_ =	swait.ge [sflag:s19], $0x2000  }
0x11d: {  	s26 =	sadd.s32 $0x1, s26;
	[sflag:s19] =	ssyncset.done $0x0  }
0x11e: {  	p0 =	sne.s32 s26, s18;
	[sflag:s19] =	ssyncadd.s32 $0xFFFFE000  }
0x11f: {  	[tilespmem:s23], [sflag:$0x1] =	stream.linear.gather [hbm4b:s5+s3], $0x4000, $0x38;
	[tilespmem:$0x1A780] =	vst v63  }
.Ltmp2:
0x120: {  	_ =	swait.ge [sflag:s19], $0x4000;
	(pc) =	sbr.rel @p0 .LBB2_1-.Ltmp2, $3  }
0x121: {  	[sflag:s19] =	ssyncset.done $0x0  }
0x122: {  	[sflag:s19] =	ssyncadd.s32 $0xFFFFC000  }
0x123: {  	[bflag:$0x0] =	sbarrier.arrive $0xFFFF;
	_ =	sdelay $0x1  }
0x124: {  	_ =	sfence.sel $0x180000  }
0x125: {  	[bflag:$0x0] =	sbarrier.arrive $0xFFFF  }
0x126: {  	p0 =	sne.s32 s0, $0x0;
	_ =	strace $0x9000004A  }
0x127: {  	s0 =	sadd.s32 @!p0 $0x100000, s1;
	[bflag:$0x2] =	sbarrier.arrive $0xFFFF  }
0x128: {  	[sflag:s0] =	ssyncadd.tile.s32 @!p0 $0x1;
	_ =	shalt  }
.Lfunc_end2:
_tile_overlayer_lowered:
.L_overlay_start_2:
0x129: {  	(tag) =	ssettag $0x2  }
0x12a: {  	s0 =	rddreg [dreg:$0x0];
	s2 =	stileid.u32  }
0x12b: {  	s1 =	rddreg [dreg:$0x1];
	p0 =	sne.s32 s2, $0x0  }
0x12c: {  	s3 =	rddreg [dreg:$0x2];
	[bflag:$0x3] =	sbarrier.arrive $0xFFFF;
	s2 =	simm.s32 @!p0 $0x1C01  }
0x12d: {  	[timem:s3], [sflag:s2] =	dma.local @!p0 [hbm:s0], s1  }
0x12e: {  	s0 =	simm.s32 @!p0 $0x1  }
0x12f: {  	_ =	swait.ge @!p0 [sflag:s0], s1  }
0x130: {  	s1 =	ssub.s32 @!p0 $0x0, s1;
	[sflag:s0] =	ssyncset.done @!p0 $0x0  }
0x131: {  	[sflag:s0] =	ssyncadd.s32 @!p0 s1  }
0x132: {  	[bflag:$0x3] =	sbarrier.arrive $0xFFFF  }
0x133: {  	_ =	shalt  }

// kernel: kernel.28.cloned.1.call-start
scs
__scs_entry_jumppad:
0x0: {  	(pc) =	sbr.rel $0x88, $3  }
0x1: {  	(tag) =	ssettag $0x0;
	lr =	simm.s32 $0x1  }
0x2: {  	[smem:$0x3F81] =	sst lr;
	_ =	strace $0xD0000000  }
0x3: {  	_ = 	snop  }
0x4: {  	_ = 	snop  }
0x5: {  	_ = 	snop  }
0x6: {  	_ = 	snop  }
0x7: {  	_ = 	snop  }
__scs_overlays_trampoline_lowered:
0x8: {  	[smem:$0x3F90] =	sst s0  }
0x9: {  	[smem:$0x3F91] =	sst s1  }
0xa: {  	[smem:$0x3F92] =	sst s2  }
0xb: {  	[smem:$0x3F93] =	sst s3  }
0xc: {  	[smem:$0x3F94] =	sst s4  }
0xd: {  	[smem:$0x3F95] =	sst s5  }
0xe: {  	[smem:$0x3F96] =	sst s6  }
0xf: {  	[smem:$0x3F97] =	sst s7  }
0x10: {  	[smem:$0x3F98] =	sst s8  }
0x11: {  	[smem:$0x3F99] =	sst s9;
	s0 =	simm.s32 @!p0 $0x0  }
0x12: {  	s1 =	sld [smem:$0x3F7F];
	s0 =	simm.s32 @p0 $0x1  }
0x13: {  	[smem:$0x3F9A] =	sst s0;
	s0 =	simm.s32 @!p1 $0x0  }
0x14: {  	s2 =	sld [smem:$0x3F7E];
	s0 =	simm.s32 @p1 $0x1  }
0x15: {  	[smem:$0x3F9B] =	sst s0;
	s0 =	simm.s32 @!p2 $0x0  }
0x16: {  	s3 =	sld [smem:$0x3FDB];
	s0 =	simm.s32 @p2 $0x1  }
0x17: {  	s4 =	simm.s32 $0x1BF5;
	[smem:$0x3F9D] =	sst s0  }
0x18: {  	s0 =	sld [smem:$0x3F80];
	_ =	swait.ge [sflag:s4], $0x0  }
0x19: {  	s7 =	sld [smem:$0x3F81]  }
0x1a: {  	s8 =	sadd.s32 $0xFFFFE003, lr  }
0x1b: {  	s9 =	sadd.s32 $0xFFFFFEF7, lr;
	s5 =	simm.s32 $0xFFFFFFFF;
	p2 =	slt.u32 s8, $0xFFFFF086  }
0x1c: {  	p1 =	slt.u32 s9, $0xF7A;
	s5 =	simm.s32 @!p2 $0x0  }
0x1d: {  	s5 =	simm.s32 @p1 $0x1;
	p0 =	seq.s32 s7, s2  }
0x1e: {  	s7 =	smul.u32 @!p0 $0xF7A, s2;
	p2 =	seq.s32 @!p0 s5, $0x0  }
0x1f: {  	s9 =	smul.u32 $0xF7A, s1;
	s8 =	simm.s32 @!p0 $0x1BF5;
	p2 =	por !p2, p0  }
0x20: {  	[sflag:s8] =	ssyncset.s32 @!p0 $0xFFFFF086;
	s6 =	sadd.s32 @!p0 s3, s7;
	s7 =	simm.s32 @!p0 $0x108  }
0x21: {  	s3 =	sadd.s32 s3, s9;
	s6 =	sadd.s32 @!p0 $0x88, s6;
	s7 =	simm.s32 @p2 $0x1082  }
0x22: {  	[simem:s7], [sflag:s8] =	dma.local @!p0 [hbm:s6], $0xF7A  }
0x23: {  	s9 =	sor.u32 $0xD0000000, s2;
	s6 =	simm.s32 $0x108;
	_ =	swait.ge @!p0 [sflag:s8], $0x0  }
0x24: {  	s3 =	sadd.s32 $0x88, s3;
	s6 =	simm.s32 @!p1 $0x1082;
	[sflag:s4] =	ssyncset.s32 $0xFFFFF086  }
0x25: {  	[simem:s6], [sflag:s4] =	dma.local [hbm:s3], $0xF7A  }
0x26: {  	[smem:$0x3F81] =	sst s1;
	(tag) =	ssettag s2;
	_ =	strace s9  }
0x27: {  	s1 =	sld [smem:$0x3F91]  }
0x28: {  	s2 =	sld [smem:$0x3F92]  }
0x29: {  	s4 =	sld [smem:$0x3F94]  }
0x2a: {  	p0 =	seq.s32 s5, $0x0;
	s5 =	sld [smem:$0x3F95]  }
0x2b: {  	s6 =	sld [smem:$0x3F96]  }
0x2c: {  	s7 =	sld [smem:$0x3F97]  }
0x2d: {  	s3 =	simm.s32 $0x108;
	s8 =	sld [smem:$0x3F98]  }
0x2e: {  	s3 =	simm.s32 @!p0 $0x1082;
	s9 =	sld [smem:$0x3F99]  }
0x2f: {  	lr =	sadd.s32 s0, s3;
	s0 =	sld [smem:$0x3F90]  }
0x30: {  	s3 =	sld [smem:$0x3F93]  }
0x31: {  	[smem:$0x3F9C] =	sst s10  }
0x32: {  	s10 =	sld [smem:$0x3F9A];
	_ =	sdelay $0x3  }
0x33: {  	p0 =	seq.s32 s10, $0x1;
	s10 =	sld [smem:$0x3F9C];
	_ =	sdelay $0x3  }
0x34: {  	[smem:$0x3F9C] =	sst s10  }
0x35: {  	s10 =	sld [smem:$0x3F9B];
	_ =	sdelay $0x3  }
0x36: {  	p1 =	seq.s32 s10, $0x1;
	s10 =	sld [smem:$0x3F9C];
	_ =	sdelay $0x3  }
0x37: {  	[smem:$0x3F9C] =	sst s10  }
0x38: {  	s10 =	sld [smem:$0x3F9D]  }
0x39: {  	_ = 	snop;
	(pc) =	sbr.ind lr, $3  }
0x3a: {  	_ = 	snop  }
0x3b: {  	_ = 	snop  }
0x3c: {  	p2 =	seq.s32 s10, $0x1;
	s10 =	sld [smem:$0x3F9C]  }
0x3d: {  	_ =	shalt  }
0x3e: {  	_ =	shalt  }
0x3f: {  	_ =	shalt  }
0x40: {  	_ =	shalt  }
0x41: {  	_ =	shalt  }
0x42: {  	_ =	shalt  }
0x43: {  	_ =	shalt  }
0x44: {  	_ =	shalt  }
0x45: {  	_ =	shalt  }
0x46: {  	_ =	shalt  }
0x47: {  	_ =	shalt  }
0x48: {  	_ =	shalt  }
0x49: {  	_ =	shalt  }
0x4a: {  	_ =	shalt  }
0x4b: {  	_ =	shalt  }
0x4c: {  	_ =	shalt  }
0x4d: {  	_ =	shalt  }
0x4e: {  	_ =	shalt  }
0x4f: {  	_ =	shalt  }
0x50: {  	_ =	shalt  }
0x51: {  	_ =	shalt  }
0x52: {  	_ =	shalt  }
0x53: {  	_ =	shalt  }
0x54: {  	_ =	shalt  }
0x55: {  	_ =	shalt  }
0x56: {  	_ =	shalt  }
0x57: {  	_ =	shalt  }
0x58: {  	_ =	shalt  }
0x59: {  	_ =	shalt  }
0x5a: {  	_ =	shalt  }
0x5b: {  	_ =	shalt  }
0x5c: {  	_ =	shalt  }
0x5d: {  	_ =	shalt  }
0x5e: {  	_ =	shalt  }
0x5f: {  	_ =	shalt  }
0x60: {  	_ =	shalt  }
0x61: {  	_ =	shalt  }
0x62: {  	_ =	shalt  }
0x63: {  	_ =	shalt  }
0x64: {  	_ =	shalt  }
0x65: {  	_ =	shalt  }
0x66: {  	_ =	shalt  }
0x67: {  	_ =	shalt  }
0x68: {  	_ =	shalt  }
0x69: {  	_ =	shalt  }
0x6a: {  	_ =	shalt  }
0x6b: {  	_ =	shalt  }
0x6c: {  	_ =	shalt  }
0x6d: {  	_ =	shalt  }
0x6e: {  	_ =	shalt  }
0x6f: {  	_ =	shalt  }
0x70: {  	_ =	shalt  }
0x71: {  	_ =	shalt  }
0x72: {  	_ =	shalt  }
0x73: {  	_ =	shalt  }
0x74: {  	_ =	shalt  }
0x75: {  	_ =	shalt  }
0x76: {  	_ =	shalt  }
0x77: {  	_ =	shalt  }
0x78: {  	_ =	shalt  }
0x79: {  	_ =	shalt  }
0x7a: {  	_ =	shalt  }
0x7b: {  	_ =	shalt  }
0x7c: {  	_ =	shalt  }
0x7d: {  	_ =	shalt  }
0x7e: {  	_ =	shalt  }
0x7f: {  	_ =	shalt  }
0x80: {  	_ =	shalt  }
0x81: {  	_ =	shalt  }
0x82: {  	_ =	shalt  }
0x83: {  	_ =	shalt  }
0x84: {  	_ =	shalt  }
0x85: {  	_ =	shalt  }
0x86: {  	_ =	shalt  }
0x87: {  	_ =	shalt  }
.Lfunc_end0:
.L_simem_size_0:
called_computation.2_lowered:
.L_overlay_start_0:
0x88: {  	s2 =	sld [smem:$0x3FD9]  }
0x89: {  	s3 =	sld [smem:$0x3FFE];
	_ =	sdelay $0x1  }
0x8a: {  	s1 =	srdreg.scid  }
0x8b: {  	s0 =	sand.u32 $0x1, s1  }
0x8c: {  	s17 =	sshll.u32 s0, $0xA;
	s2 =	sadd.s32 s3, s2  }
0x8d: {  	s2 =	sadd.s32 s2, s17  }
0x8e: {  	[smem:$0x3FA8] =	sst s2  }
0x8f: {  	_ = 	snop  }
0x90: {  	(tm) =	ssettm $0x1  }
0x91: {  	s18 =	sld [smem:$0x3FFB];
	_ =	sdelay $0x3  }
0x92: {  	_ =	strace s18  }
0x93: {  	s2 =	sld [smem:$0x3FFC];
	_ =	sdelay $0x3  }
0x94: {  	_ =	strace s2  }
0x95: {  	s2 =	sld [smem:$0x3FFD];
	_ =	sdelay $0x3  }
0x96: {  	_ =	strace s2  }
0x97: {  	_ =	strace $0x8FFFFFFF  }
0x98: {  	s19 =	sld [smem:$0x3FDB];
	_ =	sdelay $0x1  }
0x99: {  	s20 =	simm.s32 $_scs_section_size  }
0x9a: {  	s4 =	simm.s32 $_size__tile_overlayer_lowered;
	s5 =	simm.s32 $_tile_overlayer_lowered  }
0x9b: {  	s6 =	simm.s32 $0x1BFF;
	s21 =	sshll.u32 s5, $0x1;
	s3 =	sadd.s32 s20, s19  }
0x9c: {  	s22 =	simm.s32 $0x0;
	s4 =	sshll.u32 s4, $0x1;
	s5 =	sadd.s32 s21, s3  }
0x9d: {  	[timem:s22], [sflag:s6] =	dma.local [hbm:s5], s4  }
0x9e: {  	_ =	swait.ge [sflag:s6], s4  }
0x9f: {  	s4 =	ssub.s32 $0x0, s4;
	[sflag:s6] =	ssyncset.done $0x0  }
0xa0: {  	[sflag:s6] =	ssyncadd.s32 s4;
	_ =	sdelay $0x1  }
0xa1: {  	s23 =	simm.s32 $0x1B8B  }
0xa2: {  	_ =	swait.ge [sflag:s23], $0x1  }
0xa3: {  	[sflag:s23] =	ssyncset.done $0x0  }
0xa4: {  	[sflag:s23] =	ssyncadd.s32 $0xFFFFFFFF  }
0xa5: {  	s4 =	sld [smem:$0x0]  }
0xa6: {  	s5 =	sand.u32 $0xFFFFFFFE, s1  }
0xa7: {  	p0 =	sne.s32 s1, s5  }
0xa8: {  	s5 =	sshll.u32 @p0 s5, $0xE  }
0xa9: {  	s5 =	sadd.s32 @p0 $0x11B8D, s5;
	s6 =	sshll.u32 @p0 s4, $0x11  }
0xaa: {  	s5 =	sor.u32 @p0 s6, s5  }
0xab: {  	[sflag:s5] =	ssyncadd.remote.s32 @p0 $0x1;
	_ =	sdelay $0x1  }
0xac: {  	s5 =	simm.s32 @p0 $0x1B8D  }
0xad: {  	_ =	swait.eq @p0 [sflag:s5], $0x1  }
0xae: {  	[sflag:s5] =	ssyncadd.s32 @p0 $0xFFFFFFFF  }
0xaf: {  	s6 =	sshll.u32 @!p0 s1, $0xE  }
0xb0: {  	s6 =	sor.u32 @!p0 $0x4000, s6;
	s5 =	simm.s32 @!p0 $0x1B8D  }
0xb1: {  	s4 =	sshll.u32 @!p0 s4, $0x11;
	s6 =	sadd.s32 @!p0 $0x11B8D, s6;
	_ =	swait.eq @!p0 [sflag:s5], $0x1  }
0xb2: {  	s4 =	sor.u32 @!p0 s4, s6;
	[sflag:s5] =	ssyncadd.s32 @!p0 $0xFFFFFFFF  }
0xb3: {  	s25 =	simm.s32 $0x1B8E;
	s24 =	sld [smem:$0x3FFE];
	[sflag:s4] =	ssyncadd.remote.s32 @!p0 $0x1  }
0xb4: {  	s26 =	simm.s32 $execute0_lowered;
	[smem:$0x3FD2] =	sst s25  }
0xb5: {  	s5 =	sshll.u32 s26, $0x1;
	_ =	strace $0x8000004C;
	[dreg:$0x1] =	wrdreg $0xFFFFFFFF  }
0xb6: {  	s28 =	simm.s32 $_size_execute0_lowered;
	s3 =	sadd.s32 s3, s5;
	[dreg:$0x0] =	wrdreg $0x0  }
0xb7: {  	s5 =	sshll.u32 s28, $0x1;
	[dreg:$0x2] =	wrdreg s3  }
0xb8: {  	[dreg:$0x3] =	wrdreg s5  }
0xb9: {  	[dreg:$0x4] =	wrdreg $0xC0  }
0xba: {  	_ =	task [dreg:s22], $0x5FFFF  }
0xbb: {  	[dreg:$0x1] =	wrdreg $0xFFFFFFFF  }
0xbc: {  	[dreg:$0x0] =	wrdreg $0x60  }
0xbd: {  	[dreg:$0x2] =	wrdreg s24  }
0xbe: {  	[dreg:$0x3] =	wrdreg $0x90000  }
0xbf: {  	[dreg:$0x4] =	wrdreg $0xA  }
0xc0: {  	_ =	task.clear_ibuf [dreg:s22], $0x5FFFF;
	_ =	strace $0x9000004C  }
0xc1: {  	s29 =	simm.s32 $0xA;
	_ =	strace $0x8000004E  }
0xc2: {  	_ =	swait.ge [sflag:s29], $0x1  }
0xc3: {  	[sflag:s29] =	ssyncadd.s32 $0xFFFFFFFF  }
0xc4: {  	_ =	strace $0x9000004E  }
0xc5: {  	_ =	sfence  }
0xc6: {  	s30 =	sld [smem:$0x0];
	_ =	sdelay $0x2  }
0xc7: {  	s31 =	sshll.u32 s1, $0xD;
	s1 =	sshrl.u32 s1, $0x2  }
0xc8: {  	s4 =	sand.u32 $0x4000, s31;
	s1 =	sadd.s32 s1, s30  }
0xc9: {  	s0 =	sor.u32 s4, s0;
	s1 =	sshll.u32 s1, $0x11  }
0xca: {  	s0 =	sor.u32 s1, s0  }
0xcb: {  	s0 =	sadd.s32 $0x8F2B, s0  }
0xcc: {  	[sflag:s0] =	ssyncadd.remote.s32 $0x1  }
0xcd: {  	_ =	sfence.sel $0xFFFF  }
0xce: {  	[dreg:$0x0] =	wrdreg $0xFFFFFFFF;
	(pc) =	sbr.abs _section_cstart, $3  }
0xcf: {  	[dreg:$0x1] =	wrdreg $0xFFFFFFFF  }
0xd0: {  	_ =	task.clear_ibuf [dreg:s22], $0x2FFFF;
	_ =	strace $0x9FFFFFFF  }
0xd1: {  	(tm) =	ssettm $0x7FFFFFFF  }
tec
execute0_lowered:
.L_overlay_start_1:
0x0: {  	(tag) =	ssettag $0x1  }
0x1: {  	s5 =	rddreg [dreg:$0x0]  }
0x2: {  	s1 =	rddreg [dreg:$0x1];
	s2 =	srdreg.scid  }
0x3: {  	s0 =	rddreg [dreg:$0x2];
	s8 =	sand.u32 $0x1, s2  }
0x4: {  	s3 =	simm.s32 $0x0;
	s2 =	stileid.u32;
	s6 =	smul.u32 $0x50000, s8  }
0x5: {  	s22 =	simm.s32 $0x80;
	s23 =	simm.s32 $0x0;
	s7 =	smul.u32 $0x2800, s2  }
0x6: {  	[smem:$0x7FF] =	sst s3;
	s4 =	sadd.s32 $0x7A000, s5;
	s29 =	smul.u32 $0x4F000, s2  }
0x7: {  	s17 =	sadd.s32 $0x12D000, s5;
	s9 =	ssub.s32 $0x2, s8;
	s11 =	smul.u32 $0x13C00, s2  }
0x8: {  	_ =	strace $0x8000004D;
	s19 =	smul.u32 $0x13C000, s8;
	s30 =	sshrl.u32 s9, $0x1  }
0x9: {  	s6 =	sadd.s32 s7, s6;
	s18 =	ssub.s32 s9, s30;
	s31 =	sshrl.u32 s29, $0x2  }
0xa: {  	s13 =	sadd.s32 $0x4000, s11;
	s15 =	sadd.s32 $0x8000, s11;
	s16 =	sadd.s32 $0xC000, s11  }
0xb: {  	s20 =	sadd.s32 $0x10000, s11;
	s14 =	sadd.s32 s11, s19;
	s6 =	sshrl.u32 s6, $0x3  }
0xc: {  	s7 =	sadd.s32 s13, s1;
	s8 =	sadd.s32 s15, s1;
	s9 =	sadd.s32 s16, s1  }
0xd: {  	s10 =	sadd.s32 s20, s1;
	s13 =	sadd.s32 s19, s13;
	s14 =	sshrl.u32 s14, $0x3  }
0xe: {  	s15 =	sadd.s32 s19, s15;
	s16 =	sadd.s32 s19, s16;
	s19 =	sadd.s32 s19, s20  }
0xf: {  	s18 =	smax.u32 s18, $0x1;
	s20 =	simm.s32 $0x1;
	s12 =	sadd.s32 s6, s5  }
0x10: {  	s5 =	sadd.s32 $0xA1100, s5;
	s6 =	sadd.s32 s31, s1;
	s21 =	sshrl.u32 s13, $0x3  }
0x11: {  	s13 =	sadd.s32 s17, s14;
	s15 =	sshrl.u32 s15, $0x3;
	s16 =	sshrl.u32 s16, $0x3  }
0x12: {  	s19 =	sshrl.u32 s19, $0x3;
	s11 =	sadd.s32 $0x119000, s12;
	s12 =	sadd.s32 $0x11E000, s12  }
0x13: {  	s14 =	sadd.s32 s17, s21;
	s15 =	sadd.s32 s17, s15;
	s16 =	sadd.s32 s17, s16  }
0x14: {  	s17 =	sadd.s32 s17, s19;
	s19 =	simm.s32 $0x5000;
	s21 =	simm.s32 $0x2800  }
.LBB2_1:
0x15: {  	[tilespmem:s19], [sflag:$0x1] =	stream.linear.gather [hbm4b:s5+s3], $0x4000, $0x38;
	[tilespmem:$0x1CC00] =	vst v63  }
0x16: {  	_ =	swait.ge [sflag:s20], $0x4000  }
0x17: {  	[sflag:s20] =	ssyncset.done $0x0  }
0x18: {  	[sflag:s20] =	ssyncadd.s32 $0xFFFFC000  }
0x19: {  	[spmem:s6] =	stream.linear.scatter [tilespmem:s19], [sflag:$0x1], $0x4000, $0x38;
	[tilespmem:$0x1CC00] =	vst v63  }
0x1a: {  	_ =	swait.ge [sflag:s20], $0x4000  }
0x1b: {  	[sflag:s20] =	ssyncset.done $0x0  }
0x1c: {  	[sflag:s20] =	ssyncadd.s32 $0xFFFFC000  }
0x1d: {  	[spmem:s7] =	stream.linear.scatter [tilespmem:s19], [sflag:$0x1], $0x4000, $0x38;
	[tilespmem:$0x1CC00] =	vst v63  }
0x1e: {  	_ =	swait.ge [sflag:s20], $0x4000  }
0x1f: {  	[sflag:s20] =	ssyncset.done $0x0  }
0x20: {  	[sflag:s20] =	ssyncadd.s32 $0xFFFFC000  }
0x21: {  	[spmem:s8] =	stream.linear.scatter [tilespmem:s19], [sflag:$0x1], $0x4000, $0x38;
	[tilespmem:$0x1CC00] =	vst v63  }
0x22: {  	_ =	swait.ge [sflag:s20], $0x4000  }
0x23: {  	[sflag:s20] =	ssyncset.done $0x0  }
0x24: {  	[sflag:s20] =	ssyncadd.s32 $0xFFFFC000  }
0x25: {  	[spmem:s9] =	stream.linear.scatter [tilespmem:s19], [sflag:$0x1], $0x4000, $0x38;
	[tilespmem:$0x1CC00] =	vst v63  }
0x26: {  	_ =	swait.ge [sflag:s20], $0x4000  }
0x27: {  	[sflag:s20] =	ssyncset.done $0x0  }
0x28: {  	[sflag:s20] =	ssyncadd.s32 $0xFFFFC000  }
0x29: {  	[spmem:s10] =	stream.linear.scatter [tilespmem:s19], [sflag:$0x1], $0x3C00, $0x38;
	[tilespmem:$0x1CC00] =	vst v63  }
0x2a: {  	_ =	swait.ge [sflag:s20], $0x3C00  }
0x2b: {  	[sflag:s20] =	ssyncset.done $0x0  }
0x2c: {  	[sflag:s20] =	ssyncadd.s32 $0xFFFFC400  }
0x2d: {  	[tilespmem:s3], [sflag:$0x1] =	stream.linear.gather [hbm4b:s11+s3], $0x2800, $0x38;
	[tilespmem:$0x1CC00] =	vst v63  }
0x2e: {  	_ =	swait.ge [sflag:s20], $0x2800  }
0x2f: {  	[sflag:s20] =	ssyncset.done $0x0  }
0x30: {  	[sflag:s20] =	ssyncadd.s32 $0xFFFFD800  }
0x31: {  	[tilespmem:s21], [sflag:$0x1] =	stream.linear.gather [hbm4b:s12+s3], $0x2800, $0x38;
	[tilespmem:$0x1CC00] =	vst v63  }
0x32: {  	_ =	swait.ge [sflag:s20], $0x2800  }
0x33: {  	[sflag:s20] =	ssyncset.done $0x0  }
0x34: {  	[sflag:s20] =	ssyncadd.s32 $0xFFFFD800  }
0x35: {  	s24 =	simm.s32 $0x0;
	[bflag:$0x0] =	sbarrier.arrive $0xFFFF  }
0x36: {  	[tilespmem:s19], [sflag:$0x1] =	stream.indirect.gather [hbm4b:s4+s22], $0x80, s24, s22, $0xb8;
	[tilespmem:$0x1CC00] =	vst v63  }
0x37: {  	_ =	swait.ge [sflag:s20], $0x4000  }
0x38: {  	[sflag:s20] =	ssyncset.done $0x0  }
0x39: {  	s31 =	simm.s32 $0x2800;
	[sflag:s20] =	ssyncadd.s32 $0xFFFFC000  }
0x3a: {  	[spmem:s1] =	stream.indirect.scatter.add.f32 [tilespmem:s19], [sflag:$0x1], $0x80, s31, s22, $0xb8;
	[tilespmem:$0x1CC00] =	vst v63  }
0x3b: {  	_ =	swait.ge [sflag:s20], $0x4000  }
0x3c: {  	s25 =	simm.s32 $0x400;
	s24 =	simm.s32 $0x200;
	[sflag:s20] =	ssyncset.done $0x0  }
.LBB2_2:
0x3d: {  	s26 =	sshra.s32 s24, $0x2  }
0x3e: {  	[sflag:s20] =	ssyncadd.s32 $0xFFFFC000;
	s24 =	smov.u32 s25;
	s28 =	sadd.s32 $0x200, s25  }
0x3f: {  	[tilespmem:s19], [sflag:$0x1] =	stream.indirect.gather [hbm4b:s4+s22], $0x80, s26, s22, $0xb8;
	[tilespmem:$0x1CC00] =	vst v63  }
0x40: {  	p0 =	sne.s32 s25, $0x9E00;
	_ =	swait.ge [sflag:s20], $0x4000  }
.Ltmp0:
0x41: {  	[sflag:s20] =	ssyncset.done $0x0;
	(pc) =	sbr.rel @p0 .LBB2_2-.Ltmp0, $4  }
0x42: {  	s25 =	sadd.s32 $0x2800, s26;
	[sflag:s20] =	ssyncadd.s32 $0xFFFFC000  }
0x43: {  	[spmem:s1] =	stream.indirect.scatter.add.f32 [tilespmem:s19], [sflag:$0x1], $0x80, s25, s22, $0xb8;
	[tilespmem:$0x1CC00] =	vst v63  }
0x44: {  	_ =	swait.ge [sflag:s20], $0x4000  }
0x45: {  	s25 =	smov.u32 s28;
	[sflag:s20] =	ssyncset.done $0x0  }
0x46: {  	s24 =	sshra.s32 s24, $0x2;
	[sflag:s20] =	ssyncadd.s32 $0xFFFFC000  }
0x47: {  	[tilespmem:s19], [sflag:$0x1] =	stream.indirect.gather [hbm4b:s4+s22], $0x80, s24, s22, $0xb8;
	[tilespmem:$0x1CC00] =	vst v63  }
0x48: {  	_ =	swait.ge [sflag:s20], $0x4000  }
0x49: {  	[sflag:s20] =	ssyncset.done $0x0  }
0x4a: {  	s24 =	sadd.s32 $0x2800, s24;
	[sflag:s20] =	ssyncadd.s32 $0xFFFFC000  }
0x4b: {  	[spmem:s1] =	stream.indirect.scatter.add.f32 [tilespmem:s19], [sflag:$0x1], $0x80, s24, s22, $0xb8;
	[tilespmem:$0x1CC00] =	vst v63  }
0x4c: {  	_ =	swait.ge [sflag:s20], $0x4000  }
0x4d: {  	[sflag:s20] =	ssyncset.done $0x0  }
0x4e: {  	[sflag:s20] =	ssyncadd.s32 $0xFFFFC000  }
0x4f: {  	[bflag:$0x0] =	sbarrier.arrive $0xFFFF  }
0x50: {  	[tilespmem:s19], [sflag:$0x1] =	stream.linear.gather [spmem:s6], $0x4000, $0x38;
	[tilespmem:$0x1CC00] =	vst v63  }
0x51: {  	_ =	swait.ge [sflag:s20], $0x4000  }
0x52: {  	[sflag:s20] =	ssyncset.done $0x0  }
0x53: {  	[sflag:s20] =	ssyncadd.s32 $0xFFFFC000  }
0x54: {  	[hbm4b:s13+s3] =	stream.linear.scatter [tilespmem:s19], [sflag:$0x1], $0x4000, $0x38;
	[tilespmem:$0x1CC00] =	vst v63  }
0x55: {  	_ =	swait.ge [sflag:s20], $0x4000  }
0x56: {  	[sflag:s20] =	ssyncset.done $0x0  }
0x57: {  	[sflag:s20] =	ssyncadd.s32 $0xFFFFC000  }
0x58: {  	[tilespmem:s19], [sflag:$0x1] =	stream.linear.gather [spmem:s7], $0x4000, $0x38;
	[tilespmem:$0x1CC00] =	vst v63  }
0x59: {  	_ =	swait.ge [sflag:s20], $0x4000  }
0x5a: {  	[sflag:s20] =	ssyncset.done $0x0  }
0x5b: {  	[sflag:s20] =	ssyncadd.s32 $0xFFFFC000  }
0x5c: {  	[hbm4b:s14+s3] =	stream.linear.scatter [tilespmem:s19], [sflag:$0x1], $0x4000, $0x38;
	[tilespmem:$0x1CC00] =	vst v63  }
0x5d: {  	_ =	swait.ge [sflag:s20], $0x4000  }
0x5e: {  	[sflag:s20] =	ssyncset.done $0x0  }
0x5f: {  	[sflag:s20] =	ssyncadd.s32 $0xFFFFC000  }
0x60: {  	[tilespmem:s19], [sflag:$0x1] =	stream.linear.gather [spmem:s8], $0x4000, $0x38;
	[tilespmem:$0x1CC00] =	vst v63  }
0x61: {  	_ =	swait.ge [sflag:s20], $0x4000  }
0x62: {  	[sflag:s20] =	ssyncset.done $0x0  }
0x63: {  	[sflag:s20] =	ssyncadd.s32 $0xFFFFC000  }
0x64: {  	[hbm4b:s15+s3] =	stream.linear.scatter [tilespmem:s19], [sflag:$0x1], $0x4000, $0x38;
	[tilespmem:$0x1CC00] =	vst v63  }
0x65: {  	_ =	swait.ge [sflag:s20], $0x4000  }
0x66: {  	[sflag:s20] =	ssyncset.done $0x0  }
0x67: {  	[sflag:s20] =	ssyncadd.s32 $0xFFFFC000  }
0x68: {  	[tilespmem:s19], [sflag:$0x1] =	stream.linear.gather [spmem:s9], $0x4000, $0x38;
	[tilespmem:$0x1CC00] =	vst v63  }
0x69: {  	_ =	swait.ge [sflag:s20], $0x4000  }
0x6a: {  	[sflag:s20] =	ssyncset.done $0x0  }
0x6b: {  	[sflag:s20] =	ssyncadd.s32 $0xFFFFC000  }
0x6c: {  	[hbm4b:s16+s3] =	stream.linear.scatter [tilespmem:s19], [sflag:$0x1], $0x4000, $0x38;
	[tilespmem:$0x1CC00] =	vst v63  }
0x6d: {  	_ =	swait.ge [sflag:s20], $0x4000  }
0x6e: {  	[sflag:s20] =	ssyncset.done $0x0  }
0x6f: {  	[sflag:s20] =	ssyncadd.s32 $0xFFFFC000  }
0x70: {  	[tilespmem:s19], [sflag:$0x1] =	stream.linear.gather [spmem:s10], $0x3C00, $0x38;
	[tilespmem:$0x1CC00] =	vst v63  }
0x71: {  	s23 =	sadd.s32 $0x1, s23;
	_ =	swait.ge [sflag:s20], $0x3C00  }
0x72: {  	p0 =	sne.s32 s23, s18;
	[sflag:s20] =	ssyncset.done $0x0  }
.Ltmp1:
0x73: {  	[sflag:s20] =	ssyncadd.s32 $0xFFFFC400;
	(pc) =	sbr.rel @p0 .LBB2_1-.Ltmp1, $4  }
0x74: {  	[hbm4b:s17+s3] =	stream.linear.scatter [tilespmem:s19], [sflag:$0x1], $0x3C00, $0x38;
	[tilespmem:$0x1CC00] =	vst v63  }
0x75: {  	_ =	swait.ge [sflag:s20], $0x3C00  }
0x76: {  	[sflag:s20] =	ssyncset.done $0x0  }
0x77: {  	[sflag:s20] =	ssyncadd.s32 $0xFFFFC400  }
0x78: {  	_ =	sfence.sel $0x180000  }
0x79: {  	[bflag:$0x0] =	sbarrier.arrive $0xFFFF  }
0x7a: {  	p0 =	sne.s32 s2, $0x0;
	_ =	strace $0x9000004D  }
0x7b: {  	s0 =	sadd.s32 @!p0 $0x100000, s0;
	[bflag:$0x2] =	sbarrier.arrive $0xFFFF  }
0x7c: {  	[sflag:s0] =	ssyncadd.tile.s32 @!p0 $0x1;
	_ =	shalt  }
.Lfunc_end2:
_tile_overlayer_lowered:
.L_overlay_start_2:
0x7d: {  	(tag) =	ssettag $0x2  }
0x7e: {  	s0 =	rddreg [dreg:$0x0];
	s2 =	stileid.u32  }
0x7f: {  	s1 =	rddreg [dreg:$0x1];
	p0 =	sne.s32 s2, $0x0  }
0x80: {  	s3 =	rddreg [dreg:$0x2];
	[bflag:$0x3] =	sbarrier.arrive $0xFFFF;
	s2 =	simm.s32 @!p0 $0x1C01  }
0x81: {  	[timem:s3], [sflag:s2] =	dma.local @!p0 [hbm:s0], s1  }
0x82: {  	s0 =	simm.s32 @!p0 $0x1  }
0x83: {  	_ =	swait.ge @!p0 [sflag:s0], s1  }
0x84: {  	s1 =	ssub.s32 @!p0 $0x0, s1;
	[sflag:s0] =	ssyncset.done @!p0 $0x0  }
0x85: {  	[sflag:s0] =	ssyncadd.s32 @!p0 s1  }
0x86: {  	[bflag:$0x3] =	sbarrier.arrive $0xFFFF  }
0x87: {  	_ =	shalt  }

// kernel: kernel.31.cloned.1.call-start
scs
__scs_entry_jumppad:
0x0: {  	(pc) =	sbr.rel $0x88, $3  }
0x1: {  	(tag) =	ssettag $0x0;
	lr =	simm.s32 $0x1  }
0x2: {  	[smem:$0x3F81] =	sst lr;
	_ =	strace $0xD0000000  }
0x3: {  	_ = 	snop  }
0x4: {  	_ = 	snop  }
0x5: {  	_ = 	snop  }
0x6: {  	_ = 	snop  }
0x7: {  	_ = 	snop  }
__scs_overlays_trampoline_lowered:
0x8: {  	[smem:$0x3F90] =	sst s0  }
0x9: {  	[smem:$0x3F91] =	sst s1  }
0xa: {  	[smem:$0x3F92] =	sst s2  }
0xb: {  	[smem:$0x3F93] =	sst s3  }
0xc: {  	[smem:$0x3F94] =	sst s4  }
0xd: {  	[smem:$0x3F95] =	sst s5  }
0xe: {  	[smem:$0x3F96] =	sst s6  }
0xf: {  	[smem:$0x3F97] =	sst s7  }
0x10: {  	[smem:$0x3F98] =	sst s8  }
0x11: {  	[smem:$0x3F99] =	sst s9;
	s0 =	simm.s32 @!p0 $0x0  }
0x12: {  	s1 =	sld [smem:$0x3F7F];
	s0 =	simm.s32 @p0 $0x1  }
0x13: {  	[smem:$0x3F9A] =	sst s0;
	s0 =	simm.s32 @!p1 $0x0  }
0x14: {  	s2 =	sld [smem:$0x3F7E];
	s0 =	simm.s32 @p1 $0x1  }
0x15: {  	[smem:$0x3F9B] =	sst s0;
	s0 =	simm.s32 @!p2 $0x0  }
0x16: {  	s3 =	sld [smem:$0x3FDB];
	s0 =	simm.s32 @p2 $0x1  }
0x17: {  	s4 =	simm.s32 $0x1BF5;
	[smem:$0x3F9D] =	sst s0  }
0x18: {  	s0 =	sld [smem:$0x3F80];
	_ =	swait.ge [sflag:s4], $0x0  }
0x19: {  	s7 =	sld [smem:$0x3F81]  }
0x1a: {  	s8 =	sadd.s32 $0xFFFFE003, lr  }
0x1b: {  	s9 =	sadd.s32 $0xFFFFFEF7, lr;
	s5 =	simm.s32 $0xFFFFFFFF;
	p2 =	slt.u32 s8, $0xFFFFF086  }
0x1c: {  	p1 =	slt.u32 s9, $0xF7A;
	s5 =	simm.s32 @!p2 $0x0  }
0x1d: {  	s5 =	simm.s32 @p1 $0x1;
	p0 =	seq.s32 s7, s2  }
0x1e: {  	s7 =	smul.u32 @!p0 $0xF7A, s2;
	p2 =	seq.s32 @!p0 s5, $0x0  }
0x1f: {  	s9 =	smul.u32 $0xF7A, s1;
	s8 =	simm.s32 @!p0 $0x1BF5;
	p2 =	por !p2, p0  }
0x20: {  	[sflag:s8] =	ssyncset.s32 @!p0 $0xFFFFF086;
	s6 =	sadd.s32 @!p0 s3, s7;
	s7 =	simm.s32 @!p0 $0x108  }
0x21: {  	s3 =	sadd.s32 s3, s9;
	s6 =	sadd.s32 @!p0 $0x88, s6;
	s7 =	simm.s32 @p2 $0x1082  }
0x22: {  	[simem:s7], [sflag:s8] =	dma.local @!p0 [hbm:s6], $0xF7A  }
0x23: {  	s9 =	sor.u32 $0xD0000000, s2;
	s6 =	simm.s32 $0x108;
	_ =	swait.ge @!p0 [sflag:s8], $0x0  }
0x24: {  	s3 =	sadd.s32 $0x88, s3;
	s6 =	simm.s32 @!p1 $0x1082;
	[sflag:s4] =	ssyncset.s32 $0xFFFFF086  }
0x25: {  	[simem:s6], [sflag:s4] =	dma.local [hbm:s3], $0xF7A  }
0x26: {  	[smem:$0x3F81] =	sst s1;
	(tag) =	ssettag s2;
	_ =	strace s9  }
0x27: {  	s1 =	sld [smem:$0x3F91]  }
0x28: {  	s2 =	sld [smem:$0x3F92]  }
0x29: {  	s4 =	sld [smem:$0x3F94]  }
0x2a: {  	p0 =	seq.s32 s5, $0x0;
	s5 =	sld [smem:$0x3F95]  }
0x2b: {  	s6 =	sld [smem:$0x3F96]  }
0x2c: {  	s7 =	sld [smem:$0x3F97]  }
0x2d: {  	s3 =	simm.s32 $0x108;
	s8 =	sld [smem:$0x3F98]  }
0x2e: {  	s3 =	simm.s32 @!p0 $0x1082;
	s9 =	sld [smem:$0x3F99]  }
0x2f: {  	lr =	sadd.s32 s0, s3;
	s0 =	sld [smem:$0x3F90]  }
0x30: {  	s3 =	sld [smem:$0x3F93]  }
0x31: {  	[smem:$0x3F9C] =	sst s10  }
0x32: {  	s10 =	sld [smem:$0x3F9A];
	_ =	sdelay $0x3  }
0x33: {  	p0 =	seq.s32 s10, $0x1;
	s10 =	sld [smem:$0x3F9C];
	_ =	sdelay $0x3  }
0x34: {  	[smem:$0x3F9C] =	sst s10  }
0x35: {  	s10 =	sld [smem:$0x3F9B];
	_ =	sdelay $0x3  }
0x36: {  	p1 =	seq.s32 s10, $0x1;
	s10 =	sld [smem:$0x3F9C];
	_ =	sdelay $0x3  }
0x37: {  	[smem:$0x3F9C] =	sst s10  }
0x38: {  	s10 =	sld [smem:$0x3F9D]  }
0x39: {  	_ = 	snop;
	(pc) =	sbr.ind lr, $3  }
0x3a: {  	_ = 	snop  }
0x3b: {  	_ = 	snop  }
0x3c: {  	p2 =	seq.s32 s10, $0x1;
	s10 =	sld [smem:$0x3F9C]  }
0x3d: {  	_ =	shalt  }
0x3e: {  	_ =	shalt  }
0x3f: {  	_ =	shalt  }
0x40: {  	_ =	shalt  }
0x41: {  	_ =	shalt  }
0x42: {  	_ =	shalt  }
0x43: {  	_ =	shalt  }
0x44: {  	_ =	shalt  }
0x45: {  	_ =	shalt  }
0x46: {  	_ =	shalt  }
0x47: {  	_ =	shalt  }
0x48: {  	_ =	shalt  }
0x49: {  	_ =	shalt  }
0x4a: {  	_ =	shalt  }
0x4b: {  	_ =	shalt  }
0x4c: {  	_ =	shalt  }
0x4d: {  	_ =	shalt  }
0x4e: {  	_ =	shalt  }
0x4f: {  	_ =	shalt  }
0x50: {  	_ =	shalt  }
0x51: {  	_ =	shalt  }
0x52: {  	_ =	shalt  }
0x53: {  	_ =	shalt  }
0x54: {  	_ =	shalt  }
0x55: {  	_ =	shalt  }
0x56: {  	_ =	shalt  }
0x57: {  	_ =	shalt  }
0x58: {  	_ =	shalt  }
0x59: {  	_ =	shalt  }
0x5a: {  	_ =	shalt  }
0x5b: {  	_ =	shalt  }
0x5c: {  	_ =	shalt  }
0x5d: {  	_ =	shalt  }
0x5e: {  	_ =	shalt  }
0x5f: {  	_ =	shalt  }
0x60: {  	_ =	shalt  }
0x61: {  	_ =	shalt  }
0x62: {  	_ =	shalt  }
0x63: {  	_ =	shalt  }
0x64: {  	_ =	shalt  }
0x65: {  	_ =	shalt  }
0x66: {  	_ =	shalt  }
0x67: {  	_ =	shalt  }
0x68: {  	_ =	shalt  }
0x69: {  	_ =	shalt  }
0x6a: {  	_ =	shalt  }
0x6b: {  	_ =	shalt  }
0x6c: {  	_ =	shalt  }
0x6d: {  	_ =	shalt  }
0x6e: {  	_ =	shalt  }
0x6f: {  	_ =	shalt  }
0x70: {  	_ =	shalt  }
0x71: {  	_ =	shalt  }
0x72: {  	_ =	shalt  }
0x73: {  	_ =	shalt  }
0x74: {  	_ =	shalt  }
0x75: {  	_ =	shalt  }
0x76: {  	_ =	shalt  }
0x77: {  	_ =	shalt  }
0x78: {  	_ =	shalt  }
0x79: {  	_ =	shalt  }
0x7a: {  	_ =	shalt  }
0x7b: {  	_ =	shalt  }
0x7c: {  	_ =	shalt  }
0x7d: {  	_ =	shalt  }
0x7e: {  	_ =	shalt  }
0x7f: {  	_ =	shalt  }
0x80: {  	_ =	shalt  }
0x81: {  	_ =	shalt  }
0x82: {  	_ =	shalt  }
0x83: {  	_ =	shalt  }
0x84: {  	_ =	shalt  }
0x85: {  	_ =	shalt  }
0x86: {  	_ =	shalt  }
0x87: {  	_ =	shalt  }
.Lfunc_end0:
.L_simem_size_0:
called_computation.3_lowered:
.L_overlay_start_0:
0x88: {  	s2 =	sld [smem:$0x3FD9]  }
0x89: {  	s3 =	sld [smem:$0x3FFE];
	_ =	sdelay $0x1  }
0x8a: {  	s1 =	srdreg.scid  }
0x8b: {  	s0 =	sand.u32 $0x1, s1  }
0x8c: {  	s16 =	sshll.u32 s0, $0xA;
	s2 =	sadd.s32 s3, s2  }
0x8d: {  	s2 =	sadd.s32 s2, s16  }
0x8e: {  	[smem:$0x3FA8] =	sst s2  }
0x8f: {  	_ = 	snop  }
0x90: {  	(tm) =	ssettm $0x1  }
0x91: {  	s17 =	sld [smem:$0x3FFB];
	_ =	sdelay $0x3  }
0x92: {  	_ =	strace s17  }
0x93: {  	s2 =	sld [smem:$0x3FFC];
	_ =	sdelay $0x3  }
0x94: {  	_ =	strace s2  }
0x95: {  	s2 =	sld [smem:$0x3FFD];
	_ =	sdelay $0x3  }
0x96: {  	_ =	strace s2  }
0x97: {  	_ =	strace $0x8FFFFFFF  }
0x98: {  	s18 =	sld [smem:$0x3FDB];
	_ =	sdelay $0x1  }
0x99: {  	s19 =	simm.s32 $_scs_section_size  }
0x9a: {  	s4 =	simm.s32 $_size__tile_overlayer_lowered;
	s5 =	simm.s32 $_tile_overlayer_lowered  }
0x9b: {  	s22 =	simm.s32 $0x1BFF;
	s21 =	sshll.u32 s5, $0x1;
	s2 =	sadd.s32 s19, s18  }
0x9c: {  	s6 =	simm.s32 $0x0;
	s20 =	sshll.u32 s4, $0x1;
	s4 =	sadd.s32 s21, s2  }
0x9d: {  	[timem:s6], [sflag:s22] =	dma.local [hbm:s4], s20  }
0x9e: {  	_ =	swait.ge [sflag:s22], s20  }
0x9f: {  	s3 =	ssub.s32 $0x0, s20;
	[sflag:s22] =	ssyncset.done $0x0  }
0xa0: {  	[sflag:s22] =	ssyncadd.s32 s3;
	_ =	sdelay $0x1  }
0xa1: {  	s23 =	simm.s32 $0x1B8B  }
0xa2: {  	_ =	swait.ge [sflag:s23], $0x1  }
0xa3: {  	[sflag:s23] =	ssyncset.done $0x0  }
0xa4: {  	s25 =	simm.s32 $0x1B8E;
	s24 =	sld [smem:$0x3FFE];
	[sflag:s23] =	ssyncadd.s32 $0xFFFFFFFF  }
0xa5: {  	s26 =	simm.s32 $execute0_lowered;
	[smem:$0x3FD2] =	sst s25  }
0xa6: {  	s4 =	sshll.u32 s26, $0x1;
	_ =	strace $0x8000004F;
	[dreg:$0x1] =	wrdreg $0xFFFFFFFF  }
0xa7: {  	s28 =	simm.s32 $_size_execute0_lowered;
	s2 =	sadd.s32 s2, s4;
	[dreg:$0x0] =	wrdreg $0x0  }
0xa8: {  	s4 =	sshll.u32 s28, $0x1;
	[dreg:$0x2] =	wrdreg s2  }
0xa9: {  	[dreg:$0x3] =	wrdreg s4  }
0xaa: {  	[dreg:$0x4] =	wrdreg $0xC0  }
0xab: {  	_ =	task [dreg:s6], $0x5FFFF  }
0xac: {  	[dreg:$0x1] =	wrdreg $0xFFFFFFFF  }
0xad: {  	[dreg:$0x0] =	wrdreg $0x60  }
0xae: {  	[dreg:$0x2] =	wrdreg s24  }
0xaf: {  	[dreg:$0x3] =	wrdreg $0x90000  }
0xb0: {  	[dreg:$0x4] =	wrdreg $0x9  }
0xb1: {  	_ =	task.clear_ibuf [dreg:s6], $0x5FFFF;
	_ =	strace $0x9000004F  }
0xb2: {  	s29 =	simm.s32 $0x9;
	_ =	strace $0x80000051  }
0xb3: {  	_ =	swait.ge [sflag:s29], $0x1  }
0xb4: {  	[sflag:s29] =	ssyncadd.s32 $0xFFFFFFFF  }
0xb5: {  	_ =	strace $0x90000051  }
0xb6: {  	_ =	sfence  }
0xb7: {  	s30 =	sld [smem:$0x0];
	_ =	sdelay $0x2  }
0xb8: {  	s31 =	sshll.u32 s1, $0xD;
	s1 =	sshrl.u32 s1, $0x2  }
0xb9: {  	s3 =	sand.u32 $0x4000, s31;
	s1 =	sadd.s32 s1, s30  }
0xba: {  	s0 =	sor.u32 s3, s0;
	s1 =	sshll.u32 s1, $0x11  }
0xbb: {  	s0 =	sor.u32 s1, s0  }
0xbc: {  	s0 =	sadd.s32 $0x8F2B, s0  }
0xbd: {  	[sflag:s0] =	ssyncadd.remote.s32 $0x1  }
0xbe: {  	_ =	sfence.sel $0xFFFF  }
0xbf: {  	[dreg:$0x0] =	wrdreg $0xFFFFFFFF;
	(pc) =	sbr.abs _section_cstart, $3  }
0xc0: {  	[dreg:$0x1] =	wrdreg $0xFFFFFFFF  }
0xc1: {  	_ =	task.clear_ibuf [dreg:s6], $0x2FFFF;
	_ =	strace $0x9FFFFFFF  }
0xc2: {  	(tm) =	ssettm $0x7FFFFFFF  }
0xc3: {  	_ =	shalt  }
tec
execute0_lowered:
.L_overlay_start_1:
0x0: {  	(tag) =	ssettag $0x1  }
0x1: {  	s5 =	rddreg [dreg:$0x0]  }
0x2: {  	s1 =	rddreg [dreg:$0x1];
	s2 =	srdreg.scid  }
0x3: {  	s0 =	rddreg [dreg:$0x2];
	s8 =	sand.u32 $0x1, s2  }
0x4: {  	s3 =	simm.s32 $0x0;
	s2 =	stileid.u32;
	s6 =	smul.u32 $0x50000, s8  }
0x5: {  	s22 =	simm.s32 $0x80;
	s23 =	simm.s32 $0x0;
	s7 =	smul.u32 $0x2800, s2  }
0x6: {  	[smem:$0x7FF] =	sst s3;
	s4 =	sadd.s32 $0x66000, s5;
	s29 =	smul.u32 $0x4F000, s2  }
0x7: {  	s17 =	sadd.s32 $0x154200, s5;
	s9 =	ssub.s32 $0x2, s8;
	s11 =	smul.u32 $0x13C00, s2  }
0x8: {  	_ =	strace $0x80000050;
	s19 =	smul.u32 $0x13C000, s8;
	s30 =	sshrl.u32 s9, $0x1  }
0x9: {  	s6 =	sadd.s32 s7, s6;
	s18 =	ssub.s32 s9, s30;
	s31 =	sshrl.u32 s29, $0x2  }
0xa: {  	s13 =	sadd.s32 $0x4000, s11;
	s15 =	sadd.s32 $0x8000, s11;
	s16 =	sadd.s32 $0xC000, s11  }
0xb: {  	s20 =	sadd.s32 $0x10000, s11;
	s14 =	sadd.s32 s11, s19;
	s6 =	sshrl.u32 s6, $0x3  }
0xc: {  	s7 =	sadd.s32 s13, s1;
	s8 =	sadd.s32 s15, s1;
	s9 =	sadd.s32 s16, s1  }
0xd: {  	s10 =	sadd.s32 s20, s1;
	s13 =	sadd.s32 s19, s13;
	s14 =	sshrl.u32 s14, $0x3  }
0xe: {  	s15 =	sadd.s32 s19, s15;
	s16 =	sadd.s32 s19, s16;
	s19 =	sadd.s32 s19, s20  }
0xf: {  	s18 =	smax.u32 s18, $0x1;
	s20 =	simm.s32 $0x1;
	s12 =	sadd.s32 s6, s5  }
0x10: {  	s5 =	sadd.s32 $0x8D100, s5;
	s6 =	sadd.s32 s31, s1;
	s21 =	sshrl.u32 s13, $0x3  }
0x11: {  	s13 =	sadd.s32 s17, s14;
	s15 =	sshrl.u32 s15, $0x3;
	s16 =	sshrl.u32 s16, $0x3  }
0x12: {  	s19 =	sshrl.u32 s19, $0x3;
	s11 =	sadd.s32 $0x119000, s12;
	s12 =	sadd.s32 $0x11E000, s12  }
0x13: {  	s14 =	sadd.s32 s17, s21;
	s15 =	sadd.s32 s17, s15;
	s16 =	sadd.s32 s17, s16  }
0x14: {  	s17 =	sadd.s32 s17, s19;
	s19 =	simm.s32 $0x5000;
	s21 =	simm.s32 $0x2800  }
.LBB2_1:
0x15: {  	[tilespmem:s19], [sflag:$0x1] =	stream.linear.gather [hbm4b:s5+s3], $0x4000, $0x38;
	[tilespmem:$0x1CC00] =	vst v63  }
0x16: {  	_ =	swait.ge [sflag:s20], $0x4000  }
0x17: {  	[sflag:s20] =	ssyncset.done $0x0  }
0x18: {  	[sflag:s20] =	ssyncadd.s32 $0xFFFFC000  }
0x19: {  	[spmem:s6] =	stream.linear.scatter [tilespmem:s19], [sflag:$0x1], $0x4000, $0x38;
	[tilespmem:$0x1CC00] =	vst v63  }
0x1a: {  	_ =	swait.ge [sflag:s20], $0x4000  }
0x1b: {  	[sflag:s20] =	ssyncset.done $0x0  }
0x1c: {  	[sflag:s20] =	ssyncadd.s32 $0xFFFFC000  }
0x1d: {  	[spmem:s7] =	stream.linear.scatter [tilespmem:s19], [sflag:$0x1], $0x4000, $0x38;
	[tilespmem:$0x1CC00] =	vst v63  }
0x1e: {  	_ =	swait.ge [sflag:s20], $0x4000  }
0x1f: {  	[sflag:s20] =	ssyncset.done $0x0  }
0x20: {  	[sflag:s20] =	ssyncadd.s32 $0xFFFFC000  }
0x21: {  	[spmem:s8] =	stream.linear.scatter [tilespmem:s19], [sflag:$0x1], $0x4000, $0x38;
	[tilespmem:$0x1CC00] =	vst v63  }
0x22: {  	_ =	swait.ge [sflag:s20], $0x4000  }
0x23: {  	[sflag:s20] =	ssyncset.done $0x0  }
0x24: {  	[sflag:s20] =	ssyncadd.s32 $0xFFFFC000  }
0x25: {  	[spmem:s9] =	stream.linear.scatter [tilespmem:s19], [sflag:$0x1], $0x4000, $0x38;
	[tilespmem:$0x1CC00] =	vst v63  }
0x26: {  	_ =	swait.ge [sflag:s20], $0x4000  }
0x27: {  	[sflag:s20] =	ssyncset.done $0x0  }
0x28: {  	[sflag:s20] =	ssyncadd.s32 $0xFFFFC000  }
0x29: {  	[spmem:s10] =	stream.linear.scatter [tilespmem:s19], [sflag:$0x1], $0x3C00, $0x38;
	[tilespmem:$0x1CC00] =	vst v63  }
0x2a: {  	_ =	swait.ge [sflag:s20], $0x3C00  }
0x2b: {  	[sflag:s20] =	ssyncset.done $0x0  }
0x2c: {  	[sflag:s20] =	ssyncadd.s32 $0xFFFFC400  }
0x2d: {  	[tilespmem:s3], [sflag:$0x1] =	stream.linear.gather [hbm4b:s11+s3], $0x2800, $0x38;
	[tilespmem:$0x1CC00] =	vst v63  }
0x2e: {  	_ =	swait.ge [sflag:s20], $0x2800  }
0x2f: {  	[sflag:s20] =	ssyncset.done $0x0  }
0x30: {  	[sflag:s20] =	ssyncadd.s32 $0xFFFFD800  }
0x31: {  	[tilespmem:s21], [sflag:$0x1] =	stream.linear.gather [hbm4b:s12+s3], $0x2800, $0x38;
	[tilespmem:$0x1CC00] =	vst v63  }
0x32: {  	_ =	swait.ge [sflag:s20], $0x2800  }
0x33: {  	[sflag:s20] =	ssyncset.done $0x0  }
0x34: {  	[sflag:s20] =	ssyncadd.s32 $0xFFFFD800  }
0x35: {  	s24 =	simm.s32 $0x0;
	[bflag:$0x0] =	sbarrier.arrive $0xFFFF  }
0x36: {  	[tilespmem:s19], [sflag:$0x1] =	stream.indirect.gather [hbm4b:s4+s22], $0x80, s24, s22, $0xb8;
	[tilespmem:$0x1CC00] =	vst v63  }
0x37: {  	_ =	swait.ge [sflag:s20], $0x4000  }
0x38: {  	[sflag:s20] =	ssyncset.done $0x0  }
0x39: {  	s31 =	simm.s32 $0x2800;
	[sflag:s20] =	ssyncadd.s32 $0xFFFFC000  }
0x3a: {  	[spmem:s1] =	stream.indirect.scatter.add.f32 [tilespmem:s19], [sflag:$0x1], $0x80, s31, s22, $0xb8;
	[tilespmem:$0x1CC00] =	vst v63  }
0x3b: {  	_ =	swait.ge [sflag:s20], $0x4000  }
0x3c: {  	s25 =	simm.s32 $0x400;
	s24 =	simm.s32 $0x200;
	[sflag:s20] =	ssyncset.done $0x0  }
.LBB2_2:
0x3d: {  	s26 =	sshra.s32 s24, $0x2  }
0x3e: {  	[sflag:s20] =	ssyncadd.s32 $0xFFFFC000;
	s24 =	smov.u32 s25;
	s28 =	sadd.s32 $0x200, s25  }
0x3f: {  	[tilespmem:s19], [sflag:$0x1] =	stream.indirect.gather [hbm4b:s4+s22], $0x80, s26, s22, $0xb8;
	[tilespmem:$0x1CC00] =	vst v63  }
0x40: {  	p0 =	sne.s32 s25, $0x9E00;
	_ =	swait.ge [sflag:s20], $0x4000  }
.Ltmp0:
0x41: {  	[sflag:s20] =	ssyncset.done $0x0;
	(pc) =	sbr.rel @p0 .LBB2_2-.Ltmp0, $4  }
0x42: {  	s25 =	sadd.s32 $0x2800, s26;
	[sflag:s20] =	ssyncadd.s32 $0xFFFFC000  }
0x43: {  	[spmem:s1] =	stream.indirect.scatter.add.f32 [tilespmem:s19], [sflag:$0x1], $0x80, s25, s22, $0xb8;
	[tilespmem:$0x1CC00] =	vst v63  }
0x44: {  	_ =	swait.ge [sflag:s20], $0x4000  }
0x45: {  	s25 =	smov.u32 s28;
	[sflag:s20] =	ssyncset.done $0x0  }
0x46: {  	s24 =	sshra.s32 s24, $0x2;
	[sflag:s20] =	ssyncadd.s32 $0xFFFFC000  }
0x47: {  	[tilespmem:s19], [sflag:$0x1] =	stream.indirect.gather [hbm4b:s4+s22], $0x80, s24, s22, $0xb8;
	[tilespmem:$0x1CC00] =	vst v63  }
0x48: {  	_ =	swait.ge [sflag:s20], $0x4000  }
0x49: {  	[sflag:s20] =	ssyncset.done $0x0  }
0x4a: {  	s24 =	sadd.s32 $0x2800, s24;
	[sflag:s20] =	ssyncadd.s32 $0xFFFFC000  }
0x4b: {  	[spmem:s1] =	stream.indirect.scatter.add.f32 [tilespmem:s19], [sflag:$0x1], $0x80, s24, s22, $0xb8;
	[tilespmem:$0x1CC00] =	vst v63  }
0x4c: {  	_ =	swait.ge [sflag:s20], $0x4000  }
0x4d: {  	[sflag:s20] =	ssyncset.done $0x0  }
0x4e: {  	[sflag:s20] =	ssyncadd.s32 $0xFFFFC000  }
0x4f: {  	[bflag:$0x0] =	sbarrier.arrive $0xFFFF  }
0x50: {  	[tilespmem:s19], [sflag:$0x1] =	stream.linear.gather [spmem:s6], $0x4000, $0x38;
	[tilespmem:$0x1CC00] =	vst v63  }
0x51: {  	_ =	swait.ge [sflag:s20], $0x4000  }
0x52: {  	[sflag:s20] =	ssyncset.done $0x0  }
0x53: {  	[sflag:s20] =	ssyncadd.s32 $0xFFFFC000  }
0x54: {  	[hbm4b:s13+s3] =	stream.linear.scatter [tilespmem:s19], [sflag:$0x1], $0x4000, $0x38;
	[tilespmem:$0x1CC00] =	vst v63  }
0x55: {  	_ =	swait.ge [sflag:s20], $0x4000  }
0x56: {  	[sflag:s20] =	ssyncset.done $0x0  }
0x57: {  	[sflag:s20] =	ssyncadd.s32 $0xFFFFC000  }
0x58: {  	[tilespmem:s19], [sflag:$0x1] =	stream.linear.gather [spmem:s7], $0x4000, $0x38;
	[tilespmem:$0x1CC00] =	vst v63  }
0x59: {  	_ =	swait.ge [sflag:s20], $0x4000  }
0x5a: {  	[sflag:s20] =	ssyncset.done $0x0  }
0x5b: {  	[sflag:s20] =	ssyncadd.s32 $0xFFFFC000  }
0x5c: {  	[hbm4b:s14+s3] =	stream.linear.scatter [tilespmem:s19], [sflag:$0x1], $0x4000, $0x38;
	[tilespmem:$0x1CC00] =	vst v63  }
0x5d: {  	_ =	swait.ge [sflag:s20], $0x4000  }
0x5e: {  	[sflag:s20] =	ssyncset.done $0x0  }
0x5f: {  	[sflag:s20] =	ssyncadd.s32 $0xFFFFC000  }
0x60: {  	[tilespmem:s19], [sflag:$0x1] =	stream.linear.gather [spmem:s8], $0x4000, $0x38;
	[tilespmem:$0x1CC00] =	vst v63  }
0x61: {  	_ =	swait.ge [sflag:s20], $0x4000  }
0x62: {  	[sflag:s20] =	ssyncset.done $0x0  }
0x63: {  	[sflag:s20] =	ssyncadd.s32 $0xFFFFC000  }
0x64: {  	[hbm4b:s15+s3] =	stream.linear.scatter [tilespmem:s19], [sflag:$0x1], $0x4000, $0x38;
	[tilespmem:$0x1CC00] =	vst v63  }
0x65: {  	_ =	swait.ge [sflag:s20], $0x4000  }
0x66: {  	[sflag:s20] =	ssyncset.done $0x0  }
0x67: {  	[sflag:s20] =	ssyncadd.s32 $0xFFFFC000  }
0x68: {  	[tilespmem:s19], [sflag:$0x1] =	stream.linear.gather [spmem:s9], $0x4000, $0x38;
	[tilespmem:$0x1CC00] =	vst v63  }
0x69: {  	_ =	swait.ge [sflag:s20], $0x4000  }
0x6a: {  	[sflag:s20] =	ssyncset.done $0x0  }
0x6b: {  	[sflag:s20] =	ssyncadd.s32 $0xFFFFC000  }
0x6c: {  	[hbm4b:s16+s3] =	stream.linear.scatter [tilespmem:s19], [sflag:$0x1], $0x4000, $0x38;
	[tilespmem:$0x1CC00] =	vst v63  }
0x6d: {  	_ =	swait.ge [sflag:s20], $0x4000  }
0x6e: {  	[sflag:s20] =	ssyncset.done $0x0  }
0x6f: {  	[sflag:s20] =	ssyncadd.s32 $0xFFFFC000  }
0x70: {  	[tilespmem:s19], [sflag:$0x1] =	stream.linear.gather [spmem:s10], $0x3C00, $0x38;
	[tilespmem:$0x1CC00] =	vst v63  }
0x71: {  	s23 =	sadd.s32 $0x1, s23;
	_ =	swait.ge [sflag:s20], $0x3C00  }
0x72: {  	p0 =	sne.s32 s23, s18;
	[sflag:s20] =	ssyncset.done $0x0  }
.Ltmp1:
0x73: {  	[sflag:s20] =	ssyncadd.s32 $0xFFFFC400;
	(pc) =	sbr.rel @p0 .LBB2_1-.Ltmp1, $4  }
0x74: {  	[hbm4b:s17+s3] =	stream.linear.scatter [tilespmem:s19], [sflag:$0x1], $0x3C00, $0x38;
	[tilespmem:$0x1CC00] =	vst v63  }
0x75: {  	_ =	swait.ge [sflag:s20], $0x3C00  }
0x76: {  	[sflag:s20] =	ssyncset.done $0x0  }
0x77: {  	[sflag:s20] =	ssyncadd.s32 $0xFFFFC400  }
0x78: {  	_ =	sfence.sel $0x180000  }
0x79: {  	[bflag:$0x0] =	sbarrier.arrive $0xFFFF  }
0x7a: {  	p0 =	sne.s32 s2, $0x0;
	_ =	strace $0x90000050  }
0x7b: {  	s0 =	sadd.s32 @!p0 $0x100000, s0;
	[bflag:$0x2] =	sbarrier.arrive $0xFFFF  }
0x7c: {  	[sflag:s0] =	ssyncadd.tile.s32 @!p0 $0x1;
	_ =	shalt  }
.Lfunc_end2:
_tile_overlayer_lowered:
.L_overlay_start_2:
0x7d: {  	(tag) =	ssettag $0x2  }
0x7e: {  	s0 =	rddreg [dreg:$0x0];
	s2 =	stileid.u32  }
0x7f: {  	s1 =	rddreg [dreg:$0x1];
	p0 =	sne.s32 s2, $0x0  }
0x80: {  	s3 =	rddreg [dreg:$0x2];
	[bflag:$0x3] =	sbarrier.arrive $0xFFFF;
	s2 =	simm.s32 @!p0 $0x1C01  }
0x81: {  	[timem:s3], [sflag:s2] =	dma.local @!p0 [hbm:s0], s1  }
0x82: {  	s0 =	simm.s32 @!p0 $0x1  }
0x83: {  	_ =	swait.ge @!p0 [sflag:s0], s1  }
0x84: {  	s1 =	ssub.s32 @!p0 $0x0, s1;
	[sflag:s0] =	ssyncset.done @!p0 $0x0  }
0x85: {  	[sflag:s0] =	ssyncadd.s32 @!p0 s1  }
0x86: {  	[bflag:$0x3] =	sbarrier.arrive $0xFFFF  }
0x87: {  	_ =	shalt  }

// kernel: kernel.34.cloned.1.call-start
scs
__scs_entry_jumppad:
0x0: {  	(pc) =	sbr.rel $0x88, $3  }
0x1: {  	(tag) =	ssettag $0x0;
	lr =	simm.s32 $0x1  }
0x2: {  	[smem:$0x3F81] =	sst lr;
	_ =	strace $0xD0000000  }
0x3: {  	_ = 	snop  }
0x4: {  	_ = 	snop  }
0x5: {  	_ = 	snop  }
0x6: {  	_ = 	snop  }
0x7: {  	_ = 	snop  }
__scs_overlays_trampoline_lowered:
0x8: {  	[smem:$0x3F90] =	sst s0  }
0x9: {  	[smem:$0x3F91] =	sst s1  }
0xa: {  	[smem:$0x3F92] =	sst s2  }
0xb: {  	[smem:$0x3F93] =	sst s3  }
0xc: {  	[smem:$0x3F94] =	sst s4  }
0xd: {  	[smem:$0x3F95] =	sst s5  }
0xe: {  	[smem:$0x3F96] =	sst s6  }
0xf: {  	[smem:$0x3F97] =	sst s7  }
0x10: {  	[smem:$0x3F98] =	sst s8  }
0x11: {  	[smem:$0x3F99] =	sst s9;
	s0 =	simm.s32 @!p0 $0x0  }
0x12: {  	s1 =	sld [smem:$0x3F7F];
	s0 =	simm.s32 @p0 $0x1  }
0x13: {  	[smem:$0x3F9A] =	sst s0;
	s0 =	simm.s32 @!p1 $0x0  }
0x14: {  	s2 =	sld [smem:$0x3F7E];
	s0 =	simm.s32 @p1 $0x1  }
0x15: {  	[smem:$0x3F9B] =	sst s0;
	s0 =	simm.s32 @!p2 $0x0  }
0x16: {  	s3 =	sld [smem:$0x3FDB];
	s0 =	simm.s32 @p2 $0x1  }
0x17: {  	s4 =	simm.s32 $0x1BF5;
	[smem:$0x3F9D] =	sst s0  }
0x18: {  	s0 =	sld [smem:$0x3F80];
	_ =	swait.ge [sflag:s4], $0x0  }
0x19: {  	s7 =	sld [smem:$0x3F81]  }
0x1a: {  	s8 =	sadd.s32 $0xFFFFE003, lr  }
0x1b: {  	s9 =	sadd.s32 $0xFFFFFEF7, lr;
	s5 =	simm.s32 $0xFFFFFFFF;
	p2 =	slt.u32 s8, $0xFFFFF086  }
0x1c: {  	p1 =	slt.u32 s9, $0xF7A;
	s5 =	simm.s32 @!p2 $0x0  }
0x1d: {  	s5 =	simm.s32 @p1 $0x1;
	p0 =	seq.s32 s7, s2  }
0x1e: {  	s7 =	smul.u32 @!p0 $0xF7A, s2;
	p2 =	seq.s32 @!p0 s5, $0x0  }
0x1f: {  	s9 =	smul.u32 $0xF7A, s1;
	s8 =	simm.s32 @!p0 $0x1BF5;
	p2 =	por !p2, p0  }
0x20: {  	[sflag:s8] =	ssyncset.s32 @!p0 $0xFFFFF086;
	s6 =	sadd.s32 @!p0 s3, s7;
	s7 =	simm.s32 @!p0 $0x108  }
0x21: {  	s3 =	sadd.s32 s3, s9;
	s6 =	sadd.s32 @!p0 $0x88, s6;
	s7 =	simm.s32 @p2 $0x1082  }
0x22: {  	[simem:s7], [sflag:s8] =	dma.local @!p0 [hbm:s6], $0xF7A  }
0x23: {  	s9 =	sor.u32 $0xD0000000, s2;
	s6 =	simm.s32 $0x108;
	_ =	swait.ge @!p0 [sflag:s8], $0x0  }
0x24: {  	s3 =	sadd.s32 $0x88, s3;
	s6 =	simm.s32 @!p1 $0x1082;
	[sflag:s4] =	ssyncset.s32 $0xFFFFF086  }
0x25: {  	[simem:s6], [sflag:s4] =	dma.local [hbm:s3], $0xF7A  }
0x26: {  	[smem:$0x3F81] =	sst s1;
	(tag) =	ssettag s2;
	_ =	strace s9  }
0x27: {  	s1 =	sld [smem:$0x3F91]  }
0x28: {  	s2 =	sld [smem:$0x3F92]  }
0x29: {  	s4 =	sld [smem:$0x3F94]  }
0x2a: {  	p0 =	seq.s32 s5, $0x0;
	s5 =	sld [smem:$0x3F95]  }
0x2b: {  	s6 =	sld [smem:$0x3F96]  }
0x2c: {  	s7 =	sld [smem:$0x3F97]  }
0x2d: {  	s3 =	simm.s32 $0x108;
	s8 =	sld [smem:$0x3F98]  }
0x2e: {  	s3 =	simm.s32 @!p0 $0x1082;
	s9 =	sld [smem:$0x3F99]  }
0x2f: {  	lr =	sadd.s32 s0, s3;
	s0 =	sld [smem:$0x3F90]  }
0x30: {  	s3 =	sld [smem:$0x3F93]  }
0x31: {  	[smem:$0x3F9C] =	sst s10  }
0x32: {  	s10 =	sld [smem:$0x3F9A];
	_ =	sdelay $0x3  }
0x33: {  	p0 =	seq.s32 s10, $0x1;
	s10 =	sld [smem:$0x3F9C];
	_ =	sdelay $0x3  }
0x34: {  	[smem:$0x3F9C] =	sst s10  }
0x35: {  	s10 =	sld [smem:$0x3F9B];
	_ =	sdelay $0x3  }
0x36: {  	p1 =	seq.s32 s10, $0x1;
	s10 =	sld [smem:$0x3F9C];
	_ =	sdelay $0x3  }
0x37: {  	[smem:$0x3F9C] =	sst s10  }
0x38: {  	s10 =	sld [smem:$0x3F9D]  }
0x39: {  	_ = 	snop;
	(pc) =	sbr.ind lr, $3  }
0x3a: {  	_ = 	snop  }
0x3b: {  	_ = 	snop  }
0x3c: {  	p2 =	seq.s32 s10, $0x1;
	s10 =	sld [smem:$0x3F9C]  }
0x3d: {  	_ =	shalt  }
0x3e: {  	_ =	shalt  }
0x3f: {  	_ =	shalt  }
0x40: {  	_ =	shalt  }
0x41: {  	_ =	shalt  }
0x42: {  	_ =	shalt  }
0x43: {  	_ =	shalt  }
0x44: {  	_ =	shalt  }
0x45: {  	_ =	shalt  }
0x46: {  	_ =	shalt  }
0x47: {  	_ =	shalt  }
0x48: {  	_ =	shalt  }
0x49: {  	_ =	shalt  }
0x4a: {  	_ =	shalt  }
0x4b: {  	_ =	shalt  }
0x4c: {  	_ =	shalt  }
0x4d: {  	_ =	shalt  }
0x4e: {  	_ =	shalt  }
0x4f: {  	_ =	shalt  }
0x50: {  	_ =	shalt  }
0x51: {  	_ =	shalt  }
0x52: {  	_ =	shalt  }
0x53: {  	_ =	shalt  }
0x54: {  	_ =	shalt  }
0x55: {  	_ =	shalt  }
0x56: {  	_ =	shalt  }
0x57: {  	_ =	shalt  }
0x58: {  	_ =	shalt  }
0x59: {  	_ =	shalt  }
0x5a: {  	_ =	shalt  }
0x5b: {  	_ =	shalt  }
0x5c: {  	_ =	shalt  }
0x5d: {  	_ =	shalt  }
0x5e: {  	_ =	shalt  }
0x5f: {  	_ =	shalt  }
0x60: {  	_ =	shalt  }
0x61: {  	_ =	shalt  }
0x62: {  	_ =	shalt  }
0x63: {  	_ =	shalt  }
0x64: {  	_ =	shalt  }
0x65: {  	_ =	shalt  }
0x66: {  	_ =	shalt  }
0x67: {  	_ =	shalt  }
0x68: {  	_ =	shalt  }
0x69: {  	_ =	shalt  }
0x6a: {  	_ =	shalt  }
0x6b: {  	_ =	shalt  }
0x6c: {  	_ =	shalt  }
0x6d: {  	_ =	shalt  }
0x6e: {  	_ =	shalt  }
0x6f: {  	_ =	shalt  }
0x70: {  	_ =	shalt  }
0x71: {  	_ =	shalt  }
0x72: {  	_ =	shalt  }
0x73: {  	_ =	shalt  }
0x74: {  	_ =	shalt  }
0x75: {  	_ =	shalt  }
0x76: {  	_ =	shalt  }
0x77: {  	_ =	shalt  }
0x78: {  	_ =	shalt  }
0x79: {  	_ =	shalt  }
0x7a: {  	_ =	shalt  }
0x7b: {  	_ =	shalt  }
0x7c: {  	_ =	shalt  }
0x7d: {  	_ =	shalt  }
0x7e: {  	_ =	shalt  }
0x7f: {  	_ =	shalt  }
0x80: {  	_ =	shalt  }
0x81: {  	_ =	shalt  }
0x82: {  	_ =	shalt  }
0x83: {  	_ =	shalt  }
0x84: {  	_ =	shalt  }
0x85: {  	_ =	shalt  }
0x86: {  	_ =	shalt  }
0x87: {  	_ =	shalt  }
.Lfunc_end0:
.L_simem_size_0:
called_computation.4_lowered:
.L_overlay_start_0:
0x88: {  	s2 =	sld [smem:$0x3FD9]  }
0x89: {  	s3 =	sld [smem:$0x3FFE];
	_ =	sdelay $0x1  }
0x8a: {  	s1 =	srdreg.scid  }
0x8b: {  	s0 =	sand.u32 $0x1, s1  }
0x8c: {  	s16 =	sshll.u32 s0, $0xA;
	s2 =	sadd.s32 s3, s2  }
0x8d: {  	s2 =	sadd.s32 s2, s16  }
0x8e: {  	[smem:$0x3FA8] =	sst s2  }
0x8f: {  	_ = 	snop  }
0x90: {  	(tm) =	ssettm $0x1  }
0x91: {  	s17 =	sld [smem:$0x3FFB];
	_ =	sdelay $0x3  }
0x92: {  	_ =	strace s17  }
0x93: {  	s2 =	sld [smem:$0x3FFC];
	_ =	sdelay $0x3  }
0x94: {  	_ =	strace s2  }
0x95: {  	s2 =	sld [smem:$0x3FFD];
	_ =	sdelay $0x3  }
0x96: {  	_ =	strace s2  }
0x97: {  	_ =	strace $0x8FFFFFFF  }
0x98: {  	s18 =	sld [smem:$0x3FDB];
	_ =	sdelay $0x1  }
0x99: {  	s19 =	simm.s32 $_scs_section_size  }
0x9a: {  	s4 =	simm.s32 $_size__tile_overlayer_lowered;
	s5 =	simm.s32 $_tile_overlayer_lowered  }
0x9b: {  	s22 =	simm.s32 $0x1BFF;
	s21 =	sshll.u32 s5, $0x1;
	s2 =	sadd.s32 s19, s18  }
0x9c: {  	s6 =	simm.s32 $0x0;
	s20 =	sshll.u32 s4, $0x1;
	s4 =	sadd.s32 s21, s2  }
0x9d: {  	[timem:s6], [sflag:s22] =	dma.local [hbm:s4], s20  }
0x9e: {  	_ =	swait.ge [sflag:s22], s20  }
0x9f: {  	s3 =	ssub.s32 $0x0, s20;
	[sflag:s22] =	ssyncset.done $0x0  }
0xa0: {  	[sflag:s22] =	ssyncadd.s32 s3;
	_ =	sdelay $0x1  }
0xa1: {  	s23 =	simm.s32 $0x1B8B  }
0xa2: {  	_ =	swait.ge [sflag:s23], $0x1  }
0xa3: {  	[sflag:s23] =	ssyncset.done $0x0  }
0xa4: {  	s25 =	simm.s32 $0x1B8E;
	s24 =	sld [smem:$0x3FFE];
	[sflag:s23] =	ssyncadd.s32 $0xFFFFFFFF  }
0xa5: {  	s26 =	simm.s32 $execute0_lowered;
	[smem:$0x3FD2] =	sst s25  }
0xa6: {  	s4 =	sshll.u32 s26, $0x1;
	_ =	strace $0x80000052;
	[dreg:$0x1] =	wrdreg $0xFFFFFFFF  }
0xa7: {  	s28 =	simm.s32 $_size_execute0_lowered;
	s2 =	sadd.s32 s2, s4;
	[dreg:$0x0] =	wrdreg $0x0  }
0xa8: {  	s4 =	sshll.u32 s28, $0x1;
	[dreg:$0x2] =	wrdreg s2  }
0xa9: {  	[dreg:$0x3] =	wrdreg s4  }
0xaa: {  	[dreg:$0x4] =	wrdreg $0xC0  }
0xab: {  	_ =	task [dreg:s6], $0x5FFFF  }
0xac: {  	[dreg:$0x1] =	wrdreg $0xFFFFFFFF  }
0xad: {  	[dreg:$0x0] =	wrdreg $0x60  }
0xae: {  	[dreg:$0x2] =	wrdreg s24  }
0xaf: {  	[dreg:$0x3] =	wrdreg $0x90000  }
0xb0: {  	[dreg:$0x4] =	wrdreg $0x9  }
0xb1: {  	_ =	task.clear_ibuf [dreg:s6], $0x5FFFF;
	_ =	strace $0x90000052  }
0xb2: {  	s29 =	simm.s32 $0x9;
	_ =	strace $0x80000054  }
0xb3: {  	_ =	swait.ge [sflag:s29], $0x1  }
0xb4: {  	[sflag:s29] =	ssyncadd.s32 $0xFFFFFFFF  }
0xb5: {  	_ =	strace $0x90000054  }
0xb6: {  	_ =	sfence  }
0xb7: {  	s30 =	sld [smem:$0x0];
	_ =	sdelay $0x2  }
0xb8: {  	s31 =	sshll.u32 s1, $0xD;
	s1 =	sshrl.u32 s1, $0x2  }
0xb9: {  	s3 =	sand.u32 $0x4000, s31;
	s1 =	sadd.s32 s1, s30  }
0xba: {  	s0 =	sor.u32 s3, s0;
	s1 =	sshll.u32 s1, $0x11  }
0xbb: {  	s0 =	sor.u32 s1, s0  }
0xbc: {  	s0 =	sadd.s32 $0x8F2B, s0  }
0xbd: {  	[sflag:s0] =	ssyncadd.remote.s32 $0x1  }
0xbe: {  	_ =	sfence.sel $0xFFFF  }
0xbf: {  	[dreg:$0x0] =	wrdreg $0xFFFFFFFF;
	(pc) =	sbr.abs _section_cstart, $3  }
0xc0: {  	[dreg:$0x1] =	wrdreg $0xFFFFFFFF  }
0xc1: {  	_ =	task.clear_ibuf [dreg:s6], $0x2FFFF;
	_ =	strace $0x9FFFFFFF  }
0xc2: {  	(tm) =	ssettm $0x7FFFFFFF  }
0xc3: {  	_ =	shalt  }
tec
execute0_lowered:
.L_overlay_start_1:
0x0: {  	(tag) =	ssettag $0x1  }
0x1: {  	s5 =	rddreg [dreg:$0x0]  }
0x2: {  	s1 =	rddreg [dreg:$0x1];
	s2 =	srdreg.scid  }
0x3: {  	s0 =	rddreg [dreg:$0x2];
	s8 =	sand.u32 $0x1, s2  }
0x4: {  	s3 =	simm.s32 $0x0;
	s2 =	stileid.u32;
	s6 =	smul.u32 $0x50000, s8  }
0x5: {  	s22 =	simm.s32 $0x80;
	s23 =	simm.s32 $0x0;
	s7 =	smul.u32 $0x2800, s2  }
0x6: {  	[smem:$0x7FF] =	sst s3;
	s4 =	sadd.s32 $0x12D000, s5;
	s29 =	smul.u32 $0x4F000, s2  }
0x7: {  	s17 =	sadd.s32 $0x17C000, s5;
	s9 =	ssub.s32 $0x2, s8;
	s11 =	smul.u32 $0x13C00, s2  }
0x8: {  	_ =	strace $0x80000053;
	s19 =	smul.u32 $0x13C000, s8;
	s30 =	sshrl.u32 s9, $0x1  }
0x9: {  	s6 =	sadd.s32 s7, s6;
	s18 =	ssub.s32 s9, s30;
	s31 =	sshrl.u32 s29, $0x2  }
0xa: {  	s13 =	sadd.s32 $0x4000, s11;
	s15 =	sadd.s32 $0x8000, s11;
	s16 =	sadd.s32 $0xC000, s11  }
0xb: {  	s20 =	sadd.s32 $0x10000, s11;
	s14 =	sadd.s32 s11, s19;
	s6 =	sshrl.u32 s6, $0x3  }
0xc: {  	s7 =	sadd.s32 s13, s1;
	s8 =	sadd.s32 s15, s1;
	s9 =	sadd.s32 s16, s1  }
0xd: {  	s10 =	sadd.s32 s20, s1;
	s13 =	sadd.s32 s19, s13;
	s14 =	sshrl.u32 s14, $0x3  }
0xe: {  	s15 =	sadd.s32 s19, s15;
	s16 =	sadd.s32 s19, s16;
	s19 =	sadd.s32 s19, s20  }
0xf: {  	s18 =	smax.u32 s18, $0x1;
	s20 =	simm.s32 $0x1;
	s12 =	sadd.s32 s6, s5  }
0x10: {  	s5 =	sadd.s32 $0x154100, s5;
	s6 =	sadd.s32 s31, s1;
	s21 =	sshrl.u32 s13, $0x3  }
0x11: {  	s13 =	sadd.s32 s17, s14;
	s15 =	sshrl.u32 s15, $0x3;
	s16 =	sshrl.u32 s16, $0x3  }
0x12: {  	s19 =	sshrl.u32 s19, $0x3;
	s11 =	sadd.s32 $0x119000, s12;
	s12 =	sadd.s32 $0x11E000, s12  }
0x13: {  	s14 =	sadd.s32 s17, s21;
	s15 =	sadd.s32 s17, s15;
	s16 =	sadd.s32 s17, s16  }
0x14: {  	s17 =	sadd.s32 s17, s19;
	s19 =	simm.s32 $0x5000;
	s21 =	simm.s32 $0x2800  }
.LBB2_1:
0x15: {  	[tilespmem:s19], [sflag:$0x1] =	stream.linear.gather [hbm4b:s5+s3], $0x4000, $0x38;
	[tilespmem:$0x1CC00] =	vst v63  }
0x16: {  	_ =	swait.ge [sflag:s20], $0x4000  }
0x17: {  	[sflag:s20] =	ssyncset.done $0x0  }
0x18: {  	[sflag:s20] =	ssyncadd.s32 $0xFFFFC000  }
0x19: {  	[spmem:s6] =	stream.linear.scatter [tilespmem:s19], [sflag:$0x1], $0x4000, $0x38;
	[tilespmem:$0x1CC00] =	vst v63  }
0x1a: {  	_ =	swait.ge [sflag:s20], $0x4000  }
0x1b: {  	[sflag:s20] =	ssyncset.done $0x0  }
0x1c: {  	[sflag:s20] =	ssyncadd.s32 $0xFFFFC000  }
0x1d: {  	[spmem:s7] =	stream.linear.scatter [tilespmem:s19], [sflag:$0x1], $0x4000, $0x38;
	[tilespmem:$0x1CC00] =	vst v63  }
0x1e: {  	_ =	swait.ge [sflag:s20], $0x4000  }
0x1f: {  	[sflag:s20] =	ssyncset.done $0x0  }
0x20: {  	[sflag:s20] =	ssyncadd.s32 $0xFFFFC000  }
0x21: {  	[spmem:s8] =	stream.linear.scatter [tilespmem:s19], [sflag:$0x1], $0x4000, $0x38;
	[tilespmem:$0x1CC00] =	vst v63  }
0x22: {  	_ =	swait.ge [sflag:s20], $0x4000  }
0x23: {  	[sflag:s20] =	ssyncset.done $0x0  }
0x24: {  	[sflag:s20] =	ssyncadd.s32 $0xFFFFC000  }
0x25: {  	[spmem:s9] =	stream.linear.scatter [tilespmem:s19], [sflag:$0x1], $0x4000, $0x38;
	[tilespmem:$0x1CC00] =	vst v63  }
0x26: {  	_ =	swait.ge [sflag:s20], $0x4000  }
0x27: {  	[sflag:s20] =	ssyncset.done $0x0  }
0x28: {  	[sflag:s20] =	ssyncadd.s32 $0xFFFFC000  }
0x29: {  	[spmem:s10] =	stream.linear.scatter [tilespmem:s19], [sflag:$0x1], $0x3C00, $0x38;
	[tilespmem:$0x1CC00] =	vst v63  }
0x2a: {  	_ =	swait.ge [sflag:s20], $0x3C00  }
0x2b: {  	[sflag:s20] =	ssyncset.done $0x0  }
0x2c: {  	[sflag:s20] =	ssyncadd.s32 $0xFFFFC400  }
0x2d: {  	[tilespmem:s3], [sflag:$0x1] =	stream.linear.gather [hbm4b:s11+s3], $0x2800, $0x38;
	[tilespmem:$0x1CC00] =	vst v63  }
0x2e: {  	_ =	swait.ge [sflag:s20], $0x2800  }
0x2f: {  	[sflag:s20] =	ssyncset.done $0x0  }
0x30: {  	[sflag:s20] =	ssyncadd.s32 $0xFFFFD800  }
0x31: {  	[tilespmem:s21], [sflag:$0x1] =	stream.linear.gather [hbm4b:s12+s3], $0x2800, $0x38;
	[tilespmem:$0x1CC00] =	vst v63  }
0x32: {  	_ =	swait.ge [sflag:s20], $0x2800  }
0x33: {  	[sflag:s20] =	ssyncset.done $0x0  }
0x34: {  	[sflag:s20] =	ssyncadd.s32 $0xFFFFD800  }
0x35: {  	s24 =	simm.s32 $0x0;
	[bflag:$0x0] =	sbarrier.arrive $0xFFFF  }
0x36: {  	[tilespmem:s19], [sflag:$0x1] =	stream.indirect.gather [hbm4b:s4+s22], $0x80, s24, s22, $0xb8;
	[tilespmem:$0x1CC00] =	vst v63  }
0x37: {  	_ =	swait.ge [sflag:s20], $0x4000  }
0x38: {  	[sflag:s20] =	ssyncset.done $0x0  }
0x39: {  	s31 =	simm.s32 $0x2800;
	[sflag:s20] =	ssyncadd.s32 $0xFFFFC000  }
0x3a: {  	[spmem:s1] =	stream.indirect.scatter.add.f32 [tilespmem:s19], [sflag:$0x1], $0x80, s31, s22, $0xb8;
	[tilespmem:$0x1CC00] =	vst v63  }
0x3b: {  	_ =	swait.ge [sflag:s20], $0x4000  }
0x3c: {  	s25 =	simm.s32 $0x400;
	s24 =	simm.s32 $0x200;
	[sflag:s20] =	ssyncset.done $0x0  }
.LBB2_2:
0x3d: {  	s26 =	sshra.s32 s24, $0x2  }
0x3e: {  	[sflag:s20] =	ssyncadd.s32 $0xFFFFC000;
	s24 =	smov.u32 s25;
	s28 =	sadd.s32 $0x200, s25  }
0x3f: {  	[tilespmem:s19], [sflag:$0x1] =	stream.indirect.gather [hbm4b:s4+s22], $0x80, s26, s22, $0xb8;
	[tilespmem:$0x1CC00] =	vst v63  }
0x40: {  	p0 =	sne.s32 s25, $0x9E00;
	_ =	swait.ge [sflag:s20], $0x4000  }
.Ltmp0:
0x41: {  	[sflag:s20] =	ssyncset.done $0x0;
	(pc) =	sbr.rel @p0 .LBB2_2-.Ltmp0, $4  }
0x42: {  	s25 =	sadd.s32 $0x2800, s26;
	[sflag:s20] =	ssyncadd.s32 $0xFFFFC000  }
0x43: {  	[spmem:s1] =	stream.indirect.scatter.add.f32 [tilespmem:s19], [sflag:$0x1], $0x80, s25, s22, $0xb8;
	[tilespmem:$0x1CC00] =	vst v63  }
0x44: {  	_ =	swait.ge [sflag:s20], $0x4000  }
0x45: {  	s25 =	smov.u32 s28;
	[sflag:s20] =	ssyncset.done $0x0  }
0x46: {  	s24 =	sshra.s32 s24, $0x2;
	[sflag:s20] =	ssyncadd.s32 $0xFFFFC000  }
0x47: {  	[tilespmem:s19], [sflag:$0x1] =	stream.indirect.gather [hbm4b:s4+s22], $0x80, s24, s22, $0xb8;
	[tilespmem:$0x1CC00] =	vst v63  }
0x48: {  	_ =	swait.ge [sflag:s20], $0x4000  }
0x49: {  	[sflag:s20] =	ssyncset.done $0x0  }
0x4a: {  	s24 =	sadd.s32 $0x2800, s24;
	[sflag:s20] =	ssyncadd.s32 $0xFFFFC000  }
0x4b: {  	[spmem:s1] =	stream.indirect.scatter.add.f32 [tilespmem:s19], [sflag:$0x1], $0x80, s24, s22, $0xb8;
	[tilespmem:$0x1CC00] =	vst v63  }
0x4c: {  	_ =	swait.ge [sflag:s20], $0x4000  }
0x4d: {  	[sflag:s20] =	ssyncset.done $0x0  }
0x4e: {  	[sflag:s20] =	ssyncadd.s32 $0xFFFFC000  }
0x4f: {  	[bflag:$0x0] =	sbarrier.arrive $0xFFFF  }
0x50: {  	[tilespmem:s19], [sflag:$0x1] =	stream.linear.gather [spmem:s6], $0x4000, $0x38;
	[tilespmem:$0x1CC00] =	vst v63  }
0x51: {  	_ =	swait.ge [sflag:s20], $0x4000  }
0x52: {  	[sflag:s20] =	ssyncset.done $0x0  }
0x53: {  	[sflag:s20] =	ssyncadd.s32 $0xFFFFC000  }
0x54: {  	[hbm4b:s13+s3] =	stream.linear.scatter [tilespmem:s19], [sflag:$0x1], $0x4000, $0x38;
	[tilespmem:$0x1CC00] =	vst v63  }
0x55: {  	_ =	swait.ge [sflag:s20], $0x4000  }
0x56: {  	[sflag:s20] =	ssyncset.done $0x0  }
0x57: {  	[sflag:s20] =	ssyncadd.s32 $0xFFFFC000  }
0x58: {  	[tilespmem:s19], [sflag:$0x1] =	stream.linear.gather [spmem:s7], $0x4000, $0x38;
	[tilespmem:$0x1CC00] =	vst v63  }
0x59: {  	_ =	swait.ge [sflag:s20], $0x4000  }
0x5a: {  	[sflag:s20] =	ssyncset.done $0x0  }
0x5b: {  	[sflag:s20] =	ssyncadd.s32 $0xFFFFC000  }
0x5c: {  	[hbm4b:s14+s3] =	stream.linear.scatter [tilespmem:s19], [sflag:$0x1], $0x4000, $0x38;
	[tilespmem:$0x1CC00] =	vst v63  }
0x5d: {  	_ =	swait.ge [sflag:s20], $0x4000  }
0x5e: {  	[sflag:s20] =	ssyncset.done $0x0  }
0x5f: {  	[sflag:s20] =	ssyncadd.s32 $0xFFFFC000  }
0x60: {  	[tilespmem:s19], [sflag:$0x1] =	stream.linear.gather [spmem:s8], $0x4000, $0x38;
	[tilespmem:$0x1CC00] =	vst v63  }
0x61: {  	_ =	swait.ge [sflag:s20], $0x4000  }
0x62: {  	[sflag:s20] =	ssyncset.done $0x0  }
0x63: {  	[sflag:s20] =	ssyncadd.s32 $0xFFFFC000  }
0x64: {  	[hbm4b:s15+s3] =	stream.linear.scatter [tilespmem:s19], [sflag:$0x1], $0x4000, $0x38;
	[tilespmem:$0x1CC00] =	vst v63  }
0x65: {  	_ =	swait.ge [sflag:s20], $0x4000  }
0x66: {  	[sflag:s20] =	ssyncset.done $0x0  }
0x67: {  	[sflag:s20] =	ssyncadd.s32 $0xFFFFC000  }
0x68: {  	[tilespmem:s19], [sflag:$0x1] =	stream.linear.gather [spmem:s9], $0x4000, $0x38;
	[tilespmem:$0x1CC00] =	vst v63  }
0x69: {  	_ =	swait.ge [sflag:s20], $0x4000  }
0x6a: {  	[sflag:s20] =	ssyncset.done $0x0  }
0x6b: {  	[sflag:s20] =	ssyncadd.s32 $0xFFFFC000  }
0x6c: {  	[hbm4b:s16+s3] =	stream.linear.scatter [tilespmem:s19], [sflag:$0x1], $0x4000, $0x38;
	[tilespmem:$0x1CC00] =	vst v63  }
0x6d: {  	_ =	swait.ge [sflag:s20], $0x4000  }
0x6e: {  	[sflag:s20] =	ssyncset.done $0x0  }
0x6f: {  	[sflag:s20] =	ssyncadd.s32 $0xFFFFC000  }
0x70: {  	[tilespmem:s19], [sflag:$0x1] =	stream.linear.gather [spmem:s10], $0x3C00, $0x38;
	[tilespmem:$0x1CC00] =	vst v63  }
0x71: {  	s23 =	sadd.s32 $0x1, s23;
	_ =	swait.ge [sflag:s20], $0x3C00  }
0x72: {  	p0 =	sne.s32 s23, s18;
	[sflag:s20] =	ssyncset.done $0x0  }
.Ltmp1:
0x73: {  	[sflag:s20] =	ssyncadd.s32 $0xFFFFC400;
	(pc) =	sbr.rel @p0 .LBB2_1-.Ltmp1, $4  }
0x74: {  	[hbm4b:s17+s3] =	stream.linear.scatter [tilespmem:s19], [sflag:$0x1], $0x3C00, $0x38;
	[tilespmem:$0x1CC00] =	vst v63  }
0x75: {  	_ =	swait.ge [sflag:s20], $0x3C00  }
0x76: {  	[sflag:s20] =	ssyncset.done $0x0  }
0x77: {  	[sflag:s20] =	ssyncadd.s32 $0xFFFFC400  }
0x78: {  	_ =	sfence.sel $0x180000  }
0x79: {  	[bflag:$0x0] =	sbarrier.arrive $0xFFFF  }
0x7a: {  	p0 =	sne.s32 s2, $0x0;
	_ =	strace $0x90000053  }
0x7b: {  	s0 =	sadd.s32 @!p0 $0x100000, s0;
	[bflag:$0x2] =	sbarrier.arrive $0xFFFF  }
0x7c: {  	[sflag:s0] =	ssyncadd.tile.s32 @!p0 $0x1;
	_ =	shalt  }
.Lfunc_end2:
_tile_overlayer_lowered:
.L_overlay_start_2:
0x7d: {  	(tag) =	ssettag $0x2  }
0x7e: {  	s0 =	rddreg [dreg:$0x0];
	s2 =	stileid.u32  }
0x7f: {  	s1 =	rddreg [dreg:$0x1];
	p0 =	sne.s32 s2, $0x0  }
0x80: {  	s3 =	rddreg [dreg:$0x2];
	[bflag:$0x3] =	sbarrier.arrive $0xFFFF;
	s2 =	simm.s32 @!p0 $0x1C01  }
0x81: {  	[timem:s3], [sflag:s2] =	dma.local @!p0 [hbm:s0], s1  }
0x82: {  	s0 =	simm.s32 @!p0 $0x1  }
0x83: {  	_ =	swait.ge @!p0 [sflag:s0], s1  }
0x84: {  	s1 =	ssub.s32 @!p0 $0x0, s1;
	[sflag:s0] =	ssyncset.done @!p0 $0x0  }
0x85: {  	[sflag:s0] =	ssyncadd.s32 @!p0 s1  }
0x86: {  	[bflag:$0x3] =	sbarrier.arrive $0xFFFF  }
0x87: {  	_ =	shalt  }

</sc_bundles>
